<compile_context>
chip_gen: v7x
topology: tpu7x:2x2x1
jax: 0.10.2.dev20260603
libtpu: 0.0.44.dev20260713+nightly
codegen_flags: <defaults>
</compile_context>

<pallas_src>
import functools

import jax
import jax.numpy as jnp
from jax import lax
from jax.experimental import pallas as pl
from jax.experimental.pallas import tpu as pltpu
from jax.experimental.pallas import tpu_sc as plsc

N = 10000
E = 320000
F_IN = 128
H = 256
C = 64

NC = 2
NS = 16
LANE = 16

NP = 10240
CE = 128
EP = 327680
NCHUNK = EP // CE
NCH = NCHUNK // NS
ROWS_PS = NP // NS
ZR = 64
EPS_D = EP // NS
SL = NP // NS

_mesh = functools.partial(
    plsc.VectorSubcoreMesh, core_axis_name="c", subcore_axis_name="s")


def _deg_call(edges):
    @functools.partial(
        pl.kernel,
        out_type=jax.ShapeDtypeStruct((2, NP), jnp.float32),
        mesh=_mesh(),
        compiler_params=pltpu.CompilerParams(needs_layout_passes=False),
        scratch_types=[
            pltpu.VMEM((EPS_D,), jnp.int32),
            pltpu.VMEM((NP,), jnp.float32),
            pltpu.VMEM((NS, SL), jnp.float32),
            pltpu.VMEM((SL,), jnp.float32),
            pltpu.VMEM_SHARED((NS, NP), jnp.float32),
            pltpu.SemaphoreType.DMA,
        ],
    )
    def deg_kernel(edges_hbm, out_hbm, idx_v, acc_v, tmp_v, sum_v, shared, sem):
        c = lax.axis_index("c")
        s = lax.axis_index("s")

        def zero(i, _):
            acc_v[pl.ds(i * LANE, LANE)] = jnp.zeros((LANE,), jnp.float32)
            return 0
        lax.fori_loop(0, NP // LANE, zero, 0)

        pltpu.sync_copy(edges_hbm.at[c, pl.ds(s * EPS_D, EPS_D)], idx_v)

        ones = jnp.ones((LANE,), jnp.float32)

        def accum(i, _):
            idx = idx_v[pl.ds(i * LANE, LANE)]
            plsc.addupdate_scatter(acc_v, [idx], ones)
            return 0
        lax.fori_loop(0, EPS_D // LANE, accum, 0)

        pltpu.sync_copy(acc_v, shared.at[s])
        plsc.subcore_barrier()

        cps = [
            pltpu.async_copy(shared.at[t, pl.ds(s * SL, SL)], tmp_v.at[t], sem)
            for t in range(NS)
        ]
        for cp in cps:
            cp.wait()

        def reduce(i, _):
            v = tmp_v[0, pl.ds(i * LANE, LANE)]
            for t in range(1, NS):
                v = v + tmp_v[t, pl.ds(i * LANE, LANE)]
            sum_v[pl.ds(i * LANE, LANE)] = v
            return 0
        lax.fori_loop(0, SL // LANE, reduce, 0)

        pltpu.sync_copy(sum_v, out_hbm.at[c, pl.ds(s * SL, SL)])

    return deg_kernel(edges)


def _make_agg(hw, npass):

    @functools.partial(
        pl.kernel,
        out_type=jax.ShapeDtypeStruct((2 * npass, NP, hw), jnp.float32),
        mesh=_mesh(),
        compiler_params=pltpu.CompilerParams(
            use_tc_tiling_on_sc=False, needs_layout_passes=False),
        scratch_types=[
            pltpu.VMEM((NCH, CE), jnp.int32),
            pltpu.VMEM((NCH, CE), jnp.int32),
            pltpu.VMEM((4, CE, hw), jnp.bfloat16),
            pltpu.VMEM((2, CE, hw), jnp.float32),
            pltpu.VMEM((ZR, hw), jnp.float32),
            pltpu.VMEM_SHARED((NP, hw), jnp.float32),
            pltpu.SemaphoreType.DMA((4,)),
            pltpu.SemaphoreType.DMA((2,)),
        ],
    )
    def agg_kernel(tbl_hbm, src_hbm, dst_hbm, out_hbm,
                   sidx, didx, rows, frows, zb, acc, gsems, ssems):
        c = lax.axis_index("c")
        s = lax.axis_index("s")

        def zrow(i, _):
            for k in range(hw // LANE):
                zb[i, pl.ds(k * LANE, LANE)] = jnp.zeros((LANE,), jnp.float32)
            return 0
        lax.fori_loop(0, ZR, zrow, 0)

        base = s * ROWS_PS

        def zcp(i, _):
            pltpu.sync_copy(zb, acc.at[pl.ds(base + i * ZR, ZR)])
            return 0
        lax.fori_loop(0, ROWS_PS // ZR, zcp, 0)

        pltpu.sync_copy(dst_hbm.at[pl.ds(s * NCH, NCH)], didx)

        def gstart(j, p):
            pltpu.async_copy(tbl_hbm.at[sidx.at[j]], rows.at[p], gsems.at[p])

        def gwait(j, p):
            pltpu.make_async_copy(
                tbl_hbm.at[sidx.at[j]], rows.at[p], gsems.at[p]).wait()

        def sstart(j, p):
            pltpu.async_copy(frows.at[p], acc.at[didx.at[j]], ssems.at[p],
                             add=True)

        def swait(j, p):
            pltpu.make_async_copy(
                frows.at[p], acc.at[didx.at[j]], ssems.at[p]).wait()

        def convert(gb, fb):
            def conv_row(r, _):
                for k in range(hw // 32):
                    v = rows[gb, r, pl.ds(k * 32, 32)]
                    lo, hi = plsc.unpack(
                        v, format=plsc.PackFormat.INTERLEAVED)
                    frows[fb, r, pl.ds(k * 32, LANE)] = lo
                    frows[fb, r, pl.ds(k * 32 + LANE, LANE)] = hi
                return 0
            lax.fori_loop(0, CE, conv_row, 0)

        def step(g, _):
            for b in range(4):
                j = g * 4 + b
                fb = b % 2

                @pl.when(j + 2 < NCH)
                def _():
                    gstart(j + 2, (b + 2) % 4)

                @pl.when(j >= 2)
                def _():
                    swait(j - 2, fb)

                gwait(j, b)
                convert(b, fb)
                sstart(j, fb)
            return 0

        for p in range(npass):
            if p > 0:
                def zcp2(i, _):
                    pltpu.sync_copy(zb, acc.at[pl.ds(base + i * ZR, ZR)])
                    return 0
                lax.fori_loop(0, ROWS_PS // ZR, zcp2, 0)
            pltpu.sync_copy(src_hbm.at[2 * p + c, pl.ds(s * NCH, NCH)], sidx)
            plsc.subcore_barrier()
            gstart(0, 0)
            gstart(1, 1)
            lax.fori_loop(0, NCH // 4, step, 0)
            swait(NCH - 2, 0)
            swait(NCH - 1, 1)
            plsc.subcore_barrier()
            pltpu.sync_copy(acc.at[pl.ds(base, ROWS_PS)],
                            out_hbm.at[2 * p + c, pl.ds(base, ROWS_PS)])

    return agg_kernel


_agg64 = _make_agg(F_IN // 2, 1)
_agg1 = _make_agg(64, 2)
_agg32 = _make_agg(C // 2, 1)


RB = 1024
GRID = NP // RB


def _tc_scale_call(xp, degp):
    def body(x_ref, deg_ref, y_ref, ns_ref, nd_ref):
        ns = lax.rsqrt(jnp.maximum(deg_ref[0], 1.0))
        nd = lax.rsqrt(jnp.maximum(deg_ref[1], 1.0))
        ns_ref[...] = ns
        nd_ref[...] = nd
        y = (x_ref[...] * ns).astype(jnp.bfloat16)
        y_ref[0] = y[:, : F_IN // 2]
        y_ref[1] = y[:, F_IN // 2:]

    return pl.pallas_call(
        body,
        grid=(GRID,),
        in_specs=[
            pl.BlockSpec((RB, F_IN), lambda i: (i, 0)),
            pl.BlockSpec((2, RB, 1), lambda i: (0, i, 0)),
        ],
        out_specs=[
            pl.BlockSpec((2, RB, F_IN // 2), lambda i: (0, i, 0)),
            pl.BlockSpec((RB, 1), lambda i: (i, 0)),
            pl.BlockSpec((RB, 1), lambda i: (i, 0)),
        ],
        out_shape=[
            jax.ShapeDtypeStruct((2, NP, F_IN // 2), jnp.bfloat16),
            jax.ShapeDtypeStruct((NP, 1), jnp.float32),
            jax.ShapeDtypeStruct((NP, 1), jnp.float32),
        ],
    )(xp, degp)


def _tc_layer1_call(a0, nd, w0, b0, ns):
    hw_in = F_IN // 2
    Q = 64

    def body(a_ref, nd_ref, w_ref, b_ref, ns_ref, y_ref):
        ndv = nd_ref[...]
        z = (a_ref[0] * ndv) @ w_ref[: hw_in] + (a_ref[1] * ndv) @ w_ref[hw_in:]
        h = jnp.maximum(z + b_ref[...], 0.0)
        y = (h * ns_ref[...]).astype(jnp.bfloat16)
        for q in range(4):
            y_ref[q] = y[:, q * Q:(q + 1) * Q]

    return pl.pallas_call(
        body,
        grid=(GRID,),
        in_specs=[
            pl.BlockSpec((2, RB, hw_in), lambda i: (0, i, 0)),
            pl.BlockSpec((RB, 1), lambda i: (i, 0)),
            pl.BlockSpec((F_IN, H), lambda i: (0, 0)),
            pl.BlockSpec((1, H), lambda i: (0, 0)),
            pl.BlockSpec((RB, 1), lambda i: (i, 0)),
        ],
        out_specs=[pl.BlockSpec((4, RB, Q), lambda i: (0, i, 0))],
        out_shape=[jax.ShapeDtypeStruct((4, NP, Q), jnp.bfloat16)],
    )(a0, nd, w0, b0, ns)[0]


def _tc_layer2_call(a1, nd, w1, b1, ns, w2):
    Q = 64
    hw_out = C // 2

    def body(a_ref, nd_ref, w1_ref, b_ref, ns_ref, w2_ref, y_ref):
        ndv = nd_ref[...]
        z = ((a_ref[0] * ndv) @ w1_ref[:Q]
             + (a_ref[1] * ndv) @ w1_ref[Q:2 * Q]
             + (a_ref[2] * ndv) @ w1_ref[2 * Q:3 * Q]
             + (a_ref[3] * ndv) @ w1_ref[3 * Q:])
        h = jnp.maximum(z + b_ref[...], 0.0)
        y = ((h * ns_ref[...]) @ w2_ref[...]).astype(jnp.bfloat16)
        y_ref[0] = y[:, :hw_out]
        y_ref[1] = y[:, hw_out:]

    return pl.pallas_call(
        body,
        grid=(GRID,),
        in_specs=[
            pl.BlockSpec((4, RB, Q), lambda i: (0, i, 0)),
            pl.BlockSpec((RB, 1), lambda i: (i, 0)),
            pl.BlockSpec((H, H), lambda i: (0, 0)),
            pl.BlockSpec((1, H), lambda i: (0, 0)),
            pl.BlockSpec((RB, 1), lambda i: (i, 0)),
            pl.BlockSpec((H, C), lambda i: (0, 0)),
        ],
        out_specs=[pl.BlockSpec((2, RB, hw_out), lambda i: (0, i, 0))],
        out_shape=[jax.ShapeDtypeStruct((2, NP, hw_out), jnp.bfloat16)],
    )(a1, nd, w1, b1, ns, w2)[0]


def _tc_out_call(a2, nd, b2):
    def body(a_ref, nd_ref, b_ref, o_ref):
        o = jnp.concatenate([a_ref[0], a_ref[1]], axis=1) * nd_ref[...]
        o = o + b_ref[...]
        m = jnp.max(o, axis=1, keepdims=True)
        e = jnp.exp(o - m)
        o_ref[...] = (o - m) - jnp.log(jnp.sum(e, axis=1, keepdims=True))

    return pl.pallas_call(
        body,
        grid=(GRID,),
        in_specs=[
            pl.BlockSpec((2, RB, C // 2), lambda i: (0, i, 0)),
            pl.BlockSpec((RB, 1), lambda i: (i, 0)),
            pl.BlockSpec((1, C), lambda i: (0, 0)),
        ],
        out_specs=pl.BlockSpec((RB, C), lambda i: (i, 0)),
        out_shape=jax.ShapeDtypeStruct((NP, C), jnp.float32),
    )(a2, nd, b2)


def _perm_half(hw):
    p = []
    for g in range(hw // 32):
        b = g * 32
        p += [b + 2 * i for i in range(16)]
        p += [b + 2 * i + 1 for i in range(16)]
    return p


_P64 = _perm_half(64)
_P128 = _P64 + [64 + i for i in _P64]
_P256 = [64 * q + i for q in range(4) for i in _P64]
_P32 = _perm_half(32)
_PC = _P32 + [32 + i for i in _P32]
_PC_INV = sorted(range(len(_PC)), key=_PC.__getitem__)


def kernel(x, edge_index, W0, b0, W1, b1, W2, b2):
    src = edge_index[0]
    dst = edge_index[1]
    padi = jnp.full((EP - E,), NP - 1, jnp.int32)
    srcp = jnp.concatenate([src, padi])
    dstp = jnp.concatenate([dst, padi])
    edges = jnp.stack([srcp, dstp])
    src2a = jnp.stack([srcp, srcp + NP]).reshape(2, NCHUNK, CE)
    src4 = jnp.stack([srcp, srcp + NP, srcp + 2 * NP,
                      srcp + 3 * NP]).reshape(4, NCHUNK, CE)
    dst2 = dstp.reshape(NCHUNK, CE)

    xp = jnp.concatenate([x, jnp.zeros((NP - N, F_IN), x.dtype)])

    W0p = W0[jnp.array(_P128)]
    W1p = W1[jnp.array(_P256)]
    W2p = W2[:, jnp.array(_PC_INV)]

    deg = _deg_call(edges)
    y0, ns, nd = _tc_scale_call(xp, deg.reshape(2, NP, 1))
    a0 = _agg64(y0.reshape(2 * NP, F_IN // 2), src2a, dst2)
    y1 = _tc_layer1_call(a0, nd, W0p, b0.reshape(1, H), ns)
    a1 = _agg1(y1.reshape(4 * NP, 64), src4, dst2)
    y2 = _tc_layer2_call(a1, nd, W1p, b1.reshape(1, H), ns, W2p)
    a2 = _agg32(y2.reshape(2 * NP, C // 2), src2a, dst2)
    out = _tc_out_call(a2, nd, b2.reshape(1, C))
    return out[:N]

# --- scband reference (transcript-rebuilt; emitter-appended) ---
"""Pipeline reference for scband-dist-gcn-13065290515268 (READ-ONLY COPY).

The authoritative reference and input builder live on the scoring server;
editing this copy changes nothing except your own understanding.
"""

import jax, jax.numpy as jnp
import numpy as np

N = 10000
E = 320000
F_IN = 128
H = 256
C = 64


def setup_inputs(seed: int = 0) -> dict:
    key = jax.random.key(seed)
    ks = jax.random.split(key, 8)
    x = jax.random.normal(ks[0], (N, F_IN), dtype=jnp.float32)
    edge_index = jax.random.randint(ks[1], (2, E), 0, N, dtype=jnp.int32)
    def glorot(k, fan_in, fan_out):
        s = jnp.sqrt(6.0 / (fan_in + fan_out))
        return jax.random.uniform(k, (fan_in, fan_out), dtype=jnp.float32, minval=-s, maxval=s)
    W0 = glorot(ks[2], F_IN, H)
    b0 = jnp.zeros((H,), dtype=jnp.float32)
    W1 = glorot(ks[3], H, H)
    b1 = jnp.zeros((H,), dtype=jnp.float32)
    W2 = glorot(ks[4], H, C)
    b2 = jnp.zeros((C,), dtype=jnp.float32)
    return {"x": x, "edge_index": edge_index, "W0": W0, "b0": b0, "W1": W1, "b1": b1, "W2": W2, "b2": b2}


def _gcn_conv(h, W, b, src, dst, norm_src, norm_dst):
    # DGL GraphConv with norm='both': D_dst^{-1/2} A D_src^{-1/2} h W + b
    h = h * norm_src[:, None]
    msg = jnp.take(h, src, axis=0)
    agg = jax.ops.segment_sum(msg, dst, num_segments=N)
    agg = agg * norm_dst[:, None]
    return agg @ W + b


def reference(x, edge_index, W0, b0, W1, b1, W2, b2):
    src = edge_index[0]
    dst = edge_index[1]
    out_deg = jnp.zeros((N,), dtype=jnp.float32).at[src].add(1.0)
    in_deg = jnp.zeros((N,), dtype=jnp.float32).at[dst].add(1.0)
    norm_src = jnp.clip(out_deg, 1.0, None) ** -0.5
    norm_dst = jnp.clip(in_deg, 1.0, None) ** -0.5
    h = _gcn_conv(x, W0, b0, src, dst, norm_src, norm_dst)
    h = jax.nn.relu(h)  # dropout is identity in eval
    h = _gcn_conv(h, W1, b1, src, dst, norm_src, norm_dst)
    h = jax.nn.relu(h)
    h = _gcn_conv(h, W2, b2, src, dst, norm_src, norm_dst)
    return jax.nn.log_softmax(h, axis=1)

if __name__ == "__main__":
    import jax
    _d = setup_inputs()
    print(jax.jit(kernel)(*tuple(_d.values())))

</pallas_src>

<mosaic_0001>
#map = affine_map<(d0, d1) -> (0, 0)>
module attributes {stable_mosaic.version = 14 : i64} {
  func.func @deg_kernel(%arg0: i32, %arg1: i32, %arg2: memref<2x327680xi32, #tpu.memory_space<hbm>>, %arg3: memref<2x10240xf32, #tpu.memory_space<hbm>>, %arg4: memref<20480xi32, #tpu.memory_space<vmem>>, %arg5: memref<10240xf32, #tpu.memory_space<vmem>>, %arg6: memref<16x640xf32, #tpu.memory_space<vmem>>, %arg7: memref<640xf32, #tpu.memory_space<vmem>>, %arg8: memref<16x10240xf32, #tpu.memory_space<vmem_shared>>, %arg9: memref<!tpu.dma_semaphore, #tpu.memory_space<semaphore_mem>>) attributes {dimension_semantics = [#tpu.dimension_semantics<core_parallel>, #tpu.dimension_semantics<subcore_parallel>], iteration_bounds = array<i64: 2, 16>, scalar_prefetch = 0 : i64, scratch_operands = 6 : i64, tpu.core_type = #tpu.core_type<sc_vector_subcore>, window_params = [{transform_indices = #map}, {transform_indices = #map}]} {
    %scan3A = arith.constant 0 : i32
    %scan3A_0 = arith.constant 0 : i32
    %scan3A_1 = arith.constant 640 : i32
    %scan3A_2 = arith.addi %scan3A_0, %scan3A_1 : i32
    %scan3A_3 = arith.constant 1 : i32
    %scan3A_4 = scf.for %scan3A_438 = %scan3A_0 to %scan3A_2 step %scan3A_3 iter_args(%scan3A_439 = %scan3A) -> (i32)  : i32 {
      %broadcast_in_dim3A_440 = arith.constant 0.000000e+00 : f32
      %broadcast_in_dim3A_441 = vector.broadcast %broadcast_in_dim3A_440 : f32 to vector<16xf32>
      %mul3A_442 = arith.constant 16 : i32
      %mul3A_443 = arith.muli %scan3A_438, %mul3A_442 : i32
      %swap3A = arith.index_cast %mul3A_443 : i32 to index
      %swap3A_444 = tpu.vector_load %arg5[%swap3A] {strides = array<i32>} : memref<10240xf32, #tpu.memory_space<vmem>>, vector<16xf32>,
      tpu.vector_store %arg5[%swap3A], %broadcast_in_dim3A_441 {strides = array<i32>} : memref<10240xf32, #tpu.memory_space<vmem>>, vector<16xf32>,
      %scan3A_445 = arith.constant 0 : i32
      scf.yield %scan3A_445 : i32
    }
    %scan3A_5 = arith.constant 640 : i32
    %mul3A = arith.constant 20480 : i32
    %mul3A_6 = arith.muli %arg1, %mul3A : i32
    "tpu.region"() ({
      %run_scoped3A = tpu.sem_alloc : memref<!tpu.dma_semaphore, #tpu.memory_space<semaphore_mem>>
      %dma_start3A_438 = tpu.memref_slice %arg2[%arg0, %mul3A_6] : memref<2x327680xi32, #tpu.memory_space<hbm>> -> memref<1x20480xi32, #tpu.memory_space<hbm>>
      %dma_start3A_439 = tpu.memref_squeeze %dma_start3A_438 : memref<1x20480xi32, #tpu.memory_space<hbm>> -> memref<20480xi32, #tpu.memory_space<hbm>>
      %dma_start3A_440 = tpu.memref_slice %arg2[%arg0, %mul3A_6] : memref<2x327680xi32, #tpu.memory_space<hbm>> -> memref<1x20480xi32, #tpu.memory_space<hbm>>
      %dma_start3A_441 = tpu.memref_squeeze %dma_start3A_440 : memref<1x20480xi32, #tpu.memory_space<hbm>> -> memref<20480xi32, #tpu.memory_space<hbm>>
      tpu.enqueue_dma source(%dma_start3A_441 : memref<20480xi32, #tpu.memory_space<hbm>>) target(%arg4 : memref<20480xi32, #tpu.memory_space<vmem>>) target_semaphore(%run_scoped3A : memref<!tpu.dma_semaphore, #tpu.memory_space<semaphore_mem>>)
      %dma_wait3A_442 = tpu.memref_slice %arg2[%arg0, %mul3A_6] : memref<2x327680xi32, #tpu.memory_space<hbm>> -> memref<1x20480xi32, #tpu.memory_space<hbm>>
      %dma_wait3A_443 = tpu.memref_squeeze %dma_wait3A_442 : memref<1x20480xi32, #tpu.memory_space<hbm>> -> memref<20480xi32, #tpu.memory_space<hbm>>
      %dma_wait3A_444 = tpu.memref_slice %arg2[%arg0, %mul3A_6] : memref<2x327680xi32, #tpu.memory_space<hbm>> -> memref<1x20480xi32, #tpu.memory_space<hbm>>
      %dma_wait3A_445 = tpu.memref_squeeze %dma_wait3A_444 : memref<1x20480xi32, #tpu.memory_space<hbm>> -> memref<20480xi32, #tpu.memory_space<hbm>>
      tpu.wait_dma2 semaphore(%run_scoped3A : memref<!tpu.dma_semaphore, #tpu.memory_space<semaphore_mem>>) src(%dma_wait3A_445 : memref<20480xi32, #tpu.memory_space<hbm>>) dst(%arg4 : memref<20480xi32, #tpu.memory_space<vmem>>)
      tpu.yield
    }) : () -> ()
    %broadcast_in_dim3A = arith.constant 1.000000e+00 : f32
    %broadcast_in_dim3A_7 = vector.broadcast %broadcast_in_dim3A : f32 to vector<16xf32>
    %scan3A_8 = arith.constant 0 : i32
    %scan3A_9 = arith.constant 0 : i32
    %scan3A_10 = arith.constant 1280 : i32
    %scan3A_11 = arith.addi %scan3A_9, %scan3A_10 : i32
    %scan3A_12 = arith.constant 1 : i32
    %scan3A_13 = scf.for %scan3A_438 = %scan3A_9 to %scan3A_11 step %scan3A_12 iter_args(%scan3A_439 = %scan3A_8) -> (i32)  : i32 {
      %mul3A_440 = arith.constant 16 : i32
      %mul3A_441 = arith.muli %scan3A_438, %mul3A_440 : i32
      %get3A = arith.index_cast %mul3A_441 : i32 to index
      %get3A_442 = tpu.vector_load %arg4[%get3A] {strides = array<i32>} : memref<20480xi32, #tpu.memory_space<vmem>>, vector<16xi32>,
      tpu.vector_store_idx %arg5[%get3A_442], %broadcast_in_dim3A_7 {add = true} : memref<10240xf32, #tpu.memory_space<vmem>>[vector<16xi32>], vector<16xf32>,
      %scan3A_443 = arith.constant 0 : i32
      scf.yield %scan3A_443 : i32
    }
    %scan3A_14 = arith.constant 1280 : i32
    "tpu.region"() ({
      %run_scoped3A = tpu.sem_alloc : memref<!tpu.dma_semaphore, #tpu.memory_space<semaphore_mem>>
      %dma_start3A_438 = arith.constant 0 : i32
      %dma_start3A_439 = tpu.memref_slice %arg8[%arg1, %dma_start3A_438] : memref<16x10240xf32, #tpu.memory_space<vmem_shared>> -> memref<1x10240xf32, #tpu.memory_space<vmem_shared>>
      %dma_start3A_440 = tpu.memref_squeeze %dma_start3A_439 : memref<1x10240xf32, #tpu.memory_space<vmem_shared>> -> memref<10240xf32, #tpu.memory_space<vmem_shared>>
      %dma_start3A_441 = arith.constant 0 : i32
      %dma_start3A_442 = tpu.memref_slice %arg8[%arg1, %dma_start3A_441] : memref<16x10240xf32, #tpu.memory_space<vmem_shared>> -> memref<1x10240xf32, #tpu.memory_space<vmem_shared>>
      %dma_start3A_443 = tpu.memref_squeeze %dma_start3A_442 : memref<1x10240xf32, #tpu.memory_space<vmem_shared>> -> memref<10240xf32, #tpu.memory_space<vmem_shared>>
      tpu.enqueue_dma source(%arg5 : memref<10240xf32, #tpu.memory_space<vmem>>) target(%dma_start3A_443 : memref<10240xf32, #tpu.memory_space<vmem_shared>>) target_semaphore(%run_scoped3A : memref<!tpu.dma_semaphore, #tpu.memory_space<semaphore_mem>>)
      %dma_wait3A_444 = arith.constant 0 : i32
      %dma_wait3A_445 = tpu.memref_slice %arg8[%arg1, %dma_wait3A_444] : memref<16x10240xf32, #tpu.memory_space<vmem_shared>> -> memref<1x10240xf32, #tpu.memory_space<vmem_shared>>
      %dma_wait3A_446 = tpu.memref_squeeze %dma_wait3A_445 : memref<1x10240xf32, #tpu.memory_space<vmem_shared>> -> memref<10240xf32, #tpu.memory_space<vmem_shared>>
      %dma_wait3A_447 = arith.constant 0 : i32
      %dma_wait3A_448 = tpu.memref_slice %arg8[%arg1, %dma_wait3A_447] : memref<16x10240xf32, #tpu.memory_space<vmem_shared>> -> memref<1x10240xf32, #tpu.memory_space<vmem_shared>>
      %dma_wait3A_449 = tpu.memref_squeeze %dma_wait3A_448 : memref<1x10240xf32, #tpu.memory_space<vmem_shared>> -> memref<10240xf32, #tpu.memory_space<vmem_shared>>
      tpu.wait_dma2 semaphore(%run_scoped3A : memref<!tpu.dma_semaphore, #tpu.memory_space<semaphore_mem>>) src(%arg5 : memref<10240xf32, #tpu.memory_space<vmem>>) dst(%dma_wait3A_449 : memref<10240xf32, #tpu.memory_space<vmem_shared>>)
      tpu.yield
    }) : () -> ()
    %barrier3A = arith.constant 0 : index
    tpu.barrier barrier_id(%barrier3A)
    %mul3A_15 = arith.constant 640 : i32
    %mul3A_16 = arith.muli %arg1, %mul3A_15 : i32
    %dma_start3A = arith.constant 0 : i32
    %dma_start3A_17 = arith.constant 0 : i32
    %dma_start3A_18 = arith.constant 0 : i32
    %dma_start3A_19 = tpu.memref_slice %arg6[%dma_start3A_17, %dma_start3A_18] : memref<16x640xf32, #tpu.memory_space<vmem>> -> memref<1x640xf32, #tpu.memory_space<vmem>>
    %dma_start3A_20 = tpu.memref_squeeze %dma_start3A_19 : memref<1x640xf32, #tpu.memory_space<vmem>> -> memref<640xf32, #tpu.memory_space<vmem>>
    %dma_start3A_21 = tpu.memref_slice %arg8[%dma_start3A, %mul3A_16] : memref<16x10240xf32, #tpu.memory_space<vmem_shared>> -> memref<1x640xf32, #tpu.memory_space<vmem_shared>>
    %dma_start3A_22 = tpu.memref_squeeze %dma_start3A_21 : memref<1x640xf32, #tpu.memory_space<vmem_shared>> -> memref<640xf32, #tpu.memory_space<vmem_shared>>
    %dma_start3A_23 = arith.constant 0 : i32
    %dma_start3A_24 = tpu.memref_slice %arg6[%dma_start3A_17, %dma_start3A_23] : memref<16x640xf32, #tpu.memory_space<vmem>> -> memref<1x640xf32, #tpu.memory_space<vmem>>
    %dma_start3A_25 = tpu.memref_squeeze %dma_start3A_24 : memref<1x640xf32, #tpu.memory_space<vmem>> -> memref<640xf32, #tpu.memory_space<vmem>>
    %dma_start3A_26 = tpu.memref_slice %arg8[%dma_start3A, %mul3A_16] : memref<16x10240xf32, #tpu.memory_space<vmem_shared>> -> memref<1x640xf32, #tpu.memory_space<vmem_shared>>
    %dma_start3A_27 = tpu.memref_squeeze %dma_start3A_26 : memref<1x640xf32, #tpu.memory_space<vmem_shared>> -> memref<640xf32, #tpu.memory_space<vmem_shared>>
    tpu.enqueue_dma source(%dma_start3A_27 : memref<640xf32, #tpu.memory_space<vmem_shared>>) target(%dma_start3A_25 : memref<640xf32, #tpu.memory_space<vmem>>) target_semaphore(%arg9 : memref<!tpu.dma_semaphore, #tpu.memory_space<semaphore_mem>>)
    %mul3A_28 = arith.constant 640 : i32
    %mul3A_29 = arith.muli %arg1, %mul3A_28 : i32
    %dma_start3A_30 = arith.constant 1 : i32
    %dma_start3A_31 = arith.constant 1 : i32
    %dma_start3A_32 = arith.constant 0 : i32
    %dma_start3A_33 = tpu.memref_slice %arg6[%dma_start3A_31, %dma_start3A_32] : memref<16x640xf32, #tpu.memory_space<vmem>> -> memref<1x640xf32, #tpu.memory_space<vmem>>
    %dma_start3A_34 = tpu.memref_squeeze %dma_start3A_33 : memref<1x640xf32, #tpu.memory_space<vmem>> -> memref<640xf32, #tpu.memory_space<vmem>>
    %dma_start3A_35 = tpu.memref_slice %arg8[%dma_start3A_30, %mul3A_29] : memref<16x10240xf32, #tpu.memory_space<vmem_shared>> -> memref<1x640xf32, #tpu.memory_space<vmem_shared>>
    %dma_start3A_36 = tpu.memref_squeeze %dma_start3A_35 : memref<1x640xf32, #tpu.memory_space<vmem_shared>> -> memref<640xf32, #tpu.memory_space<vmem_shared>>
    %dma_start3A_37 = arith.constant 0 : i32
    %dma_start3A_38 = tpu.memref_slice %arg6[%dma_start3A_31, %dma_start3A_37] : memref<16x640xf32, #tpu.memory_space<vmem>> -> memref<1x640xf32, #tpu.memory_space<vmem>>
    %dma_start3A_39 = tpu.memref_squeeze %dma_start3A_38 : memref<1x640xf32, #tpu.memory_space<vmem>> -> memref<640xf32, #tpu.memory_space<vmem>>
    %dma_start3A_40 = tpu.memref_slice %arg8[%dma_start3A_30, %mul3A_29] : memref<16x10240xf32, #tpu.memory_space<vmem_shared>> -> memref<1x640xf32, #tpu.memory_space<vmem_shared>>
    %dma_start3A_41 = tpu.memref_squeeze %dma_start3A_40 : memref<1x640xf32, #tpu.memory_space<vmem_shared>> -> memref<640xf32, #tpu.memory_space<vmem_shared>>
    tpu.enqueue_dma source(%dma_start3A_41 : memref<640xf32, #tpu.memory_space<vmem_shared>>) target(%dma_start3A_39 : memref<640xf32, #tpu.memory_space<vmem>>) target_semaphore(%arg9 : memref<!tpu.dma_semaphore, #tpu.memory_space<semaphore_mem>>)
    %mul3A_42 = arith.constant 640 : i32
    %mul3A_43 = arith.muli %arg1, %mul3A_42 : i32
    %dma_start3A_44 = arith.constant 2 : i32
    %dma_start3A_45 = arith.constant 2 : i32
    %dma_start3A_46 = arith.constant 0 : i32
    %dma_start3A_47 = tpu.memref_slice %arg6[%dma_start3A_45, %dma_start3A_46] : memref<16x640xf32, #tpu.memory_space<vmem>> -> memref<1x640xf32, #tpu.memory_space<vmem>>
    %dma_start3A_48 = tpu.memref_squeeze %dma_start3A_47 : memref<1x640xf32, #tpu.memory_space<vmem>> -> memref<640xf32, #tpu.memory_space<vmem>>
    %dma_start3A_49 = tpu.memref_slice %arg8[%dma_start3A_44, %mul3A_43] : memref<16x10240xf32, #tpu.memory_space<vmem_shared>> -> memref<1x640xf32, #tpu.memory_space<vmem_shared>>
    %dma_start3A_50 = tpu.memref_squeeze %dma_start3A_49 : memref<1x640xf32, #tpu.memory_space<vmem_shared>> -> memref<640xf32, #tpu.memory_space<vmem_shared>>
    %dma_start3A_51 = arith.constant 0 : i32
    %dma_start3A_52 = tpu.memref_slice %arg6[%dma_start3A_45, %dma_start3A_51] : memref<16x640xf32, #tpu.memory_space<vmem>> -> memref<1x640xf32, #tpu.memory_space<vmem>>
    %dma_start3A_53 = tpu.memref_squeeze %dma_start3A_52 : memref<1x640xf32, #tpu.memory_space<vmem>> -> memref<640xf32, #tpu.memory_space<vmem>>
    %dma_start3A_54 = tpu.memref_slice %arg8[%dma_start3A_44, %mul3A_43] : memref<16x10240xf32, #tpu.memory_space<vmem_shared>> -> memref<1x640xf32, #tpu.memory_space<vmem_shared>>
    %dma_start3A_55 = tpu.memref_squeeze %dma_start3A_54 : memref<1x640xf32, #tpu.memory_space<vmem_shared>> -> memref<640xf32, #tpu.memory_space<vmem_shared>>
    tpu.enqueue_dma source(%dma_start3A_55 : memref<640xf32, #tpu.memory_space<vmem_shared>>) target(%dma_start3A_53 : memref<640xf32, #tpu.memory_space<vmem>>) target_semaphore(%arg9 : memref<!tpu.dma_semaphore, #tpu.memory_space<semaphore_mem>>)
    %mul3A_56 = arith.constant 640 : i32
    %mul3A_57 = arith.muli %arg1, %mul3A_56 : i32
    %dma_start3A_58 = arith.constant 3 : i32
    %dma_start3A_59 = arith.constant 3 : i32
    %dma_start3A_60 = arith.constant 0 : i32
    %dma_start3A_61 = tpu.memref_slice %arg6[%dma_start3A_59, %dma_start3A_60] : memref<16x640xf32, #tpu.memory_space<vmem>> -> memref<1x640xf32, #tpu.memory_space<vmem>>
    %dma_start3A_62 = tpu.memref_squeeze %dma_start3A_61 : memref<1x640xf32, #tpu.memory_space<vmem>> -> memref<640xf32, #tpu.memory_space<vmem>>
    %dma_start3A_63 = tpu.memref_slice %arg8[%dma_start3A_58, %mul3A_57] : memref<16x10240xf32, #tpu.memory_space<vmem_shared>> -> memref<1x640xf32, #tpu.memory_space<vmem_shared>>
    %dma_start3A_64 = tpu.memref_squeeze %dma_start3A_63 : memref<1x640xf32, #tpu.memory_space<vmem_shared>> -> memref<640xf32, #tpu.memory_space<vmem_shared>>
    %dma_start3A_65 = arith.constant 0 : i32
    %dma_start3A_66 = tpu.memref_slice %arg6[%dma_start3A_59, %dma_start3A_65] : memref<16x640xf32, #tpu.memory_space<vmem>> -> memref<1x640xf32, #tpu.memory_space<vmem>>
    %dma_start3A_67 = tpu.memref_squeeze %dma_start3A_66 : memref<1x640xf32, #tpu.memory_space<vmem>> -> memref<640xf32, #tpu.memory_space<vmem>>
    %dma_start3A_68 = tpu.memref_slice %arg8[%dma_start3A_58, %mul3A_57] : memref<16x10240xf32, #tpu.memory_space<vmem_shared>> -> memref<1x640xf32, #tpu.memory_space<vmem_shared>>
    %dma_start3A_69 = tpu.memref_squeeze %dma_start3A_68 : memref<1x640xf32, #tpu.memory_space<vmem_shared>> -> memref<640xf32, #tpu.memory_space<vmem_shared>>
    tpu.enqueue_dma source(%dma_start3A_69 : memref<640xf32, #tpu.memory_space<vmem_shared>>) target(%dma_start3A_67 : memref<640xf32, #tpu.memory_space<vmem>>) target_semaphore(%arg9 : memref<!tpu.dma_semaphore, #tpu.memory_space<semaphore_mem>>)
    %mul3A_70 = arith.constant 640 : i32
    %mul3A_71 = arith.muli %arg1, %mul3A_70 : i32
    %dma_start3A_72 = arith.constant 4 : i32
    %dma_start3A_73 = arith.constant 4 : i32
    %dma_start3A_74 = arith.constant 0 : i32
    %dma_start3A_75 = tpu.memref_slice %arg6[%dma_start3A_73, %dma_start3A_74] : memref<16x640xf32, #tpu.memory_space<vmem>> -> memref<1x640xf32, #tpu.memory_space<vmem>>
    %dma_start3A_76 = tpu.memref_squeeze %dma_start3A_75 : memref<1x640xf32, #tpu.memory_space<vmem>> -> memref<640xf32, #tpu.memory_space<vmem>>
    %dma_start3A_77 = tpu.memref_slice %arg8[%dma_start3A_72, %mul3A_71] : memref<16x10240xf32, #tpu.memory_space<vmem_shared>> -> memref<1x640xf32, #tpu.memory_space<vmem_shared>>
    %dma_start3A_78 = tpu.memref_squeeze %dma_start3A_77 : memref<1x640xf32, #tpu.memory_space<vmem_shared>> -> memref<640xf32, #tpu.memory_space<vmem_shared>>
    %dma_start3A_79 = arith.constant 0 : i32
    %dma_start3A_80 = tpu.memref_slice %arg6[%dma_start3A_73, %dma_start3A_79] : memref<16x640xf32, #tpu.memory_space<vmem>> -> memref<1x640xf32, #tpu.memory_space<vmem>>
    %dma_start3A_81 = tpu.memref_squeeze %dma_start3A_80 : memref<1x640xf32, #tpu.memory_space<vmem>> -> memref<640xf32, #tpu.memory_space<vmem>>
    %dma_start3A_82 = tpu.memref_slice %arg8[%dma_start3A_72, %mul3A_71] : memref<16x10240xf32, #tpu.memory_space<vmem_shared>> -> memref<1x640xf32, #tpu.memory_space<vmem_shared>>
    %dma_start3A_83 = tpu.memref_squeeze %dma_start3A_82 : memref<1x640xf32, #tpu.memory_space<vmem_shared>> -> memref<640xf32, #tpu.memory_space<vmem_shared>>
    tpu.enqueue_dma source(%dma_start3A_83 : memref<640xf32, #tpu.memory_space<vmem_shared>>) target(%dma_start3A_81 : memref<640xf32, #tpu.memory_space<vmem>>) target_semaphore(%arg9 : memref<!tpu.dma_semaphore, #tpu.memory_space<semaphore_mem>>)
    %mul3A_84 = arith.constant 640 : i32
    %mul3A_85 = arith.muli %arg1, %mul3A_84 : i32
    %dma_start3A_86 = arith.constant 5 : i32
    %dma_start3A_87 = arith.constant 5 : i32
    %dma_start3A_88 = arith.constant 0 : i32
    %dma_start3A_89 = tpu.memref_slice %arg6[%dma_start3A_87, %dma_start3A_88] : memref<16x640xf32, #tpu.memory_space<vmem>> -> memref<1x640xf32, #tpu.memory_space<vmem>>
    %dma_start3A_90 = tpu.memref_squeeze %dma_start3A_89 : memref<1x640xf32, #tpu.memory_space<vmem>> -> memref<640xf32, #tpu.memory_space<vmem>>
    %dma_start3A_91 = tpu.memref_slice %arg8[%dma_start3A_86, %mul3A_85] : memref<16x10240xf32, #tpu.memory_space<vmem_shared>> -> memref<1x640xf32, #tpu.memory_space<vmem_shared>>
    %dma_start3A_92 = tpu.memref_squeeze %dma_start3A_91 : memref<1x640xf32, #tpu.memory_space<vmem_shared>> -> memref<640xf32, #tpu.memory_space<vmem_shared>>
    %dma_start3A_93 = arith.constant 0 : i32
    %dma_start3A_94 = tpu.memref_slice %arg6[%dma_start3A_87, %dma_start3A_93] : memref<16x640xf32, #tpu.memory_space<vmem>> -> memref<1x640xf32, #tpu.memory_space<vmem>>
    %dma_start3A_95 = tpu.memref_squeeze %dma_start3A_94 : memref<1x640xf32, #tpu.memory_space<vmem>> -> memref<640xf32, #tpu.memory_space<vmem>>
    %dma_start3A_96 = tpu.memref_slice %arg8[%dma_start3A_86, %mul3A_85] : memref<16x10240xf32, #tpu.memory_space<vmem_shared>> -> memref<1x640xf32, #tpu.memory_space<vmem_shared>>
    %dma_start3A_97 = tpu.memref_squeeze %dma_start3A_96 : memref<1x640xf32, #tpu.memory_space<vmem_shared>> -> memref<640xf32, #tpu.memory_space<vmem_shared>>
    tpu.enqueue_dma source(%dma_start3A_97 : memref<640xf32, #tpu.memory_space<vmem_shared>>) target(%dma_start3A_95 : memref<640xf32, #tpu.memory_space<vmem>>) target_semaphore(%arg9 : memref<!tpu.dma_semaphore, #tpu.memory_space<semaphore_mem>>)
    %mul3A_98 = arith.constant 640 : i32
    %mul3A_99 = arith.muli %arg1, %mul3A_98 : i32
    %dma_start3A_100 = arith.constant 6 : i32
    %dma_start3A_101 = arith.constant 6 : i32
    %dma_start3A_102 = arith.constant 0 : i32
    %dma_start3A_103 = tpu.memref_slice %arg6[%dma_start3A_101, %dma_start3A_102] : memref<16x640xf32, #tpu.memory_space<vmem>> -> memref<1x640xf32, #tpu.memory_space<vmem>>
    %dma_start3A_104 = tpu.memref_squeeze %dma_start3A_103 : memref<1x640xf32, #tpu.memory_space<vmem>> -> memref<640xf32, #tpu.memory_space<vmem>>
    %dma_start3A_105 = tpu.memref_slice %arg8[%dma_start3A_100, %mul3A_99] : memref<16x10240xf32, #tpu.memory_space<vmem_shared>> -> memref<1x640xf32, #tpu.memory_space<vmem_shared>>
    %dma_start3A_106 = tpu.memref_squeeze %dma_start3A_105 : memref<1x640xf32, #tpu.memory_space<vmem_shared>> -> memref<640xf32, #tpu.memory_space<vmem_shared>>
    %dma_start3A_107 = arith.constant 0 : i32
    %dma_start3A_108 = tpu.memref_slice %arg6[%dma_start3A_101, %dma_start3A_107] : memref<16x640xf32, #tpu.memory_space<vmem>> -> memref<1x640xf32, #tpu.memory_space<vmem>>
    %dma_start3A_109 = tpu.memref_squeeze %dma_start3A_108 : memref<1x640xf32, #tpu.memory_space<vmem>> -> memref<640xf32, #tpu.memory_space<vmem>>
    %dma_start3A_110 = tpu.memref_slice %arg8[%dma_start3A_100, %mul3A_99] : memref<16x10240xf32, #tpu.memory_space<vmem_shared>> -> memref<1x640xf32, #tpu.memory_space<vmem_shared>>
    %dma_start3A_111 = tpu.memref_squeeze %dma_start3A_110 : memref<1x640xf32, #tpu.memory_space<vmem_shared>> -> memref<640xf32, #tpu.memory_space<vmem_shared>>
    tpu.enqueue_dma source(%dma_start3A_111 : memref<640xf32, #tpu.memory_space<vmem_shared>>) target(%dma_start3A_109 : memref<640xf32, #tpu.memory_space<vmem>>) target_semaphore(%arg9 : memref<!tpu.dma_semaphore, #tpu.memory_space<semaphore_mem>>)
    %mul3A_112 = arith.constant 640 : i32
    %mul3A_113 = arith.muli %arg1, %mul3A_112 : i32
    %dma_start3A_114 = arith.constant 7 : i32
    %dma_start3A_115 = arith.constant 7 : i32
    %dma_start3A_116 = arith.constant 0 : i32
    %dma_start3A_117 = tpu.memref_slice %arg6[%dma_start3A_115, %dma_start3A_116] : memref<16x640xf32, #tpu.memory_space<vmem>> -> memref<1x640xf32, #tpu.memory_space<vmem>>
    %dma_start3A_118 = tpu.memref_squeeze %dma_start3A_117 : memref<1x640xf32, #tpu.memory_space<vmem>> -> memref<640xf32, #tpu.memory_space<vmem>>
    %dma_start3A_119 = tpu.memref_slice %arg8[%dma_start3A_114, %mul3A_113] : memref<16x10240xf32, #tpu.memory_space<vmem_shared>> -> memref<1x640xf32, #tpu.memory_space<vmem_shared>>
    %dma_start3A_120 = tpu.memref_squeeze %dma_start3A_119 : memref<1x640xf32, #tpu.memory_space<vmem_shared>> -> memref<640xf32, #tpu.memory_space<vmem_shared>>
    %dma_start3A_121 = arith.constant 0 : i32
    %dma_start3A_122 = tpu.memref_slice %arg6[%dma_start3A_115, %dma_start3A_121] : memref<16x640xf32, #tpu.memory_space<vmem>> -> memref<1x640xf32, #tpu.memory_space<vmem>>
    %dma_start3A_123 = tpu.memref_squeeze %dma_start3A_122 : memref<1x640xf32, #tpu.memory_space<vmem>> -> memref<640xf32, #tpu.memory_space<vmem>>
    %dma_start3A_124 = tpu.memref_slice %arg8[%dma_start3A_114, %mul3A_113] : memref<16x10240xf32, #tpu.memory_space<vmem_shared>> -> memref<1x640xf32, #tpu.memory_space<vmem_shared>>
    %dma_start3A_125 = tpu.memref_squeeze %dma_start3A_124 : memref<1x640xf32, #tpu.memory_space<vmem_shared>> -> memref<640xf32, #tpu.memory_space<vmem_shared>>
    tpu.enqueue_dma source(%dma_start3A_125 : memref<640xf32, #tpu.memory_space<vmem_shared>>) target(%dma_start3A_123 : memref<640xf32, #tpu.memory_space<vmem>>) target_semaphore(%arg9 : memref<!tpu.dma_semaphore, #tpu.memory_space<semaphore_mem>>)
    %mul3A_126 = arith.constant 640 : i32
    %mul3A_127 = arith.muli %arg1, %mul3A_126 : i32
    %dma_start3A_128 = arith.constant 8 : i32
    %dma_start3A_129 = arith.constant 8 : i32
    %dma_start3A_130 = arith.constant 0 : i32
    %dma_start3A_131 = tpu.memref_slice %arg6[%dma_start3A_129, %dma_start3A_130] : memref<16x640xf32, #tpu.memory_space<vmem>> -> memref<1x640xf32, #tpu.memory_space<vmem>>
    %dma_start3A_132 = tpu.memref_squeeze %dma_start3A_131 : memref<1x640xf32, #tpu.memory_space<vmem>> -> memref<640xf32, #tpu.memory_space<vmem>>
    %dma_start3A_133 = tpu.memref_slice %arg8[%dma_start3A_128, %mul3A_127] : memref<16x10240xf32, #tpu.memory_space<vmem_shared>> -> memref<1x640xf32, #tpu.memory_space<vmem_shared>>
    %dma_start3A_134 = tpu.memref_squeeze %dma_start3A_133 : memref<1x640xf32, #tpu.memory_space<vmem_shared>> -> memref<640xf32, #tpu.memory_space<vmem_shared>>
    %dma_start3A_135 = arith.constant 0 : i32
    %dma_start3A_136 = tpu.memref_slice %arg6[%dma_start3A_129, %dma_start3A_135] : memref<16x640xf32, #tpu.memory_space<vmem>> -> memref<1x640xf32, #tpu.memory_space<vmem>>
    %dma_start3A_137 = tpu.memref_squeeze %dma_start3A_136 : memref<1x640xf32, #tpu.memory_space<vmem>> -> memref<640xf32, #tpu.memory_space<vmem>>
    %dma_start3A_138 = tpu.memref_slice %arg8[%dma_start3A_128, %mul3A_127] : memref<16x10240xf32, #tpu.memory_space<vmem_shared>> -> memref<1x640xf32, #tpu.memory_space<vmem_shared>>
    %dma_start3A_139 = tpu.memref_squeeze %dma_start3A_138 : memref<1x640xf32, #tpu.memory_space<vmem_shared>> -> memref<640xf32, #tpu.memory_space<vmem_shared>>
    tpu.enqueue_dma source(%dma_start3A_139 : memref<640xf32, #tpu.memory_space<vmem_shared>>) target(%dma_start3A_137 : memref<640xf32, #tpu.memory_space<vmem>>) target_semaphore(%arg9 : memref<!tpu.dma_semaphore, #tpu.memory_space<semaphore_mem>>)
    %mul3A_140 = arith.constant 640 : i32
    %mul3A_141 = arith.muli %arg1, %mul3A_140 : i32
    %dma_start3A_142 = arith.constant 9 : i32
    %dma_start3A_143 = arith.constant 9 : i32
    %dma_start3A_144 = arith.constant 0 : i32
    %dma_start3A_145 = tpu.memref_slice %arg6[%dma_start3A_143, %dma_start3A_144] : memref<16x640xf32, #tpu.memory_space<vmem>> -> memref<1x640xf32, #tpu.memory_space<vmem>>
    %dma_start3A_146 = tpu.memref_squeeze %dma_start3A_145 : memref<1x640xf32, #tpu.memory_space<vmem>> -> memref<640xf32, #tpu.memory_space<vmem>>
    %dma_start3A_147 = tpu.memref_slice %arg8[%dma_start3A_142, %mul3A_141] : memref<16x10240xf32, #tpu.memory_space<vmem_shared>> -> memref<1x640xf32, #tpu.memory_space<vmem_shared>>
    %dma_start3A_148 = tpu.memref_squeeze %dma_start3A_147 : memref<1x640xf32, #tpu.memory_space<vmem_shared>> -> memref<640xf32, #tpu.memory_space<vmem_shared>>
    %dma_start3A_149 = arith.constant 0 : i32
    %dma_start3A_150 = tpu.memref_slice %arg6[%dma_start3A_143, %dma_start3A_149] : memref<16x640xf32, #tpu.memory_space<vmem>> -> memref<1x640xf32, #tpu.memory_space<vmem>>
    %dma_start3A_151 = tpu.memref_squeeze %dma_start3A_150 : memref<1x640xf32, #tpu.memory_space<vmem>> -> memref<640xf32, #tpu.memory_space<vmem>>
    %dma_start3A_152 = tpu.memref_slice %arg8[%dma_start3A_142, %mul3A_141] : memref<16x10240xf32, #tpu.memory_space<vmem_shared>> -> memref<1x640xf32, #tpu.memory_space<vmem_shared>>
    %dma_start3A_153 = tpu.memref_squeeze %dma_start3A_152 : memref<1x640xf32, #tpu.memory_space<vmem_shared>> -> memref<640xf32, #tpu.memory_space<vmem_shared>>
    tpu.enqueue_dma source(%dma_start3A_153 : memref<640xf32, #tpu.memory_space<vmem_shared>>) target(%dma_start3A_151 : memref<640xf32, #tpu.memory_space<vmem>>) target_semaphore(%arg9 : memref<!tpu.dma_semaphore, #tpu.memory_space<semaphore_mem>>)
    %mul3A_154 = arith.constant 640 : i32
    %mul3A_155 = arith.muli %arg1, %mul3A_154 : i32
    %dma_start3A_156 = arith.constant 10 : i32
    %dma_start3A_157 = arith.constant 10 : i32
    %dma_start3A_158 = arith.constant 0 : i32
    %dma_start3A_159 = tpu.memref_slice %arg6[%dma_start3A_157, %dma_start3A_158] : memref<16x640xf32, #tpu.memory_space<vmem>> -> memref<1x640xf32, #tpu.memory_space<vmem>>
    %dma_start3A_160 = tpu.memref_squeeze %dma_start3A_159 : memref<1x640xf32, #tpu.memory_space<vmem>> -> memref<640xf32, #tpu.memory_space<vmem>>
    %dma_start3A_161 = tpu.memref_slice %arg8[%dma_start3A_156, %mul3A_155] : memref<16x10240xf32, #tpu.memory_space<vmem_shared>> -> memref<1x640xf32, #tpu.memory_space<vmem_shared>>
    %dma_start3A_162 = tpu.memref_squeeze %dma_start3A_161 : memref<1x640xf32, #tpu.memory_space<vmem_shared>> -> memref<640xf32, #tpu.memory_space<vmem_shared>>
    %dma_start3A_163 = arith.constant 0 : i32
    %dma_start3A_164 = tpu.memref_slice %arg6[%dma_start3A_157, %dma_start3A_163] : memref<16x640xf32, #tpu.memory_space<vmem>> -> memref<1x640xf32, #tpu.memory_space<vmem>>
    %dma_start3A_165 = tpu.memref_squeeze %dma_start3A_164 : memref<1x640xf32, #tpu.memory_space<vmem>> -> memref<640xf32, #tpu.memory_space<vmem>>
    %dma_start3A_166 = tpu.memref_slice %arg8[%dma_start3A_156, %mul3A_155] : memref<16x10240xf32, #tpu.memory_space<vmem_shared>> -> memref<1x640xf32, #tpu.memory_space<vmem_shared>>
    %dma_start3A_167 = tpu.memref_squeeze %dma_start3A_166 : memref<1x640xf32, #tpu.memory_space<vmem_shared>> -> memref<640xf32, #tpu.memory_space<vmem_shared>>
    tpu.enqueue_dma source(%dma_start3A_167 : memref<640xf32, #tpu.memory_space<vmem_shared>>) target(%dma_start3A_165 : memref<640xf32, #tpu.memory_space<vmem>>) target_semaphore(%arg9 : memref<!tpu.dma_semaphore, #tpu.memory_space<semaphore_mem>>)
    %mul3A_168 = arith.constant 640 : i32
    %mul3A_169 = arith.muli %arg1, %mul3A_168 : i32
    %dma_start3A_170 = arith.constant 11 : i32
    %dma_start3A_171 = arith.constant 11 : i32
    %dma_start3A_172 = arith.constant 0 : i32
    %dma_start3A_173 = tpu.memref_slice %arg6[%dma_start3A_171, %dma_start3A_172] : memref<16x640xf32, #tpu.memory_space<vmem>> -> memref<1x640xf32, #tpu.memory_space<vmem>>
    %dma_start3A_174 = tpu.memref_squeeze %dma_start3A_173 : memref<1x640xf32, #tpu.memory_space<vmem>> -> memref<640xf32, #tpu.memory_space<vmem>>
    %dma_start3A_175 = tpu.memref_slice %arg8[%dma_start3A_170, %mul3A_169] : memref<16x10240xf32, #tpu.memory_space<vmem_shared>> -> memref<1x640xf32, #tpu.memory_space<vmem_shared>>
    %dma_start3A_176 = tpu.memref_squeeze %dma_start3A_175 : memref<1x640xf32, #tpu.memory_space<vmem_shared>> -> memref<640xf32, #tpu.memory_space<vmem_shared>>
    %dma_start3A_177 = arith.constant 0 : i32
    %dma_start3A_178 = tpu.memref_slice %arg6[%dma_start3A_171, %dma_start3A_177] : memref<16x640xf32, #tpu.memory_space<vmem>> -> memref<1x640xf32, #tpu.memory_space<vmem>>
    %dma_start3A_179 = tpu.memref_squeeze %dma_start3A_178 : memref<1x640xf32, #tpu.memory_space<vmem>> -> memref<640xf32, #tpu.memory_space<vmem>>
    %dma_start3A_180 = tpu.memref_slice %arg8[%dma_start3A_170, %mul3A_169] : memref<16x10240xf32, #tpu.memory_space<vmem_shared>> -> memref<1x640xf32, #tpu.memory_space<vmem_shared>>
    %dma_start3A_181 = tpu.memref_squeeze %dma_start3A_180 : memref<1x640xf32, #tpu.memory_space<vmem_shared>> -> memref<640xf32, #tpu.memory_space<vmem_shared>>
    tpu.enqueue_dma source(%dma_start3A_181 : memref<640xf32, #tpu.memory_space<vmem_shared>>) target(%dma_start3A_179 : memref<640xf32, #tpu.memory_space<vmem>>) target_semaphore(%arg9 : memref<!tpu.dma_semaphore, #tpu.memory_space<semaphore_mem>>)
    %mul3A_182 = arith.constant 640 : i32
    %mul3A_183 = arith.muli %arg1, %mul3A_182 : i32
    %dma_start3A_184 = arith.constant 12 : i32
    %dma_start3A_185 = arith.constant 12 : i32
    %dma_start3A_186 = arith.constant 0 : i32
    %dma_start3A_187 = tpu.memref_slice %arg6[%dma_start3A_185, %dma_start3A_186] : memref<16x640xf32, #tpu.memory_space<vmem>> -> memref<1x640xf32, #tpu.memory_space<vmem>>
    %dma_start3A_188 = tpu.memref_squeeze %dma_start3A_187 : memref<1x640xf32, #tpu.memory_space<vmem>> -> memref<640xf32, #tpu.memory_space<vmem>>
    %dma_start3A_189 = tpu.memref_slice %arg8[%dma_start3A_184, %mul3A_183] : memref<16x10240xf32, #tpu.memory_space<vmem_shared>> -> memref<1x640xf32, #tpu.memory_space<vmem_shared>>
    %dma_start3A_190 = tpu.memref_squeeze %dma_start3A_189 : memref<1x640xf32, #tpu.memory_space<vmem_shared>> -> memref<640xf32, #tpu.memory_space<vmem_shared>>
    %dma_start3A_191 = arith.constant 0 : i32
    %dma_start3A_192 = tpu.memref_slice %arg6[%dma_start3A_185, %dma_start3A_191] : memref<16x640xf32, #tpu.memory_space<vmem>> -> memref<1x640xf32, #tpu.memory_space<vmem>>
    %dma_start3A_193 = tpu.memref_squeeze %dma_start3A_192 : memref<1x640xf32, #tpu.memory_space<vmem>> -> memref<640xf32, #tpu.memory_space<vmem>>
    %dma_start3A_194 = tpu.memref_slice %arg8[%dma_start3A_184, %mul3A_183] : memref<16x10240xf32, #tpu.memory_space<vmem_shared>> -> memref<1x640xf32, #tpu.memory_space<vmem_shared>>
    %dma_start3A_195 = tpu.memref_squeeze %dma_start3A_194 : memref<1x640xf32, #tpu.memory_space<vmem_shared>> -> memref<640xf32, #tpu.memory_space<vmem_shared>>
    tpu.enqueue_dma source(%dma_start3A_195 : memref<640xf32, #tpu.memory_space<vmem_shared>>) target(%dma_start3A_193 : memref<640xf32, #tpu.memory_space<vmem>>) target_semaphore(%arg9 : memref<!tpu.dma_semaphore, #tpu.memory_space<semaphore_mem>>)
    %mul3A_196 = arith.constant 640 : i32
    %mul3A_197 = arith.muli %arg1, %mul3A_196 : i32
    %dma_start3A_198 = arith.constant 13 : i32
    %dma_start3A_199 = arith.constant 13 : i32
    %dma_start3A_200 = arith.constant 0 : i32
    %dma_start3A_201 = tpu.memref_slice %arg6[%dma_start3A_199, %dma_start3A_200] : memref<16x640xf32, #tpu.memory_space<vmem>> -> memref<1x640xf32, #tpu.memory_space<vmem>>
    %dma_start3A_202 = tpu.memref_squeeze %dma_start3A_201 : memref<1x640xf32, #tpu.memory_space<vmem>> -> memref<640xf32, #tpu.memory_space<vmem>>
    %dma_start3A_203 = tpu.memref_slice %arg8[%dma_start3A_198, %mul3A_197] : memref<16x10240xf32, #tpu.memory_space<vmem_shared>> -> memref<1x640xf32, #tpu.memory_space<vmem_shared>>
    %dma_start3A_204 = tpu.memref_squeeze %dma_start3A_203 : memref<1x640xf32, #tpu.memory_space<vmem_shared>> -> memref<640xf32, #tpu.memory_space<vmem_shared>>
    %dma_start3A_205 = arith.constant 0 : i32
    %dma_start3A_206 = tpu.memref_slice %arg6[%dma_start3A_199, %dma_start3A_205] : memref<16x640xf32, #tpu.memory_space<vmem>> -> memref<1x640xf32, #tpu.memory_space<vmem>>
    %dma_start3A_207 = tpu.memref_squeeze %dma_start3A_206 : memref<1x640xf32, #tpu.memory_space<vmem>> -> memref<640xf32, #tpu.memory_space<vmem>>
    %dma_start3A_208 = tpu.memref_slice %arg8[%dma_start3A_198, %mul3A_197] : memref<16x10240xf32, #tpu.memory_space<vmem_shared>> -> memref<1x640xf32, #tpu.memory_space<vmem_shared>>
    %dma_start3A_209 = tpu.memref_squeeze %dma_start3A_208 : memref<1x640xf32, #tpu.memory_space<vmem_shared>> -> memref<640xf32, #tpu.memory_space<vmem_shared>>
    tpu.enqueue_dma source(%dma_start3A_209 : memref<640xf32, #tpu.memory_space<vmem_shared>>) target(%dma_start3A_207 : memref<640xf32, #tpu.memory_space<vmem>>) target_semaphore(%arg9 : memref<!tpu.dma_semaphore, #tpu.memory_space<semaphore_mem>>)
    %mul3A_210 = arith.constant 640 : i32
    %mul3A_211 = arith.muli %arg1, %mul3A_210 : i32
    %dma_start3A_212 = arith.constant 14 : i32
    %dma_start3A_213 = arith.constant 14 : i32
    %dma_start3A_214 = arith.constant 0 : i32
    %dma_start3A_215 = tpu.memref_slice %arg6[%dma_start3A_213, %dma_start3A_214] : memref<16x640xf32, #tpu.memory_space<vmem>> -> memref<1x640xf32, #tpu.memory_space<vmem>>
    %dma_start3A_216 = tpu.memref_squeeze %dma_start3A_215 : memref<1x640xf32, #tpu.memory_space<vmem>> -> memref<640xf32, #tpu.memory_space<vmem>>
    %dma_start3A_217 = tpu.memref_slice %arg8[%dma_start3A_212, %mul3A_211] : memref<16x10240xf32, #tpu.memory_space<vmem_shared>> -> memref<1x640xf32, #tpu.memory_space<vmem_shared>>
    %dma_start3A_218 = tpu.memref_squeeze %dma_start3A_217 : memref<1x640xf32, #tpu.memory_space<vmem_shared>> -> memref<640xf32, #tpu.memory_space<vmem_shared>>
    %dma_start3A_219 = arith.constant 0 : i32
    %dma_start3A_220 = tpu.memref_slice %arg6[%dma_start3A_213, %dma_start3A_219] : memref<16x640xf32, #tpu.memory_space<vmem>> -> memref<1x640xf32, #tpu.memory_space<vmem>>
    %dma_start3A_221 = tpu.memref_squeeze %dma_start3A_220 : memref<1x640xf32, #tpu.memory_space<vmem>> -> memref<640xf32, #tpu.memory_space<vmem>>
    %dma_start3A_222 = tpu.memref_slice %arg8[%dma_start3A_212, %mul3A_211] : memref<16x10240xf32, #tpu.memory_space<vmem_shared>> -> memref<1x640xf32, #tpu.memory_space<vmem_shared>>
    %dma_start3A_223 = tpu.memref_squeeze %dma_start3A_222 : memref<1x640xf32, #tpu.memory_space<vmem_shared>> -> memref<640xf32, #tpu.memory_space<vmem_shared>>
    tpu.enqueue_dma source(%dma_start3A_223 : memref<640xf32, #tpu.memory_space<vmem_shared>>) target(%dma_start3A_221 : memref<640xf32, #tpu.memory_space<vmem>>) target_semaphore(%arg9 : memref<!tpu.dma_semaphore, #tpu.memory_space<semaphore_mem>>)
    %mul3A_224 = arith.constant 640 : i32
    %mul3A_225 = arith.muli %arg1, %mul3A_224 : i32
    %dma_start3A_226 = arith.constant 15 : i32
    %dma_start3A_227 = arith.constant 15 : i32
    %dma_start3A_228 = arith.constant 0 : i32
    %dma_start3A_229 = tpu.memref_slice %arg6[%dma_start3A_227, %dma_start3A_228] : memref<16x640xf32, #tpu.memory_space<vmem>> -> memref<1x640xf32, #tpu.memory_space<vmem>>
    %dma_start3A_230 = tpu.memref_squeeze %dma_start3A_229 : memref<1x640xf32, #tpu.memory_space<vmem>> -> memref<640xf32, #tpu.memory_space<vmem>>
    %dma_start3A_231 = tpu.memref_slice %arg8[%dma_start3A_226, %mul3A_225] : memref<16x10240xf32, #tpu.memory_space<vmem_shared>> -> memref<1x640xf32, #tpu.memory_space<vmem_shared>>
    %dma_start3A_232 = tpu.memref_squeeze %dma_start3A_231 : memref<1x640xf32, #tpu.memory_space<vmem_shared>> -> memref<640xf32, #tpu.memory_space<vmem_shared>>
    %dma_start3A_233 = arith.constant 0 : i32
    %dma_start3A_234 = tpu.memref_slice %arg6[%dma_start3A_227, %dma_start3A_233] : memref<16x640xf32, #tpu.memory_space<vmem>> -> memref<1x640xf32, #tpu.memory_space<vmem>>
    %dma_start3A_235 = tpu.memref_squeeze %dma_start3A_234 : memref<1x640xf32, #tpu.memory_space<vmem>> -> memref<640xf32, #tpu.memory_space<vmem>>
    %dma_start3A_236 = tpu.memref_slice %arg8[%dma_start3A_226, %mul3A_225] : memref<16x10240xf32, #tpu.memory_space<vmem_shared>> -> memref<1x640xf32, #tpu.memory_space<vmem_shared>>
    %dma_start3A_237 = tpu.memref_squeeze %dma_start3A_236 : memref<1x640xf32, #tpu.memory_space<vmem_shared>> -> memref<640xf32, #tpu.memory_space<vmem_shared>>
    tpu.enqueue_dma source(%dma_start3A_237 : memref<640xf32, #tpu.memory_space<vmem_shared>>) target(%dma_start3A_235 : memref<640xf32, #tpu.memory_space<vmem>>) target_semaphore(%arg9 : memref<!tpu.dma_semaphore, #tpu.memory_space<semaphore_mem>>)
    %dma_wait3A = arith.constant 0 : i32
    %dma_wait3A_238 = arith.constant 0 : i32
    %dma_wait3A_239 = arith.constant 0 : i32
    %dma_wait3A_240 = tpu.memref_slice %arg6[%dma_wait3A_238, %dma_wait3A_239] : memref<16x640xf32, #tpu.memory_space<vmem>> -> memref<1x640xf32, #tpu.memory_space<vmem>>
    %dma_wait3A_241 = tpu.memref_squeeze %dma_wait3A_240 : memref<1x640xf32, #tpu.memory_space<vmem>> -> memref<640xf32, #tpu.memory_space<vmem>>
    %dma_wait3A_242 = tpu.memref_slice %arg8[%dma_wait3A, %mul3A_16] : memref<16x10240xf32, #tpu.memory_space<vmem_shared>> -> memref<1x640xf32, #tpu.memory_space<vmem_shared>>
    %dma_wait3A_243 = tpu.memref_squeeze %dma_wait3A_242 : memref<1x640xf32, #tpu.memory_space<vmem_shared>> -> memref<640xf32, #tpu.memory_space<vmem_shared>>
    %dma_wait3A_244 = arith.constant 0 : i32
    %dma_wait3A_245 = tpu.memref_slice %arg6[%dma_wait3A_238, %dma_wait3A_244] : memref<16x640xf32, #tpu.memory_space<vmem>> -> memref<1x640xf32, #tpu.memory_space<vmem>>
    %dma_wait3A_246 = tpu.memref_squeeze %dma_wait3A_245 : memref<1x640xf32, #tpu.memory_space<vmem>> -> memref<640xf32, #tpu.memory_space<vmem>>
    %dma_wait3A_247 = tpu.memref_slice %arg8[%dma_wait3A, %mul3A_16] : memref<16x10240xf32, #tpu.memory_space<vmem_shared>> -> memref<1x640xf32, #tpu.memory_space<vmem_shared>>
    %dma_wait3A_248 = tpu.memref_squeeze %dma_wait3A_247 : memref<1x640xf32, #tpu.memory_space<vmem_shared>> -> memref<640xf32, #tpu.memory_space<vmem_shared>>
    tpu.wait_dma2 semaphore(%arg9 : memref<!tpu.dma_semaphore, #tpu.memory_space<semaphore_mem>>) src(%dma_wait3A_248 : memref<640xf32, #tpu.memory_space<vmem_shared>>) dst(%dma_wait3A_246 : memref<640xf32, #tpu.memory_space<vmem>>)
    %dma_wait3A_249 = arith.constant 1 : i32
    %dma_wait3A_250 = arith.constant 1 : i32
    %dma_wait3A_251 = arith.constant 0 : i32
    %dma_wait3A_252 = tpu.memref_slice %arg6[%dma_wait3A_250, %dma_wait3A_251] : memref<16x640xf32, #tpu.memory_space<vmem>> -> memref<1x640xf32, #tpu.memory_space<vmem>>
    %dma_wait3A_253 = tpu.memref_squeeze %dma_wait3A_252 : memref<1x640xf32, #tpu.memory_space<vmem>> -> memref<640xf32, #tpu.memory_space<vmem>>
    %dma_wait3A_254 = tpu.memref_slice %arg8[%dma_wait3A_249, %mul3A_29] : memref<16x10240xf32, #tpu.memory_space<vmem_shared>> -> memref<1x640xf32, #tpu.memory_space<vmem_shared>>
    %dma_wait3A_255 = tpu.memref_squeeze %dma_wait3A_254 : memref<1x640xf32, #tpu.memory_space<vmem_shared>> -> memref<640xf32, #tpu.memory_space<vmem_shared>>
    %dma_wait3A_256 = arith.constant 0 : i32
    %dma_wait3A_257 = tpu.memref_slice %arg6[%dma_wait3A_250, %dma_wait3A_256] : memref<16x640xf32, #tpu.memory_space<vmem>> -> memref<1x640xf32, #tpu.memory_space<vmem>>
    %dma_wait3A_258 = tpu.memref_squeeze %dma_wait3A_257 : memref<1x640xf32, #tpu.memory_space<vmem>> -> memref<640xf32, #tpu.memory_space<vmem>>
    %dma_wait3A_259 = tpu.memref_slice %arg8[%dma_wait3A_249, %mul3A_29] : memref<16x10240xf32, #tpu.memory_space<vmem_shared>> -> memref<1x640xf32, #tpu.memory_space<vmem_shared>>
    %dma_wait3A_260 = tpu.memref_squeeze %dma_wait3A_259 : memref<1x640xf32, #tpu.memory_space<vmem_shared>> -> memref<640xf32, #tpu.memory_space<vmem_shared>>
    tpu.wait_dma2 semaphore(%arg9 : memref<!tpu.dma_semaphore, #tpu.memory_space<semaphore_mem>>) src(%dma_wait3A_260 : memref<640xf32, #tpu.memory_space<vmem_shared>>) dst(%dma_wait3A_258 : memref<640xf32, #tpu.memory_space<vmem>>)
    %dma_wait3A_261 = arith.constant 2 : i32
    %dma_wait3A_262 = arith.constant 2 : i32
    %dma_wait3A_263 = arith.constant 0 : i32
    %dma_wait3A_264 = tpu.memref_slice %arg6[%dma_wait3A_262, %dma_wait3A_263] : memref<16x640xf32, #tpu.memory_space<vmem>> -> memref<1x640xf32, #tpu.memory_space<vmem>>
    %dma_wait3A_265 = tpu.memref_squeeze %dma_wait3A_264 : memref<1x640xf32, #tpu.memory_space<vmem>> -> memref<640xf32, #tpu.memory_space<vmem>>
    %dma_wait3A_266 = tpu.memref_slice %arg8[%dma_wait3A_261, %mul3A_43] : memref<16x10240xf32, #tpu.memory_space<vmem_shared>> -> memref<1x640xf32, #tpu.memory_space<vmem_shared>>
    %dma_wait3A_267 = tpu.memref_squeeze %dma_wait3A_266 : memref<1x640xf32, #tpu.memory_space<vmem_shared>> -> memref<640xf32, #tpu.memory_space<vmem_shared>>
    %dma_wait3A_268 = arith.constant 0 : i32
    %dma_wait3A_269 = tpu.memref_slice %arg6[%dma_wait3A_262, %dma_wait3A_268] : memref<16x640xf32, #tpu.memory_space<vmem>> -> memref<1x640xf32, #tpu.memory_space<vmem>>
    %dma_wait3A_270 = tpu.memref_squeeze %dma_wait3A_269 : memref<1x640xf32, #tpu.memory_space<vmem>> -> memref<640xf32, #tpu.memory_space<vmem>>
    %dma_wait3A_271 = tpu.memref_slice %arg8[%dma_wait3A_261, %mul3A_43] : memref<16x10240xf32, #tpu.memory_space<vmem_shared>> -> memref<1x640xf32, #tpu.memory_space<vmem_shared>>
    %dma_wait3A_272 = tpu.memref_squeeze %dma_wait3A_271 : memref<1x640xf32, #tpu.memory_space<vmem_shared>> -> memref<640xf32, #tpu.memory_space<vmem_shared>>
    tpu.wait_dma2 semaphore(%arg9 : memref<!tpu.dma_semaphore, #tpu.memory_space<semaphore_mem>>) src(%dma_wait3A_272 : memref<640xf32, #tpu.memory_space<vmem_shared>>) dst(%dma_wait3A_270 : memref<640xf32, #tpu.memory_space<vmem>>)
    %dma_wait3A_273 = arith.constant 3 : i32
    %dma_wait3A_274 = arith.constant 3 : i32
    %dma_wait3A_275 = arith.constant 0 : i32
    %dma_wait3A_276 = tpu.memref_slice %arg6[%dma_wait3A_274, %dma_wait3A_275] : memref<16x640xf32, #tpu.memory_space<vmem>> -> memref<1x640xf32, #tpu.memory_space<vmem>>
    %dma_wait3A_277 = tpu.memref_squeeze %dma_wait3A_276 : memref<1x640xf32, #tpu.memory_space<vmem>> -> memref<640xf32, #tpu.memory_space<vmem>>
    %dma_wait3A_278 = tpu.memref_slice %arg8[%dma_wait3A_273, %mul3A_57] : memref<16x10240xf32, #tpu.memory_space<vmem_shared>> -> memref<1x640xf32, #tpu.memory_space<vmem_shared>>
    %dma_wait3A_279 = tpu.memref_squeeze %dma_wait3A_278 : memref<1x640xf32, #tpu.memory_space<vmem_shared>> -> memref<640xf32, #tpu.memory_space<vmem_shared>>
    %dma_wait3A_280 = arith.constant 0 : i32
    %dma_wait3A_281 = tpu.memref_slice %arg6[%dma_wait3A_274, %dma_wait3A_280] : memref<16x640xf32, #tpu.memory_space<vmem>> -> memref<1x640xf32, #tpu.memory_space<vmem>>
    %dma_wait3A_282 = tpu.memref_squeeze %dma_wait3A_281 : memref<1x640xf32, #tpu.memory_space<vmem>> -> memref<640xf32, #tpu.memory_space<vmem>>
    %dma_wait3A_283 = tpu.memref_slice %arg8[%dma_wait3A_273, %mul3A_57] : memref<16x10240xf32, #tpu.memory_space<vmem_shared>> -> memref<1x640xf32, #tpu.memory_space<vmem_shared>>
    %dma_wait3A_284 = tpu.memref_squeeze %dma_wait3A_283 : memref<1x640xf32, #tpu.memory_space<vmem_shared>> -> memref<640xf32, #tpu.memory_space<vmem_shared>>
    tpu.wait_dma2 semaphore(%arg9 : memref<!tpu.dma_semaphore, #tpu.memory_space<semaphore_mem>>) src(%dma_wait3A_284 : memref<640xf32, #tpu.memory_space<vmem_shared>>) dst(%dma_wait3A_282 : memref<640xf32, #tpu.memory_space<vmem>>)
    %dma_wait3A_285 = arith.constant 4 : i32
    %dma_wait3A_286 = arith.constant 4 : i32
    %dma_wait3A_287 = arith.constant 0 : i32
    %dma_wait3A_288 = tpu.memref_slice %arg6[%dma_wait3A_286, %dma_wait3A_287] : memref<16x640xf32, #tpu.memory_space<vmem>> -> memref<1x640xf32, #tpu.memory_space<vmem>>
    %dma_wait3A_289 = tpu.memref_squeeze %dma_wait3A_288 : memref<1x640xf32, #tpu.memory_space<vmem>> -> memref<640xf32, #tpu.memory_space<vmem>>
    %dma_wait3A_290 = tpu.memref_slice %arg8[%dma_wait3A_285, %mul3A_71] : memref<16x10240xf32, #tpu.memory_space<vmem_shared>> -> memref<1x640xf32, #tpu.memory_space<vmem_shared>>
    %dma_wait3A_291 = tpu.memref_squeeze %dma_wait3A_290 : memref<1x640xf32, #tpu.memory_space<vmem_shared>> -> memref<640xf32, #tpu.memory_space<vmem_shared>>
    %dma_wait3A_292 = arith.constant 0 : i32
    %dma_wait3A_293 = tpu.memref_slice %arg6[%dma_wait3A_286, %dma_wait3A_292] : memref<16x640xf32, #tpu.memory_space<vmem>> -> memref<1x640xf32, #tpu.memory_space<vmem>>
    %dma_wait3A_294 = tpu.memref_squeeze %dma_wait3A_293 : memref<1x640xf32, #tpu.memory_space<vmem>> -> memref<640xf32, #tpu.memory_space<vmem>>
    %dma_wait3A_295 = tpu.memref_slice %arg8[%dma_wait3A_285, %mul3A_71] : memref<16x10240xf32, #tpu.memory_space<vmem_shared>> -> memref<1x640xf32, #tpu.memory_space<vmem_shared>>
    %dma_wait3A_296 = tpu.memref_squeeze %dma_wait3A_295 : memref<1x640xf32, #tpu.memory_space<vmem_shared>> -> memref<640xf32, #tpu.memory_space<vmem_shared>>
    tpu.wait_dma2 semaphore(%arg9 : memref<!tpu.dma_semaphore, #tpu.memory_space<semaphore_mem>>) src(%dma_wait3A_296 : memref<640xf32, #tpu.memory_space<vmem_shared>>) dst(%dma_wait3A_294 : memref<640xf32, #tpu.memory_space<vmem>>)
    %dma_wait3A_297 = arith.constant 5 : i32
    %dma_wait3A_298 = arith.constant 5 : i32
    %dma_wait3A_299 = arith.constant 0 : i32
    %dma_wait3A_300 = tpu.memref_slice %arg6[%dma_wait3A_298, %dma_wait3A_299] : memref<16x640xf32, #tpu.memory_space<vmem>> -> memref<1x640xf32, #tpu.memory_space<vmem>>
    %dma_wait3A_301 = tpu.memref_squeeze %dma_wait3A_300 : memref<1x640xf32, #tpu.memory_space<vmem>> -> memref<640xf32, #tpu.memory_space<vmem>>
    %dma_wait3A_302 = tpu.memref_slice %arg8[%dma_wait3A_297, %mul3A_85] : memref<16x10240xf32, #tpu.memory_space<vmem_shared>> -> memref<1x640xf32, #tpu.memory_space<vmem_shared>>
    %dma_wait3A_303 = tpu.memref_squeeze %dma_wait3A_302 : memref<1x640xf32, #tpu.memory_space<vmem_shared>> -> memref<640xf32, #tpu.memory_space<vmem_shared>>
    %dma_wait3A_304 = arith.constant 0 : i32
    %dma_wait3A_305 = tpu.memref_slice %arg6[%dma_wait3A_298, %dma_wait3A_304] : memref<16x640xf32, #tpu.memory_space<vmem>> -> memref<1x640xf32, #tpu.memory_space<vmem>>
    %dma_wait3A_306 = tpu.memref_squeeze %dma_wait3A_305 : memref<1x640xf32, #tpu.memory_space<vmem>> -> memref<640xf32, #tpu.memory_space<vmem>>
    %dma_wait3A_307 = tpu.memref_slice %arg8[%dma_wait3A_297, %mul3A_85] : memref<16x10240xf32, #tpu.memory_space<vmem_shared>> -> memref<1x640xf32, #tpu.memory_space<vmem_shared>>
    %dma_wait3A_308 = tpu.memref_squeeze %dma_wait3A_307 : memref<1x640xf32, #tpu.memory_space<vmem_shared>> -> memref<640xf32, #tpu.memory_space<vmem_shared>>
    tpu.wait_dma2 semaphore(%arg9 : memref<!tpu.dma_semaphore, #tpu.memory_space<semaphore_mem>>) src(%dma_wait3A_308 : memref<640xf32, #tpu.memory_space<vmem_shared>>) dst(%dma_wait3A_306 : memref<640xf32, #tpu.memory_space<vmem>>)
    %dma_wait3A_309 = arith.constant 6 : i32
    %dma_wait3A_310 = arith.constant 6 : i32
    %dma_wait3A_311 = arith.constant 0 : i32
    %dma_wait3A_312 = tpu.memref_slice %arg6[%dma_wait3A_310, %dma_wait3A_311] : memref<16x640xf32, #tpu.memory_space<vmem>> -> memref<1x640xf32, #tpu.memory_space<vmem>>
    %dma_wait3A_313 = tpu.memref_squeeze %dma_wait3A_312 : memref<1x640xf32, #tpu.memory_space<vmem>> -> memref<640xf32, #tpu.memory_space<vmem>>
    %dma_wait3A_314 = tpu.memref_slice %arg8[%dma_wait3A_309, %mul3A_99] : memref<16x10240xf32, #tpu.memory_space<vmem_shared>> -> memref<1x640xf32, #tpu.memory_space<vmem_shared>>
    %dma_wait3A_315 = tpu.memref_squeeze %dma_wait3A_314 : memref<1x640xf32, #tpu.memory_space<vmem_shared>> -> memref<640xf32, #tpu.memory_space<vmem_shared>>
    %dma_wait3A_316 = arith.constant 0 : i32
    %dma_wait3A_317 = tpu.memref_slice %arg6[%dma_wait3A_310, %dma_wait3A_316] : memref<16x640xf32, #tpu.memory_space<vmem>> -> memref<1x640xf32, #tpu.memory_space<vmem>>
    %dma_wait3A_318 = tpu.memref_squeeze %dma_wait3A_317 : memref<1x640xf32, #tpu.memory_space<vmem>> -> memref<640xf32, #tpu.memory_space<vmem>>
    %dma_wait3A_319 = tpu.memref_slice %arg8[%dma_wait3A_309, %mul3A_99] : memref<16x10240xf32, #tpu.memory_space<vmem_shared>> -> memref<1x640xf32, #tpu.memory_space<vmem_shared>>
    %dma_wait3A_320 = tpu.memref_squeeze %dma_wait3A_319 : memref<1x640xf32, #tpu.memory_space<vmem_shared>> -> memref<640xf32, #tpu.memory_space<vmem_shared>>
    tpu.wait_dma2 semaphore(%arg9 : memref<!tpu.dma_semaphore, #tpu.memory_space<semaphore_mem>>) src(%dma_wait3A_320 : memref<640xf32, #tpu.memory_space<vmem_shared>>) dst(%dma_wait3A_318 : memref<640xf32, #tpu.memory_space<vmem>>)
    %dma_wait3A_321 = arith.constant 7 : i32
    %dma_wait3A_322 = arith.constant 7 : i32
    %dma_wait3A_323 = arith.constant 0 : i32
    %dma_wait3A_324 = tpu.memref_slice %arg6[%dma_wait3A_322, %dma_wait3A_323] : memref<16x640xf32, #tpu.memory_space<vmem>> -> memref<1x640xf32, #tpu.memory_space<vmem>>
    %dma_wait3A_325 = tpu.memref_squeeze %dma_wait3A_324 : memref<1x640xf32, #tpu.memory_space<vmem>> -> memref<640xf32, #tpu.memory_space<vmem>>
    %dma_wait3A_326 = tpu.memref_slice %arg8[%dma_wait3A_321, %mul3A_113] : memref<16x10240xf32, #tpu.memory_space<vmem_shared>> -> memref<1x640xf32, #tpu.memory_space<vmem_shared>>
    %dma_wait3A_327 = tpu.memref_squeeze %dma_wait3A_326 : memref<1x640xf32, #tpu.memory_space<vmem_shared>> -> memref<640xf32, #tpu.memory_space<vmem_shared>>
    %dma_wait3A_328 = arith.constant 0 : i32
    %dma_wait3A_329 = tpu.memref_slice %arg6[%dma_wait3A_322, %dma_wait3A_328] : memref<16x640xf32, #tpu.memory_space<vmem>> -> memref<1x640xf32, #tpu.memory_space<vmem>>
    %dma_wait3A_330 = tpu.memref_squeeze %dma_wait3A_329 : memref<1x640xf32, #tpu.memory_space<vmem>> -> memref<640xf32, #tpu.memory_space<vmem>>
    %dma_wait3A_331 = tpu.memref_slice %arg8[%dma_wait3A_321, %mul3A_113] : memref<16x10240xf32, #tpu.memory_space<vmem_shared>> -> memref<1x640xf32, #tpu.memory_space<vmem_shared>>
    %dma_wait3A_332 = tpu.memref_squeeze %dma_wait3A_331 : memref<1x640xf32, #tpu.memory_space<vmem_shared>> -> memref<640xf32, #tpu.memory_space<vmem_shared>>
    tpu.wait_dma2 semaphore(%arg9 : memref<!tpu.dma_semaphore, #tpu.memory_space<semaphore_mem>>) src(%dma_wait3A_332 : memref<640xf32, #tpu.memory_space<vmem_shared>>) dst(%dma_wait3A_330 : memref<640xf32, #tpu.memory_space<vmem>>)
    %dma_wait3A_333 = arith.constant 8 : i32
    %dma_wait3A_334 = arith.constant 8 : i32
    %dma_wait3A_335 = arith.constant 0 : i32
    %dma_wait3A_336 = tpu.memref_slice %arg6[%dma_wait3A_334, %dma_wait3A_335] : memref<16x640xf32, #tpu.memory_space<vmem>> -> memref<1x640xf32, #tpu.memory_space<vmem>>
    %dma_wait3A_337 = tpu.memref_squeeze %dma_wait3A_336 : memref<1x640xf32, #tpu.memory_space<vmem>> -> memref<640xf32, #tpu.memory_space<vmem>>
    %dma_wait3A_338 = tpu.memref_slice %arg8[%dma_wait3A_333, %mul3A_127] : memref<16x10240xf32, #tpu.memory_space<vmem_shared>> -> memref<1x640xf32, #tpu.memory_space<vmem_shared>>
    %dma_wait3A_339 = tpu.memref_squeeze %dma_wait3A_338 : memref<1x640xf32, #tpu.memory_space<vmem_shared>> -> memref<640xf32, #tpu.memory_space<vmem_shared>>
    %dma_wait3A_340 = arith.constant 0 : i32
    %dma_wait3A_341 = tpu.memref_slice %arg6[%dma_wait3A_334, %dma_wait3A_340] : memref<16x640xf32, #tpu.memory_space<vmem>> -> memref<1x640xf32, #tpu.memory_space<vmem>>
    %dma_wait3A_342 = tpu.memref_squeeze %dma_wait3A_341 : memref<1x640xf32, #tpu.memory_space<vmem>> -> memref<640xf32, #tpu.memory_space<vmem>>
    %dma_wait3A_343 = tpu.memref_slice %arg8[%dma_wait3A_333, %mul3A_127] : memref<16x10240xf32, #tpu.memory_space<vmem_shared>> -> memref<1x640xf32, #tpu.memory_space<vmem_shared>>
    %dma_wait3A_344 = tpu.memref_squeeze %dma_wait3A_343 : memref<1x640xf32, #tpu.memory_space<vmem_shared>> -> memref<640xf32, #tpu.memory_space<vmem_shared>>
    tpu.wait_dma2 semaphore(%arg9 : memref<!tpu.dma_semaphore, #tpu.memory_space<semaphore_mem>>) src(%dma_wait3A_344 : memref<640xf32, #tpu.memory_space<vmem_shared>>) dst(%dma_wait3A_342 : memref<640xf32, #tpu.memory_space<vmem>>)
    %dma_wait3A_345 = arith.constant 9 : i32
    %dma_wait3A_346 = arith.constant 9 : i32
    %dma_wait3A_347 = arith.constant 0 : i32
    %dma_wait3A_348 = tpu.memref_slice %arg6[%dma_wait3A_346, %dma_wait3A_347] : memref<16x640xf32, #tpu.memory_space<vmem>> -> memref<1x640xf32, #tpu.memory_space<vmem>>
    %dma_wait3A_349 = tpu.memref_squeeze %dma_wait3A_348 : memref<1x640xf32, #tpu.memory_space<vmem>> -> memref<640xf32, #tpu.memory_space<vmem>>
    %dma_wait3A_350 = tpu.memref_slice %arg8[%dma_wait3A_345, %mul3A_141] : memref<16x10240xf32, #tpu.memory_space<vmem_shared>> -> memref<1x640xf32, #tpu.memory_space<vmem_shared>>
    %dma_wait3A_351 = tpu.memref_squeeze %dma_wait3A_350 : memref<1x640xf32, #tpu.memory_space<vmem_shared>> -> memref<640xf32, #tpu.memory_space<vmem_shared>>
    %dma_wait3A_352 = arith.constant 0 : i32
    %dma_wait3A_353 = tpu.memref_slice %arg6[%dma_wait3A_346, %dma_wait3A_352] : memref<16x640xf32, #tpu.memory_space<vmem>> -> memref<1x640xf32, #tpu.memory_space<vmem>>
    %dma_wait3A_354 = tpu.memref_squeeze %dma_wait3A_353 : memref<1x640xf32, #tpu.memory_space<vmem>> -> memref<640xf32, #tpu.memory_space<vmem>>
    %dma_wait3A_355 = tpu.memref_slice %arg8[%dma_wait3A_345, %mul3A_141] : memref<16x10240xf32, #tpu.memory_space<vmem_shared>> -> memref<1x640xf32, #tpu.memory_space<vmem_shared>>
    %dma_wait3A_356 = tpu.memref_squeeze %dma_wait3A_355 : memref<1x640xf32, #tpu.memory_space<vmem_shared>> -> memref<640xf32, #tpu.memory_space<vmem_shared>>
    tpu.wait_dma2 semaphore(%arg9 : memref<!tpu.dma_semaphore, #tpu.memory_space<semaphore_mem>>) src(%dma_wait3A_356 : memref<640xf32, #tpu.memory_space<vmem_shared>>) dst(%dma_wait3A_354 : memref<640xf32, #tpu.memory_space<vmem>>)
    %dma_wait3A_357 = arith.constant 10 : i32
    %dma_wait3A_358 = arith.constant 10 : i32
    %dma_wait3A_359 = arith.constant 0 : i32
    %dma_wait3A_360 = tpu.memref_slice %arg6[%dma_wait3A_358, %dma_wait3A_359] : memref<16x640xf32, #tpu.memory_space<vmem>> -> memref<1x640xf32, #tpu.memory_space<vmem>>
    %dma_wait3A_361 = tpu.memref_squeeze %dma_wait3A_360 : memref<1x640xf32, #tpu.memory_space<vmem>> -> memref<640xf32, #tpu.memory_space<vmem>>
    %dma_wait3A_362 = tpu.memref_slice %arg8[%dma_wait3A_357, %mul3A_155] : memref<16x10240xf32, #tpu.memory_space<vmem_shared>> -> memref<1x640xf32, #tpu.memory_space<vmem_shared>>
    %dma_wait3A_363 = tpu.memref_squeeze %dma_wait3A_362 : memref<1x640xf32, #tpu.memory_space<vmem_shared>> -> memref<640xf32, #tpu.memory_space<vmem_shared>>
    %dma_wait3A_364 = arith.constant 0 : i32
    %dma_wait3A_365 = tpu.memref_slice %arg6[%dma_wait3A_358, %dma_wait3A_364] : memref<16x640xf32, #tpu.memory_space<vmem>> -> memref<1x640xf32, #tpu.memory_space<vmem>>
    %dma_wait3A_366 = tpu.memref_squeeze %dma_wait3A_365 : memref<1x640xf32, #tpu.memory_space<vmem>> -> memref<640xf32, #tpu.memory_space<vmem>>
    %dma_wait3A_367 = tpu.memref_slice %arg8[%dma_wait3A_357, %mul3A_155] : memref<16x10240xf32, #tpu.memory_space<vmem_shared>> -> memref<1x640xf32, #tpu.memory_space<vmem_shared>>
    %dma_wait3A_368 = tpu.memref_squeeze %dma_wait3A_367 : memref<1x640xf32, #tpu.memory_space<vmem_shared>> -> memref<640xf32, #tpu.memory_space<vmem_shared>>
    tpu.wait_dma2 semaphore(%arg9 : memref<!tpu.dma_semaphore, #tpu.memory_space<semaphore_mem>>) src(%dma_wait3A_368 : memref<640xf32, #tpu.memory_space<vmem_shared>>) dst(%dma_wait3A_366 : memref<640xf32, #tpu.memory_space<vmem>>)
    %dma_wait3A_369 = arith.constant 11 : i32
    %dma_wait3A_370 = arith.constant 11 : i32
    %dma_wait3A_371 = arith.constant 0 : i32
    %dma_wait3A_372 = tpu.memref_slice %arg6[%dma_wait3A_370, %dma_wait3A_371] : memref<16x640xf32, #tpu.memory_space<vmem>> -> memref<1x640xf32, #tpu.memory_space<vmem>>
    %dma_wait3A_373 = tpu.memref_squeeze %dma_wait3A_372 : memref<1x640xf32, #tpu.memory_space<vmem>> -> memref<640xf32, #tpu.memory_space<vmem>>
    %dma_wait3A_374 = tpu.memref_slice %arg8[%dma_wait3A_369, %mul3A_169] : memref<16x10240xf32, #tpu.memory_space<vmem_shared>> -> memref<1x640xf32, #tpu.memory_space<vmem_shared>>
    %dma_wait3A_375 = tpu.memref_squeeze %dma_wait3A_374 : memref<1x640xf32, #tpu.memory_space<vmem_shared>> -> memref<640xf32, #tpu.memory_space<vmem_shared>>
    %dma_wait3A_376 = arith.constant 0 : i32
    %dma_wait3A_377 = tpu.memref_slice %arg6[%dma_wait3A_370, %dma_wait3A_376] : memref<16x640xf32, #tpu.memory_space<vmem>> -> memref<1x640xf32, #tpu.memory_space<vmem>>
    %dma_wait3A_378 = tpu.memref_squeeze %dma_wait3A_377 : memref<1x640xf32, #tpu.memory_space<vmem>> -> memref<640xf32, #tpu.memory_space<vmem>>
    %dma_wait3A_379 = tpu.memref_slice %arg8[%dma_wait3A_369, %mul3A_169] : memref<16x10240xf32, #tpu.memory_space<vmem_shared>> -> memref<1x640xf32, #tpu.memory_space<vmem_shared>>
    %dma_wait3A_380 = tpu.memref_squeeze %dma_wait3A_379 : memref<1x640xf32, #tpu.memory_space<vmem_shared>> -> memref<640xf32, #tpu.memory_space<vmem_shared>>
    tpu.wait_dma2 semaphore(%arg9 : memref<!tpu.dma_semaphore, #tpu.memory_space<semaphore_mem>>) src(%dma_wait3A_380 : memref<640xf32, #tpu.memory_space<vmem_shared>>) dst(%dma_wait3A_378 : memref<640xf32, #tpu.memory_space<vmem>>)
    %dma_wait3A_381 = arith.constant 12 : i32
    %dma_wait3A_382 = arith.constant 12 : i32
    %dma_wait3A_383 = arith.constant 0 : i32
    %dma_wait3A_384 = tpu.memref_slice %arg6[%dma_wait3A_382, %dma_wait3A_383] : memref<16x640xf32, #tpu.memory_space<vmem>> -> memref<1x640xf32, #tpu.memory_space<vmem>>
    %dma_wait3A_385 = tpu.memref_squeeze %dma_wait3A_384 : memref<1x640xf32, #tpu.memory_space<vmem>> -> memref<640xf32, #tpu.memory_space<vmem>>
    %dma_wait3A_386 = tpu.memref_slice %arg8[%dma_wait3A_381, %mul3A_183] : memref<16x10240xf32, #tpu.memory_space<vmem_shared>> -> memref<1x640xf32, #tpu.memory_space<vmem_shared>>
    %dma_wait3A_387 = tpu.memref_squeeze %dma_wait3A_386 : memref<1x640xf32, #tpu.memory_space<vmem_shared>> -> memref<640xf32, #tpu.memory_space<vmem_shared>>
    %dma_wait3A_388 = arith.constant 0 : i32
    %dma_wait3A_389 = tpu.memref_slice %arg6[%dma_wait3A_382, %dma_wait3A_388] : memref<16x640xf32, #tpu.memory_space<vmem>> -> memref<1x640xf32, #tpu.memory_space<vmem>>
    %dma_wait3A_390 = tpu.memref_squeeze %dma_wait3A_389 : memref<1x640xf32, #tpu.memory_space<vmem>> -> memref<640xf32, #tpu.memory_space<vmem>>
    %dma_wait3A_391 = tpu.memref_slice %arg8[%dma_wait3A_381, %mul3A_183] : memref<16x10240xf32, #tpu.memory_space<vmem_shared>> -> memref<1x640xf32, #tpu.memory_space<vmem_shared>>
    %dma_wait3A_392 = tpu.memref_squeeze %dma_wait3A_391 : memref<1x640xf32, #tpu.memory_space<vmem_shared>> -> memref<640xf32, #tpu.memory_space<vmem_shared>>
    tpu.wait_dma2 semaphore(%arg9 : memref<!tpu.dma_semaphore, #tpu.memory_space<semaphore_mem>>) src(%dma_wait3A_392 : memref<640xf32, #tpu.memory_space<vmem_shared>>) dst(%dma_wait3A_390 : memref<640xf32, #tpu.memory_space<vmem>>)
    %dma_wait3A_393 = arith.constant 13 : i32
    %dma_wait3A_394 = arith.constant 13 : i32
    %dma_wait3A_395 = arith.constant 0 : i32
    %dma_wait3A_396 = tpu.memref_slice %arg6[%dma_wait3A_394, %dma_wait3A_395] : memref<16x640xf32, #tpu.memory_space<vmem>> -> memref<1x640xf32, #tpu.memory_space<vmem>>
    %dma_wait3A_397 = tpu.memref_squeeze %dma_wait3A_396 : memref<1x640xf32, #tpu.memory_space<vmem>> -> memref<640xf32, #tpu.memory_space<vmem>>
    %dma_wait3A_398 = tpu.memref_slice %arg8[%dma_wait3A_393, %mul3A_197] : memref<16x10240xf32, #tpu.memory_space<vmem_shared>> -> memref<1x640xf32, #tpu.memory_space<vmem_shared>>
    %dma_wait3A_399 = tpu.memref_squeeze %dma_wait3A_398 : memref<1x640xf32, #tpu.memory_space<vmem_shared>> -> memref<640xf32, #tpu.memory_space<vmem_shared>>
    %dma_wait3A_400 = arith.constant 0 : i32
    %dma_wait3A_401 = tpu.memref_slice %arg6[%dma_wait3A_394, %dma_wait3A_400] : memref<16x640xf32, #tpu.memory_space<vmem>> -> memref<1x640xf32, #tpu.memory_space<vmem>>
    %dma_wait3A_402 = tpu.memref_squeeze %dma_wait3A_401 : memref<1x640xf32, #tpu.memory_space<vmem>> -> memref<640xf32, #tpu.memory_space<vmem>>
    %dma_wait3A_403 = tpu.memref_slice %arg8[%dma_wait3A_393, %mul3A_197] : memref<16x10240xf32, #tpu.memory_space<vmem_shared>> -> memref<1x640xf32, #tpu.memory_space<vmem_shared>>
    %dma_wait3A_404 = tpu.memref_squeeze %dma_wait3A_403 : memref<1x640xf32, #tpu.memory_space<vmem_shared>> -> memref<640xf32, #tpu.memory_space<vmem_shared>>
    tpu.wait_dma2 semaphore(%arg9 : memref<!tpu.dma_semaphore, #tpu.memory_space<semaphore_mem>>) src(%dma_wait3A_404 : memref<640xf32, #tpu.memory_space<vmem_shared>>) dst(%dma_wait3A_402 : memref<640xf32, #tpu.memory_space<vmem>>)
    %dma_wait3A_405 = arith.constant 14 : i32
    %dma_wait3A_406 = arith.constant 14 : i32
    %dma_wait3A_407 = arith.constant 0 : i32
    %dma_wait3A_408 = tpu.memref_slice %arg6[%dma_wait3A_406, %dma_wait3A_407] : memref<16x640xf32, #tpu.memory_space<vmem>> -> memref<1x640xf32, #tpu.memory_space<vmem>>
    %dma_wait3A_409 = tpu.memref_squeeze %dma_wait3A_408 : memref<1x640xf32, #tpu.memory_space<vmem>> -> memref<640xf32, #tpu.memory_space<vmem>>
    %dma_wait3A_410 = tpu.memref_slice %arg8[%dma_wait3A_405, %mul3A_211] : memref<16x10240xf32, #tpu.memory_space<vmem_shared>> -> memref<1x640xf32, #tpu.memory_space<vmem_shared>>
    %dma_wait3A_411 = tpu.memref_squeeze %dma_wait3A_410 : memref<1x640xf32, #tpu.memory_space<vmem_shared>> -> memref<640xf32, #tpu.memory_space<vmem_shared>>
    %dma_wait3A_412 = arith.constant 0 : i32
    %dma_wait3A_413 = tpu.memref_slice %arg6[%dma_wait3A_406, %dma_wait3A_412] : memref<16x640xf32, #tpu.memory_space<vmem>> -> memref<1x640xf32, #tpu.memory_space<vmem>>
    %dma_wait3A_414 = tpu.memref_squeeze %dma_wait3A_413 : memref<1x640xf32, #tpu.memory_space<vmem>> -> memref<640xf32, #tpu.memory_space<vmem>>
    %dma_wait3A_415 = tpu.memref_slice %arg8[%dma_wait3A_405, %mul3A_211] : memref<16x10240xf32, #tpu.memory_space<vmem_shared>> -> memref<1x640xf32, #tpu.memory_space<vmem_shared>>
    %dma_wait3A_416 = tpu.memref_squeeze %dma_wait3A_415 : memref<1x640xf32, #tpu.memory_space<vmem_shared>> -> memref<640xf32, #tpu.memory_space<vmem_shared>>
    tpu.wait_dma2 semaphore(%arg9 : memref<!tpu.dma_semaphore, #tpu.memory_space<semaphore_mem>>) src(%dma_wait3A_416 : memref<640xf32, #tpu.memory_space<vmem_shared>>) dst(%dma_wait3A_414 : memref<640xf32, #tpu.memory_space<vmem>>)
    %dma_wait3A_417 = arith.constant 15 : i32
    %dma_wait3A_418 = arith.constant 15 : i32
    %dma_wait3A_419 = arith.constant 0 : i32
    %dma_wait3A_420 = tpu.memref_slice %arg6[%dma_wait3A_418, %dma_wait3A_419] : memref<16x640xf32, #tpu.memory_space<vmem>> -> memref<1x640xf32, #tpu.memory_space<vmem>>
    %dma_wait3A_421 = tpu.memref_squeeze %dma_wait3A_420 : memref<1x640xf32, #tpu.memory_space<vmem>> -> memref<640xf32, #tpu.memory_space<vmem>>
    %dma_wait3A_422 = tpu.memref_slice %arg8[%dma_wait3A_417, %mul3A_225] : memref<16x10240xf32, #tpu.memory_space<vmem_shared>> -> memref<1x640xf32, #tpu.memory_space<vmem_shared>>
    %dma_wait3A_423 = tpu.memref_squeeze %dma_wait3A_422 : memref<1x640xf32, #tpu.memory_space<vmem_shared>> -> memref<640xf32, #tpu.memory_space<vmem_shared>>
    %dma_wait3A_424 = arith.constant 0 : i32
    %dma_wait3A_425 = tpu.memref_slice %arg6[%dma_wait3A_418, %dma_wait3A_424] : memref<16x640xf32, #tpu.memory_space<vmem>> -> memref<1x640xf32, #tpu.memory_space<vmem>>
    %dma_wait3A_426 = tpu.memref_squeeze %dma_wait3A_425 : memref<1x640xf32, #tpu.memory_space<vmem>> -> memref<640xf32, #tpu.memory_space<vmem>>
    %dma_wait3A_427 = tpu.memref_slice %arg8[%dma_wait3A_417, %mul3A_225] : memref<16x10240xf32, #tpu.memory_space<vmem_shared>> -> memref<1x640xf32, #tpu.memory_space<vmem_shared>>
    %dma_wait3A_428 = tpu.memref_squeeze %dma_wait3A_427 : memref<1x640xf32, #tpu.memory_space<vmem_shared>> -> memref<640xf32, #tpu.memory_space<vmem_shared>>
    tpu.wait_dma2 semaphore(%arg9 : memref<!tpu.dma_semaphore, #tpu.memory_space<semaphore_mem>>) src(%dma_wait3A_428 : memref<640xf32, #tpu.memory_space<vmem_shared>>) dst(%dma_wait3A_426 : memref<640xf32, #tpu.memory_space<vmem>>)
    %scan3A_429 = arith.constant 0 : i32
    %scan3A_430 = arith.constant 0 : i32
    %scan3A_431 = arith.constant 40 : i32
    %scan3A_432 = arith.addi %scan3A_430, %scan3A_431 : i32
    %scan3A_433 = arith.constant 1 : i32
    %scan3A_434 = scf.for %scan3A_438 = %scan3A_430 to %scan3A_432 step %scan3A_433 iter_args(%scan3A_439 = %scan3A_429) -> (i32)  : i32 {
      %mul3A_440 = arith.constant 16 : i32
      %mul3A_441 = arith.muli %scan3A_438, %mul3A_440 : i32
      %get3A = arith.constant 0 : i32
      %get3A_442 = arith.index_cast %get3A : i32 to index
      %get3A_443 = arith.index_cast %mul3A_441 : i32 to index
      %get3A_444 = tpu.vector_load %arg6[%get3A_442, %get3A_443] {strides = array<i32>} : memref<16x640xf32, #tpu.memory_space<vmem>>, vector<16xf32>,
      %mul3A_445 = arith.constant 16 : i32
      %mul3A_446 = arith.muli %scan3A_438, %mul3A_445 : i32
      %get3A_447 = arith.constant 1 : i32
      %get3A_448 = arith.index_cast %get3A_447 : i32 to index
      %get3A_449 = arith.index_cast %mul3A_446 : i32 to index
      %get3A_450 = tpu.vector_load %arg6[%get3A_448, %get3A_449] {strides = array<i32>} : memref<16x640xf32, #tpu.memory_space<vmem>>, vector<16xf32>,
      %add3A = arith.addf %get3A_444, %get3A_450 : vector<16xf32>
      %mul3A_451 = arith.constant 16 : i32
      %mul3A_452 = arith.muli %scan3A_438, %mul3A_451 : i32
      %get3A_453 = arith.constant 2 : i32
      %get3A_454 = arith.index_cast %get3A_453 : i32 to index
      %get3A_455 = arith.index_cast %mul3A_452 : i32 to index
      %get3A_456 = tpu.vector_load %arg6[%get3A_454, %get3A_455] {strides = array<i32>} : memref<16x640xf32, #tpu.memory_space<vmem>>, vector<16xf32>,
      %add3A_457 = arith.addf %add3A, %get3A_456 : vector<16xf32>
      %mul3A_458 = arith.constant 16 : i32
      %mul3A_459 = arith.muli %scan3A_438, %mul3A_458 : i32
      %get3A_460 = arith.constant 3 : i32
      %get3A_461 = arith.index_cast %get3A_460 : i32 to index
      %get3A_462 = arith.index_cast %mul3A_459 : i32 to index
      %get3A_463 = tpu.vector_load %arg6[%get3A_461, %get3A_462] {strides = array<i32>} : memref<16x640xf32, #tpu.memory_space<vmem>>, vector<16xf32>,
      %add3A_464 = arith.addf %add3A_457, %get3A_463 : vector<16xf32>
      %mul3A_465 = arith.constant 16 : i32
      %mul3A_466 = arith.muli %scan3A_438, %mul3A_465 : i32
      %get3A_467 = arith.constant 4 : i32
      %get3A_468 = arith.index_cast %get3A_467 : i32 to index
      %get3A_469 = arith.index_cast %mul3A_466 : i32 to index
      %get3A_470 = tpu.vector_load %arg6[%get3A_468, %get3A_469] {strides = array<i32>} : memref<16x640xf32, #tpu.memory_space<vmem>>, vector<16xf32>,
      %add3A_471 = arith.addf %add3A_464, %get3A_470 : vector<16xf32>
      %mul3A_472 = arith.constant 16 : i32
      %mul3A_473 = arith.muli %scan3A_438, %mul3A_472 : i32
      %get3A_474 = arith.constant 5 : i32
      %get3A_475 = arith.index_cast %get3A_474 : i32 to index
      %get3A_476 = arith.index_cast %mul3A_473 : i32 to index
      %get3A_477 = tpu.vector_load %arg6[%get3A_475, %get3A_476] {strides = array<i32>} : memref<16x640xf32, #tpu.memory_space<vmem>>, vector<16xf32>,
      %add3A_478 = arith.addf %add3A_471, %get3A_477 : vector<16xf32>
      %mul3A_479 = arith.constant 16 : i32
      %mul3A_480 = arith.muli %scan3A_438, %mul3A_479 : i32
      %get3A_481 = arith.constant 6 : i32
      %get3A_482 = arith.index_cast %get3A_481 : i32 to index
      %get3A_483 = arith.index_cast %mul3A_480 : i32 to index
      %get3A_484 = tpu.vector_load %arg6[%get3A_482, %get3A_483] {strides = array<i32>} : memref<16x640xf32, #tpu.memory_space<vmem>>, vector<16xf32>,
      %add3A_485 = arith.addf %add3A_478, %get3A_484 : vector<16xf32>
      %mul3A_486 = arith.constant 16 : i32
      %mul3A_487 = arith.muli %scan3A_438, %mul3A_486 : i32
      %get3A_488 = arith.constant 7 : i32
      %get3A_489 = arith.index_cast %get3A_488 : i32 to index
      %get3A_490 = arith.index_cast %mul3A_487 : i32 to index
      %get3A_491 = tpu.vector_load %arg6[%get3A_489, %get3A_490] {strides = array<i32>} : memref<16x640xf32, #tpu.memory_space<vmem>>, vector<16xf32>,
      %add3A_492 = arith.addf %add3A_485, %get3A_491 : vector<16xf32>
      %mul3A_493 = arith.constant 16 : i32
      %mul3A_494 = arith.muli %scan3A_438, %mul3A_493 : i32
      %get3A_495 = arith.constant 8 : i32
      %get3A_496 = arith.index_cast %get3A_495 : i32 to index
      %get3A_497 = arith.index_cast %mul3A_494 : i32 to index
      %get3A_498 = tpu.vector_load %arg6[%get3A_496, %get3A_497] {strides = array<i32>} : memref<16x640xf32, #tpu.memory_space<vmem>>, vector<16xf32>,
      %add3A_499 = arith.addf %add3A_492, %get3A_498 : vector<16xf32>
      %mul3A_500 = arith.constant 16 : i32
      %mul3A_501 = arith.muli %scan3A_438, %mul3A_500 : i32
      %get3A_502 = arith.constant 9 : i32
      %get3A_503 = arith.index_cast %get3A_502 : i32 to index
      %get3A_504 = arith.index_cast %mul3A_501 : i32 to index
      %get3A_505 = tpu.vector_load %arg6[%get3A_503, %get3A_504] {strides = array<i32>} : memref<16x640xf32, #tpu.memory_space<vmem>>, vector<16xf32>,
      %add3A_506 = arith.addf %add3A_499, %get3A_505 : vector<16xf32>
      %mul3A_507 = arith.constant 16 : i32
      %mul3A_508 = arith.muli %scan3A_438, %mul3A_507 : i32
      %get3A_509 = arith.constant 10 : i32
      %get3A_510 = arith.index_cast %get3A_509 : i32 to index
      %get3A_511 = arith.index_cast %mul3A_508 : i32 to index
      %get3A_512 = tpu.vector_load %arg6[%get3A_510, %get3A_511] {strides = array<i32>} : memref<16x640xf32, #tpu.memory_space<vmem>>, vector<16xf32>,
      %add3A_513 = arith.addf %add3A_506, %get3A_512 : vector<16xf32>
      %mul3A_514 = arith.constant 16 : i32
      %mul3A_515 = arith.muli %scan3A_438, %mul3A_514 : i32
      %get3A_516 = arith.constant 11 : i32
      %get3A_517 = arith.index_cast %get3A_516 : i32 to index
      %get3A_518 = arith.index_cast %mul3A_515 : i32 to index
      %get3A_519 = tpu.vector_load %arg6[%get3A_517, %get3A_518] {strides = array<i32>} : memref<16x640xf32, #tpu.memory_space<vmem>>, vector<16xf32>,
      %add3A_520 = arith.addf %add3A_513, %get3A_519 : vector<16xf32>
      %mul3A_521 = arith.constant 16 : i32
      %mul3A_522 = arith.muli %scan3A_438, %mul3A_521 : i32
      %get3A_523 = arith.constant 12 : i32
      %get3A_524 = arith.index_cast %get3A_523 : i32 to index
      %get3A_525 = arith.index_cast %mul3A_522 : i32 to index
      %get3A_526 = tpu.vector_load %arg6[%get3A_524, %get3A_525] {strides = array<i32>} : memref<16x640xf32, #tpu.memory_space<vmem>>, vector<16xf32>,
      %add3A_527 = arith.addf %add3A_520, %get3A_526 : vector<16xf32>
      %mul3A_528 = arith.constant 16 : i32
      %mul3A_529 = arith.muli %scan3A_438, %mul3A_528 : i32
      %get3A_530 = arith.constant 13 : i32
      %get3A_531 = arith.index_cast %get3A_530 : i32 to index
      %get3A_532 = arith.index_cast %mul3A_529 : i32 to index
      %get3A_533 = tpu.vector_load %arg6[%get3A_531, %get3A_532] {strides = array<i32>} : memref<16x640xf32, #tpu.memory_space<vmem>>, vector<16xf32>,
      %add3A_534 = arith.addf %add3A_527, %get3A_533 : vector<16xf32>
      %mul3A_535 = arith.constant 16 : i32
      %mul3A_536 = arith.muli %scan3A_438, %mul3A_535 : i32
      %get3A_537 = arith.constant 14 : i32
      %get3A_538 = arith.index_cast %get3A_537 : i32 to index
      %get3A_539 = arith.index_cast %mul3A_536 : i32 to index
      %get3A_540 = tpu.vector_load %arg6[%get3A_538, %get3A_539] {strides = array<i32>} : memref<16x640xf32, #tpu.memory_space<vmem>>, vector<16xf32>,
      %add3A_541 = arith.addf %add3A_534, %get3A_540 : vector<16xf32>
      %mul3A_542 = arith.constant 16 : i32
      %mul3A_543 = arith.muli %scan3A_438, %mul3A_542 : i32
      %get3A_544 = arith.constant 15 : i32
      %get3A_545 = arith.index_cast %get3A_544 : i32 to index
      %get3A_546 = arith.index_cast %mul3A_543 : i32 to index
      %get3A_547 = tpu.vector_load %arg6[%get3A_545, %get3A_546] {strides = array<i32>} : memref<16x640xf32, #tpu.memory_space<vmem>>, vector<16xf32>,
      %add3A_548 = arith.addf %add3A_541, %get3A_547 : vector<16xf32>
      %mul3A_549 = arith.constant 16 : i32
      %mul3A_550 = arith.muli %scan3A_438, %mul3A_549 : i32
      %swap3A = arith.index_cast %mul3A_550 : i32 to index
      %swap3A_551 = tpu.vector_load %arg7[%swap3A] {strides = array<i32>} : memref<640xf32, #tpu.memory_space<vmem>>, vector<16xf32>,
      tpu.vector_store %arg7[%swap3A], %add3A_548 {strides = array<i32>} : memref<640xf32, #tpu.memory_space<vmem>>, vector<16xf32>,
      %scan3A_552 = arith.constant 0 : i32
      scf.yield %scan3A_552 : i32
    }
    %scan3A_435 = arith.constant 40 : i32
    %mul3A_436 = arith.constant 640 : i32
    %mul3A_437 = arith.muli %arg1, %mul3A_436 : i32
    "tpu.region"() ({
      %run_scoped3A = tpu.sem_alloc : memref<!tpu.dma_semaphore, #tpu.memory_space<semaphore_mem>>
      %dma_start3A_438 = tpu.memref_slice %arg3[%arg0, %mul3A_437] : memref<2x10240xf32, #tpu.memory_space<hbm>> -> memref<1x640xf32, #tpu.memory_space<hbm>>
      %dma_start3A_439 = tpu.memref_squeeze %dma_start3A_438 : memref<1x640xf32, #tpu.memory_space<hbm>> -> memref<640xf32, #tpu.memory_space<hbm>>
      %dma_start3A_440 = tpu.memref_slice %arg3[%arg0, %mul3A_437] : memref<2x10240xf32, #tpu.memory_space<hbm>> -> memref<1x640xf32, #tpu.memory_space<hbm>>
      %dma_start3A_441 = tpu.memref_squeeze %dma_start3A_440 : memref<1x640xf32, #tpu.memory_space<hbm>> -> memref<640xf32, #tpu.memory_space<hbm>>
      tpu.enqueue_dma source(%arg7 : memref<640xf32, #tpu.memory_space<vmem>>) target(%dma_start3A_441 : memref<640xf32, #tpu.memory_space<hbm>>) target_semaphore(%run_scoped3A : memref<!tpu.dma_semaphore, #tpu.memory_space<semaphore_mem>>)
      %dma_wait3A_442 = tpu.memref_slice %arg3[%arg0, %mul3A_437] : memref<2x10240xf32, #tpu.memory_space<hbm>> -> memref<1x640xf32, #tpu.memory_space<hbm>>
      %dma_wait3A_443 = tpu.memref_squeeze %dma_wait3A_442 : memref<1x640xf32, #tpu.memory_space<hbm>> -> memref<640xf32, #tpu.memory_space<hbm>>
      %dma_wait3A_444 = tpu.memref_slice %arg3[%arg0, %mul3A_437] : memref<2x10240xf32, #tpu.memory_space<hbm>> -> memref<1x640xf32, #tpu.memory_space<hbm>>
      %dma_wait3A_445 = tpu.memref_squeeze %dma_wait3A_444 : memref<1x640xf32, #tpu.memory_space<hbm>> -> memref<640xf32, #tpu.memory_space<hbm>>
      tpu.wait_dma2 semaphore(%run_scoped3A : memref<!tpu.dma_semaphore, #tpu.memory_space<semaphore_mem>>) src(%arg7 : memref<640xf32, #tpu.memory_space<vmem>>) dst(%dma_wait3A_445 : memref<640xf32, #tpu.memory_space<hbm>>)
      tpu.yield
    }) : () -> ()
    return
  }
}

#map = affine_map<(d0, d1) -> (0, 0)>
#map1 = affine_map<(d0, d1) -> (0, 0, 0)>
module attributes {stable_mosaic.version = 14 : i64} {
  func.func @agg_kernel(%arg0: i32, %arg1: i32, %arg2: memref<20480x64xbf16, #tpu.memory_space<hbm>>, %arg3: memref<2x2560x128xi32, #tpu.memory_space<hbm>>, %arg4: memref<2560x128xi32, #tpu.memory_space<hbm>>, %arg5: memref<2x10240x64xf32, #tpu.memory_space<hbm>>, %arg6: memref<160x128xi32, #tpu.memory_space<vmem>>, %arg7: memref<160x128xi32, #tpu.memory_space<vmem>>, %arg8: memref<4x128x64xbf16, #tpu.memory_space<vmem>>, %arg9: memref<2x128x64xf32, #tpu.memory_space<vmem>>, %arg10: memref<64x64xf32, #tpu.memory_space<vmem>>, %arg11: memref<10240x64xf32, #tpu.memory_space<vmem_shared>>, %arg12: memref<4x!tpu.dma_semaphore, #tpu.memory_space<semaphore_mem>>, %arg13: memref<2x!tpu.dma_semaphore, #tpu.memory_space<semaphore_mem>>) attributes {dimension_semantics = [#tpu.dimension_semantics<core_parallel>, #tpu.dimension_semantics<subcore_parallel>], iteration_bounds = array<i64: 2, 16>, scalar_prefetch = 0 : i64, scratch_operands = 8 : i64, tpu.core_type = #tpu.core_type<sc_vector_subcore>, window_params = [{transform_indices = #map}, {transform_indices = #map1}, {transform_indices = #map}, {transform_indices = #map1}]} {
    %scan3A = arith.constant 0 : i32
    %scan3A_0 = arith.constant 0 : i32
    %scan3A_1 = arith.constant 64 : i32
    %scan3A_2 = arith.addi %scan3A_0, %scan3A_1 : i32
    %scan3A_3 = arith.constant 1 : i32
    %scan3A_4 = scf.for %scan3A_87 = %scan3A_0 to %scan3A_2 step %scan3A_3 iter_args(%scan3A_88 = %scan3A) -> (i32)  : i32 {
      %broadcast_in_dim3A = arith.constant 0.000000e+00 : f32
      %broadcast_in_dim3A_89 = vector.broadcast %broadcast_in_dim3A : f32 to vector<16xf32>
      %swap3A = arith.index_cast %scan3A_87 : i32 to index
      %swap3A_90 = arith.constant 0 : index
      %swap3A_91 = tpu.vector_load %arg10[%swap3A, %swap3A_90] {strides = array<i32>} : memref<64x64xf32, #tpu.memory_space<vmem>>, vector<16xf32>,
      tpu.vector_store %arg10[%swap3A, %swap3A_90], %broadcast_in_dim3A_89 {strides = array<i32>} : memref<64x64xf32, #tpu.memory_space<vmem>>, vector<16xf32>,
      %broadcast_in_dim3A_92 = arith.constant 0.000000e+00 : f32
      %broadcast_in_dim3A_93 = vector.broadcast %broadcast_in_dim3A_92 : f32 to vector<16xf32>
      %swap3A_94 = arith.index_cast %scan3A_87 : i32 to index
      %swap3A_95 = arith.constant 16 : index
      %swap3A_96 = tpu.vector_load %arg10[%swap3A_94, %swap3A_95] {strides = array<i32>} : memref<64x64xf32, #tpu.memory_space<vmem>>, vector<16xf32>,
      tpu.vector_store %arg10[%swap3A_94, %swap3A_95], %broadcast_in_dim3A_93 {strides = array<i32>} : memref<64x64xf32, #tpu.memory_space<vmem>>, vector<16xf32>,
      %broadcast_in_dim3A_97 = arith.constant 0.000000e+00 : f32
      %broadcast_in_dim3A_98 = vector.broadcast %broadcast_in_dim3A_97 : f32 to vector<16xf32>
      %swap3A_99 = arith.index_cast %scan3A_87 : i32 to index
      %swap3A_100 = arith.constant 32 : index
      %swap3A_101 = tpu.vector_load %arg10[%swap3A_99, %swap3A_100] {strides = array<i32>} : memref<64x64xf32, #tpu.memory_space<vmem>>, vector<16xf32>,
      tpu.vector_store %arg10[%swap3A_99, %swap3A_100], %broadcast_in_dim3A_98 {strides = array<i32>} : memref<64x64xf32, #tpu.memory_space<vmem>>, vector<16xf32>,
      %broadcast_in_dim3A_102 = arith.constant 0.000000e+00 : f32
      %broadcast_in_dim3A_103 = vector.broadcast %broadcast_in_dim3A_102 : f32 to vector<16xf32>
      %swap3A_104 = arith.index_cast %scan3A_87 : i32 to index
      %swap3A_105 = arith.constant 48 : index
      %swap3A_106 = tpu.vector_load %arg10[%swap3A_104, %swap3A_105] {strides = array<i32>} : memref<64x64xf32, #tpu.memory_space<vmem>>, vector<16xf32>,
      tpu.vector_store %arg10[%swap3A_104, %swap3A_105], %broadcast_in_dim3A_103 {strides = array<i32>} : memref<64x64xf32, #tpu.memory_space<vmem>>, vector<16xf32>,
      %scan3A_107 = arith.constant 0 : i32
      scf.yield %scan3A_107 : i32
    }
    %scan3A_5 = arith.constant 64 : i32
    %mul3A = arith.constant 640 : i32
    %mul3A_6 = arith.muli %arg1, %mul3A : i32
    %scan3A_7 = arith.constant 0 : i32
    %scan3A_8 = arith.constant 0 : i32
    %scan3A_9 = arith.constant 10 : i32
    %scan3A_10 = arith.addi %scan3A_8, %scan3A_9 : i32
    %scan3A_11 = arith.constant 1 : i32
    %scan3A_12 = scf.for %scan3A_87 = %scan3A_8 to %scan3A_10 step %scan3A_11 iter_args(%scan3A_88 = %scan3A_7) -> (i32)  : i32 {
      %mul3A_89 = arith.constant 64 : i32
      %mul3A_90 = arith.muli %scan3A_87, %mul3A_89 : i32
      %add3A_91 = arith.addi %mul3A_6, %mul3A_90 : i32
      "tpu.region"() ({
        %run_scoped3A = tpu.sem_alloc : memref<!tpu.dma_semaphore, #tpu.memory_space<semaphore_mem>>
        %dma_start3A_93 = arith.constant 0 : i32
        %dma_start3A_94 = tpu.memref_slice %arg11[%add3A_91, %dma_start3A_93] : memref<10240x64xf32, #tpu.memory_space<vmem_shared>> -> memref<64x64xf32, #tpu.memory_space<vmem_shared>>
        %dma_start3A_95 = arith.constant 0 : i32
        %dma_start3A_96 = tpu.memref_slice %arg11[%add3A_91, %dma_start3A_95] : memref<10240x64xf32, #tpu.memory_space<vmem_shared>> -> memref<64x64xf32, #tpu.memory_space<vmem_shared>>
        tpu.enqueue_dma source(%arg10 : memref<64x64xf32, #tpu.memory_space<vmem>>) target(%dma_start3A_96 : memref<64x64xf32, #tpu.memory_space<vmem_shared>>) target_semaphore(%run_scoped3A : memref<!tpu.dma_semaphore, #tpu.memory_space<semaphore_mem>>)
        %dma_wait3A_97 = arith.constant 0 : i32
        %dma_wait3A_98 = tpu.memref_slice %arg11[%add3A_91, %dma_wait3A_97] : memref<10240x64xf32, #tpu.memory_space<vmem_shared>> -> memref<64x64xf32, #tpu.memory_space<vmem_shared>>
        %dma_wait3A_99 = arith.constant 0 : i32
        %dma_wait3A_100 = tpu.memref_slice %arg11[%add3A_91, %dma_wait3A_99] : memref<10240x64xf32, #tpu.memory_space<vmem_shared>> -> memref<64x64xf32, #tpu.memory_space<vmem_shared>>
        tpu.wait_dma2 semaphore(%run_scoped3A : memref<!tpu.dma_semaphore, #tpu.memory_space<semaphore_mem>>) src(%arg10 : memref<64x64xf32, #tpu.memory_space<vmem>>) dst(%dma_wait3A_100 : memref<64x64xf32, #tpu.memory_space<vmem_shared>>)
        tpu.yield
      }) : () -> ()
      %scan3A_92 = arith.constant 0 : i32
      scf.yield %scan3A_92 : i32
    }
    %scan3A_13 = arith.constant 10 : i32
    %mul3A_14 = arith.constant 160 : i32
    %mul3A_15 = arith.muli %arg1, %mul3A_14 : i32
    "tpu.region"() ({
      %run_scoped3A = tpu.sem_alloc : memref<!tpu.dma_semaphore, #tpu.memory_space<semaphore_mem>>
      %dma_start3A_87 = arith.constant 0 : i32
      %dma_start3A_88 = tpu.memref_slice %arg4[%mul3A_15, %dma_start3A_87] : memref<2560x128xi32, #tpu.memory_space<hbm>> -> memref<160x128xi32, #tpu.memory_space<hbm>>
      %dma_start3A_89 = arith.constant 0 : i32
      %dma_start3A_90 = tpu.memref_slice %arg4[%mul3A_15, %dma_start3A_89] : memref<2560x128xi32, #tpu.memory_space<hbm>> -> memref<160x128xi32, #tpu.memory_space<hbm>>
      tpu.enqueue_dma source(%dma_start3A_90 : memref<160x128xi32, #tpu.memory_space<hbm>>) target(%arg7 : memref<160x128xi32, #tpu.memory_space<vmem>>) target_semaphore(%run_scoped3A : memref<!tpu.dma_semaphore, #tpu.memory_space<semaphore_mem>>)
      %dma_wait3A_91 = arith.constant 0 : i32
      %dma_wait3A_92 = tpu.memref_slice %arg4[%mul3A_15, %dma_wait3A_91] : memref<2560x128xi32, #tpu.memory_space<hbm>> -> memref<160x128xi32, #tpu.memory_space<hbm>>
      %dma_wait3A_93 = arith.constant 0 : i32
      %dma_wait3A_94 = tpu.memref_slice %arg4[%mul3A_15, %dma_wait3A_93] : memref<2560x128xi32, #tpu.memory_space<hbm>> -> memref<160x128xi32, #tpu.memory_space<hbm>>
      tpu.wait_dma2 semaphore(%run_scoped3A : memref<!tpu.dma_semaphore, #tpu.memory_space<semaphore_mem>>) src(%dma_wait3A_94 : memref<160x128xi32, #tpu.memory_space<hbm>>) dst(%arg7 : memref<160x128xi32, #tpu.memory_space<vmem>>)
      tpu.yield
    }) : () -> ()
    %add3A = arith.constant 0 : i32
    %add3A_16 = arith.addi %add3A, %arg0 : i32
    %mul3A_17 = arith.constant 160 : i32
    %mul3A_18 = arith.muli %arg1, %mul3A_17 : i32
    "tpu.region"() ({
      %run_scoped3A = tpu.sem_alloc : memref<!tpu.dma_semaphore, #tpu.memory_space<semaphore_mem>>
      %dma_start3A_87 = arith.constant 0 : i32
      %dma_start3A_88 = tpu.memref_slice %arg3[%add3A_16, %mul3A_18, %dma_start3A_87] : memref<2x2560x128xi32, #tpu.memory_space<hbm>> -> memref<1x160x128xi32, #tpu.memory_space<hbm>>
      %dma_start3A_89 = tpu.memref_squeeze %dma_start3A_88 : memref<1x160x128xi32, #tpu.memory_space<hbm>> -> memref<160x128xi32, #tpu.memory_space<hbm>>
      %dma_start3A_90 = arith.constant 0 : i32
      %dma_start3A_91 = tpu.memref_slice %arg3[%add3A_16, %mul3A_18, %dma_start3A_90] : memref<2x2560x128xi32, #tpu.memory_space<hbm>> -> memref<1x160x128xi32, #tpu.memory_space<hbm>>
      %dma_start3A_92 = tpu.memref_squeeze %dma_start3A_91 : memref<1x160x128xi32, #tpu.memory_space<hbm>> -> memref<160x128xi32, #tpu.memory_space<hbm>>
      tpu.enqueue_dma source(%dma_start3A_92 : memref<160x128xi32, #tpu.memory_space<hbm>>) target(%arg6 : memref<160x128xi32, #tpu.memory_space<vmem>>) target_semaphore(%run_scoped3A : memref<!tpu.dma_semaphore, #tpu.memory_space<semaphore_mem>>)
      %dma_wait3A_93 = arith.constant 0 : i32
      %dma_wait3A_94 = tpu.memref_slice %arg3[%add3A_16, %mul3A_18, %dma_wait3A_93] : memref<2x2560x128xi32, #tpu.memory_space<hbm>> -> memref<1x160x128xi32, #tpu.memory_space<hbm>>
      %dma_wait3A_95 = tpu.memref_squeeze %dma_wait3A_94 : memref<1x160x128xi32, #tpu.memory_space<hbm>> -> memref<160x128xi32, #tpu.memory_space<hbm>>
      %dma_wait3A_96 = arith.constant 0 : i32
      %dma_wait3A_97 = tpu.memref_slice %arg3[%add3A_16, %mul3A_18, %dma_wait3A_96] : memref<2x2560x128xi32, #tpu.memory_space<hbm>> -> memref<1x160x128xi32, #tpu.memory_space<hbm>>
      %dma_wait3A_98 = tpu.memref_squeeze %dma_wait3A_97 : memref<1x160x128xi32, #tpu.memory_space<hbm>> -> memref<160x128xi32, #tpu.memory_space<hbm>>
      tpu.wait_dma2 semaphore(%run_scoped3A : memref<!tpu.dma_semaphore, #tpu.memory_space<semaphore_mem>>) src(%dma_wait3A_98 : memref<160x128xi32, #tpu.memory_space<hbm>>) dst(%arg6 : memref<160x128xi32, #tpu.memory_space<vmem>>)
      tpu.yield
    }) : () -> ()
    %barrier3A = arith.constant 0 : index
    tpu.barrier barrier_id(%barrier3A)
    %dma_start3A = arith.constant 0 : i32
    %dma_start3A_19 = arith.constant 0 : i32
    %dma_start3A_20 = arith.constant 0 : i32
    %dma_start3A_21 = arith.constant 0 : i32
    %dma_start3A_22 = arith.constant 0 : i32
    %dma_start3A_23 = tpu.memref_slice %arg8[%dma_start3A_19, %dma_start3A_21, %dma_start3A_22] : memref<4x128x64xbf16, #tpu.memory_space<vmem>> -> memref<1x128x64xbf16, #tpu.memory_space<vmem>>
    %dma_start3A_24 = tpu.memref_squeeze %dma_start3A_23 : memref<1x128x64xbf16, #tpu.memory_space<vmem>> -> memref<128x64xbf16, #tpu.memory_space<vmem>>
    %dma_start3A_25 = arith.constant 0 : i32
    %dma_start3A_26 = tpu.memref_slice %arg6[%dma_start3A, %dma_start3A_25] : memref<160x128xi32, #tpu.memory_space<vmem>> -> memref<1x128xi32, #tpu.memory_space<vmem>>
    %dma_start3A_27 = tpu.memref_squeeze %dma_start3A_26 : memref<1x128xi32, #tpu.memory_space<vmem>> -> memref<128xi32, #tpu.memory_space<vmem>>
    %dma_start3A_28 = arith.constant 0 : i32
    %dma_start3A_29 = arith.constant 0 : i32
    %dma_start3A_30 = tpu.memref_slice %arg2[%dma_start3A_28, %dma_start3A_29] : memref<20480x64xbf16, #tpu.memory_space<hbm>> -> memref<20480x64xbf16, #tpu.memory_space<hbm>>
    %dma_start3A_31 = tpu.memref_slice %arg12[%dma_start3A_20] : memref<4x!tpu.dma_semaphore, #tpu.memory_space<semaphore_mem>> -> memref<1x!tpu.dma_semaphore, #tpu.memory_space<semaphore_mem>>
    %dma_start3A_32 = tpu.memref_squeeze %dma_start3A_31 : memref<1x!tpu.dma_semaphore, #tpu.memory_space<semaphore_mem>> -> memref<!tpu.dma_semaphore, #tpu.memory_space<semaphore_mem>>
    tpu.enqueue_indirect_dma source(%dma_start3A_30 : memref<20480x64xbf16, #tpu.memory_space<hbm>>) target(%dma_start3A_24 : memref<128x64xbf16, #tpu.memory_space<vmem>>) offsets(%dma_start3A_27 : memref<128xi32, #tpu.memory_space<vmem>>) semaphore(%dma_start3A_32 : memref<!tpu.dma_semaphore, #tpu.memory_space<semaphore_mem>>)
    %dma_start3A_33 = arith.constant 1 : i32
    %dma_start3A_34 = arith.constant 1 : i32
    %dma_start3A_35 = arith.constant 1 : i32
    %dma_start3A_36 = arith.constant 0 : i32
    %dma_start3A_37 = arith.constant 0 : i32
    %dma_start3A_38 = tpu.memref_slice %arg8[%dma_start3A_34, %dma_start3A_36, %dma_start3A_37] : memref<4x128x64xbf16, #tpu.memory_space<vmem>> -> memref<1x128x64xbf16, #tpu.memory_space<vmem>>
    %dma_start3A_39 = tpu.memref_squeeze %dma_start3A_38 : memref<1x128x64xbf16, #tpu.memory_space<vmem>> -> memref<128x64xbf16, #tpu.memory_space<vmem>>
    %dma_start3A_40 = arith.constant 0 : i32
    %dma_start3A_41 = tpu.memref_slice %arg6[%dma_start3A_33, %dma_start3A_40] : memref<160x128xi32, #tpu.memory_space<vmem>> -> memref<1x128xi32, #tpu.memory_space<vmem>>
    %dma_start3A_42 = tpu.memref_squeeze %dma_start3A_41 : memref<1x128xi32, #tpu.memory_space<vmem>> -> memref<128xi32, #tpu.memory_space<vmem>>
    %dma_start3A_43 = arith.constant 0 : i32
    %dma_start3A_44 = arith.constant 0 : i32
    %dma_start3A_45 = tpu.memref_slice %arg2[%dma_start3A_43, %dma_start3A_44] : memref<20480x64xbf16, #tpu.memory_space<hbm>> -> memref<20480x64xbf16, #tpu.memory_space<hbm>>
    %dma_start3A_46 = tpu.memref_slice %arg12[%dma_start3A_35] : memref<4x!tpu.dma_semaphore, #tpu.memory_space<semaphore_mem>> -> memref<1x!tpu.dma_semaphore, #tpu.memory_space<semaphore_mem>>
    %dma_start3A_47 = tpu.memref_squeeze %dma_start3A_46 : memref<1x!tpu.dma_semaphore, #tpu.memory_space<semaphore_mem>> -> memref<!tpu.dma_semaphore, #tpu.memory_space<semaphore_mem>>
    tpu.enqueue_indirect_dma source(%dma_start3A_45 : memref<20480x64xbf16, #tpu.memory_space<hbm>>) target(%dma_start3A_39 : memref<128x64xbf16, #tpu.memory_space<vmem>>) offsets(%dma_start3A_42 : memref<128xi32, #tpu.memory_space<vmem>>) semaphore(%dma_start3A_47 : memref<!tpu.dma_semaphore, #tpu.memory_space<semaphore_mem>>)
    %scan3A_48 = arith.constant 0 : i32
    %scan3A_49 = arith.constant 0 : i32
    %scan3A_50 = arith.constant 40 : i32
    %scan3A_51 = arith.addi %scan3A_49, %scan3A_50 : i32
    %scan3A_52 = arith.constant 1 : i32
    %scan3A_53 = scf.for %scan3A_87 = %scan3A_49 to %scan3A_51 step %scan3A_52 iter_args(%scan3A_88 = %scan3A_48) -> (i32)  : i32 {
      %mul3A_89 = arith.constant 4 : i32
      %mul3A_90 = arith.muli %scan3A_87, %mul3A_89 : i32
      %add3A_91 = arith.constant 0 : i32
      %add3A_92 = arith.addi %mul3A_90, %add3A_91 : i32
      %add3A_93 = arith.constant 2 : i32
      %add3A_94 = arith.addi %add3A_92, %add3A_93 : i32
      %lt3A = arith.constant 160 : i32
      %lt3A_95 = arith.cmpi slt, %add3A_94, %lt3A : i32
      %convert_element_type3A = arith.extui %lt3A_95 : i1 to i32
      %cond3A = arith.constant 0 : i32
      %cond3A_96 = arith.cmpi ne, %convert_element_type3A, %cond3A : i32
      scf.if %cond3A_96 {
        %add3A_290 = arith.constant 2 : i32
        %add3A_291 = arith.addi %add3A_92, %add3A_290 : i32
        %dma_start3A_292 = arith.constant 2 : i32
        %dma_start3A_293 = arith.constant 2 : i32
        %dma_start3A_294 = arith.constant 0 : i32
        %dma_start3A_295 = arith.constant 0 : i32
        %dma_start3A_296 = tpu.memref_slice %arg8[%dma_start3A_292, %dma_start3A_294, %dma_start3A_295] : memref<4x128x64xbf16, #tpu.memory_space<vmem>> -> memref<1x128x64xbf16, #tpu.memory_space<vmem>>
        %dma_start3A_297 = tpu.memref_squeeze %dma_start3A_296 : memref<1x128x64xbf16, #tpu.memory_space<vmem>> -> memref<128x64xbf16, #tpu.memory_space<vmem>>
        %dma_start3A_298 = arith.constant 0 : i32
        %dma_start3A_299 = tpu.memref_slice %arg6[%add3A_291, %dma_start3A_298] : memref<160x128xi32, #tpu.memory_space<vmem>> -> memref<1x128xi32, #tpu.memory_space<vmem>>
        %dma_start3A_300 = tpu.memref_squeeze %dma_start3A_299 : memref<1x128xi32, #tpu.memory_space<vmem>> -> memref<128xi32, #tpu.memory_space<vmem>>
        %dma_start3A_301 = arith.constant 0 : i32
        %dma_start3A_302 = arith.constant 0 : i32
        %dma_start3A_303 = tpu.memref_slice %arg2[%dma_start3A_301, %dma_start3A_302] : memref<20480x64xbf16, #tpu.memory_space<hbm>> -> memref<20480x64xbf16, #tpu.memory_space<hbm>>
        %dma_start3A_304 = tpu.memref_slice %arg12[%dma_start3A_293] : memref<4x!tpu.dma_semaphore, #tpu.memory_space<semaphore_mem>> -> memref<1x!tpu.dma_semaphore, #tpu.memory_space<semaphore_mem>>
        %dma_start3A_305 = tpu.memref_squeeze %dma_start3A_304 : memref<1x!tpu.dma_semaphore, #tpu.memory_space<semaphore_mem>> -> memref<!tpu.dma_semaphore, #tpu.memory_space<semaphore_mem>>
        tpu.enqueue_indirect_dma source(%dma_start3A_303 : memref<20480x64xbf16, #tpu.memory_space<hbm>>) target(%dma_start3A_297 : memref<128x64xbf16, #tpu.memory_space<vmem>>) offsets(%dma_start3A_300 : memref<128xi32, #tpu.memory_space<vmem>>) semaphore(%dma_start3A_305 : memref<!tpu.dma_semaphore, #tpu.memory_space<semaphore_mem>>)
      } else {
      }
      %ge3A = arith.constant 2 : i32
      %ge3A_97 = arith.cmpi sge, %add3A_92, %ge3A : i32
      %convert_element_type3A_98 = arith.extui %ge3A_97 : i1 to i32
      %cond3A_99 = arith.constant 0 : i32
      %cond3A_100 = arith.cmpi ne, %convert_element_type3A_98, %cond3A_99 : i32
      scf.if %cond3A_100 {
        %sub3A = arith.constant 2 : i32
        %sub3A_290 = arith.subi %add3A_92, %sub3A : i32
        %dma_wait3A_291 = arith.constant 0 : i32
        %dma_wait3A_292 = arith.constant 0 : i32
        %dma_wait3A_293 = arith.constant 0 : i32
        %dma_wait3A_294 = arith.constant 0 : i32
        %dma_wait3A_295 = tpu.memref_slice %arg9[%dma_wait3A_291, %dma_wait3A_293, %dma_wait3A_294] : memref<2x128x64xf32, #tpu.memory_space<vmem>> -> memref<1x128x64xf32, #tpu.memory_space<vmem>>
        %dma_wait3A_296 = tpu.memref_squeeze %dma_wait3A_295 : memref<1x128x64xf32, #tpu.memory_space<vmem>> -> memref<128x64xf32, #tpu.memory_space<vmem>>
        %dma_wait3A_297 = arith.constant 0 : i32
        %dma_wait3A_298 = tpu.memref_slice %arg7[%sub3A_290, %dma_wait3A_297] : memref<160x128xi32, #tpu.memory_space<vmem>> -> memref<1x128xi32, #tpu.memory_space<vmem>>
        %dma_wait3A_299 = tpu.memref_squeeze %dma_wait3A_298 : memref<1x128xi32, #tpu.memory_space<vmem>> -> memref<128xi32, #tpu.memory_space<vmem>>
        %dma_wait3A_300 = arith.constant 0 : i32
        %dma_wait3A_301 = arith.constant 0 : i32
        %dma_wait3A_302 = tpu.memref_slice %arg11[%dma_wait3A_300, %dma_wait3A_301] : memref<10240x64xf32, #tpu.memory_space<vmem_shared>> -> memref<10240x64xf32, #tpu.memory_space<vmem_shared>>
        %dma_wait3A_303 = tpu.memref_slice %arg13[%dma_wait3A_292] : memref<2x!tpu.dma_semaphore, #tpu.memory_space<semaphore_mem>> -> memref<1x!tpu.dma_semaphore, #tpu.memory_space<semaphore_mem>>
        %dma_wait3A_304 = tpu.memref_squeeze %dma_wait3A_303 : memref<1x!tpu.dma_semaphore, #tpu.memory_space<semaphore_mem>> -> memref<!tpu.dma_semaphore, #tpu.memory_space<semaphore_mem>>
        tpu.wait_indirect_dma semaphore(%dma_wait3A_304 : memref<!tpu.dma_semaphore, #tpu.memory_space<semaphore_mem>>) src(%dma_wait3A_296 : memref<128x64xf32, #tpu.memory_space<vmem>>) dst(%dma_wait3A_302 : memref<10240x64xf32, #tpu.memory_space<vmem_shared>>)
      } else {
      }
      %dma_wait3A_101 = arith.constant 0 : i32
      %dma_wait3A_102 = arith.constant 0 : i32
      %dma_wait3A_103 = arith.constant 0 : i32
      %dma_wait3A_104 = arith.constant 0 : i32
      %dma_wait3A_105 = tpu.memref_slice %arg8[%dma_wait3A_101, %dma_wait3A_103, %dma_wait3A_104] : memref<4x128x64xbf16, #tpu.memory_space<vmem>> -> memref<1x128x64xbf16, #tpu.memory_space<vmem>>
      %dma_wait3A_106 = tpu.memref_squeeze %dma_wait3A_105 : memref<1x128x64xbf16, #tpu.memory_space<vmem>> -> memref<128x64xbf16, #tpu.memory_space<vmem>>
      %dma_wait3A_107 = arith.constant 0 : i32
      %dma_wait3A_108 = tpu.memref_slice %arg6[%add3A_92, %dma_wait3A_107] : memref<160x128xi32, #tpu.memory_space<vmem>> -> memref<1x128xi32, #tpu.memory_space<vmem>>
      %dma_wait3A_109 = tpu.memref_squeeze %dma_wait3A_108 : memref<1x128xi32, #tpu.memory_space<vmem>> -> memref<128xi32, #tpu.memory_space<vmem>>
      %dma_wait3A_110 = arith.constant 0 : i32
      %dma_wait3A_111 = arith.constant 0 : i32
      %dma_wait3A_112 = tpu.memref_slice %arg2[%dma_wait3A_110, %dma_wait3A_111] : memref<20480x64xbf16, #tpu.memory_space<hbm>> -> memref<20480x64xbf16, #tpu.memory_space<hbm>>
      %dma_wait3A_113 = tpu.memref_slice %arg12[%dma_wait3A_102] : memref<4x!tpu.dma_semaphore, #tpu.memory_space<semaphore_mem>> -> memref<1x!tpu.dma_semaphore, #tpu.memory_space<semaphore_mem>>
      %dma_wait3A_114 = tpu.memref_squeeze %dma_wait3A_113 : memref<1x!tpu.dma_semaphore, #tpu.memory_space<semaphore_mem>> -> memref<!tpu.dma_semaphore, #tpu.memory_space<semaphore_mem>>
      tpu.wait_indirect_dma semaphore(%dma_wait3A_114 : memref<!tpu.dma_semaphore, #tpu.memory_space<semaphore_mem>>) src(%dma_wait3A_112 : memref<20480x64xbf16, #tpu.memory_space<hbm>>) dst(%dma_wait3A_106 : memref<128x64xbf16, #tpu.memory_space<vmem>>)
      %scan3A_115 = arith.constant 0 : i32
      %scan3A_116 = arith.constant 0 : i32
      %scan3A_117 = arith.constant 128 : i32
      %scan3A_118 = arith.addi %scan3A_116, %scan3A_117 : i32
      %scan3A_119 = arith.constant 1 : i32
      %scan3A_120 = scf.for %scan3A_290 = %scan3A_116 to %scan3A_118 step %scan3A_119 iter_args(%scan3A_291 = %scan3A_115) -> (i32)  : i32 {
        %get3A = arith.constant 0 : i32
        %get3A_292 = arith.index_cast %get3A : i32 to index
        %get3A_293 = arith.index_cast %scan3A_290 : i32 to index
        %get3A_294 = arith.constant 0 : index
        %get3A_295 = tpu.vector_load %arg8[%get3A_292, %get3A_293, %get3A_294] {strides = array<i32>} : memref<4x128x64xbf16, #tpu.memory_space<vmem>>, vector<32xbf16>,
        %unpack3A = tpu.unpack_subelements %get3A_295, 0 {pack_format = #tpu.pack_format<interleaved>} : vector<32xbf16> -> vector<16xf32>
        %unpack3A_296 = tpu.unpack_subelements %get3A_295, 1 {pack_format = #tpu.pack_format<interleaved>} : vector<32xbf16> -> vector<16xf32>
        %swap3A = arith.constant 0 : i32
        %swap3A_297 = arith.index_cast %swap3A : i32 to index
        %swap3A_298 = arith.index_cast %scan3A_290 : i32 to index
        %swap3A_299 = arith.constant 0 : index
        %swap3A_300 = tpu.vector_load %arg9[%swap3A_297, %swap3A_298, %swap3A_299] {strides = array<i32>} : memref<2x128x64xf32, #tpu.memory_space<vmem>>, vector<16xf32>,
        tpu.vector_store %arg9[%swap3A_297, %swap3A_298, %swap3A_299], %unpack3A {strides = array<i32>} : memref<2x128x64xf32, #tpu.memory_space<vmem>>, vector<16xf32>,
        %swap3A_301 = arith.constant 0 : i32
        %swap3A_302 = arith.index_cast %swap3A_301 : i32 to index
        %swap3A_303 = arith.index_cast %scan3A_290 : i32 to index
        %swap3A_304 = arith.constant 16 : index
        %swap3A_305 = tpu.vector_load %arg9[%swap3A_302, %swap3A_303, %swap3A_304] {strides = array<i32>} : memref<2x128x64xf32, #tpu.memory_space<vmem>>, vector<16xf32>,
        tpu.vector_store %arg9[%swap3A_302, %swap3A_303, %swap3A_304], %unpack3A_296 {strides = array<i32>} : memref<2x128x64xf32, #tpu.memory_space<vmem>>, vector<16xf32>,
        %get3A_306 = arith.constant 0 : i32
        %get3A_307 = arith.index_cast %get3A_306 : i32 to index
        %get3A_308 = arith.index_cast %scan3A_290 : i32 to index
        %get3A_309 = arith.constant 32 : index
        %get3A_310 = tpu.vector_load %arg8[%get3A_307, %get3A_308, %get3A_309] {strides = array<i32>} : memref<4x128x64xbf16, #tpu.memory_space<vmem>>, vector<32xbf16>,
        %unpack3A_311 = tpu.unpack_subelements %get3A_310, 0 {pack_format = #tpu.pack_format<interleaved>} : vector<32xbf16> -> vector<16xf32>
        %unpack3A_312 = tpu.unpack_subelements %get3A_310, 1 {pack_format = #tpu.pack_format<interleaved>} : vector<32xbf16> -> vector<16xf32>
        %swap3A_313 = arith.constant 0 : i32
        %swap3A_314 = arith.index_cast %swap3A_313 : i32 to index
        %swap3A_315 = arith.index_cast %scan3A_290 : i32 to index
        %swap3A_316 = arith.constant 32 : index
        %swap3A_317 = tpu.vector_load %arg9[%swap3A_314, %swap3A_315, %swap3A_316] {strides = array<i32>} : memref<2x128x64xf32, #tpu.memory_space<vmem>>, vector<16xf32>,
        tpu.vector_store %arg9[%swap3A_314, %swap3A_315, %swap3A_316], %unpack3A_311 {strides = array<i32>} : memref<2x128x64xf32, #tpu.memory_space<vmem>>, vector<16xf32>,
        %swap3A_318 = arith.constant 0 : i32
        %swap3A_319 = arith.index_cast %swap3A_318 : i32 to index
        %swap3A_320 = arith.index_cast %scan3A_290 : i32 to index
        %swap3A_321 = arith.constant 48 : index
        %swap3A_322 = tpu.vector_load %arg9[%swap3A_319, %swap3A_320, %swap3A_321] {strides = array<i32>} : memref<2x128x64xf32, #tpu.memory_space<vmem>>, vector<16xf32>,
        tpu.vector_store %arg9[%swap3A_319, %swap3A_320, %swap3A_321], %unpack3A_312 {strides = array<i32>} : memref<2x128x64xf32, #tpu.memory_space<vmem>>, vector<16xf32>,
        %scan3A_323 = arith.constant 0 : i32
        scf.yield %scan3A_323 : i32
      }
      %scan3A_121 = arith.constant 128 : i32
      %dma_start3A_122 = arith.constant 0 : i32
      %dma_start3A_123 = arith.constant 0 : i32
      %dma_start3A_124 = arith.constant 0 : i32
      %dma_start3A_125 = arith.constant 0 : i32
      %dma_start3A_126 = tpu.memref_slice %arg9[%dma_start3A_122, %dma_start3A_124, %dma_start3A_125] : memref<2x128x64xf32, #tpu.memory_space<vmem>> -> memref<1x128x64xf32, #tpu.memory_space<vmem>>
      %dma_start3A_127 = tpu.memref_squeeze %dma_start3A_126 : memref<1x128x64xf32, #tpu.memory_space<vmem>> -> memref<128x64xf32, #tpu.memory_space<vmem>>
      %dma_start3A_128 = arith.constant 0 : i32
      %dma_start3A_129 = tpu.memref_slice %arg7[%add3A_92, %dma_start3A_128] : memref<160x128xi32, #tpu.memory_space<vmem>> -> memref<1x128xi32, #tpu.memory_space<vmem>>
      %dma_start3A_130 = tpu.memref_squeeze %dma_start3A_129 : memref<1x128xi32, #tpu.memory_space<vmem>> -> memref<128xi32, #tpu.memory_space<vmem>>
      %dma_start3A_131 = arith.constant 0 : i32
      %dma_start3A_132 = arith.constant 0 : i32
      %dma_start3A_133 = tpu.memref_slice %arg11[%dma_start3A_131, %dma_start3A_132] : memref<10240x64xf32, #tpu.memory_space<vmem_shared>> -> memref<10240x64xf32, #tpu.memory_space<vmem_shared>>
      %dma_start3A_134 = tpu.memref_slice %arg13[%dma_start3A_123] : memref<2x!tpu.dma_semaphore, #tpu.memory_space<semaphore_mem>> -> memref<1x!tpu.dma_semaphore, #tpu.memory_space<semaphore_mem>>
      %dma_start3A_135 = tpu.memref_squeeze %dma_start3A_134 : memref<1x!tpu.dma_semaphore, #tpu.memory_space<semaphore_mem>> -> memref<!tpu.dma_semaphore, #tpu.memory_space<semaphore_mem>>
      tpu.enqueue_indirect_dma source(%dma_start3A_127 : memref<128x64xf32, #tpu.memory_space<vmem>>) target(%dma_start3A_133 : memref<10240x64xf32, #tpu.memory_space<vmem_shared>>) offsets(%dma_start3A_130 : memref<128xi32, #tpu.memory_space<vmem>>) semaphore(%dma_start3A_135 : memref<!tpu.dma_semaphore, #tpu.memory_space<semaphore_mem>>) {add = true}
      %mul3A_136 = arith.constant 4 : i32
      %mul3A_137 = arith.muli %scan3A_87, %mul3A_136 : i32
      %add3A_138 = arith.constant 1 : i32
      %add3A_139 = arith.addi %mul3A_137, %add3A_138 : i32
      %add3A_140 = arith.constant 2 : i32
      %add3A_141 = arith.addi %add3A_139, %add3A_140 : i32
      %lt3A_142 = arith.constant 160 : i32
      %lt3A_143 = arith.cmpi slt, %add3A_141, %lt3A_142 : i32
      %convert_element_type3A_144 = arith.extui %lt3A_143 : i1 to i32
      %cond3A_145 = arith.constant 0 : i32
      %cond3A_146 = arith.cmpi ne, %convert_element_type3A_144, %cond3A_145 : i32
      scf.if %cond3A_146 {
        %add3A_290 = arith.constant 2 : i32
        %add3A_291 = arith.addi %add3A_139, %add3A_290 : i32
        %dma_start3A_292 = arith.constant 3 : i32
        %dma_start3A_293 = arith.constant 3 : i32
        %dma_start3A_294 = arith.constant 0 : i32
        %dma_start3A_295 = arith.constant 0 : i32
        %dma_start3A_296 = tpu.memref_slice %arg8[%dma_start3A_292, %dma_start3A_294, %dma_start3A_295] : memref<4x128x64xbf16, #tpu.memory_space<vmem>> -> memref<1x128x64xbf16, #tpu.memory_space<vmem>>
        %dma_start3A_297 = tpu.memref_squeeze %dma_start3A_296 : memref<1x128x64xbf16, #tpu.memory_space<vmem>> -> memref<128x64xbf16, #tpu.memory_space<vmem>>
        %dma_start3A_298 = arith.constant 0 : i32
        %dma_start3A_299 = tpu.memref_slice %arg6[%add3A_291, %dma_start3A_298] : memref<160x128xi32, #tpu.memory_space<vmem>> -> memref<1x128xi32, #tpu.memory_space<vmem>>
        %dma_start3A_300 = tpu.memref_squeeze %dma_start3A_299 : memref<1x128xi32, #tpu.memory_space<vmem>> -> memref<128xi32, #tpu.memory_space<vmem>>
        %dma_start3A_301 = arith.constant 0 : i32
        %dma_start3A_302 = arith.constant 0 : i32
        %dma_start3A_303 = tpu.memref_slice %arg2[%dma_start3A_301, %dma_start3A_302] : memref<20480x64xbf16, #tpu.memory_space<hbm>> -> memref<20480x64xbf16, #tpu.memory_space<hbm>>
        %dma_start3A_304 = tpu.memref_slice %arg12[%dma_start3A_293] : memref<4x!tpu.dma_semaphore, #tpu.memory_space<semaphore_mem>> -> memref<1x!tpu.dma_semaphore, #tpu.memory_space<semaphore_mem>>
        %dma_start3A_305 = tpu.memref_squeeze %dma_start3A_304 : memref<1x!tpu.dma_semaphore, #tpu.memory_space<semaphore_mem>> -> memref<!tpu.dma_semaphore, #tpu.memory_space<semaphore_mem>>
        tpu.enqueue_indirect_dma source(%dma_start3A_303 : memref<20480x64xbf16, #tpu.memory_space<hbm>>) target(%dma_start3A_297 : memref<128x64xbf16, #tpu.memory_space<vmem>>) offsets(%dma_start3A_300 : memref<128xi32, #tpu.memory_space<vmem>>) semaphore(%dma_start3A_305 : memref<!tpu.dma_semaphore, #tpu.memory_space<semaphore_mem>>)
      } else {
      }
      %ge3A_147 = arith.constant 2 : i32
      %ge3A_148 = arith.cmpi sge, %add3A_139, %ge3A_147 : i32
      %convert_element_type3A_149 = arith.extui %ge3A_148 : i1 to i32
      %cond3A_150 = arith.constant 0 : i32
      %cond3A_151 = arith.cmpi ne, %convert_element_type3A_149, %cond3A_150 : i32
      scf.if %cond3A_151 {
        %sub3A = arith.constant 2 : i32
        %sub3A_290 = arith.subi %add3A_139, %sub3A : i32
        %dma_wait3A_291 = arith.constant 1 : i32
        %dma_wait3A_292 = arith.constant 1 : i32
        %dma_wait3A_293 = arith.constant 0 : i32
        %dma_wait3A_294 = arith.constant 0 : i32
        %dma_wait3A_295 = tpu.memref_slice %arg9[%dma_wait3A_291, %dma_wait3A_293, %dma_wait3A_294] : memref<2x128x64xf32, #tpu.memory_space<vmem>> -> memref<1x128x64xf32, #tpu.memory_space<vmem>>
        %dma_wait3A_296 = tpu.memref_squeeze %dma_wait3A_295 : memref<1x128x64xf32, #tpu.memory_space<vmem>> -> memref<128x64xf32, #tpu.memory_space<vmem>>
        %dma_wait3A_297 = arith.constant 0 : i32
        %dma_wait3A_298 = tpu.memref_slice %arg7[%sub3A_290, %dma_wait3A_297] : memref<160x128xi32, #tpu.memory_space<vmem>> -> memref<1x128xi32, #tpu.memory_space<vmem>>
        %dma_wait3A_299 = tpu.memref_squeeze %dma_wait3A_298 : memref<1x128xi32, #tpu.memory_space<vmem>> -> memref<128xi32, #tpu.memory_space<vmem>>
        %dma_wait3A_300 = arith.constant 0 : i32
        %dma_wait3A_301 = arith.constant 0 : i32
        %dma_wait3A_302 = tpu.memref_slice %arg11[%dma_wait3A_300, %dma_wait3A_301] : memref<10240x64xf32, #tpu.memory_space<vmem_shared>> -> memref<10240x64xf32, #tpu.memory_space<vmem_shared>>
        %dma_wait3A_303 = tpu.memref_slice %arg13[%dma_wait3A_292] : memref<2x!tpu.dma_semaphore, #tpu.memory_space<semaphore_mem>> -> memref<1x!tpu.dma_semaphore, #tpu.memory_space<semaphore_mem>>
        %dma_wait3A_304 = tpu.memref_squeeze %dma_wait3A_303 : memref<1x!tpu.dma_semaphore, #tpu.memory_space<semaphore_mem>> -> memref<!tpu.dma_semaphore, #tpu.memory_space<semaphore_mem>>
        tpu.wait_indirect_dma semaphore(%dma_wait3A_304 : memref<!tpu.dma_semaphore, #tpu.memory_space<semaphore_mem>>) src(%dma_wait3A_296 : memref<128x64xf32, #tpu.memory_space<vmem>>) dst(%dma_wait3A_302 : memref<10240x64xf32, #tpu.memory_space<vmem_shared>>)
      } else {
      }
      %dma_wait3A_152 = arith.constant 1 : i32
      %dma_wait3A_153 = arith.constant 1 : i32
      %dma_wait3A_154 = arith.constant 0 : i32
      %dma_wait3A_155 = arith.constant 0 : i32
      %dma_wait3A_156 = tpu.memref_slice %arg8[%dma_wait3A_152, %dma_wait3A_154, %dma_wait3A_155] : memref<4x128x64xbf16, #tpu.memory_space<vmem>> -> memref<1x128x64xbf16, #tpu.memory_space<vmem>>
      %dma_wait3A_157 = tpu.memref_squeeze %dma_wait3A_156 : memref<1x128x64xbf16, #tpu.memory_space<vmem>> -> memref<128x64xbf16, #tpu.memory_space<vmem>>
      %dma_wait3A_158 = arith.constant 0 : i32
      %dma_wait3A_159 = tpu.memref_slice %arg6[%add3A_139, %dma_wait3A_158] : memref<160x128xi32, #tpu.memory_space<vmem>> -> memref<1x128xi32, #tpu.memory_space<vmem>>
      %dma_wait3A_160 = tpu.memref_squeeze %dma_wait3A_159 : memref<1x128xi32, #tpu.memory_space<vmem>> -> memref<128xi32, #tpu.memory_space<vmem>>
      %dma_wait3A_161 = arith.constant 0 : i32
      %dma_wait3A_162 = arith.constant 0 : i32
      %dma_wait3A_163 = tpu.memref_slice %arg2[%dma_wait3A_161, %dma_wait3A_162] : memref<20480x64xbf16, #tpu.memory_space<hbm>> -> memref<20480x64xbf16, #tpu.memory_space<hbm>>
      %dma_wait3A_164 = tpu.memref_slice %arg12[%dma_wait3A_153] : memref<4x!tpu.dma_semaphore, #tpu.memory_space<semaphore_mem>> -> memref<1x!tpu.dma_semaphore, #tpu.memory_space<semaphore_mem>>
      %dma_wait3A_165 = tpu.memref_squeeze %dma_wait3A_164 : memref<1x!tpu.dma_semaphore, #tpu.memory_space<semaphore_mem>> -> memref<!tpu.dma_semaphore, #tpu.memory_space<semaphore_mem>>
      tpu.wait_indirect_dma semaphore(%dma_wait3A_165 : memref<!tpu.dma_semaphore, #tpu.memory_space<semaphore_mem>>) src(%dma_wait3A_163 : memref<20480x64xbf16, #tpu.memory_space<hbm>>) dst(%dma_wait3A_157 : memref<128x64xbf16, #tpu.memory_space<vmem>>)
      %scan3A_166 = arith.constant 0 : i32
      %scan3A_167 = arith.constant 0 : i32
      %scan3A_168 = arith.constant 128 : i32
      %scan3A_169 = arith.addi %scan3A_167, %scan3A_168 : i32
      %scan3A_170 = arith.constant 1 : i32
      %scan3A_171 = scf.for %scan3A_290 = %scan3A_167 to %scan3A_169 step %scan3A_170 iter_args(%scan3A_291 = %scan3A_166) -> (i32)  : i32 {
        %get3A = arith.constant 1 : i32
        %get3A_292 = arith.index_cast %get3A : i32 to index
        %get3A_293 = arith.index_cast %scan3A_290 : i32 to index
        %get3A_294 = arith.constant 0 : index
        %get3A_295 = tpu.vector_load %arg8[%get3A_292, %get3A_293, %get3A_294] {strides = array<i32>} : memref<4x128x64xbf16, #tpu.memory_space<vmem>>, vector<32xbf16>,
        %unpack3A = tpu.unpack_subelements %get3A_295, 0 {pack_format = #tpu.pack_format<interleaved>} : vector<32xbf16> -> vector<16xf32>
        %unpack3A_296 = tpu.unpack_subelements %get3A_295, 1 {pack_format = #tpu.pack_format<interleaved>} : vector<32xbf16> -> vector<16xf32>
        %swap3A = arith.constant 1 : i32
        %swap3A_297 = arith.index_cast %swap3A : i32 to index
        %swap3A_298 = arith.index_cast %scan3A_290 : i32 to index
        %swap3A_299 = arith.constant 0 : index
        %swap3A_300 = tpu.vector_load %arg9[%swap3A_297, %swap3A_298, %swap3A_299] {strides = array<i32>} : memref<2x128x64xf32, #tpu.memory_space<vmem>>, vector<16xf32>,
        tpu.vector_store %arg9[%swap3A_297, %swap3A_298, %swap3A_299], %unpack3A {strides = array<i32>} : memref<2x128x64xf32, #tpu.memory_space<vmem>>, vector<16xf32>,
        %swap3A_301 = arith.constant 1 : i32
        %swap3A_302 = arith.index_cast %swap3A_301 : i32 to index
        %swap3A_303 = arith.index_cast %scan3A_290 : i32 to index
        %swap3A_304 = arith.constant 16 : index
        %swap3A_305 = tpu.vector_load %arg9[%swap3A_302, %swap3A_303, %swap3A_304] {strides = array<i32>} : memref<2x128x64xf32, #tpu.memory_space<vmem>>, vector<16xf32>,
        tpu.vector_store %arg9[%swap3A_302, %swap3A_303, %swap3A_304], %unpack3A_296 {strides = array<i32>} : memref<2x128x64xf32, #tpu.memory_space<vmem>>, vector<16xf32>,
        %get3A_306 = arith.constant 1 : i32
        %get3A_307 = arith.index_cast %get3A_306 : i32 to index
        %get3A_308 = arith.index_cast %scan3A_290 : i32 to index
        %get3A_309 = arith.constant 32 : index
        %get3A_310 = tpu.vector_load %arg8[%get3A_307, %get3A_308, %get3A_309] {strides = array<i32>} : memref<4x128x64xbf16, #tpu.memory_space<vmem>>, vector<32xbf16>,
        %unpack3A_311 = tpu.unpack_subelements %get3A_310, 0 {pack_format = #tpu.pack_format<interleaved>} : vector<32xbf16> -> vector<16xf32>
        %unpack3A_312 = tpu.unpack_subelements %get3A_310, 1 {pack_format = #tpu.pack_format<interleaved>} : vector<32xbf16> -> vector<16xf32>
        %swap3A_313 = arith.constant 1 : i32
        %swap3A_314 = arith.index_cast %swap3A_313 : i32 to index
        %swap3A_315 = arith.index_cast %scan3A_290 : i32 to index
        %swap3A_316 = arith.constant 32 : index
        %swap3A_317 = tpu.vector_load %arg9[%swap3A_314, %swap3A_315, %swap3A_316] {strides = array<i32>} : memref<2x128x64xf32, #tpu.memory_space<vmem>>, vector<16xf32>,
        tpu.vector_store %arg9[%swap3A_314, %swap3A_315, %swap3A_316], %unpack3A_311 {strides = array<i32>} : memref<2x128x64xf32, #tpu.memory_space<vmem>>, vector<16xf32>,
        %swap3A_318 = arith.constant 1 : i32
        %swap3A_319 = arith.index_cast %swap3A_318 : i32 to index
        %swap3A_320 = arith.index_cast %scan3A_290 : i32 to index
        %swap3A_321 = arith.constant 48 : index
        %swap3A_322 = tpu.vector_load %arg9[%swap3A_319, %swap3A_320, %swap3A_321] {strides = array<i32>} : memref<2x128x64xf32, #tpu.memory_space<vmem>>, vector<16xf32>,
        tpu.vector_store %arg9[%swap3A_319, %swap3A_320, %swap3A_321], %unpack3A_312 {strides = array<i32>} : memref<2x128x64xf32, #tpu.memory_space<vmem>>, vector<16xf32>,
        %scan3A_323 = arith.constant 0 : i32
        scf.yield %scan3A_323 : i32
      }
      %scan3A_172 = arith.constant 128 : i32
      %dma_start3A_173 = arith.constant 1 : i32
      %dma_start3A_174 = arith.constant 1 : i32
      %dma_start3A_175 = arith.constant 0 : i32
      %dma_start3A_176 = arith.constant 0 : i32
      %dma_start3A_177 = tpu.memref_slice %arg9[%dma_start3A_173, %dma_start3A_175, %dma_start3A_176] : memref<2x128x64xf32, #tpu.memory_space<vmem>> -> memref<1x128x64xf32, #tpu.memory_space<vmem>>
      %dma_start3A_178 = tpu.memref_squeeze %dma_start3A_177 : memref<1x128x64xf32, #tpu.memory_space<vmem>> -> memref<128x64xf32, #tpu.memory_space<vmem>>
      %dma_start3A_179 = arith.constant 0 : i32
      %dma_start3A_180 = tpu.memref_slice %arg7[%add3A_139, %dma_start3A_179] : memref<160x128xi32, #tpu.memory_space<vmem>> -> memref<1x128xi32, #tpu.memory_space<vmem>>
      %dma_start3A_181 = tpu.memref_squeeze %dma_start3A_180 : memref<1x128xi32, #tpu.memory_space<vmem>> -> memref<128xi32, #tpu.memory_space<vmem>>
      %dma_start3A_182 = arith.constant 0 : i32
      %dma_start3A_183 = arith.constant 0 : i32
      %dma_start3A_184 = tpu.memref_slice %arg11[%dma_start3A_182, %dma_start3A_183] : memref<10240x64xf32, #tpu.memory_space<vmem_shared>> -> memref<10240x64xf32, #tpu.memory_space<vmem_shared>>
      %dma_start3A_185 = tpu.memref_slice %arg13[%dma_start3A_174] : memref<2x!tpu.dma_semaphore, #tpu.memory_space<semaphore_mem>> -> memref<1x!tpu.dma_semaphore, #tpu.memory_space<semaphore_mem>>
      %dma_start3A_186 = tpu.memref_squeeze %dma_start3A_185 : memref<1x!tpu.dma_semaphore, #tpu.memory_space<semaphore_mem>> -> memref<!tpu.dma_semaphore, #tpu.memory_space<semaphore_mem>>
      tpu.enqueue_indirect_dma source(%dma_start3A_178 : memref<128x64xf32, #tpu.memory_space<vmem>>) target(%dma_start3A_184 : memref<10240x64xf32, #tpu.memory_space<vmem_shared>>) offsets(%dma_start3A_181 : memref<128xi32, #tpu.memory_space<vmem>>) semaphore(%dma_start3A_186 : memref<!tpu.dma_semaphore, #tpu.memory_space<semaphore_mem>>) {add = true}
      %mul3A_187 = arith.constant 4 : i32
      %mul3A_188 = arith.muli %scan3A_87, %mul3A_187 : i32
      %add3A_189 = arith.constant 2 : i32
      %add3A_190 = arith.addi %mul3A_188, %add3A_189 : i32
      %add3A_191 = arith.constant 2 : i32
      %add3A_192 = arith.addi %add3A_190, %add3A_191 : i32
      %lt3A_193 = arith.constant 160 : i32
      %lt3A_194 = arith.cmpi slt, %add3A_192, %lt3A_193 : i32
      %convert_element_type3A_195 = arith.extui %lt3A_194 : i1 to i32
      %cond3A_196 = arith.constant 0 : i32
      %cond3A_197 = arith.cmpi ne, %convert_element_type3A_195, %cond3A_196 : i32
      scf.if %cond3A_197 {
        %add3A_290 = arith.constant 2 : i32
        %add3A_291 = arith.addi %add3A_190, %add3A_290 : i32
        %dma_start3A_292 = arith.constant 0 : i32
        %dma_start3A_293 = arith.constant 0 : i32
        %dma_start3A_294 = arith.constant 0 : i32
        %dma_start3A_295 = arith.constant 0 : i32
        %dma_start3A_296 = tpu.memref_slice %arg8[%dma_start3A_292, %dma_start3A_294, %dma_start3A_295] : memref<4x128x64xbf16, #tpu.memory_space<vmem>> -> memref<1x128x64xbf16, #tpu.memory_space<vmem>>
        %dma_start3A_297 = tpu.memref_squeeze %dma_start3A_296 : memref<1x128x64xbf16, #tpu.memory_space<vmem>> -> memref<128x64xbf16, #tpu.memory_space<vmem>>
        %dma_start3A_298 = arith.constant 0 : i32
        %dma_start3A_299 = tpu.memref_slice %arg6[%add3A_291, %dma_start3A_298] : memref<160x128xi32, #tpu.memory_space<vmem>> -> memref<1x128xi32, #tpu.memory_space<vmem>>
        %dma_start3A_300 = tpu.memref_squeeze %dma_start3A_299 : memref<1x128xi32, #tpu.memory_space<vmem>> -> memref<128xi32, #tpu.memory_space<vmem>>
        %dma_start3A_301 = arith.constant 0 : i32
        %dma_start3A_302 = arith.constant 0 : i32
        %dma_start3A_303 = tpu.memref_slice %arg2[%dma_start3A_301, %dma_start3A_302] : memref<20480x64xbf16, #tpu.memory_space<hbm>> -> memref<20480x64xbf16, #tpu.memory_space<hbm>>
        %dma_start3A_304 = tpu.memref_slice %arg12[%dma_start3A_293] : memref<4x!tpu.dma_semaphore, #tpu.memory_space<semaphore_mem>> -> memref<1x!tpu.dma_semaphore, #tpu.memory_space<semaphore_mem>>
        %dma_start3A_305 = tpu.memref_squeeze %dma_start3A_304 : memref<1x!tpu.dma_semaphore, #tpu.memory_space<semaphore_mem>> -> memref<!tpu.dma_semaphore, #tpu.memory_space<semaphore_mem>>
        tpu.enqueue_indirect_dma source(%dma_start3A_303 : memref<20480x64xbf16, #tpu.memory_space<hbm>>) target(%dma_start3A_297 : memref<128x64xbf16, #tpu.memory_space<vmem>>) offsets(%dma_start3A_300 : memref<128xi32, #tpu.memory_space<vmem>>) semaphore(%dma_start3A_305 : memref<!tpu.dma_semaphore, #tpu.memory_space<semaphore_mem>>)
      } else {
      }
      %ge3A_198 = arith.constant 2 : i32
      %ge3A_199 = arith.cmpi sge, %add3A_190, %ge3A_198 : i32
      %convert_element_type3A_200 = arith.extui %ge3A_199 : i1 to i32
      %cond3A_201 = arith.constant 0 : i32
      %cond3A_202 = arith.cmpi ne, %convert_element_type3A_200, %cond3A_201 : i32
      scf.if %cond3A_202 {
        %sub3A = arith.constant 2 : i32
        %sub3A_290 = arith.subi %add3A_190, %sub3A : i32
        %dma_wait3A_291 = arith.constant 0 : i32
        %dma_wait3A_292 = arith.constant 0 : i32
        %dma_wait3A_293 = arith.constant 0 : i32
        %dma_wait3A_294 = arith.constant 0 : i32
        %dma_wait3A_295 = tpu.memref_slice %arg9[%dma_wait3A_291, %dma_wait3A_293, %dma_wait3A_294] : memref<2x128x64xf32, #tpu.memory_space<vmem>> -> memref<1x128x64xf32, #tpu.memory_space<vmem>>
        %dma_wait3A_296 = tpu.memref_squeeze %dma_wait3A_295 : memref<1x128x64xf32, #tpu.memory_space<vmem>> -> memref<128x64xf32, #tpu.memory_space<vmem>>
        %dma_wait3A_297 = arith.constant 0 : i32
        %dma_wait3A_298 = tpu.memref_slice %arg7[%sub3A_290, %dma_wait3A_297] : memref<160x128xi32, #tpu.memory_space<vmem>> -> memref<1x128xi32, #tpu.memory_space<vmem>>
        %dma_wait3A_299 = tpu.memref_squeeze %dma_wait3A_298 : memref<1x128xi32, #tpu.memory_space<vmem>> -> memref<128xi32, #tpu.memory_space<vmem>>
        %dma_wait3A_300 = arith.constant 0 : i32
        %dma_wait3A_301 = arith.constant 0 : i32
        %dma_wait3A_302 = tpu.memref_slice %arg11[%dma_wait3A_300, %dma_wait3A_301] : memref<10240x64xf32, #tpu.memory_space<vmem_shared>> -> memref<10240x64xf32, #tpu.memory_space<vmem_shared>>
        %dma_wait3A_303 = tpu.memref_slice %arg13[%dma_wait3A_292] : memref<2x!tpu.dma_semaphore, #tpu.memory_space<semaphore_mem>> -> memref<1x!tpu.dma_semaphore, #tpu.memory_space<semaphore_mem>>
        %dma_wait3A_304 = tpu.memref_squeeze %dma_wait3A_303 : memref<1x!tpu.dma_semaphore, #tpu.memory_space<semaphore_mem>> -> memref<!tpu.dma_semaphore, #tpu.memory_space<semaphore_mem>>
        tpu.wait_indirect_dma semaphore(%dma_wait3A_304 : memref<!tpu.dma_semaphore, #tpu.memory_space<semaphore_mem>>) src(%dma_wait3A_296 : memref<128x64xf32, #tpu.memory_space<vmem>>) dst(%dma_wait3A_302 : memref<10240x64xf32, #tpu.memory_space<vmem_shared>>)
      } else {
      }
      %dma_wait3A_203 = arith.constant 2 : i32
      %dma_wait3A_204 = arith.constant 2 : i32
      %dma_wait3A_205 = arith.constant 0 : i32
      %dma_wait3A_206 = arith.constant 0 : i32
      %dma_wait3A_207 = tpu.memref_slice %arg8[%dma_wait3A_203, %dma_wait3A_205, %dma_wait3A_206] : memref<4x128x64xbf16, #tpu.memory_space<vmem>> -> memref<1x128x64xbf16, #tpu.memory_space<vmem>>
      %dma_wait3A_208 = tpu.memref_squeeze %dma_wait3A_207 : memref<1x128x64xbf16, #tpu.memory_space<vmem>> -> memref<128x64xbf16, #tpu.memory_space<vmem>>
      %dma_wait3A_209 = arith.constant 0 : i32
      %dma_wait3A_210 = tpu.memref_slice %arg6[%add3A_190, %dma_wait3A_209] : memref<160x128xi32, #tpu.memory_space<vmem>> -> memref<1x128xi32, #tpu.memory_space<vmem>>
      %dma_wait3A_211 = tpu.memref_squeeze %dma_wait3A_210 : memref<1x128xi32, #tpu.memory_space<vmem>> -> memref<128xi32, #tpu.memory_space<vmem>>
      %dma_wait3A_212 = arith.constant 0 : i32
      %dma_wait3A_213 = arith.constant 0 : i32
      %dma_wait3A_214 = tpu.memref_slice %arg2[%dma_wait3A_212, %dma_wait3A_213] : memref<20480x64xbf16, #tpu.memory_space<hbm>> -> memref<20480x64xbf16, #tpu.memory_space<hbm>>
      %dma_wait3A_215 = tpu.memref_slice %arg12[%dma_wait3A_204] : memref<4x!tpu.dma_semaphore, #tpu.memory_space<semaphore_mem>> -> memref<1x!tpu.dma_semaphore, #tpu.memory_space<semaphore_mem>>
      %dma_wait3A_216 = tpu.memref_squeeze %dma_wait3A_215 : memref<1x!tpu.dma_semaphore, #tpu.memory_space<semaphore_mem>> -> memref<!tpu.dma_semaphore, #tpu.memory_space<semaphore_mem>>
      tpu.wait_indirect_dma semaphore(%dma_wait3A_216 : memref<!tpu.dma_semaphore, #tpu.memory_space<semaphore_mem>>) src(%dma_wait3A_214 : memref<20480x64xbf16, #tpu.memory_space<hbm>>) dst(%dma_wait3A_208 : memref<128x64xbf16, #tpu.memory_space<vmem>>)
      %scan3A_217 = arith.constant 0 : i32
      %scan3A_218 = arith.constant 0 : i32
      %scan3A_219 = arith.constant 128 : i32
      %scan3A_220 = arith.addi %scan3A_218, %scan3A_219 : i32
      %scan3A_221 = arith.constant 1 : i32
      %scan3A_222 = scf.for %scan3A_290 = %scan3A_218 to %scan3A_220 step %scan3A_221 iter_args(%scan3A_291 = %scan3A_217) -> (i32)  : i32 {
        %get3A = arith.constant 2 : i32
        %get3A_292 = arith.index_cast %get3A : i32 to index
        %get3A_293 = arith.index_cast %scan3A_290 : i32 to index
        %get3A_294 = arith.constant 0 : index
        %get3A_295 = tpu.vector_load %arg8[%get3A_292, %get3A_293, %get3A_294] {strides = array<i32>} : memref<4x128x64xbf16, #tpu.memory_space<vmem>>, vector<32xbf16>,
        %unpack3A = tpu.unpack_subelements %get3A_295, 0 {pack_format = #tpu.pack_format<interleaved>} : vector<32xbf16> -> vector<16xf32>
        %unpack3A_296 = tpu.unpack_subelements %get3A_295, 1 {pack_format = #tpu.pack_format<interleaved>} : vector<32xbf16> -> vector<16xf32>
        %swap3A = arith.constant 0 : i32
        %swap3A_297 = arith.index_cast %swap3A : i32 to index
        %swap3A_298 = arith.index_cast %scan3A_290 : i32 to index
        %swap3A_299 = arith.constant 0 : index
        %swap3A_300 = tpu.vector_load %arg9[%swap3A_297, %swap3A_298, %swap3A_299] {strides = array<i32>} : memref<2x128x64xf32, #tpu.memory_space<vmem>>, vector<16xf32>,
        tpu.vector_store %arg9[%swap3A_297, %swap3A_298, %swap3A_299], %unpack3A {strides = array<i32>} : memref<2x128x64xf32, #tpu.memory_space<vmem>>, vector<16xf32>,
        %swap3A_301 = arith.constant 0 : i32
        %swap3A_302 = arith.index_cast %swap3A_301 : i32 to index
        %swap3A_303 = arith.index_cast %scan3A_290 : i32 to index
        %swap3A_304 = arith.constant 16 : index
        %swap3A_305 = tpu.vector_load %arg9[%swap3A_302, %swap3A_303, %swap3A_304] {strides = array<i32>} : memref<2x128x64xf32, #tpu.memory_space<vmem>>, vector<16xf32>,
        tpu.vector_store %arg9[%swap3A_302, %swap3A_303, %swap3A_304], %unpack3A_296 {strides = array<i32>} : memref<2x128x64xf32, #tpu.memory_space<vmem>>, vector<16xf32>,
        %get3A_306 = arith.constant 2 : i32
        %get3A_307 = arith.index_cast %get3A_306 : i32 to index
        %get3A_308 = arith.index_cast %scan3A_290 : i32 to index
        %get3A_309 = arith.constant 32 : index
        %get3A_310 = tpu.vector_load %arg8[%get3A_307, %get3A_308, %get3A_309] {strides = array<i32>} : memref<4x128x64xbf16, #tpu.memory_space<vmem>>, vector<32xbf16>,
        %unpack3A_311 = tpu.unpack_subelements %get3A_310, 0 {pack_format = #tpu.pack_format<interleaved>} : vector<32xbf16> -> vector<16xf32>
        %unpack3A_312 = tpu.unpack_subelements %get3A_310, 1 {pack_format = #tpu.pack_format<interleaved>} : vector<32xbf16> -> vector<16xf32>
        %swap3A_313 = arith.constant 0 : i32
        %swap3A_314 = arith.index_cast %swap3A_313 : i32 to index
        %swap3A_315 = arith.index_cast %scan3A_290 : i32 to index
        %swap3A_316 = arith.constant 32 : index
        %swap3A_317 = tpu.vector_load %arg9[%swap3A_314, %swap3A_315, %swap3A_316] {strides = array<i32>} : memref<2x128x64xf32, #tpu.memory_space<vmem>>, vector<16xf32>,
        tpu.vector_store %arg9[%swap3A_314, %swap3A_315, %swap3A_316], %unpack3A_311 {strides = array<i32>} : memref<2x128x64xf32, #tpu.memory_space<vmem>>, vector<16xf32>,
        %swap3A_318 = arith.constant 0 : i32
        %swap3A_319 = arith.index_cast %swap3A_318 : i32 to index
        %swap3A_320 = arith.index_cast %scan3A_290 : i32 to index
        %swap3A_321 = arith.constant 48 : index
        %swap3A_322 = tpu.vector_load %arg9[%swap3A_319, %swap3A_320, %swap3A_321] {strides = array<i32>} : memref<2x128x64xf32, #tpu.memory_space<vmem>>, vector<16xf32>,
        tpu.vector_store %arg9[%swap3A_319, %swap3A_320, %swap3A_321], %unpack3A_312 {strides = array<i32>} : memref<2x128x64xf32, #tpu.memory_space<vmem>>, vector<16xf32>,
        %scan3A_323 = arith.constant 0 : i32
        scf.yield %scan3A_323 : i32
      }
      %scan3A_223 = arith.constant 128 : i32
      %dma_start3A_224 = arith.constant 0 : i32
      %dma_start3A_225 = arith.constant 0 : i32
      %dma_start3A_226 = arith.constant 0 : i32
      %dma_start3A_227 = arith.constant 0 : i32
      %dma_start3A_228 = tpu.memref_slice %arg9[%dma_start3A_224, %dma_start3A_226, %dma_start3A_227] : memref<2x128x64xf32, #tpu.memory_space<vmem>> -> memref<1x128x64xf32, #tpu.memory_space<vmem>>
      %dma_start3A_229 = tpu.memref_squeeze %dma_start3A_228 : memref<1x128x64xf32, #tpu.memory_space<vmem>> -> memref<128x64xf32, #tpu.memory_space<vmem>>
      %dma_start3A_230 = arith.constant 0 : i32
      %dma_start3A_231 = tpu.memref_slice %arg7[%add3A_190, %dma_start3A_230] : memref<160x128xi32, #tpu.memory_space<vmem>> -> memref<1x128xi32, #tpu.memory_space<vmem>>
      %dma_start3A_232 = tpu.memref_squeeze %dma_start3A_231 : memref<1x128xi32, #tpu.memory_space<vmem>> -> memref<128xi32, #tpu.memory_space<vmem>>
      %dma_start3A_233 = arith.constant 0 : i32
      %dma_start3A_234 = arith.constant 0 : i32
      %dma_start3A_235 = tpu.memref_slice %arg11[%dma_start3A_233, %dma_start3A_234] : memref<10240x64xf32, #tpu.memory_space<vmem_shared>> -> memref<10240x64xf32, #tpu.memory_space<vmem_shared>>
      %dma_start3A_236 = tpu.memref_slice %arg13[%dma_start3A_225] : memref<2x!tpu.dma_semaphore, #tpu.memory_space<semaphore_mem>> -> memref<1x!tpu.dma_semaphore, #tpu.memory_space<semaphore_mem>>
      %dma_start3A_237 = tpu.memref_squeeze %dma_start3A_236 : memref<1x!tpu.dma_semaphore, #tpu.memory_space<semaphore_mem>> -> memref<!tpu.dma_semaphore, #tpu.memory_space<semaphore_mem>>
      tpu.enqueue_indirect_dma source(%dma_start3A_229 : memref<128x64xf32, #tpu.memory_space<vmem>>) target(%dma_start3A_235 : memref<10240x64xf32, #tpu.memory_space<vmem_shared>>) offsets(%dma_start3A_232 : memref<128xi32, #tpu.memory_space<vmem>>) semaphore(%dma_start3A_237 : memref<!tpu.dma_semaphore, #tpu.memory_space<semaphore_mem>>) {add = true}
      %mul3A_238 = arith.constant 4 : i32
      %mul3A_239 = arith.muli %scan3A_87, %mul3A_238 : i32
      %add3A_240 = arith.constant 3 : i32
      %add3A_241 = arith.addi %mul3A_239, %add3A_240 : i32
      %add3A_242 = arith.constant 2 : i32
      %add3A_243 = arith.addi %add3A_241, %add3A_242 : i32
      %lt3A_244 = arith.constant 160 : i32
      %lt3A_245 = arith.cmpi slt, %add3A_243, %lt3A_244 : i32
      %convert_element_type3A_246 = arith.extui %lt3A_245 : i1 to i32
      %cond3A_247 = arith.constant 0 : i32
      %cond3A_248 = arith.cmpi ne, %convert_element_type3A_246, %cond3A_247 : i32
      scf.if %cond3A_248 {
        %add3A_290 = arith.constant 2 : i32
        %add3A_291 = arith.addi %add3A_241, %add3A_290 : i32
        %dma_start3A_292 = arith.constant 1 : i32
        %dma_start3A_293 = arith.constant 1 : i32
        %dma_start3A_294 = arith.constant 0 : i32
        %dma_start3A_295 = arith.constant 0 : i32
        %dma_start3A_296 = tpu.memref_slice %arg8[%dma_start3A_292, %dma_start3A_294, %dma_start3A_295] : memref<4x128x64xbf16, #tpu.memory_space<vmem>> -> memref<1x128x64xbf16, #tpu.memory_space<vmem>>
        %dma_start3A_297 = tpu.memref_squeeze %dma_start3A_296 : memref<1x128x64xbf16, #tpu.memory_space<vmem>> -> memref<128x64xbf16, #tpu.memory_space<vmem>>
        %dma_start3A_298 = arith.constant 0 : i32
        %dma_start3A_299 = tpu.memref_slice %arg6[%add3A_291, %dma_start3A_298] : memref<160x128xi32, #tpu.memory_space<vmem>> -> memref<1x128xi32, #tpu.memory_space<vmem>>
        %dma_start3A_300 = tpu.memref_squeeze %dma_start3A_299 : memref<1x128xi32, #tpu.memory_space<vmem>> -> memref<128xi32, #tpu.memory_space<vmem>>
        %dma_start3A_301 = arith.constant 0 : i32
        %dma_start3A_302 = arith.constant 0 : i32
        %dma_start3A_303 = tpu.memref_slice %arg2[%dma_start3A_301, %dma_start3A_302] : memref<20480x64xbf16, #tpu.memory_space<hbm>> -> memref<20480x64xbf16, #tpu.memory_space<hbm>>
        %dma_start3A_304 = tpu.memref_slice %arg12[%dma_start3A_293] : memref<4x!tpu.dma_semaphore, #tpu.memory_space<semaphore_mem>> -> memref<1x!tpu.dma_semaphore, #tpu.memory_space<semaphore_mem>>
        %dma_start3A_305 = tpu.memref_squeeze %dma_start3A_304 : memref<1x!tpu.dma_semaphore, #tpu.memory_space<semaphore_mem>> -> memref<!tpu.dma_semaphore, #tpu.memory_space<semaphore_mem>>
        tpu.enqueue_indirect_dma source(%dma_start3A_303 : memref<20480x64xbf16, #tpu.memory_space<hbm>>) target(%dma_start3A_297 : memref<128x64xbf16, #tpu.memory_space<vmem>>) offsets(%dma_start3A_300 : memref<128xi32, #tpu.memory_space<vmem>>) semaphore(%dma_start3A_305 : memref<!tpu.dma_semaphore, #tpu.memory_space<semaphore_mem>>)
      } else {
      }
      %ge3A_249 = arith.constant 2 : i32
      %ge3A_250 = arith.cmpi sge, %add3A_241, %ge3A_249 : i32
      %convert_element_type3A_251 = arith.extui %ge3A_250 : i1 to i32
      %cond3A_252 = arith.constant 0 : i32
      %cond3A_253 = arith.cmpi ne, %convert_element_type3A_251, %cond3A_252 : i32
      scf.if %cond3A_253 {
        %sub3A = arith.constant 2 : i32
        %sub3A_290 = arith.subi %add3A_241, %sub3A : i32
        %dma_wait3A_291 = arith.constant 1 : i32
        %dma_wait3A_292 = arith.constant 1 : i32
        %dma_wait3A_293 = arith.constant 0 : i32
        %dma_wait3A_294 = arith.constant 0 : i32
        %dma_wait3A_295 = tpu.memref_slice %arg9[%dma_wait3A_291, %dma_wait3A_293, %dma_wait3A_294] : memref<2x128x64xf32, #tpu.memory_space<vmem>> -> memref<1x128x64xf32, #tpu.memory_space<vmem>>
        %dma_wait3A_296 = tpu.memref_squeeze %dma_wait3A_295 : memref<1x128x64xf32, #tpu.memory_space<vmem>> -> memref<128x64xf32, #tpu.memory_space<vmem>>
        %dma_wait3A_297 = arith.constant 0 : i32
        %dma_wait3A_298 = tpu.memref_slice %arg7[%sub3A_290, %dma_wait3A_297] : memref<160x128xi32, #tpu.memory_space<vmem>> -> memref<1x128xi32, #tpu.memory_space<vmem>>
        %dma_wait3A_299 = tpu.memref_squeeze %dma_wait3A_298 : memref<1x128xi32, #tpu.memory_space<vmem>> -> memref<128xi32, #tpu.memory_space<vmem>>
        %dma_wait3A_300 = arith.constant 0 : i32
        %dma_wait3A_301 = arith.constant 0 : i32
        %dma_wait3A_302 = tpu.memref_slice %arg11[%dma_wait3A_300, %dma_wait3A_301] : memref<10240x64xf32, #tpu.memory_space<vmem_shared>> -> memref<10240x64xf32, #tpu.memory_space<vmem_shared>>
        %dma_wait3A_303 = tpu.memref_slice %arg13[%dma_wait3A_292] : memref<2x!tpu.dma_semaphore, #tpu.memory_space<semaphore_mem>> -> memref<1x!tpu.dma_semaphore, #tpu.memory_space<semaphore_mem>>
        %dma_wait3A_304 = tpu.memref_squeeze %dma_wait3A_303 : memref<1x!tpu.dma_semaphore, #tpu.memory_space<semaphore_mem>> -> memref<!tpu.dma_semaphore, #tpu.memory_space<semaphore_mem>>
        tpu.wait_indirect_dma semaphore(%dma_wait3A_304 : memref<!tpu.dma_semaphore, #tpu.memory_space<semaphore_mem>>) src(%dma_wait3A_296 : memref<128x64xf32, #tpu.memory_space<vmem>>) dst(%dma_wait3A_302 : memref<10240x64xf32, #tpu.memory_space<vmem_shared>>)
      } else {
      }
      %dma_wait3A_254 = arith.constant 3 : i32
      %dma_wait3A_255 = arith.constant 3 : i32
      %dma_wait3A_256 = arith.constant 0 : i32
      %dma_wait3A_257 = arith.constant 0 : i32
      %dma_wait3A_258 = tpu.memref_slice %arg8[%dma_wait3A_254, %dma_wait3A_256, %dma_wait3A_257] : memref<4x128x64xbf16, #tpu.memory_space<vmem>> -> memref<1x128x64xbf16, #tpu.memory_space<vmem>>
      %dma_wait3A_259 = tpu.memref_squeeze %dma_wait3A_258 : memref<1x128x64xbf16, #tpu.memory_space<vmem>> -> memref<128x64xbf16, #tpu.memory_space<vmem>>
      %dma_wait3A_260 = arith.constant 0 : i32
      %dma_wait3A_261 = tpu.memref_slice %arg6[%add3A_241, %dma_wait3A_260] : memref<160x128xi32, #tpu.memory_space<vmem>> -> memref<1x128xi32, #tpu.memory_space<vmem>>
      %dma_wait3A_262 = tpu.memref_squeeze %dma_wait3A_261 : memref<1x128xi32, #tpu.memory_space<vmem>> -> memref<128xi32, #tpu.memory_space<vmem>>
      %dma_wait3A_263 = arith.constant 0 : i32
      %dma_wait3A_264 = arith.constant 0 : i32
      %dma_wait3A_265 = tpu.memref_slice %arg2[%dma_wait3A_263, %dma_wait3A_264] : memref<20480x64xbf16, #tpu.memory_space<hbm>> -> memref<20480x64xbf16, #tpu.memory_space<hbm>>
      %dma_wait3A_266 = tpu.memref_slice %arg12[%dma_wait3A_255] : memref<4x!tpu.dma_semaphore, #tpu.memory_space<semaphore_mem>> -> memref<1x!tpu.dma_semaphore, #tpu.memory_space<semaphore_mem>>
      %dma_wait3A_267 = tpu.memref_squeeze %dma_wait3A_266 : memref<1x!tpu.dma_semaphore, #tpu.memory_space<semaphore_mem>> -> memref<!tpu.dma_semaphore, #tpu.memory_space<semaphore_mem>>
      tpu.wait_indirect_dma semaphore(%dma_wait3A_267 : memref<!tpu.dma_semaphore, #tpu.memory_space<semaphore_mem>>) src(%dma_wait3A_265 : memref<20480x64xbf16, #tpu.memory_space<hbm>>) dst(%dma_wait3A_259 : memref<128x64xbf16, #tpu.memory_space<vmem>>)
      %scan3A_268 = arith.constant 0 : i32
      %scan3A_269 = arith.constant 0 : i32
      %scan3A_270 = arith.constant 128 : i32
      %scan3A_271 = arith.addi %scan3A_269, %scan3A_270 : i32
      %scan3A_272 = arith.constant 1 : i32
      %scan3A_273 = scf.for %scan3A_290 = %scan3A_269 to %scan3A_271 step %scan3A_272 iter_args(%scan3A_291 = %scan3A_268) -> (i32)  : i32 {
        %get3A = arith.constant 3 : i32
        %get3A_292 = arith.index_cast %get3A : i32 to index
        %get3A_293 = arith.index_cast %scan3A_290 : i32 to index
        %get3A_294 = arith.constant 0 : index
        %get3A_295 = tpu.vector_load %arg8[%get3A_292, %get3A_293, %get3A_294] {strides = array<i32>} : memref<4x128x64xbf16, #tpu.memory_space<vmem>>, vector<32xbf16>,
        %unpack3A = tpu.unpack_subelements %get3A_295, 0 {pack_format = #tpu.pack_format<interleaved>} : vector<32xbf16> -> vector<16xf32>
        %unpack3A_296 = tpu.unpack_subelements %get3A_295, 1 {pack_format = #tpu.pack_format<interleaved>} : vector<32xbf16> -> vector<16xf32>
        %swap3A = arith.constant 1 : i32
        %swap3A_297 = arith.index_cast %swap3A : i32 to index
        %swap3A_298 = arith.index_cast %scan3A_290 : i32 to index
        %swap3A_299 = arith.constant 0 : index
        %swap3A_300 = tpu.vector_load %arg9[%swap3A_297, %swap3A_298, %swap3A_299] {strides = array<i32>} : memref<2x128x64xf32, #tpu.memory_space<vmem>>, vector<16xf32>,
        tpu.vector_store %arg9[%swap3A_297, %swap3A_298, %swap3A_299], %unpack3A {strides = array<i32>} : memref<2x128x64xf32, #tpu.memory_space<vmem>>, vector<16xf32>,
        %swap3A_301 = arith.constant 1 : i32
        %swap3A_302 = arith.index_cast %swap3A_301 : i32 to index
        %swap3A_303 = arith.index_cast %scan3A_290 : i32 to index
        %swap3A_304 = arith.constant 16 : index
        %swap3A_305 = tpu.vector_load %arg9[%swap3A_302, %swap3A_303, %swap3A_304] {strides = array<i32>} : memref<2x128x64xf32, #tpu.memory_space<vmem>>, vector<16xf32>,
        tpu.vector_store %arg9[%swap3A_302, %swap3A_303, %swap3A_304], %unpack3A_296 {strides = array<i32>} : memref<2x128x64xf32, #tpu.memory_space<vmem>>, vector<16xf32>,
        %get3A_306 = arith.constant 3 : i32
        %get3A_307 = arith.index_cast %get3A_306 : i32 to index
        %get3A_308 = arith.index_cast %scan3A_290 : i32 to index
        %get3A_309 = arith.constant 32 : index
        %get3A_310 = tpu.vector_load %arg8[%get3A_307, %get3A_308, %get3A_309] {strides = array<i32>} : memref<4x128x64xbf16, #tpu.memory_space<vmem>>, vector<32xbf16>,
        %unpack3A_311 = tpu.unpack_subelements %get3A_310, 0 {pack_format = #tpu.pack_format<interleaved>} : vector<32xbf16> -> vector<16xf32>
        %unpack3A_312 = tpu.unpack_subelements %get3A_310, 1 {pack_format = #tpu.pack_format<interleaved>} : vector<32xbf16> -> vector<16xf32>
        %swap3A_313 = arith.constant 1 : i32
        %swap3A_314 = arith.index_cast %swap3A_313 : i32 to index
        %swap3A_315 = arith.index_cast %scan3A_290 : i32 to index
        %swap3A_316 = arith.constant 32 : index
        %swap3A_317 = tpu.vector_load %arg9[%swap3A_314, %swap3A_315, %swap3A_316] {strides = array<i32>} : memref<2x128x64xf32, #tpu.memory_space<vmem>>, vector<16xf32>,
        tpu.vector_store %arg9[%swap3A_314, %swap3A_315, %swap3A_316], %unpack3A_311 {strides = array<i32>} : memref<2x128x64xf32, #tpu.memory_space<vmem>>, vector<16xf32>,
        %swap3A_318 = arith.constant 1 : i32
        %swap3A_319 = arith.index_cast %swap3A_318 : i32 to index
        %swap3A_320 = arith.index_cast %scan3A_290 : i32 to index
        %swap3A_321 = arith.constant 48 : index
        %swap3A_322 = tpu.vector_load %arg9[%swap3A_319, %swap3A_320, %swap3A_321] {strides = array<i32>} : memref<2x128x64xf32, #tpu.memory_space<vmem>>, vector<16xf32>,
        tpu.vector_store %arg9[%swap3A_319, %swap3A_320, %swap3A_321], %unpack3A_312 {strides = array<i32>} : memref<2x128x64xf32, #tpu.memory_space<vmem>>, vector<16xf32>,
        %scan3A_323 = arith.constant 0 : i32
        scf.yield %scan3A_323 : i32
      }
      %scan3A_274 = arith.constant 128 : i32
      %dma_start3A_275 = arith.constant 1 : i32
      %dma_start3A_276 = arith.constant 1 : i32
      %dma_start3A_277 = arith.constant 0 : i32
      %dma_start3A_278 = arith.constant 0 : i32
      %dma_start3A_279 = tpu.memref_slice %arg9[%dma_start3A_275, %dma_start3A_277, %dma_start3A_278] : memref<2x128x64xf32, #tpu.memory_space<vmem>> -> memref<1x128x64xf32, #tpu.memory_space<vmem>>
      %dma_start3A_280 = tpu.memref_squeeze %dma_start3A_279 : memref<1x128x64xf32, #tpu.memory_space<vmem>> -> memref<128x64xf32, #tpu.memory_space<vmem>>
      %dma_start3A_281 = arith.constant 0 : i32
      %dma_start3A_282 = tpu.memref_slice %arg7[%add3A_241, %dma_start3A_281] : memref<160x128xi32, #tpu.memory_space<vmem>> -> memref<1x128xi32, #tpu.memory_space<vmem>>
      %dma_start3A_283 = tpu.memref_squeeze %dma_start3A_282 : memref<1x128xi32, #tpu.memory_space<vmem>> -> memref<128xi32, #tpu.memory_space<vmem>>
      %dma_start3A_284 = arith.constant 0 : i32
      %dma_start3A_285 = arith.constant 0 : i32
      %dma_start3A_286 = tpu.memref_slice %arg11[%dma_start3A_284, %dma_start3A_285] : memref<10240x64xf32, #tpu.memory_space<vmem_shared>> -> memref<10240x64xf32, #tpu.memory_space<vmem_shared>>
      %dma_start3A_287 = tpu.memref_slice %arg13[%dma_start3A_276] : memref<2x!tpu.dma_semaphore, #tpu.memory_space<semaphore_mem>> -> memref<1x!tpu.dma_semaphore, #tpu.memory_space<semaphore_mem>>
      %dma_start3A_288 = tpu.memref_squeeze %dma_start3A_287 : memref<1x!tpu.dma_semaphore, #tpu.memory_space<semaphore_mem>> -> memref<!tpu.dma_semaphore, #tpu.memory_space<semaphore_mem>>
      tpu.enqueue_indirect_dma source(%dma_start3A_280 : memref<128x64xf32, #tpu.memory_space<vmem>>) target(%dma_start3A_286 : memref<10240x64xf32, #tpu.memory_space<vmem_shared>>) offsets(%dma_start3A_283 : memref<128xi32, #tpu.memory_space<vmem>>) semaphore(%dma_start3A_288 : memref<!tpu.dma_semaphore, #tpu.memory_space<semaphore_mem>>) {add = true}
      %scan3A_289 = arith.constant 0 : i32
      scf.yield %scan3A_289 : i32
    }
    %scan3A_54 = arith.constant 40 : i32
    %dma_wait3A = arith.constant 0 : i32
    %dma_wait3A_55 = arith.constant 158 : i32
    %dma_wait3A_56 = arith.constant 0 : i32
    %dma_wait3A_57 = arith.constant 0 : i32
    %dma_wait3A_58 = arith.constant 0 : i32
    %dma_wait3A_59 = tpu.memref_slice %arg9[%dma_wait3A, %dma_wait3A_57, %dma_wait3A_58] : memref<2x128x64xf32, #tpu.memory_space<vmem>> -> memref<1x128x64xf32, #tpu.memory_space<vmem>>
    %dma_wait3A_60 = tpu.memref_squeeze %dma_wait3A_59 : memref<1x128x64xf32, #tpu.memory_space<vmem>> -> memref<128x64xf32, #tpu.memory_space<vmem>>
    %dma_wait3A_61 = arith.constant 0 : i32
    %dma_wait3A_62 = tpu.memref_slice %arg7[%dma_wait3A_55, %dma_wait3A_61] : memref<160x128xi32, #tpu.memory_space<vmem>> -> memref<1x128xi32, #tpu.memory_space<vmem>>
    %dma_wait3A_63 = tpu.memref_squeeze %dma_wait3A_62 : memref<1x128xi32, #tpu.memory_space<vmem>> -> memref<128xi32, #tpu.memory_space<vmem>>
    %dma_wait3A_64 = arith.constant 0 : i32
    %dma_wait3A_65 = arith.constant 0 : i32
    %dma_wait3A_66 = tpu.memref_slice %arg11[%dma_wait3A_64, %dma_wait3A_65] : memref<10240x64xf32, #tpu.memory_space<vmem_shared>> -> memref<10240x64xf32, #tpu.memory_space<vmem_shared>>
    %dma_wait3A_67 = tpu.memref_slice %arg13[%dma_wait3A_56] : memref<2x!tpu.dma_semaphore, #tpu.memory_space<semaphore_mem>> -> memref<1x!tpu.dma_semaphore, #tpu.memory_space<semaphore_mem>>
    %dma_wait3A_68 = tpu.memref_squeeze %dma_wait3A_67 : memref<1x!tpu.dma_semaphore, #tpu.memory_space<semaphore_mem>> -> memref<!tpu.dma_semaphore, #tpu.memory_space<semaphore_mem>>
    tpu.wait_indirect_dma semaphore(%dma_wait3A_68 : memref<!tpu.dma_semaphore, #tpu.memory_space<semaphore_mem>>) src(%dma_wait3A_60 : memref<128x64xf32, #tpu.memory_space<vmem>>) dst(%dma_wait3A_66 : memref<10240x64xf32, #tpu.memory_space<vmem_shared>>)
    %dma_wait3A_69 = arith.constant 1 : i32
    %dma_wait3A_70 = arith.constant 159 : i32
    %dma_wait3A_71 = arith.constant 1 : i32
    %dma_wait3A_72 = arith.constant 0 : i32
    %dma_wait3A_73 = arith.constant 0 : i32
    %dma_wait3A_74 = tpu.memref_slice %arg9[%dma_wait3A_69, %dma_wait3A_72, %dma_wait3A_73] : memref<2x128x64xf32, #tpu.memory_space<vmem>> -> memref<1x128x64xf32, #tpu.memory_space<vmem>>
    %dma_wait3A_75 = tpu.memref_squeeze %dma_wait3A_74 : memref<1x128x64xf32, #tpu.memory_space<vmem>> -> memref<128x64xf32, #tpu.memory_space<vmem>>
    %dma_wait3A_76 = arith.constant 0 : i32
    %dma_wait3A_77 = tpu.memref_slice %arg7[%dma_wait3A_70, %dma_wait3A_76] : memref<160x128xi32, #tpu.memory_space<vmem>> -> memref<1x128xi32, #tpu.memory_space<vmem>>
    %dma_wait3A_78 = tpu.memref_squeeze %dma_wait3A_77 : memref<1x128xi32, #tpu.memory_space<vmem>> -> memref<128xi32, #tpu.memory_space<vmem>>
    %dma_wait3A_79 = arith.constant 0 : i32
    %dma_wait3A_80 = arith.constant 0 : i32
    %dma_wait3A_81 = tpu.memref_slice %arg11[%dma_wait3A_79, %dma_wait3A_80] : memref<10240x64xf32, #tpu.memory_space<vmem_shared>> -> memref<10240x64xf32, #tpu.memory_space<vmem_shared>>
    %dma_wait3A_82 = tpu.memref_slice %arg13[%dma_wait3A_71] : memref<2x!tpu.dma_semaphore, #tpu.memory_space<semaphore_mem>> -> memref<1x!tpu.dma_semaphore, #tpu.memory_space<semaphore_mem>>
    %dma_wait3A_83 = tpu.memref_squeeze %dma_wait3A_82 : memref<1x!tpu.dma_semaphore, #tpu.memory_space<semaphore_mem>> -> memref<!tpu.dma_semaphore, #tpu.memory_space<semaphore_mem>>
    tpu.wait_indirect_dma semaphore(%dma_wait3A_83 : memref<!tpu.dma_semaphore, #tpu.memory_space<semaphore_mem>>) src(%dma_wait3A_75 : memref<128x64xf32, #tpu.memory_space<vmem>>) dst(%dma_wait3A_81 : memref<10240x64xf32, #tpu.memory_space<vmem_shared>>)
    %barrier3A_84 = arith.constant 0 : index
    tpu.barrier barrier_id(%barrier3A_84)
    %add3A_85 = arith.constant 0 : i32
    %add3A_86 = arith.addi %add3A_85, %arg0 : i32
    "tpu.region"() ({
      %run_scoped3A = tpu.sem_alloc : memref<!tpu.dma_semaphore, #tpu.memory_space<semaphore_mem>>
      %dma_start3A_87 = arith.constant 0 : i32
      %dma_start3A_88 = tpu.memref_slice %arg5[%add3A_86, %mul3A_6, %dma_start3A_87] : memref<2x10240x64xf32, #tpu.memory_space<hbm>> -> memref<1x640x64xf32, #tpu.memory_space<hbm>>
      %dma_start3A_89 = tpu.memref_squeeze %dma_start3A_88 : memref<1x640x64xf32, #tpu.memory_space<hbm>> -> memref<640x64xf32, #tpu.memory_space<hbm>>
      %dma_start3A_90 = arith.constant 0 : i32
      %dma_start3A_91 = tpu.memref_slice %arg11[%mul3A_6, %dma_start3A_90] : memref<10240x64xf32, #tpu.memory_space<vmem_shared>> -> memref<640x64xf32, #tpu.memory_space<vmem_shared>>
      tpu.enqueue_dma source(%dma_start3A_91 : memref<640x64xf32, #tpu.memory_space<vmem_shared>>) target(%dma_start3A_89 : memref<640x64xf32, #tpu.memory_space<hbm>>) target_semaphore(%run_scoped3A : memref<!tpu.dma_semaphore, #tpu.memory_space<semaphore_mem>>)
      %dma_wait3A_92 = arith.constant 0 : i32
      %dma_wait3A_93 = tpu.memref_slice %arg5[%add3A_86, %mul3A_6, %dma_wait3A_92] : memref<2x10240x64xf32, #tpu.memory_space<hbm>> -> memref<1x640x64xf32, #tpu.memory_space<hbm>>
      %dma_wait3A_94 = tpu.memref_squeeze %dma_wait3A_93 : memref<1x640x64xf32, #tpu.memory_space<hbm>> -> memref<640x64xf32, #tpu.memory_space<hbm>>
      %dma_wait3A_95 = arith.constant 0 : i32
      %dma_wait3A_96 = tpu.memref_slice %arg11[%mul3A_6, %dma_wait3A_95] : memref<10240x64xf32, #tpu.memory_space<vmem_shared>> -> memref<640x64xf32, #tpu.memory_space<vmem_shared>>
      tpu.wait_dma2 semaphore(%run_scoped3A : memref<!tpu.dma_semaphore, #tpu.memory_space<semaphore_mem>>) src(%dma_wait3A_96 : memref<640x64xf32, #tpu.memory_space<vmem_shared>>) dst(%dma_wait3A_94 : memref<640x64xf32, #tpu.memory_space<hbm>>)
      tpu.yield
    }) : () -> ()
    return
  }
}

#map = affine_map<(d0, d1) -> (0, 0)>
#map1 = affine_map<(d0, d1) -> (0, 0, 0)>
module attributes {stable_mosaic.version = 14 : i64} {
  func.func @agg_kernel(%arg0: i32, %arg1: i32, %arg2: memref<40960x64xbf16, #tpu.memory_space<hbm>>, %arg3: memref<4x2560x128xi32, #tpu.memory_space<hbm>>, %arg4: memref<2560x128xi32, #tpu.memory_space<hbm>>, %arg5: memref<4x10240x64xf32, #tpu.memory_space<hbm>>, %arg6: memref<160x128xi32, #tpu.memory_space<vmem>>, %arg7: memref<160x128xi32, #tpu.memory_space<vmem>>, %arg8: memref<4x128x64xbf16, #tpu.memory_space<vmem>>, %arg9: memref<2x128x64xf32, #tpu.memory_space<vmem>>, %arg10: memref<64x64xf32, #tpu.memory_space<vmem>>, %arg11: memref<10240x64xf32, #tpu.memory_space<vmem_shared>>, %arg12: memref<4x!tpu.dma_semaphore, #tpu.memory_space<semaphore_mem>>, %arg13: memref<2x!tpu.dma_semaphore, #tpu.memory_space<semaphore_mem>>) attributes {dimension_semantics = [#tpu.dimension_semantics<core_parallel>, #tpu.dimension_semantics<subcore_parallel>], iteration_bounds = array<i64: 2, 16>, scalar_prefetch = 0 : i64, scratch_operands = 8 : i64, tpu.core_type = #tpu.core_type<sc_vector_subcore>, window_params = [{transform_indices = #map}, {transform_indices = #map1}, {transform_indices = #map}, {transform_indices = #map1}]} {
    %scan3A = arith.constant 0 : i32
    %scan3A_0 = arith.constant 0 : i32
    %scan3A_1 = arith.constant 64 : i32
    %scan3A_2 = arith.addi %scan3A_0, %scan3A_1 : i32
    %scan3A_3 = arith.constant 1 : i32
    %scan3A_4 = scf.for %scan3A_169 = %scan3A_0 to %scan3A_2 step %scan3A_3 iter_args(%scan3A_170 = %scan3A) -> (i32)  : i32 {
      %broadcast_in_dim3A = arith.constant 0.000000e+00 : f32
      %broadcast_in_dim3A_171 = vector.broadcast %broadcast_in_dim3A : f32 to vector<16xf32>
      %swap3A = arith.index_cast %scan3A_169 : i32 to index
      %swap3A_172 = arith.constant 0 : index
      %swap3A_173 = tpu.vector_load %arg10[%swap3A, %swap3A_172] {strides = array<i32>} : memref<64x64xf32, #tpu.memory_space<vmem>>, vector<16xf32>,
      tpu.vector_store %arg10[%swap3A, %swap3A_172], %broadcast_in_dim3A_171 {strides = array<i32>} : memref<64x64xf32, #tpu.memory_space<vmem>>, vector<16xf32>,
      %broadcast_in_dim3A_174 = arith.constant 0.000000e+00 : f32
      %broadcast_in_dim3A_175 = vector.broadcast %broadcast_in_dim3A_174 : f32 to vector<16xf32>
      %swap3A_176 = arith.index_cast %scan3A_169 : i32 to index
      %swap3A_177 = arith.constant 16 : index
      %swap3A_178 = tpu.vector_load %arg10[%swap3A_176, %swap3A_177] {strides = array<i32>} : memref<64x64xf32, #tpu.memory_space<vmem>>, vector<16xf32>,
      tpu.vector_store %arg10[%swap3A_176, %swap3A_177], %broadcast_in_dim3A_175 {strides = array<i32>} : memref<64x64xf32, #tpu.memory_space<vmem>>, vector<16xf32>,
      %broadcast_in_dim3A_179 = arith.constant 0.000000e+00 : f32
      %broadcast_in_dim3A_180 = vector.broadcast %broadcast_in_dim3A_179 : f32 to vector<16xf32>
      %swap3A_181 = arith.index_cast %scan3A_169 : i32 to index
      %swap3A_182 = arith.constant 32 : index
      %swap3A_183 = tpu.vector_load %arg10[%swap3A_181, %swap3A_182] {strides = array<i32>} : memref<64x64xf32, #tpu.memory_space<vmem>>, vector<16xf32>,
      tpu.vector_store %arg10[%swap3A_181, %swap3A_182], %broadcast_in_dim3A_180 {strides = array<i32>} : memref<64x64xf32, #tpu.memory_space<vmem>>, vector<16xf32>,
      %broadcast_in_dim3A_184 = arith.constant 0.000000e+00 : f32
      %broadcast_in_dim3A_185 = vector.broadcast %broadcast_in_dim3A_184 : f32 to vector<16xf32>
      %swap3A_186 = arith.index_cast %scan3A_169 : i32 to index
      %swap3A_187 = arith.constant 48 : index
      %swap3A_188 = tpu.vector_load %arg10[%swap3A_186, %swap3A_187] {strides = array<i32>} : memref<64x64xf32, #tpu.memory_space<vmem>>, vector<16xf32>,
      tpu.vector_store %arg10[%swap3A_186, %swap3A_187], %broadcast_in_dim3A_185 {strides = array<i32>} : memref<64x64xf32, #tpu.memory_space<vmem>>, vector<16xf32>,
      %scan3A_189 = arith.constant 0 : i32
      scf.yield %scan3A_189 : i32
    }
    %scan3A_5 = arith.constant 64 : i32
    %mul3A = arith.constant 640 : i32
    %mul3A_6 = arith.muli %arg1, %mul3A : i32
    %scan3A_7 = arith.constant 0 : i32
    %scan3A_8 = arith.constant 0 : i32
    %scan3A_9 = arith.constant 10 : i32
    %scan3A_10 = arith.addi %scan3A_8, %scan3A_9 : i32
    %scan3A_11 = arith.constant 1 : i32
    %scan3A_12 = scf.for %scan3A_169 = %scan3A_8 to %scan3A_10 step %scan3A_11 iter_args(%scan3A_170 = %scan3A_7) -> (i32)  : i32 {
      %mul3A_171 = arith.constant 64 : i32
      %mul3A_172 = arith.muli %scan3A_169, %mul3A_171 : i32
      %add3A_173 = arith.addi %mul3A_6, %mul3A_172 : i32
      "tpu.region"() ({
        %run_scoped3A = tpu.sem_alloc : memref<!tpu.dma_semaphore, #tpu.memory_space<semaphore_mem>>
        %dma_start3A_175 = arith.constant 0 : i32
        %dma_start3A_176 = tpu.memref_slice %arg11[%add3A_173, %dma_start3A_175] : memref<10240x64xf32, #tpu.memory_space<vmem_shared>> -> memref<64x64xf32, #tpu.memory_space<vmem_shared>>
        %dma_start3A_177 = arith.constant 0 : i32
        %dma_start3A_178 = tpu.memref_slice %arg11[%add3A_173, %dma_start3A_177] : memref<10240x64xf32, #tpu.memory_space<vmem_shared>> -> memref<64x64xf32, #tpu.memory_space<vmem_shared>>
        tpu.enqueue_dma source(%arg10 : memref<64x64xf32, #tpu.memory_space<vmem>>) target(%dma_start3A_178 : memref<64x64xf32, #tpu.memory_space<vmem_shared>>) target_semaphore(%run_scoped3A : memref<!tpu.dma_semaphore, #tpu.memory_space<semaphore_mem>>)
        %dma_wait3A_179 = arith.constant 0 : i32
        %dma_wait3A_180 = tpu.memref_slice %arg11[%add3A_173, %dma_wait3A_179] : memref<10240x64xf32, #tpu.memory_space<vmem_shared>> -> memref<64x64xf32, #tpu.memory_space<vmem_shared>>
        %dma_wait3A_181 = arith.constant 0 : i32
        %dma_wait3A_182 = tpu.memref_slice %arg11[%add3A_173, %dma_wait3A_181] : memref<10240x64xf32, #tpu.memory_space<vmem_shared>> -> memref<64x64xf32, #tpu.memory_space<vmem_shared>>
        tpu.wait_dma2 semaphore(%run_scoped3A : memref<!tpu.dma_semaphore, #tpu.memory_space<semaphore_mem>>) src(%arg10 : memref<64x64xf32, #tpu.memory_space<vmem>>) dst(%dma_wait3A_182 : memref<64x64xf32, #tpu.memory_space<vmem_shared>>)
        tpu.yield
      }) : () -> ()
      %scan3A_174 = arith.constant 0 : i32
      scf.yield %scan3A_174 : i32
    }
    %scan3A_13 = arith.constant 10 : i32
    %mul3A_14 = arith.constant 160 : i32
    %mul3A_15 = arith.muli %arg1, %mul3A_14 : i32
    "tpu.region"() ({
      %run_scoped3A = tpu.sem_alloc : memref<!tpu.dma_semaphore, #tpu.memory_space<semaphore_mem>>
      %dma_start3A_169 = arith.constant 0 : i32
      %dma_start3A_170 = tpu.memref_slice %arg4[%mul3A_15, %dma_start3A_169] : memref<2560x128xi32, #tpu.memory_space<hbm>> -> memref<160x128xi32, #tpu.memory_space<hbm>>
      %dma_start3A_171 = arith.constant 0 : i32
      %dma_start3A_172 = tpu.memref_slice %arg4[%mul3A_15, %dma_start3A_171] : memref<2560x128xi32, #tpu.memory_space<hbm>> -> memref<160x128xi32, #tpu.memory_space<hbm>>
      tpu.enqueue_dma source(%dma_start3A_172 : memref<160x128xi32, #tpu.memory_space<hbm>>) target(%arg7 : memref<160x128xi32, #tpu.memory_space<vmem>>) target_semaphore(%run_scoped3A : memref<!tpu.dma_semaphore, #tpu.memory_space<semaphore_mem>>)
      %dma_wait3A_173 = arith.constant 0 : i32
      %dma_wait3A_174 = tpu.memref_slice %arg4[%mul3A_15, %dma_wait3A_173] : memref<2560x128xi32, #tpu.memory_space<hbm>> -> memref<160x128xi32, #tpu.memory_space<hbm>>
      %dma_wait3A_175 = arith.constant 0 : i32
      %dma_wait3A_176 = tpu.memref_slice %arg4[%mul3A_15, %dma_wait3A_175] : memref<2560x128xi32, #tpu.memory_space<hbm>> -> memref<160x128xi32, #tpu.memory_space<hbm>>
      tpu.wait_dma2 semaphore(%run_scoped3A : memref<!tpu.dma_semaphore, #tpu.memory_space<semaphore_mem>>) src(%dma_wait3A_176 : memref<160x128xi32, #tpu.memory_space<hbm>>) dst(%arg7 : memref<160x128xi32, #tpu.memory_space<vmem>>)
      tpu.yield
    }) : () -> ()
    %add3A = arith.constant 0 : i32
    %add3A_16 = arith.addi %add3A, %arg0 : i32
    %mul3A_17 = arith.constant 160 : i32
    %mul3A_18 = arith.muli %arg1, %mul3A_17 : i32
    "tpu.region"() ({
      %run_scoped3A = tpu.sem_alloc : memref<!tpu.dma_semaphore, #tpu.memory_space<semaphore_mem>>
      %dma_start3A_169 = arith.constant 0 : i32
      %dma_start3A_170 = tpu.memref_slice %arg3[%add3A_16, %mul3A_18, %dma_start3A_169] : memref<4x2560x128xi32, #tpu.memory_space<hbm>> -> memref<1x160x128xi32, #tpu.memory_space<hbm>>
      %dma_start3A_171 = tpu.memref_squeeze %dma_start3A_170 : memref<1x160x128xi32, #tpu.memory_space<hbm>> -> memref<160x128xi32, #tpu.memory_space<hbm>>
      %dma_start3A_172 = arith.constant 0 : i32
      %dma_start3A_173 = tpu.memref_slice %arg3[%add3A_16, %mul3A_18, %dma_start3A_172] : memref<4x2560x128xi32, #tpu.memory_space<hbm>> -> memref<1x160x128xi32, #tpu.memory_space<hbm>>
      %dma_start3A_174 = tpu.memref_squeeze %dma_start3A_173 : memref<1x160x128xi32, #tpu.memory_space<hbm>> -> memref<160x128xi32, #tpu.memory_space<hbm>>
      tpu.enqueue_dma source(%dma_start3A_174 : memref<160x128xi32, #tpu.memory_space<hbm>>) target(%arg6 : memref<160x128xi32, #tpu.memory_space<vmem>>) target_semaphore(%run_scoped3A : memref<!tpu.dma_semaphore, #tpu.memory_space<semaphore_mem>>)
      %dma_wait3A_175 = arith.constant 0 : i32
      %dma_wait3A_176 = tpu.memref_slice %arg3[%add3A_16, %mul3A_18, %dma_wait3A_175] : memref<4x2560x128xi32, #tpu.memory_space<hbm>> -> memref<1x160x128xi32, #tpu.memory_space<hbm>>
      %dma_wait3A_177 = tpu.memref_squeeze %dma_wait3A_176 : memref<1x160x128xi32, #tpu.memory_space<hbm>> -> memref<160x128xi32, #tpu.memory_space<hbm>>
      %dma_wait3A_178 = arith.constant 0 : i32
      %dma_wait3A_179 = tpu.memref_slice %arg3[%add3A_16, %mul3A_18, %dma_wait3A_178] : memref<4x2560x128xi32, #tpu.memory_space<hbm>> -> memref<1x160x128xi32, #tpu.memory_space<hbm>>
      %dma_wait3A_180 = tpu.memref_squeeze %dma_wait3A_179 : memref<1x160x128xi32, #tpu.memory_space<hbm>> -> memref<160x128xi32, #tpu.memory_space<hbm>>
      tpu.wait_dma2 semaphore(%run_scoped3A : memref<!tpu.dma_semaphore, #tpu.memory_space<semaphore_mem>>) src(%dma_wait3A_180 : memref<160x128xi32, #tpu.memory_space<hbm>>) dst(%arg6 : memref<160x128xi32, #tpu.memory_space<vmem>>)
      tpu.yield
    }) : () -> ()
    %barrier3A = arith.constant 0 : index
    tpu.barrier barrier_id(%barrier3A)
    %dma_start3A = arith.constant 0 : i32
    %dma_start3A_19 = arith.constant 0 : i32
    %dma_start3A_20 = arith.constant 0 : i32
    %dma_start3A_21 = arith.constant 0 : i32
    %dma_start3A_22 = arith.constant 0 : i32
    %dma_start3A_23 = tpu.memref_slice %arg8[%dma_start3A_19, %dma_start3A_21, %dma_start3A_22] : memref<4x128x64xbf16, #tpu.memory_space<vmem>> -> memref<1x128x64xbf16, #tpu.memory_space<vmem>>
    %dma_start3A_24 = tpu.memref_squeeze %dma_start3A_23 : memref<1x128x64xbf16, #tpu.memory_space<vmem>> -> memref<128x64xbf16, #tpu.memory_space<vmem>>
    %dma_start3A_25 = arith.constant 0 : i32
    %dma_start3A_26 = tpu.memref_slice %arg6[%dma_start3A, %dma_start3A_25] : memref<160x128xi32, #tpu.memory_space<vmem>> -> memref<1x128xi32, #tpu.memory_space<vmem>>
    %dma_start3A_27 = tpu.memref_squeeze %dma_start3A_26 : memref<1x128xi32, #tpu.memory_space<vmem>> -> memref<128xi32, #tpu.memory_space<vmem>>
    %dma_start3A_28 = arith.constant 0 : i32
    %dma_start3A_29 = arith.constant 0 : i32
    %dma_start3A_30 = tpu.memref_slice %arg2[%dma_start3A_28, %dma_start3A_29] : memref<40960x64xbf16, #tpu.memory_space<hbm>> -> memref<40960x64xbf16, #tpu.memory_space<hbm>>
    %dma_start3A_31 = tpu.memref_slice %arg12[%dma_start3A_20] : memref<4x!tpu.dma_semaphore, #tpu.memory_space<semaphore_mem>> -> memref<1x!tpu.dma_semaphore, #tpu.memory_space<semaphore_mem>>
    %dma_start3A_32 = tpu.memref_squeeze %dma_start3A_31 : memref<1x!tpu.dma_semaphore, #tpu.memory_space<semaphore_mem>> -> memref<!tpu.dma_semaphore, #tpu.memory_space<semaphore_mem>>
    tpu.enqueue_indirect_dma source(%dma_start3A_30 : memref<40960x64xbf16, #tpu.memory_space<hbm>>) target(%dma_start3A_24 : memref<128x64xbf16, #tpu.memory_space<vmem>>) offsets(%dma_start3A_27 : memref<128xi32, #tpu.memory_space<vmem>>) semaphore(%dma_start3A_32 : memref<!tpu.dma_semaphore, #tpu.memory_space<semaphore_mem>>)
    %dma_start3A_33 = arith.constant 1 : i32
    %dma_start3A_34 = arith.constant 1 : i32
    %dma_start3A_35 = arith.constant 1 : i32
    %dma_start3A_36 = arith.constant 0 : i32
    %dma_start3A_37 = arith.constant 0 : i32
    %dma_start3A_38 = tpu.memref_slice %arg8[%dma_start3A_34, %dma_start3A_36, %dma_start3A_37] : memref<4x128x64xbf16, #tpu.memory_space<vmem>> -> memref<1x128x64xbf16, #tpu.memory_space<vmem>>
    %dma_start3A_39 = tpu.memref_squeeze %dma_start3A_38 : memref<1x128x64xbf16, #tpu.memory_space<vmem>> -> memref<128x64xbf16, #tpu.memory_space<vmem>>
    %dma_start3A_40 = arith.constant 0 : i32
    %dma_start3A_41 = tpu.memref_slice %arg6[%dma_start3A_33, %dma_start3A_40] : memref<160x128xi32, #tpu.memory_space<vmem>> -> memref<1x128xi32, #tpu.memory_space<vmem>>
    %dma_start3A_42 = tpu.memref_squeeze %dma_start3A_41 : memref<1x128xi32, #tpu.memory_space<vmem>> -> memref<128xi32, #tpu.memory_space<vmem>>
    %dma_start3A_43 = arith.constant 0 : i32
    %dma_start3A_44 = arith.constant 0 : i32
    %dma_start3A_45 = tpu.memref_slice %arg2[%dma_start3A_43, %dma_start3A_44] : memref<40960x64xbf16, #tpu.memory_space<hbm>> -> memref<40960x64xbf16, #tpu.memory_space<hbm>>
    %dma_start3A_46 = tpu.memref_slice %arg12[%dma_start3A_35] : memref<4x!tpu.dma_semaphore, #tpu.memory_space<semaphore_mem>> -> memref<1x!tpu.dma_semaphore, #tpu.memory_space<semaphore_mem>>
    %dma_start3A_47 = tpu.memref_squeeze %dma_start3A_46 : memref<1x!tpu.dma_semaphore, #tpu.memory_space<semaphore_mem>> -> memref<!tpu.dma_semaphore, #tpu.memory_space<semaphore_mem>>
    tpu.enqueue_indirect_dma source(%dma_start3A_45 : memref<40960x64xbf16, #tpu.memory_space<hbm>>) target(%dma_start3A_39 : memref<128x64xbf16, #tpu.memory_space<vmem>>) offsets(%dma_start3A_42 : memref<128xi32, #tpu.memory_space<vmem>>) semaphore(%dma_start3A_47 : memref<!tpu.dma_semaphore, #tpu.memory_space<semaphore_mem>>)
    %scan3A_48 = arith.constant 0 : i32
    %scan3A_49 = arith.constant 0 : i32
    %scan3A_50 = arith.constant 40 : i32
    %scan3A_51 = arith.addi %scan3A_49, %scan3A_50 : i32
    %scan3A_52 = arith.constant 1 : i32
    %scan3A_53 = scf.for %scan3A_169 = %scan3A_49 to %scan3A_51 step %scan3A_52 iter_args(%scan3A_170 = %scan3A_48) -> (i32)  : i32 {
      %mul3A_171 = arith.constant 4 : i32
      %mul3A_172 = arith.muli %scan3A_169, %mul3A_171 : i32
      %add3A_173 = arith.constant 0 : i32
      %add3A_174 = arith.addi %mul3A_172, %add3A_173 : i32
      %add3A_175 = arith.constant 2 : i32
      %add3A_176 = arith.addi %add3A_174, %add3A_175 : i32
      %lt3A = arith.constant 160 : i32
      %lt3A_177 = arith.cmpi slt, %add3A_176, %lt3A : i32
      %convert_element_type3A = arith.extui %lt3A_177 : i1 to i32
      %cond3A = arith.constant 0 : i32
      %cond3A_178 = arith.cmpi ne, %convert_element_type3A, %cond3A : i32
      scf.if %cond3A_178 {
        %add3A_372 = arith.constant 2 : i32
        %add3A_373 = arith.addi %add3A_174, %add3A_372 : i32
        %dma_start3A_374 = arith.constant 2 : i32
        %dma_start3A_375 = arith.constant 2 : i32
        %dma_start3A_376 = arith.constant 0 : i32
        %dma_start3A_377 = arith.constant 0 : i32
        %dma_start3A_378 = tpu.memref_slice %arg8[%dma_start3A_374, %dma_start3A_376, %dma_start3A_377] : memref<4x128x64xbf16, #tpu.memory_space<vmem>> -> memref<1x128x64xbf16, #tpu.memory_space<vmem>>
        %dma_start3A_379 = tpu.memref_squeeze %dma_start3A_378 : memref<1x128x64xbf16, #tpu.memory_space<vmem>> -> memref<128x64xbf16, #tpu.memory_space<vmem>>
        %dma_start3A_380 = arith.constant 0 : i32
        %dma_start3A_381 = tpu.memref_slice %arg6[%add3A_373, %dma_start3A_380] : memref<160x128xi32, #tpu.memory_space<vmem>> -> memref<1x128xi32, #tpu.memory_space<vmem>>
        %dma_start3A_382 = tpu.memref_squeeze %dma_start3A_381 : memref<1x128xi32, #tpu.memory_space<vmem>> -> memref<128xi32, #tpu.memory_space<vmem>>
        %dma_start3A_383 = arith.constant 0 : i32
        %dma_start3A_384 = arith.constant 0 : i32
        %dma_start3A_385 = tpu.memref_slice %arg2[%dma_start3A_383, %dma_start3A_384] : memref<40960x64xbf16, #tpu.memory_space<hbm>> -> memref<40960x64xbf16, #tpu.memory_space<hbm>>
        %dma_start3A_386 = tpu.memref_slice %arg12[%dma_start3A_375] : memref<4x!tpu.dma_semaphore, #tpu.memory_space<semaphore_mem>> -> memref<1x!tpu.dma_semaphore, #tpu.memory_space<semaphore_mem>>
        %dma_start3A_387 = tpu.memref_squeeze %dma_start3A_386 : memref<1x!tpu.dma_semaphore, #tpu.memory_space<semaphore_mem>> -> memref<!tpu.dma_semaphore, #tpu.memory_space<semaphore_mem>>
        tpu.enqueue_indirect_dma source(%dma_start3A_385 : memref<40960x64xbf16, #tpu.memory_space<hbm>>) target(%dma_start3A_379 : memref<128x64xbf16, #tpu.memory_space<vmem>>) offsets(%dma_start3A_382 : memref<128xi32, #tpu.memory_space<vmem>>) semaphore(%dma_start3A_387 : memref<!tpu.dma_semaphore, #tpu.memory_space<semaphore_mem>>)
      } else {
      }
      %ge3A = arith.constant 2 : i32
      %ge3A_179 = arith.cmpi sge, %add3A_174, %ge3A : i32
      %convert_element_type3A_180 = arith.extui %ge3A_179 : i1 to i32
      %cond3A_181 = arith.constant 0 : i32
      %cond3A_182 = arith.cmpi ne, %convert_element_type3A_180, %cond3A_181 : i32
      scf.if %cond3A_182 {
        %sub3A = arith.constant 2 : i32
        %sub3A_372 = arith.subi %add3A_174, %sub3A : i32
        %dma_wait3A_373 = arith.constant 0 : i32
        %dma_wait3A_374 = arith.constant 0 : i32
        %dma_wait3A_375 = arith.constant 0 : i32
        %dma_wait3A_376 = arith.constant 0 : i32
        %dma_wait3A_377 = tpu.memref_slice %arg9[%dma_wait3A_373, %dma_wait3A_375, %dma_wait3A_376] : memref<2x128x64xf32, #tpu.memory_space<vmem>> -> memref<1x128x64xf32, #tpu.memory_space<vmem>>
        %dma_wait3A_378 = tpu.memref_squeeze %dma_wait3A_377 : memref<1x128x64xf32, #tpu.memory_space<vmem>> -> memref<128x64xf32, #tpu.memory_space<vmem>>
        %dma_wait3A_379 = arith.constant 0 : i32
        %dma_wait3A_380 = tpu.memref_slice %arg7[%sub3A_372, %dma_wait3A_379] : memref<160x128xi32, #tpu.memory_space<vmem>> -> memref<1x128xi32, #tpu.memory_space<vmem>>
        %dma_wait3A_381 = tpu.memref_squeeze %dma_wait3A_380 : memref<1x128xi32, #tpu.memory_space<vmem>> -> memref<128xi32, #tpu.memory_space<vmem>>
        %dma_wait3A_382 = arith.constant 0 : i32
        %dma_wait3A_383 = arith.constant 0 : i32
        %dma_wait3A_384 = tpu.memref_slice %arg11[%dma_wait3A_382, %dma_wait3A_383] : memref<10240x64xf32, #tpu.memory_space<vmem_shared>> -> memref<10240x64xf32, #tpu.memory_space<vmem_shared>>
        %dma_wait3A_385 = tpu.memref_slice %arg13[%dma_wait3A_374] : memref<2x!tpu.dma_semaphore, #tpu.memory_space<semaphore_mem>> -> memref<1x!tpu.dma_semaphore, #tpu.memory_space<semaphore_mem>>
        %dma_wait3A_386 = tpu.memref_squeeze %dma_wait3A_385 : memref<1x!tpu.dma_semaphore, #tpu.memory_space<semaphore_mem>> -> memref<!tpu.dma_semaphore, #tpu.memory_space<semaphore_mem>>
        tpu.wait_indirect_dma semaphore(%dma_wait3A_386 : memref<!tpu.dma_semaphore, #tpu.memory_space<semaphore_mem>>) src(%dma_wait3A_378 : memref<128x64xf32, #tpu.memory_space<vmem>>) dst(%dma_wait3A_384 : memref<10240x64xf32, #tpu.memory_space<vmem_shared>>)
      } else {
      }
      %dma_wait3A_183 = arith.constant 0 : i32
      %dma_wait3A_184 = arith.constant 0 : i32
      %dma_wait3A_185 = arith.constant 0 : i32
      %dma_wait3A_186 = arith.constant 0 : i32
      %dma_wait3A_187 = tpu.memref_slice %arg8[%dma_wait3A_183, %dma_wait3A_185, %dma_wait3A_186] : memref<4x128x64xbf16, #tpu.memory_space<vmem>> -> memref<1x128x64xbf16, #tpu.memory_space<vmem>>
      %dma_wait3A_188 = tpu.memref_squeeze %dma_wait3A_187 : memref<1x128x64xbf16, #tpu.memory_space<vmem>> -> memref<128x64xbf16, #tpu.memory_space<vmem>>
      %dma_wait3A_189 = arith.constant 0 : i32
      %dma_wait3A_190 = tpu.memref_slice %arg6[%add3A_174, %dma_wait3A_189] : memref<160x128xi32, #tpu.memory_space<vmem>> -> memref<1x128xi32, #tpu.memory_space<vmem>>
      %dma_wait3A_191 = tpu.memref_squeeze %dma_wait3A_190 : memref<1x128xi32, #tpu.memory_space<vmem>> -> memref<128xi32, #tpu.memory_space<vmem>>
      %dma_wait3A_192 = arith.constant 0 : i32
      %dma_wait3A_193 = arith.constant 0 : i32
      %dma_wait3A_194 = tpu.memref_slice %arg2[%dma_wait3A_192, %dma_wait3A_193] : memref<40960x64xbf16, #tpu.memory_space<hbm>> -> memref<40960x64xbf16, #tpu.memory_space<hbm>>
      %dma_wait3A_195 = tpu.memref_slice %arg12[%dma_wait3A_184] : memref<4x!tpu.dma_semaphore, #tpu.memory_space<semaphore_mem>> -> memref<1x!tpu.dma_semaphore, #tpu.memory_space<semaphore_mem>>
      %dma_wait3A_196 = tpu.memref_squeeze %dma_wait3A_195 : memref<1x!tpu.dma_semaphore, #tpu.memory_space<semaphore_mem>> -> memref<!tpu.dma_semaphore, #tpu.memory_space<semaphore_mem>>
      tpu.wait_indirect_dma semaphore(%dma_wait3A_196 : memref<!tpu.dma_semaphore, #tpu.memory_space<semaphore_mem>>) src(%dma_wait3A_194 : memref<40960x64xbf16, #tpu.memory_space<hbm>>) dst(%dma_wait3A_188 : memref<128x64xbf16, #tpu.memory_space<vmem>>)
      %scan3A_197 = arith.constant 0 : i32
      %scan3A_198 = arith.constant 0 : i32
      %scan3A_199 = arith.constant 128 : i32
      %scan3A_200 = arith.addi %scan3A_198, %scan3A_199 : i32
      %scan3A_201 = arith.constant 1 : i32
      %scan3A_202 = scf.for %scan3A_372 = %scan3A_198 to %scan3A_200 step %scan3A_201 iter_args(%scan3A_373 = %scan3A_197) -> (i32)  : i32 {
        %get3A = arith.constant 0 : i32
        %get3A_374 = arith.index_cast %get3A : i32 to index
        %get3A_375 = arith.index_cast %scan3A_372 : i32 to index
        %get3A_376 = arith.constant 0 : index
        %get3A_377 = tpu.vector_load %arg8[%get3A_374, %get3A_375, %get3A_376] {strides = array<i32>} : memref<4x128x64xbf16, #tpu.memory_space<vmem>>, vector<32xbf16>,
        %unpack3A = tpu.unpack_subelements %get3A_377, 0 {pack_format = #tpu.pack_format<interleaved>} : vector<32xbf16> -> vector<16xf32>
        %unpack3A_378 = tpu.unpack_subelements %get3A_377, 1 {pack_format = #tpu.pack_format<interleaved>} : vector<32xbf16> -> vector<16xf32>
        %swap3A = arith.constant 0 : i32
        %swap3A_379 = arith.index_cast %swap3A : i32 to index
        %swap3A_380 = arith.index_cast %scan3A_372 : i32 to index
        %swap3A_381 = arith.constant 0 : index
        %swap3A_382 = tpu.vector_load %arg9[%swap3A_379, %swap3A_380, %swap3A_381] {strides = array<i32>} : memref<2x128x64xf32, #tpu.memory_space<vmem>>, vector<16xf32>,
        tpu.vector_store %arg9[%swap3A_379, %swap3A_380, %swap3A_381], %unpack3A {strides = array<i32>} : memref<2x128x64xf32, #tpu.memory_space<vmem>>, vector<16xf32>,
        %swap3A_383 = arith.constant 0 : i32
        %swap3A_384 = arith.index_cast %swap3A_383 : i32 to index
        %swap3A_385 = arith.index_cast %scan3A_372 : i32 to index
        %swap3A_386 = arith.constant 16 : index
        %swap3A_387 = tpu.vector_load %arg9[%swap3A_384, %swap3A_385, %swap3A_386] {strides = array<i32>} : memref<2x128x64xf32, #tpu.memory_space<vmem>>, vector<16xf32>,
        tpu.vector_store %arg9[%swap3A_384, %swap3A_385, %swap3A_386], %unpack3A_378 {strides = array<i32>} : memref<2x128x64xf32, #tpu.memory_space<vmem>>, vector<16xf32>,
        %get3A_388 = arith.constant 0 : i32
        %get3A_389 = arith.index_cast %get3A_388 : i32 to index
        %get3A_390 = arith.index_cast %scan3A_372 : i32 to index
        %get3A_391 = arith.constant 32 : index
        %get3A_392 = tpu.vector_load %arg8[%get3A_389, %get3A_390, %get3A_391] {strides = array<i32>} : memref<4x128x64xbf16, #tpu.memory_space<vmem>>, vector<32xbf16>,
        %unpack3A_393 = tpu.unpack_subelements %get3A_392, 0 {pack_format = #tpu.pack_format<interleaved>} : vector<32xbf16> -> vector<16xf32>
        %unpack3A_394 = tpu.unpack_subelements %get3A_392, 1 {pack_format = #tpu.pack_format<interleaved>} : vector<32xbf16> -> vector<16xf32>
        %swap3A_395 = arith.constant 0 : i32
        %swap3A_396 = arith.index_cast %swap3A_395 : i32 to index
        %swap3A_397 = arith.index_cast %scan3A_372 : i32 to index
        %swap3A_398 = arith.constant 32 : index
        %swap3A_399 = tpu.vector_load %arg9[%swap3A_396, %swap3A_397, %swap3A_398] {strides = array<i32>} : memref<2x128x64xf32, #tpu.memory_space<vmem>>, vector<16xf32>,
        tpu.vector_store %arg9[%swap3A_396, %swap3A_397, %swap3A_398], %unpack3A_393 {strides = array<i32>} : memref<2x128x64xf32, #tpu.memory_space<vmem>>, vector<16xf32>,
        %swap3A_400 = arith.constant 0 : i32
        %swap3A_401 = arith.index_cast %swap3A_400 : i32 to index
        %swap3A_402 = arith.index_cast %scan3A_372 : i32 to index
        %swap3A_403 = arith.constant 48 : index
        %swap3A_404 = tpu.vector_load %arg9[%swap3A_401, %swap3A_402, %swap3A_403] {strides = array<i32>} : memref<2x128x64xf32, #tpu.memory_space<vmem>>, vector<16xf32>,
        tpu.vector_store %arg9[%swap3A_401, %swap3A_402, %swap3A_403], %unpack3A_394 {strides = array<i32>} : memref<2x128x64xf32, #tpu.memory_space<vmem>>, vector<16xf32>,
        %scan3A_405 = arith.constant 0 : i32
        scf.yield %scan3A_405 : i32
      }
      %scan3A_203 = arith.constant 128 : i32
      %dma_start3A_204 = arith.constant 0 : i32
      %dma_start3A_205 = arith.constant 0 : i32
      %dma_start3A_206 = arith.constant 0 : i32
      %dma_start3A_207 = arith.constant 0 : i32
      %dma_start3A_208 = tpu.memref_slice %arg9[%dma_start3A_204, %dma_start3A_206, %dma_start3A_207] : memref<2x128x64xf32, #tpu.memory_space<vmem>> -> memref<1x128x64xf32, #tpu.memory_space<vmem>>
      %dma_start3A_209 = tpu.memref_squeeze %dma_start3A_208 : memref<1x128x64xf32, #tpu.memory_space<vmem>> -> memref<128x64xf32, #tpu.memory_space<vmem>>
      %dma_start3A_210 = arith.constant 0 : i32
      %dma_start3A_211 = tpu.memref_slice %arg7[%add3A_174, %dma_start3A_210] : memref<160x128xi32, #tpu.memory_space<vmem>> -> memref<1x128xi32, #tpu.memory_space<vmem>>
      %dma_start3A_212 = tpu.memref_squeeze %dma_start3A_211 : memref<1x128xi32, #tpu.memory_space<vmem>> -> memref<128xi32, #tpu.memory_space<vmem>>
      %dma_start3A_213 = arith.constant 0 : i32
      %dma_start3A_214 = arith.constant 0 : i32
      %dma_start3A_215 = tpu.memref_slice %arg11[%dma_start3A_213, %dma_start3A_214] : memref<10240x64xf32, #tpu.memory_space<vmem_shared>> -> memref<10240x64xf32, #tpu.memory_space<vmem_shared>>
      %dma_start3A_216 = tpu.memref_slice %arg13[%dma_start3A_205] : memref<2x!tpu.dma_semaphore, #tpu.memory_space<semaphore_mem>> -> memref<1x!tpu.dma_semaphore, #tpu.memory_space<semaphore_mem>>
      %dma_start3A_217 = tpu.memref_squeeze %dma_start3A_216 : memref<1x!tpu.dma_semaphore, #tpu.memory_space<semaphore_mem>> -> memref<!tpu.dma_semaphore, #tpu.memory_space<semaphore_mem>>
      tpu.enqueue_indirect_dma source(%dma_start3A_209 : memref<128x64xf32, #tpu.memory_space<vmem>>) target(%dma_start3A_215 : memref<10240x64xf32, #tpu.memory_space<vmem_shared>>) offsets(%dma_start3A_212 : memref<128xi32, #tpu.memory_space<vmem>>) semaphore(%dma_start3A_217 : memref<!tpu.dma_semaphore, #tpu.memory_space<semaphore_mem>>) {add = true}
      %mul3A_218 = arith.constant 4 : i32
      %mul3A_219 = arith.muli %scan3A_169, %mul3A_218 : i32
      %add3A_220 = arith.constant 1 : i32
      %add3A_221 = arith.addi %mul3A_219, %add3A_220 : i32
      %add3A_222 = arith.constant 2 : i32
      %add3A_223 = arith.addi %add3A_221, %add3A_222 : i32
      %lt3A_224 = arith.constant 160 : i32
      %lt3A_225 = arith.cmpi slt, %add3A_223, %lt3A_224 : i32
      %convert_element_type3A_226 = arith.extui %lt3A_225 : i1 to i32
      %cond3A_227 = arith.constant 0 : i32
      %cond3A_228 = arith.cmpi ne, %convert_element_type3A_226, %cond3A_227 : i32
      scf.if %cond3A_228 {
        %add3A_372 = arith.constant 2 : i32
        %add3A_373 = arith.addi %add3A_221, %add3A_372 : i32
        %dma_start3A_374 = arith.constant 3 : i32
        %dma_start3A_375 = arith.constant 3 : i32
        %dma_start3A_376 = arith.constant 0 : i32
        %dma_start3A_377 = arith.constant 0 : i32
        %dma_start3A_378 = tpu.memref_slice %arg8[%dma_start3A_374, %dma_start3A_376, %dma_start3A_377] : memref<4x128x64xbf16, #tpu.memory_space<vmem>> -> memref<1x128x64xbf16, #tpu.memory_space<vmem>>
        %dma_start3A_379 = tpu.memref_squeeze %dma_start3A_378 : memref<1x128x64xbf16, #tpu.memory_space<vmem>> -> memref<128x64xbf16, #tpu.memory_space<vmem>>
        %dma_start3A_380 = arith.constant 0 : i32
        %dma_start3A_381 = tpu.memref_slice %arg6[%add3A_373, %dma_start3A_380] : memref<160x128xi32, #tpu.memory_space<vmem>> -> memref<1x128xi32, #tpu.memory_space<vmem>>
        %dma_start3A_382 = tpu.memref_squeeze %dma_start3A_381 : memref<1x128xi32, #tpu.memory_space<vmem>> -> memref<128xi32, #tpu.memory_space<vmem>>
        %dma_start3A_383 = arith.constant 0 : i32
        %dma_start3A_384 = arith.constant 0 : i32
        %dma_start3A_385 = tpu.memref_slice %arg2[%dma_start3A_383, %dma_start3A_384] : memref<40960x64xbf16, #tpu.memory_space<hbm>> -> memref<40960x64xbf16, #tpu.memory_space<hbm>>
        %dma_start3A_386 = tpu.memref_slice %arg12[%dma_start3A_375] : memref<4x!tpu.dma_semaphore, #tpu.memory_space<semaphore_mem>> -> memref<1x!tpu.dma_semaphore, #tpu.memory_space<semaphore_mem>>
        %dma_start3A_387 = tpu.memref_squeeze %dma_start3A_386 : memref<1x!tpu.dma_semaphore, #tpu.memory_space<semaphore_mem>> -> memref<!tpu.dma_semaphore, #tpu.memory_space<semaphore_mem>>
        tpu.enqueue_indirect_dma source(%dma_start3A_385 : memref<40960x64xbf16, #tpu.memory_space<hbm>>) target(%dma_start3A_379 : memref<128x64xbf16, #tpu.memory_space<vmem>>) offsets(%dma_start3A_382 : memref<128xi32, #tpu.memory_space<vmem>>) semaphore(%dma_start3A_387 : memref<!tpu.dma_semaphore, #tpu.memory_space<semaphore_mem>>)
      } else {
      }
      %ge3A_229 = arith.constant 2 : i32
      %ge3A_230 = arith.cmpi sge, %add3A_221, %ge3A_229 : i32
      %convert_element_type3A_231 = arith.extui %ge3A_230 : i1 to i32
      %cond3A_232 = arith.constant 0 : i32
      %cond3A_233 = arith.cmpi ne, %convert_element_type3A_231, %cond3A_232 : i32
      scf.if %cond3A_233 {
        %sub3A = arith.constant 2 : i32
        %sub3A_372 = arith.subi %add3A_221, %sub3A : i32
        %dma_wait3A_373 = arith.constant 1 : i32
        %dma_wait3A_374 = arith.constant 1 : i32
        %dma_wait3A_375 = arith.constant 0 : i32
        %dma_wait3A_376 = arith.constant 0 : i32
        %dma_wait3A_377 = tpu.memref_slice %arg9[%dma_wait3A_373, %dma_wait3A_375, %dma_wait3A_376] : memref<2x128x64xf32, #tpu.memory_space<vmem>> -> memref<1x128x64xf32, #tpu.memory_space<vmem>>
        %dma_wait3A_378 = tpu.memref_squeeze %dma_wait3A_377 : memref<1x128x64xf32, #tpu.memory_space<vmem>> -> memref<128x64xf32, #tpu.memory_space<vmem>>
        %dma_wait3A_379 = arith.constant 0 : i32
        %dma_wait3A_380 = tpu.memref_slice %arg7[%sub3A_372, %dma_wait3A_379] : memref<160x128xi32, #tpu.memory_space<vmem>> -> memref<1x128xi32, #tpu.memory_space<vmem>>
        %dma_wait3A_381 = tpu.memref_squeeze %dma_wait3A_380 : memref<1x128xi32, #tpu.memory_space<vmem>> -> memref<128xi32, #tpu.memory_space<vmem>>
        %dma_wait3A_382 = arith.constant 0 : i32
        %dma_wait3A_383 = arith.constant 0 : i32
        %dma_wait3A_384 = tpu.memref_slice %arg11[%dma_wait3A_382, %dma_wait3A_383] : memref<10240x64xf32, #tpu.memory_space<vmem_shared>> -> memref<10240x64xf32, #tpu.memory_space<vmem_shared>>
        %dma_wait3A_385 = tpu.memref_slice %arg13[%dma_wait3A_374] : memref<2x!tpu.dma_semaphore, #tpu.memory_space<semaphore_mem>> -> memref<1x!tpu.dma_semaphore, #tpu.memory_space<semaphore_mem>>
        %dma_wait3A_386 = tpu.memref_squeeze %dma_wait3A_385 : memref<1x!tpu.dma_semaphore, #tpu.memory_space<semaphore_mem>> -> memref<!tpu.dma_semaphore, #tpu.memory_space<semaphore_mem>>
        tpu.wait_indirect_dma semaphore(%dma_wait3A_386 : memref<!tpu.dma_semaphore, #tpu.memory_space<semaphore_mem>>) src(%dma_wait3A_378 : memref<128x64xf32, #tpu.memory_space<vmem>>) dst(%dma_wait3A_384 : memref<10240x64xf32, #tpu.memory_space<vmem_shared>>)
      } else {
      }
      %dma_wait3A_234 = arith.constant 1 : i32
      %dma_wait3A_235 = arith.constant 1 : i32
      %dma_wait3A_236 = arith.constant 0 : i32
      %dma_wait3A_237 = arith.constant 0 : i32
      %dma_wait3A_238 = tpu.memref_slice %arg8[%dma_wait3A_234, %dma_wait3A_236, %dma_wait3A_237] : memref<4x128x64xbf16, #tpu.memory_space<vmem>> -> memref<1x128x64xbf16, #tpu.memory_space<vmem>>
      %dma_wait3A_239 = tpu.memref_squeeze %dma_wait3A_238 : memref<1x128x64xbf16, #tpu.memory_space<vmem>> -> memref<128x64xbf16, #tpu.memory_space<vmem>>
      %dma_wait3A_240 = arith.constant 0 : i32
      %dma_wait3A_241 = tpu.memref_slice %arg6[%add3A_221, %dma_wait3A_240] : memref<160x128xi32, #tpu.memory_space<vmem>> -> memref<1x128xi32, #tpu.memory_space<vmem>>
      %dma_wait3A_242 = tpu.memref_squeeze %dma_wait3A_241 : memref<1x128xi32, #tpu.memory_space<vmem>> -> memref<128xi32, #tpu.memory_space<vmem>>
      %dma_wait3A_243 = arith.constant 0 : i32
      %dma_wait3A_244 = arith.constant 0 : i32
      %dma_wait3A_245 = tpu.memref_slice %arg2[%dma_wait3A_243, %dma_wait3A_244] : memref<40960x64xbf16, #tpu.memory_space<hbm>> -> memref<40960x64xbf16, #tpu.memory_space<hbm>>
      %dma_wait3A_246 = tpu.memref_slice %arg12[%dma_wait3A_235] : memref<4x!tpu.dma_semaphore, #tpu.memory_space<semaphore_mem>> -> memref<1x!tpu.dma_semaphore, #tpu.memory_space<semaphore_mem>>
      %dma_wait3A_247 = tpu.memref_squeeze %dma_wait3A_246 : memref<1x!tpu.dma_semaphore, #tpu.memory_space<semaphore_mem>> -> memref<!tpu.dma_semaphore, #tpu.memory_space<semaphore_mem>>
      tpu.wait_indirect_dma semaphore(%dma_wait3A_247 : memref<!tpu.dma_semaphore, #tpu.memory_space<semaphore_mem>>) src(%dma_wait3A_245 : memref<40960x64xbf16, #tpu.memory_space<hbm>>) dst(%dma_wait3A_239 : memref<128x64xbf16, #tpu.memory_space<vmem>>)
      %scan3A_248 = arith.constant 0 : i32
      %scan3A_249 = arith.constant 0 : i32
      %scan3A_250 = arith.constant 128 : i32
      %scan3A_251 = arith.addi %scan3A_249, %scan3A_250 : i32
      %scan3A_252 = arith.constant 1 : i32
      %scan3A_253 = scf.for %scan3A_372 = %scan3A_249 to %scan3A_251 step %scan3A_252 iter_args(%scan3A_373 = %scan3A_248) -> (i32)  : i32 {
        %get3A = arith.constant 1 : i32
        %get3A_374 = arith.index_cast %get3A : i32 to index
        %get3A_375 = arith.index_cast %scan3A_372 : i32 to index
        %get3A_376 = arith.constant 0 : index
        %get3A_377 = tpu.vector_load %arg8[%get3A_374, %get3A_375, %get3A_376] {strides = array<i32>} : memref<4x128x64xbf16, #tpu.memory_space<vmem>>, vector<32xbf16>,
        %unpack3A = tpu.unpack_subelements %get3A_377, 0 {pack_format = #tpu.pack_format<interleaved>} : vector<32xbf16> -> vector<16xf32>
        %unpack3A_378 = tpu.unpack_subelements %get3A_377, 1 {pack_format = #tpu.pack_format<interleaved>} : vector<32xbf16> -> vector<16xf32>
        %swap3A = arith.constant 1 : i32
        %swap3A_379 = arith.index_cast %swap3A : i32 to index
        %swap3A_380 = arith.index_cast %scan3A_372 : i32 to index
        %swap3A_381 = arith.constant 0 : index
        %swap3A_382 = tpu.vector_load %arg9[%swap3A_379, %swap3A_380, %swap3A_381] {strides = array<i32>} : memref<2x128x64xf32, #tpu.memory_space<vmem>>, vector<16xf32>,
        tpu.vector_store %arg9[%swap3A_379, %swap3A_380, %swap3A_381], %unpack3A {strides = array<i32>} : memref<2x128x64xf32, #tpu.memory_space<vmem>>, vector<16xf32>,
        %swap3A_383 = arith.constant 1 : i32
        %swap3A_384 = arith.index_cast %swap3A_383 : i32 to index
        %swap3A_385 = arith.index_cast %scan3A_372 : i32 to index
        %swap3A_386 = arith.constant 16 : index
        %swap3A_387 = tpu.vector_load %arg9[%swap3A_384, %swap3A_385, %swap3A_386] {strides = array<i32>} : memref<2x128x64xf32, #tpu.memory_space<vmem>>, vector<16xf32>,
        tpu.vector_store %arg9[%swap3A_384, %swap3A_385, %swap3A_386], %unpack3A_378 {strides = array<i32>} : memref<2x128x64xf32, #tpu.memory_space<vmem>>, vector<16xf32>,
        %get3A_388 = arith.constant 1 : i32
        %get3A_389 = arith.index_cast %get3A_388 : i32 to index
        %get3A_390 = arith.index_cast %scan3A_372 : i32 to index
        %get3A_391 = arith.constant 32 : index
        %get3A_392 = tpu.vector_load %arg8[%get3A_389, %get3A_390, %get3A_391] {strides = array<i32>} : memref<4x128x64xbf16, #tpu.memory_space<vmem>>, vector<32xbf16>,
        %unpack3A_393 = tpu.unpack_subelements %get3A_392, 0 {pack_format = #tpu.pack_format<interleaved>} : vector<32xbf16> -> vector<16xf32>
        %unpack3A_394 = tpu.unpack_subelements %get3A_392, 1 {pack_format = #tpu.pack_format<interleaved>} : vector<32xbf16> -> vector<16xf32>
        %swap3A_395 = arith.constant 1 : i32
        %swap3A_396 = arith.index_cast %swap3A_395 : i32 to index
        %swap3A_397 = arith.index_cast %scan3A_372 : i32 to index
        %swap3A_398 = arith.constant 32 : index
        %swap3A_399 = tpu.vector_load %arg9[%swap3A_396, %swap3A_397, %swap3A_398] {strides = array<i32>} : memref<2x128x64xf32, #tpu.memory_space<vmem>>, vector<16xf32>,
        tpu.vector_store %arg9[%swap3A_396, %swap3A_397, %swap3A_398], %unpack3A_393 {strides = array<i32>} : memref<2x128x64xf32, #tpu.memory_space<vmem>>, vector<16xf32>,
        %swap3A_400 = arith.constant 1 : i32
        %swap3A_401 = arith.index_cast %swap3A_400 : i32 to index
        %swap3A_402 = arith.index_cast %scan3A_372 : i32 to index
        %swap3A_403 = arith.constant 48 : index
        %swap3A_404 = tpu.vector_load %arg9[%swap3A_401, %swap3A_402, %swap3A_403] {strides = array<i32>} : memref<2x128x64xf32, #tpu.memory_space<vmem>>, vector<16xf32>,
        tpu.vector_store %arg9[%swap3A_401, %swap3A_402, %swap3A_403], %unpack3A_394 {strides = array<i32>} : memref<2x128x64xf32, #tpu.memory_space<vmem>>, vector<16xf32>,
        %scan3A_405 = arith.constant 0 : i32
        scf.yield %scan3A_405 : i32
      }
      %scan3A_254 = arith.constant 128 : i32
      %dma_start3A_255 = arith.constant 1 : i32
      %dma_start3A_256 = arith.constant 1 : i32
      %dma_start3A_257 = arith.constant 0 : i32
      %dma_start3A_258 = arith.constant 0 : i32
      %dma_start3A_259 = tpu.memref_slice %arg9[%dma_start3A_255, %dma_start3A_257, %dma_start3A_258] : memref<2x128x64xf32, #tpu.memory_space<vmem>> -> memref<1x128x64xf32, #tpu.memory_space<vmem>>
      %dma_start3A_260 = tpu.memref_squeeze %dma_start3A_259 : memref<1x128x64xf32, #tpu.memory_space<vmem>> -> memref<128x64xf32, #tpu.memory_space<vmem>>
      %dma_start3A_261 = arith.constant 0 : i32
      %dma_start3A_262 = tpu.memref_slice %arg7[%add3A_221, %dma_start3A_261] : memref<160x128xi32, #tpu.memory_space<vmem>> -> memref<1x128xi32, #tpu.memory_space<vmem>>
      %dma_start3A_263 = tpu.memref_squeeze %dma_start3A_262 : memref<1x128xi32, #tpu.memory_space<vmem>> -> memref<128xi32, #tpu.memory_space<vmem>>
      %dma_start3A_264 = arith.constant 0 : i32
      %dma_start3A_265 = arith.constant 0 : i32
      %dma_start3A_266 = tpu.memref_slice %arg11[%dma_start3A_264, %dma_start3A_265] : memref<10240x64xf32, #tpu.memory_space<vmem_shared>> -> memref<10240x64xf32, #tpu.memory_space<vmem_shared>>
      %dma_start3A_267 = tpu.memref_slice %arg13[%dma_start3A_256] : memref<2x!tpu.dma_semaphore, #tpu.memory_space<semaphore_mem>> -> memref<1x!tpu.dma_semaphore, #tpu.memory_space<semaphore_mem>>
      %dma_start3A_268 = tpu.memref_squeeze %dma_start3A_267 : memref<1x!tpu.dma_semaphore, #tpu.memory_space<semaphore_mem>> -> memref<!tpu.dma_semaphore, #tpu.memory_space<semaphore_mem>>
      tpu.enqueue_indirect_dma source(%dma_start3A_260 : memref<128x64xf32, #tpu.memory_space<vmem>>) target(%dma_start3A_266 : memref<10240x64xf32, #tpu.memory_space<vmem_shared>>) offsets(%dma_start3A_263 : memref<128xi32, #tpu.memory_space<vmem>>) semaphore(%dma_start3A_268 : memref<!tpu.dma_semaphore, #tpu.memory_space<semaphore_mem>>) {add = true}
      %mul3A_269 = arith.constant 4 : i32
      %mul3A_270 = arith.muli %scan3A_169, %mul3A_269 : i32
      %add3A_271 = arith.constant 2 : i32
      %add3A_272 = arith.addi %mul3A_270, %add3A_271 : i32
      %add3A_273 = arith.constant 2 : i32
      %add3A_274 = arith.addi %add3A_272, %add3A_273 : i32
      %lt3A_275 = arith.constant 160 : i32
      %lt3A_276 = arith.cmpi slt, %add3A_274, %lt3A_275 : i32
      %convert_element_type3A_277 = arith.extui %lt3A_276 : i1 to i32
      %cond3A_278 = arith.constant 0 : i32
      %cond3A_279 = arith.cmpi ne, %convert_element_type3A_277, %cond3A_278 : i32
      scf.if %cond3A_279 {
        %add3A_372 = arith.constant 2 : i32
        %add3A_373 = arith.addi %add3A_272, %add3A_372 : i32
        %dma_start3A_374 = arith.constant 0 : i32
        %dma_start3A_375 = arith.constant 0 : i32
        %dma_start3A_376 = arith.constant 0 : i32
        %dma_start3A_377 = arith.constant 0 : i32
        %dma_start3A_378 = tpu.memref_slice %arg8[%dma_start3A_374, %dma_start3A_376, %dma_start3A_377] : memref<4x128x64xbf16, #tpu.memory_space<vmem>> -> memref<1x128x64xbf16, #tpu.memory_space<vmem>>
        %dma_start3A_379 = tpu.memref_squeeze %dma_start3A_378 : memref<1x128x64xbf16, #tpu.memory_space<vmem>> -> memref<128x64xbf16, #tpu.memory_space<vmem>>
        %dma_start3A_380 = arith.constant 0 : i32
        %dma_start3A_381 = tpu.memref_slice %arg6[%add3A_373, %dma_start3A_380] : memref<160x128xi32, #tpu.memory_space<vmem>> -> memref<1x128xi32, #tpu.memory_space<vmem>>
        %dma_start3A_382 = tpu.memref_squeeze %dma_start3A_381 : memref<1x128xi32, #tpu.memory_space<vmem>> -> memref<128xi32, #tpu.memory_space<vmem>>
        %dma_start3A_383 = arith.constant 0 : i32
        %dma_start3A_384 = arith.constant 0 : i32
        %dma_start3A_385 = tpu.memref_slice %arg2[%dma_start3A_383, %dma_start3A_384] : memref<40960x64xbf16, #tpu.memory_space<hbm>> -> memref<40960x64xbf16, #tpu.memory_space<hbm>>
        %dma_start3A_386 = tpu.memref_slice %arg12[%dma_start3A_375] : memref<4x!tpu.dma_semaphore, #tpu.memory_space<semaphore_mem>> -> memref<1x!tpu.dma_semaphore, #tpu.memory_space<semaphore_mem>>
        %dma_start3A_387 = tpu.memref_squeeze %dma_start3A_386 : memref<1x!tpu.dma_semaphore, #tpu.memory_space<semaphore_mem>> -> memref<!tpu.dma_semaphore, #tpu.memory_space<semaphore_mem>>
        tpu.enqueue_indirect_dma source(%dma_start3A_385 : memref<40960x64xbf16, #tpu.memory_space<hbm>>) target(%dma_start3A_379 : memref<128x64xbf16, #tpu.memory_space<vmem>>) offsets(%dma_start3A_382 : memref<128xi32, #tpu.memory_space<vmem>>) semaphore(%dma_start3A_387 : memref<!tpu.dma_semaphore, #tpu.memory_space<semaphore_mem>>)
      } else {
      }
      %ge3A_280 = arith.constant 2 : i32
      %ge3A_281 = arith.cmpi sge, %add3A_272, %ge3A_280 : i32
      %convert_element_type3A_282 = arith.extui %ge3A_281 : i1 to i32
      %cond3A_283 = arith.constant 0 : i32
      %cond3A_284 = arith.cmpi ne, %convert_element_type3A_282, %cond3A_283 : i32
      scf.if %cond3A_284 {
        %sub3A = arith.constant 2 : i32
        %sub3A_372 = arith.subi %add3A_272, %sub3A : i32
        %dma_wait3A_373 = arith.constant 0 : i32
        %dma_wait3A_374 = arith.constant 0 : i32
        %dma_wait3A_375 = arith.constant 0 : i32
        %dma_wait3A_376 = arith.constant 0 : i32
        %dma_wait3A_377 = tpu.memref_slice %arg9[%dma_wait3A_373, %dma_wait3A_375, %dma_wait3A_376] : memref<2x128x64xf32, #tpu.memory_space<vmem>> -> memref<1x128x64xf32, #tpu.memory_space<vmem>>
        %dma_wait3A_378 = tpu.memref_squeeze %dma_wait3A_377 : memref<1x128x64xf32, #tpu.memory_space<vmem>> -> memref<128x64xf32, #tpu.memory_space<vmem>>
        %dma_wait3A_379 = arith.constant 0 : i32
        %dma_wait3A_380 = tpu.memref_slice %arg7[%sub3A_372, %dma_wait3A_379] : memref<160x128xi32, #tpu.memory_space<vmem>> -> memref<1x128xi32, #tpu.memory_space<vmem>>
        %dma_wait3A_381 = tpu.memref_squeeze %dma_wait3A_380 : memref<1x128xi32, #tpu.memory_space<vmem>> -> memref<128xi32, #tpu.memory_space<vmem>>
        %dma_wait3A_382 = arith.constant 0 : i32
        %dma_wait3A_383 = arith.constant 0 : i32
        %dma_wait3A_384 = tpu.memref_slice %arg11[%dma_wait3A_382, %dma_wait3A_383] : memref<10240x64xf32, #tpu.memory_space<vmem_shared>> -> memref<10240x64xf32, #tpu.memory_space<vmem_shared>>
        %dma_wait3A_385 = tpu.memref_slice %arg13[%dma_wait3A_374] : memref<2x!tpu.dma_semaphore, #tpu.memory_space<semaphore_mem>> -> memref<1x!tpu.dma_semaphore, #tpu.memory_space<semaphore_mem>>
        %dma_wait3A_386 = tpu.memref_squeeze %dma_wait3A_385 : memref<1x!tpu.dma_semaphore, #tpu.memory_space<semaphore_mem>> -> memref<!tpu.dma_semaphore, #tpu.memory_space<semaphore_mem>>
        tpu.wait_indirect_dma semaphore(%dma_wait3A_386 : memref<!tpu.dma_semaphore, #tpu.memory_space<semaphore_mem>>) src(%dma_wait3A_378 : memref<128x64xf32, #tpu.memory_space<vmem>>) dst(%dma_wait3A_384 : memref<10240x64xf32, #tpu.memory_space<vmem_shared>>)
      } else {
      }
      %dma_wait3A_285 = arith.constant 2 : i32
      %dma_wait3A_286 = arith.constant 2 : i32
      %dma_wait3A_287 = arith.constant 0 : i32
      %dma_wait3A_288 = arith.constant 0 : i32
      %dma_wait3A_289 = tpu.memref_slice %arg8[%dma_wait3A_285, %dma_wait3A_287, %dma_wait3A_288] : memref<4x128x64xbf16, #tpu.memory_space<vmem>> -> memref<1x128x64xbf16, #tpu.memory_space<vmem>>
      %dma_wait3A_290 = tpu.memref_squeeze %dma_wait3A_289 : memref<1x128x64xbf16, #tpu.memory_space<vmem>> -> memref<128x64xbf16, #tpu.memory_space<vmem>>
      %dma_wait3A_291 = arith.constant 0 : i32
      %dma_wait3A_292 = tpu.memref_slice %arg6[%add3A_272, %dma_wait3A_291] : memref<160x128xi32, #tpu.memory_space<vmem>> -> memref<1x128xi32, #tpu.memory_space<vmem>>
      %dma_wait3A_293 = tpu.memref_squeeze %dma_wait3A_292 : memref<1x128xi32, #tpu.memory_space<vmem>> -> memref<128xi32, #tpu.memory_space<vmem>>
      %dma_wait3A_294 = arith.constant 0 : i32
      %dma_wait3A_295 = arith.constant 0 : i32
      %dma_wait3A_296 = tpu.memref_slice %arg2[%dma_wait3A_294, %dma_wait3A_295] : memref<40960x64xbf16, #tpu.memory_space<hbm>> -> memref<40960x64xbf16, #tpu.memory_space<hbm>>
      %dma_wait3A_297 = tpu.memref_slice %arg12[%dma_wait3A_286] : memref<4x!tpu.dma_semaphore, #tpu.memory_space<semaphore_mem>> -> memref<1x!tpu.dma_semaphore, #tpu.memory_space<semaphore_mem>>
      %dma_wait3A_298 = tpu.memref_squeeze %dma_wait3A_297 : memref<1x!tpu.dma_semaphore, #tpu.memory_space<semaphore_mem>> -> memref<!tpu.dma_semaphore, #tpu.memory_space<semaphore_mem>>
      tpu.wait_indirect_dma semaphore(%dma_wait3A_298 : memref<!tpu.dma_semaphore, #tpu.memory_space<semaphore_mem>>) src(%dma_wait3A_296 : memref<40960x64xbf16, #tpu.memory_space<hbm>>) dst(%dma_wait3A_290 : memref<128x64xbf16, #tpu.memory_space<vmem>>)
      %scan3A_299 = arith.constant 0 : i32
      %scan3A_300 = arith.constant 0 : i32
      %scan3A_301 = arith.constant 128 : i32
      %scan3A_302 = arith.addi %scan3A_300, %scan3A_301 : i32
      %scan3A_303 = arith.constant 1 : i32
      %scan3A_304 = scf.for %scan3A_372 = %scan3A_300 to %scan3A_302 step %scan3A_303 iter_args(%scan3A_373 = %scan3A_299) -> (i32)  : i32 {
        %get3A = arith.constant 2 : i32
        %get3A_374 = arith.index_cast %get3A : i32 to index
        %get3A_375 = arith.index_cast %scan3A_372 : i32 to index
        %get3A_376 = arith.constant 0 : index
        %get3A_377 = tpu.vector_load %arg8[%get3A_374, %get3A_375, %get3A_376] {strides = array<i32>} : memref<4x128x64xbf16, #tpu.memory_space<vmem>>, vector<32xbf16>,
        %unpack3A = tpu.unpack_subelements %get3A_377, 0 {pack_format = #tpu.pack_format<interleaved>} : vector<32xbf16> -> vector<16xf32>
        %unpack3A_378 = tpu.unpack_subelements %get3A_377, 1 {pack_format = #tpu.pack_format<interleaved>} : vector<32xbf16> -> vector<16xf32>
        %swap3A = arith.constant 0 : i32
        %swap3A_379 = arith.index_cast %swap3A : i32 to index
        %swap3A_380 = arith.index_cast %scan3A_372 : i32 to index
        %swap3A_381 = arith.constant 0 : index
        %swap3A_382 = tpu.vector_load %arg9[%swap3A_379, %swap3A_380, %swap3A_381] {strides = array<i32>} : memref<2x128x64xf32, #tpu.memory_space<vmem>>, vector<16xf32>,
        tpu.vector_store %arg9[%swap3A_379, %swap3A_380, %swap3A_381], %unpack3A {strides = array<i32>} : memref<2x128x64xf32, #tpu.memory_space<vmem>>, vector<16xf32>,
        %swap3A_383 = arith.constant 0 : i32
        %swap3A_384 = arith.index_cast %swap3A_383 : i32 to index
        %swap3A_385 = arith.index_cast %scan3A_372 : i32 to index
        %swap3A_386 = arith.constant 16 : index
        %swap3A_387 = tpu.vector_load %arg9[%swap3A_384, %swap3A_385, %swap3A_386] {strides = array<i32>} : memref<2x128x64xf32, #tpu.memory_space<vmem>>, vector<16xf32>,
        tpu.vector_store %arg9[%swap3A_384, %swap3A_385, %swap3A_386], %unpack3A_378 {strides = array<i32>} : memref<2x128x64xf32, #tpu.memory_space<vmem>>, vector<16xf32>,
        %get3A_388 = arith.constant 2 : i32
        %get3A_389 = arith.index_cast %get3A_388 : i32 to index
        %get3A_390 = arith.index_cast %scan3A_372 : i32 to index
        %get3A_391 = arith.constant 32 : index
        %get3A_392 = tpu.vector_load %arg8[%get3A_389, %get3A_390, %get3A_391] {strides = array<i32>} : memref<4x128x64xbf16, #tpu.memory_space<vmem>>, vector<32xbf16>,
        %unpack3A_393 = tpu.unpack_subelements %get3A_392, 0 {pack_format = #tpu.pack_format<interleaved>} : vector<32xbf16> -> vector<16xf32>
        %unpack3A_394 = tpu.unpack_subelements %get3A_392, 1 {pack_format = #tpu.pack_format<interleaved>} : vector<32xbf16> -> vector<16xf32>
        %swap3A_395 = arith.constant 0 : i32
        %swap3A_396 = arith.index_cast %swap3A_395 : i32 to index
        %swap3A_397 = arith.index_cast %scan3A_372 : i32 to index
        %swap3A_398 = arith.constant 32 : index
        %swap3A_399 = tpu.vector_load %arg9[%swap3A_396, %swap3A_397, %swap3A_398] {strides = array<i32>} : memref<2x128x64xf32, #tpu.memory_space<vmem>>, vector<16xf32>,
        tpu.vector_store %arg9[%swap3A_396, %swap3A_397, %swap3A_398], %unpack3A_393 {strides = array<i32>} : memref<2x128x64xf32, #tpu.memory_space<vmem>>, vector<16xf32>,
        %swap3A_400 = arith.constant 0 : i32
        %swap3A_401 = arith.index_cast %swap3A_400 : i32 to index
        %swap3A_402 = arith.index_cast %scan3A_372 : i32 to index
        %swap3A_403 = arith.constant 48 : index
        %swap3A_404 = tpu.vector_load %arg9[%swap3A_401, %swap3A_402, %swap3A_403] {strides = array<i32>} : memref<2x128x64xf32, #tpu.memory_space<vmem>>, vector<16xf32>,
        tpu.vector_store %arg9[%swap3A_401, %swap3A_402, %swap3A_403], %unpack3A_394 {strides = array<i32>} : memref<2x128x64xf32, #tpu.memory_space<vmem>>, vector<16xf32>,
        %scan3A_405 = arith.constant 0 : i32
        scf.yield %scan3A_405 : i32
      }
      %scan3A_305 = arith.constant 128 : i32
      %dma_start3A_306 = arith.constant 0 : i32
      %dma_start3A_307 = arith.constant 0 : i32
      %dma_start3A_308 = arith.constant 0 : i32
      %dma_start3A_309 = arith.constant 0 : i32
      %dma_start3A_310 = tpu.memref_slice %arg9[%dma_start3A_306, %dma_start3A_308, %dma_start3A_309] : memref<2x128x64xf32, #tpu.memory_space<vmem>> -> memref<1x128x64xf32, #tpu.memory_space<vmem>>
      %dma_start3A_311 = tpu.memref_squeeze %dma_start3A_310 : memref<1x128x64xf32, #tpu.memory_space<vmem>> -> memref<128x64xf32, #tpu.memory_space<vmem>>
      %dma_start3A_312 = arith.constant 0 : i32
      %dma_start3A_313 = tpu.memref_slice %arg7[%add3A_272, %dma_start3A_312] : memref<160x128xi32, #tpu.memory_space<vmem>> -> memref<1x128xi32, #tpu.memory_space<vmem>>
      %dma_start3A_314 = tpu.memref_squeeze %dma_start3A_313 : memref<1x128xi32, #tpu.memory_space<vmem>> -> memref<128xi32, #tpu.memory_space<vmem>>
      %dma_start3A_315 = arith.constant 0 : i32
      %dma_start3A_316 = arith.constant 0 : i32
      %dma_start3A_317 = tpu.memref_slice %arg11[%dma_start3A_315, %dma_start3A_316] : memref<10240x64xf32, #tpu.memory_space<vmem_shared>> -> memref<10240x64xf32, #tpu.memory_space<vmem_shared>>
      %dma_start3A_318 = tpu.memref_slice %arg13[%dma_start3A_307] : memref<2x!tpu.dma_semaphore, #tpu.memory_space<semaphore_mem>> -> memref<1x!tpu.dma_semaphore, #tpu.memory_space<semaphore_mem>>
      %dma_start3A_319 = tpu.memref_squeeze %dma_start3A_318 : memref<1x!tpu.dma_semaphore, #tpu.memory_space<semaphore_mem>> -> memref<!tpu.dma_semaphore, #tpu.memory_space<semaphore_mem>>
      tpu.enqueue_indirect_dma source(%dma_start3A_311 : memref<128x64xf32, #tpu.memory_space<vmem>>) target(%dma_start3A_317 : memref<10240x64xf32, #tpu.memory_space<vmem_shared>>) offsets(%dma_start3A_314 : memref<128xi32, #tpu.memory_space<vmem>>) semaphore(%dma_start3A_319 : memref<!tpu.dma_semaphore, #tpu.memory_space<semaphore_mem>>) {add = true}
      %mul3A_320 = arith.constant 4 : i32
      %mul3A_321 = arith.muli %scan3A_169, %mul3A_320 : i32
      %add3A_322 = arith.constant 3 : i32
      %add3A_323 = arith.addi %mul3A_321, %add3A_322 : i32
      %add3A_324 = arith.constant 2 : i32
      %add3A_325 = arith.addi %add3A_323, %add3A_324 : i32
      %lt3A_326 = arith.constant 160 : i32
      %lt3A_327 = arith.cmpi slt, %add3A_325, %lt3A_326 : i32
      %convert_element_type3A_328 = arith.extui %lt3A_327 : i1 to i32
      %cond3A_329 = arith.constant 0 : i32
      %cond3A_330 = arith.cmpi ne, %convert_element_type3A_328, %cond3A_329 : i32
      scf.if %cond3A_330 {
        %add3A_372 = arith.constant 2 : i32
        %add3A_373 = arith.addi %add3A_323, %add3A_372 : i32
        %dma_start3A_374 = arith.constant 1 : i32
        %dma_start3A_375 = arith.constant 1 : i32
        %dma_start3A_376 = arith.constant 0 : i32
        %dma_start3A_377 = arith.constant 0 : i32
        %dma_start3A_378 = tpu.memref_slice %arg8[%dma_start3A_374, %dma_start3A_376, %dma_start3A_377] : memref<4x128x64xbf16, #tpu.memory_space<vmem>> -> memref<1x128x64xbf16, #tpu.memory_space<vmem>>
        %dma_start3A_379 = tpu.memref_squeeze %dma_start3A_378 : memref<1x128x64xbf16, #tpu.memory_space<vmem>> -> memref<128x64xbf16, #tpu.memory_space<vmem>>
        %dma_start3A_380 = arith.constant 0 : i32
        %dma_start3A_381 = tpu.memref_slice %arg6[%add3A_373, %dma_start3A_380] : memref<160x128xi32, #tpu.memory_space<vmem>> -> memref<1x128xi32, #tpu.memory_space<vmem>>
        %dma_start3A_382 = tpu.memref_squeeze %dma_start3A_381 : memref<1x128xi32, #tpu.memory_space<vmem>> -> memref<128xi32, #tpu.memory_space<vmem>>
        %dma_start3A_383 = arith.constant 0 : i32
        %dma_start3A_384 = arith.constant 0 : i32
        %dma_start3A_385 = tpu.memref_slice %arg2[%dma_start3A_383, %dma_start3A_384] : memref<40960x64xbf16, #tpu.memory_space<hbm>> -> memref<40960x64xbf16, #tpu.memory_space<hbm>>
        %dma_start3A_386 = tpu.memref_slice %arg12[%dma_start3A_375] : memref<4x!tpu.dma_semaphore, #tpu.memory_space<semaphore_mem>> -> memref<1x!tpu.dma_semaphore, #tpu.memory_space<semaphore_mem>>
        %dma_start3A_387 = tpu.memref_squeeze %dma_start3A_386 : memref<1x!tpu.dma_semaphore, #tpu.memory_space<semaphore_mem>> -> memref<!tpu.dma_semaphore, #tpu.memory_space<semaphore_mem>>
        tpu.enqueue_indirect_dma source(%dma_start3A_385 : memref<40960x64xbf16, #tpu.memory_space<hbm>>) target(%dma_start3A_379 : memref<128x64xbf16, #tpu.memory_space<vmem>>) offsets(%dma_start3A_382 : memref<128xi32, #tpu.memory_space<vmem>>) semaphore(%dma_start3A_387 : memref<!tpu.dma_semaphore, #tpu.memory_space<semaphore_mem>>)
      } else {
      }
      %ge3A_331 = arith.constant 2 : i32
      %ge3A_332 = arith.cmpi sge, %add3A_323, %ge3A_331 : i32
      %convert_element_type3A_333 = arith.extui %ge3A_332 : i1 to i32
      %cond3A_334 = arith.constant 0 : i32
      %cond3A_335 = arith.cmpi ne, %convert_element_type3A_333, %cond3A_334 : i32
      scf.if %cond3A_335 {
        %sub3A = arith.constant 2 : i32
        %sub3A_372 = arith.subi %add3A_323, %sub3A : i32
        %dma_wait3A_373 = arith.constant 1 : i32
        %dma_wait3A_374 = arith.constant 1 : i32
        %dma_wait3A_375 = arith.constant 0 : i32
        %dma_wait3A_376 = arith.constant 0 : i32
        %dma_wait3A_377 = tpu.memref_slice %arg9[%dma_wait3A_373, %dma_wait3A_375, %dma_wait3A_376] : memref<2x128x64xf32, #tpu.memory_space<vmem>> -> memref<1x128x64xf32, #tpu.memory_space<vmem>>
        %dma_wait3A_378 = tpu.memref_squeeze %dma_wait3A_377 : memref<1x128x64xf32, #tpu.memory_space<vmem>> -> memref<128x64xf32, #tpu.memory_space<vmem>>
        %dma_wait3A_379 = arith.constant 0 : i32
        %dma_wait3A_380 = tpu.memref_slice %arg7[%sub3A_372, %dma_wait3A_379] : memref<160x128xi32, #tpu.memory_space<vmem>> -> memref<1x128xi32, #tpu.memory_space<vmem>>
        %dma_wait3A_381 = tpu.memref_squeeze %dma_wait3A_380 : memref<1x128xi32, #tpu.memory_space<vmem>> -> memref<128xi32, #tpu.memory_space<vmem>>
        %dma_wait3A_382 = arith.constant 0 : i32
        %dma_wait3A_383 = arith.constant 0 : i32
        %dma_wait3A_384 = tpu.memref_slice %arg11[%dma_wait3A_382, %dma_wait3A_383] : memref<10240x64xf32, #tpu.memory_space<vmem_shared>> -> memref<10240x64xf32, #tpu.memory_space<vmem_shared>>
        %dma_wait3A_385 = tpu.memref_slice %arg13[%dma_wait3A_374] : memref<2x!tpu.dma_semaphore, #tpu.memory_space<semaphore_mem>> -> memref<1x!tpu.dma_semaphore, #tpu.memory_space<semaphore_mem>>
        %dma_wait3A_386 = tpu.memref_squeeze %dma_wait3A_385 : memref<1x!tpu.dma_semaphore, #tpu.memory_space<semaphore_mem>> -> memref<!tpu.dma_semaphore, #tpu.memory_space<semaphore_mem>>
        tpu.wait_indirect_dma semaphore(%dma_wait3A_386 : memref<!tpu.dma_semaphore, #tpu.memory_space<semaphore_mem>>) src(%dma_wait3A_378 : memref<128x64xf32, #tpu.memory_space<vmem>>) dst(%dma_wait3A_384 : memref<10240x64xf32, #tpu.memory_space<vmem_shared>>)
      } else {
      }
      %dma_wait3A_336 = arith.constant 3 : i32
      %dma_wait3A_337 = arith.constant 3 : i32
      %dma_wait3A_338 = arith.constant 0 : i32
      %dma_wait3A_339 = arith.constant 0 : i32
      %dma_wait3A_340 = tpu.memref_slice %arg8[%dma_wait3A_336, %dma_wait3A_338, %dma_wait3A_339] : memref<4x128x64xbf16, #tpu.memory_space<vmem>> -> memref<1x128x64xbf16, #tpu.memory_space<vmem>>
      %dma_wait3A_341 = tpu.memref_squeeze %dma_wait3A_340 : memref<1x128x64xbf16, #tpu.memory_space<vmem>> -> memref<128x64xbf16, #tpu.memory_space<vmem>>
      %dma_wait3A_342 = arith.constant 0 : i32
      %dma_wait3A_343 = tpu.memref_slice %arg6[%add3A_323, %dma_wait3A_342] : memref<160x128xi32, #tpu.memory_space<vmem>> -> memref<1x128xi32, #tpu.memory_space<vmem>>
      %dma_wait3A_344 = tpu.memref_squeeze %dma_wait3A_343 : memref<1x128xi32, #tpu.memory_space<vmem>> -> memref<128xi32, #tpu.memory_space<vmem>>
      %dma_wait3A_345 = arith.constant 0 : i32
      %dma_wait3A_346 = arith.constant 0 : i32
      %dma_wait3A_347 = tpu.memref_slice %arg2[%dma_wait3A_345, %dma_wait3A_346] : memref<40960x64xbf16, #tpu.memory_space<hbm>> -> memref<40960x64xbf16, #tpu.memory_space<hbm>>
      %dma_wait3A_348 = tpu.memref_slice %arg12[%dma_wait3A_337] : memref<4x!tpu.dma_semaphore, #tpu.memory_space<semaphore_mem>> -> memref<1x!tpu.dma_semaphore, #tpu.memory_space<semaphore_mem>>
      %dma_wait3A_349 = tpu.memref_squeeze %dma_wait3A_348 : memref<1x!tpu.dma_semaphore, #tpu.memory_space<semaphore_mem>> -> memref<!tpu.dma_semaphore, #tpu.memory_space<semaphore_mem>>
      tpu.wait_indirect_dma semaphore(%dma_wait3A_349 : memref<!tpu.dma_semaphore, #tpu.memory_space<semaphore_mem>>) src(%dma_wait3A_347 : memref<40960x64xbf16, #tpu.memory_space<hbm>>) dst(%dma_wait3A_341 : memref<128x64xbf16, #tpu.memory_space<vmem>>)
      %scan3A_350 = arith.constant 0 : i32
      %scan3A_351 = arith.constant 0 : i32
      %scan3A_352 = arith.constant 128 : i32
      %scan3A_353 = arith.addi %scan3A_351, %scan3A_352 : i32
      %scan3A_354 = arith.constant 1 : i32
      %scan3A_355 = scf.for %scan3A_372 = %scan3A_351 to %scan3A_353 step %scan3A_354 iter_args(%scan3A_373 = %scan3A_350) -> (i32)  : i32 {
        %get3A = arith.constant 3 : i32
        %get3A_374 = arith.index_cast %get3A : i32 to index
        %get3A_375 = arith.index_cast %scan3A_372 : i32 to index
        %get3A_376 = arith.constant 0 : index
        %get3A_377 = tpu.vector_load %arg8[%get3A_374, %get3A_375, %get3A_376] {strides = array<i32>} : memref<4x128x64xbf16, #tpu.memory_space<vmem>>, vector<32xbf16>,
        %unpack3A = tpu.unpack_subelements %get3A_377, 0 {pack_format = #tpu.pack_format<interleaved>} : vector<32xbf16> -> vector<16xf32>
        %unpack3A_378 = tpu.unpack_subelements %get3A_377, 1 {pack_format = #tpu.pack_format<interleaved>} : vector<32xbf16> -> vector<16xf32>
        %swap3A = arith.constant 1 : i32
        %swap3A_379 = arith.index_cast %swap3A : i32 to index
        %swap3A_380 = arith.index_cast %scan3A_372 : i32 to index
        %swap3A_381 = arith.constant 0 : index
        %swap3A_382 = tpu.vector_load %arg9[%swap3A_379, %swap3A_380, %swap3A_381] {strides = array<i32>} : memref<2x128x64xf32, #tpu.memory_space<vmem>>, vector<16xf32>,
        tpu.vector_store %arg9[%swap3A_379, %swap3A_380, %swap3A_381], %unpack3A {strides = array<i32>} : memref<2x128x64xf32, #tpu.memory_space<vmem>>, vector<16xf32>,
        %swap3A_383 = arith.constant 1 : i32
        %swap3A_384 = arith.index_cast %swap3A_383 : i32 to index
        %swap3A_385 = arith.index_cast %scan3A_372 : i32 to index
        %swap3A_386 = arith.constant 16 : index
        %swap3A_387 = tpu.vector_load %arg9[%swap3A_384, %swap3A_385, %swap3A_386] {strides = array<i32>} : memref<2x128x64xf32, #tpu.memory_space<vmem>>, vector<16xf32>,
        tpu.vector_store %arg9[%swap3A_384, %swap3A_385, %swap3A_386], %unpack3A_378 {strides = array<i32>} : memref<2x128x64xf32, #tpu.memory_space<vmem>>, vector<16xf32>,
        %get3A_388 = arith.constant 3 : i32
        %get3A_389 = arith.index_cast %get3A_388 : i32 to index
        %get3A_390 = arith.index_cast %scan3A_372 : i32 to index
        %get3A_391 = arith.constant 32 : index
        %get3A_392 = tpu.vector_load %arg8[%get3A_389, %get3A_390, %get3A_391] {strides = array<i32>} : memref<4x128x64xbf16, #tpu.memory_space<vmem>>, vector<32xbf16>,
        %unpack3A_393 = tpu.unpack_subelements %get3A_392, 0 {pack_format = #tpu.pack_format<interleaved>} : vector<32xbf16> -> vector<16xf32>
        %unpack3A_394 = tpu.unpack_subelements %get3A_392, 1 {pack_format = #tpu.pack_format<interleaved>} : vector<32xbf16> -> vector<16xf32>
        %swap3A_395 = arith.constant 1 : i32
        %swap3A_396 = arith.index_cast %swap3A_395 : i32 to index
        %swap3A_397 = arith.index_cast %scan3A_372 : i32 to index
        %swap3A_398 = arith.constant 32 : index
        %swap3A_399 = tpu.vector_load %arg9[%swap3A_396, %swap3A_397, %swap3A_398] {strides = array<i32>} : memref<2x128x64xf32, #tpu.memory_space<vmem>>, vector<16xf32>,
        tpu.vector_store %arg9[%swap3A_396, %swap3A_397, %swap3A_398], %unpack3A_393 {strides = array<i32>} : memref<2x128x64xf32, #tpu.memory_space<vmem>>, vector<16xf32>,
        %swap3A_400 = arith.constant 1 : i32
        %swap3A_401 = arith.index_cast %swap3A_400 : i32 to index
        %swap3A_402 = arith.index_cast %scan3A_372 : i32 to index
        %swap3A_403 = arith.constant 48 : index
        %swap3A_404 = tpu.vector_load %arg9[%swap3A_401, %swap3A_402, %swap3A_403] {strides = array<i32>} : memref<2x128x64xf32, #tpu.memory_space<vmem>>, vector<16xf32>,
        tpu.vector_store %arg9[%swap3A_401, %swap3A_402, %swap3A_403], %unpack3A_394 {strides = array<i32>} : memref<2x128x64xf32, #tpu.memory_space<vmem>>, vector<16xf32>,
        %scan3A_405 = arith.constant 0 : i32
        scf.yield %scan3A_405 : i32
      }
      %scan3A_356 = arith.constant 128 : i32
      %dma_start3A_357 = arith.constant 1 : i32
      %dma_start3A_358 = arith.constant 1 : i32
      %dma_start3A_359 = arith.constant 0 : i32
      %dma_start3A_360 = arith.constant 0 : i32
      %dma_start3A_361 = tpu.memref_slice %arg9[%dma_start3A_357, %dma_start3A_359, %dma_start3A_360] : memref<2x128x64xf32, #tpu.memory_space<vmem>> -> memref<1x128x64xf32, #tpu.memory_space<vmem>>
      %dma_start3A_362 = tpu.memref_squeeze %dma_start3A_361 : memref<1x128x64xf32, #tpu.memory_space<vmem>> -> memref<128x64xf32, #tpu.memory_space<vmem>>
      %dma_start3A_363 = arith.constant 0 : i32
      %dma_start3A_364 = tpu.memref_slice %arg7[%add3A_323, %dma_start3A_363] : memref<160x128xi32, #tpu.memory_space<vmem>> -> memref<1x128xi32, #tpu.memory_space<vmem>>
      %dma_start3A_365 = tpu.memref_squeeze %dma_start3A_364 : memref<1x128xi32, #tpu.memory_space<vmem>> -> memref<128xi32, #tpu.memory_space<vmem>>
      %dma_start3A_366 = arith.constant 0 : i32
      %dma_start3A_367 = arith.constant 0 : i32
      %dma_start3A_368 = tpu.memref_slice %arg11[%dma_start3A_366, %dma_start3A_367] : memref<10240x64xf32, #tpu.memory_space<vmem_shared>> -> memref<10240x64xf32, #tpu.memory_space<vmem_shared>>
      %dma_start3A_369 = tpu.memref_slice %arg13[%dma_start3A_358] : memref<2x!tpu.dma_semaphore, #tpu.memory_space<semaphore_mem>> -> memref<1x!tpu.dma_semaphore, #tpu.memory_space<semaphore_mem>>
      %dma_start3A_370 = tpu.memref_squeeze %dma_start3A_369 : memref<1x!tpu.dma_semaphore, #tpu.memory_space<semaphore_mem>> -> memref<!tpu.dma_semaphore, #tpu.memory_space<semaphore_mem>>
      tpu.enqueue_indirect_dma source(%dma_start3A_362 : memref<128x64xf32, #tpu.memory_space<vmem>>) target(%dma_start3A_368 : memref<10240x64xf32, #tpu.memory_space<vmem_shared>>) offsets(%dma_start3A_365 : memref<128xi32, #tpu.memory_space<vmem>>) semaphore(%dma_start3A_370 : memref<!tpu.dma_semaphore, #tpu.memory_space<semaphore_mem>>) {add = true}
      %scan3A_371 = arith.constant 0 : i32
      scf.yield %scan3A_371 : i32
    }
    %scan3A_54 = arith.constant 40 : i32
    %dma_wait3A = arith.constant 0 : i32
    %dma_wait3A_55 = arith.constant 158 : i32
    %dma_wait3A_56 = arith.constant 0 : i32
    %dma_wait3A_57 = arith.constant 0 : i32
    %dma_wait3A_58 = arith.constant 0 : i32
    %dma_wait3A_59 = tpu.memref_slice %arg9[%dma_wait3A, %dma_wait3A_57, %dma_wait3A_58] : memref<2x128x64xf32, #tpu.memory_space<vmem>> -> memref<1x128x64xf32, #tpu.memory_space<vmem>>
    %dma_wait3A_60 = tpu.memref_squeeze %dma_wait3A_59 : memref<1x128x64xf32, #tpu.memory_space<vmem>> -> memref<128x64xf32, #tpu.memory_space<vmem>>
    %dma_wait3A_61 = arith.constant 0 : i32
    %dma_wait3A_62 = tpu.memref_slice %arg7[%dma_wait3A_55, %dma_wait3A_61] : memref<160x128xi32, #tpu.memory_space<vmem>> -> memref<1x128xi32, #tpu.memory_space<vmem>>
    %dma_wait3A_63 = tpu.memref_squeeze %dma_wait3A_62 : memref<1x128xi32, #tpu.memory_space<vmem>> -> memref<128xi32, #tpu.memory_space<vmem>>
    %dma_wait3A_64 = arith.constant 0 : i32
    %dma_wait3A_65 = arith.constant 0 : i32
    %dma_wait3A_66 = tpu.memref_slice %arg11[%dma_wait3A_64, %dma_wait3A_65] : memref<10240x64xf32, #tpu.memory_space<vmem_shared>> -> memref<10240x64xf32, #tpu.memory_space<vmem_shared>>
    %dma_wait3A_67 = tpu.memref_slice %arg13[%dma_wait3A_56] : memref<2x!tpu.dma_semaphore, #tpu.memory_space<semaphore_mem>> -> memref<1x!tpu.dma_semaphore, #tpu.memory_space<semaphore_mem>>
    %dma_wait3A_68 = tpu.memref_squeeze %dma_wait3A_67 : memref<1x!tpu.dma_semaphore, #tpu.memory_space<semaphore_mem>> -> memref<!tpu.dma_semaphore, #tpu.memory_space<semaphore_mem>>
    tpu.wait_indirect_dma semaphore(%dma_wait3A_68 : memref<!tpu.dma_semaphore, #tpu.memory_space<semaphore_mem>>) src(%dma_wait3A_60 : memref<128x64xf32, #tpu.memory_space<vmem>>) dst(%dma_wait3A_66 : memref<10240x64xf32, #tpu.memory_space<vmem_shared>>)
    %dma_wait3A_69 = arith.constant 1 : i32
    %dma_wait3A_70 = arith.constant 159 : i32
    %dma_wait3A_71 = arith.constant 1 : i32
    %dma_wait3A_72 = arith.constant 0 : i32
    %dma_wait3A_73 = arith.constant 0 : i32
    %dma_wait3A_74 = tpu.memref_slice %arg9[%dma_wait3A_69, %dma_wait3A_72, %dma_wait3A_73] : memref<2x128x64xf32, #tpu.memory_space<vmem>> -> memref<1x128x64xf32, #tpu.memory_space<vmem>>
    %dma_wait3A_75 = tpu.memref_squeeze %dma_wait3A_74 : memref<1x128x64xf32, #tpu.memory_space<vmem>> -> memref<128x64xf32, #tpu.memory_space<vmem>>
    %dma_wait3A_76 = arith.constant 0 : i32
    %dma_wait3A_77 = tpu.memref_slice %arg7[%dma_wait3A_70, %dma_wait3A_76] : memref<160x128xi32, #tpu.memory_space<vmem>> -> memref<1x128xi32, #tpu.memory_space<vmem>>
    %dma_wait3A_78 = tpu.memref_squeeze %dma_wait3A_77 : memref<1x128xi32, #tpu.memory_space<vmem>> -> memref<128xi32, #tpu.memory_space<vmem>>
    %dma_wait3A_79 = arith.constant 0 : i32
    %dma_wait3A_80 = arith.constant 0 : i32
    %dma_wait3A_81 = tpu.memref_slice %arg11[%dma_wait3A_79, %dma_wait3A_80] : memref<10240x64xf32, #tpu.memory_space<vmem_shared>> -> memref<10240x64xf32, #tpu.memory_space<vmem_shared>>
    %dma_wait3A_82 = tpu.memref_slice %arg13[%dma_wait3A_71] : memref<2x!tpu.dma_semaphore, #tpu.memory_space<semaphore_mem>> -> memref<1x!tpu.dma_semaphore, #tpu.memory_space<semaphore_mem>>
    %dma_wait3A_83 = tpu.memref_squeeze %dma_wait3A_82 : memref<1x!tpu.dma_semaphore, #tpu.memory_space<semaphore_mem>> -> memref<!tpu.dma_semaphore, #tpu.memory_space<semaphore_mem>>
    tpu.wait_indirect_dma semaphore(%dma_wait3A_83 : memref<!tpu.dma_semaphore, #tpu.memory_space<semaphore_mem>>) src(%dma_wait3A_75 : memref<128x64xf32, #tpu.memory_space<vmem>>) dst(%dma_wait3A_81 : memref<10240x64xf32, #tpu.memory_space<vmem_shared>>)
    %barrier3A_84 = arith.constant 0 : index
    tpu.barrier barrier_id(%barrier3A_84)
    %add3A_85 = arith.constant 0 : i32
    %add3A_86 = arith.addi %add3A_85, %arg0 : i32
    "tpu.region"() ({
      %run_scoped3A = tpu.sem_alloc : memref<!tpu.dma_semaphore, #tpu.memory_space<semaphore_mem>>
      %dma_start3A_169 = arith.constant 0 : i32
      %dma_start3A_170 = tpu.memref_slice %arg5[%add3A_86, %mul3A_6, %dma_start3A_169] : memref<4x10240x64xf32, #tpu.memory_space<hbm>> -> memref<1x640x64xf32, #tpu.memory_space<hbm>>
      %dma_start3A_171 = tpu.memref_squeeze %dma_start3A_170 : memref<1x640x64xf32, #tpu.memory_space<hbm>> -> memref<640x64xf32, #tpu.memory_space<hbm>>
      %dma_start3A_172 = arith.constant 0 : i32
      %dma_start3A_173 = tpu.memref_slice %arg11[%mul3A_6, %dma_start3A_172] : memref<10240x64xf32, #tpu.memory_space<vmem_shared>> -> memref<640x64xf32, #tpu.memory_space<vmem_shared>>
      tpu.enqueue_dma source(%dma_start3A_173 : memref<640x64xf32, #tpu.memory_space<vmem_shared>>) target(%dma_start3A_171 : memref<640x64xf32, #tpu.memory_space<hbm>>) target_semaphore(%run_scoped3A : memref<!tpu.dma_semaphore, #tpu.memory_space<semaphore_mem>>)
      %dma_wait3A_174 = arith.constant 0 : i32
      %dma_wait3A_175 = tpu.memref_slice %arg5[%add3A_86, %mul3A_6, %dma_wait3A_174] : memref<4x10240x64xf32, #tpu.memory_space<hbm>> -> memref<1x640x64xf32, #tpu.memory_space<hbm>>
      %dma_wait3A_176 = tpu.memref_squeeze %dma_wait3A_175 : memref<1x640x64xf32, #tpu.memory_space<hbm>> -> memref<640x64xf32, #tpu.memory_space<hbm>>
      %dma_wait3A_177 = arith.constant 0 : i32
      %dma_wait3A_178 = tpu.memref_slice %arg11[%mul3A_6, %dma_wait3A_177] : memref<10240x64xf32, #tpu.memory_space<vmem_shared>> -> memref<640x64xf32, #tpu.memory_space<vmem_shared>>
      tpu.wait_dma2 semaphore(%run_scoped3A : memref<!tpu.dma_semaphore, #tpu.memory_space<semaphore_mem>>) src(%dma_wait3A_178 : memref<640x64xf32, #tpu.memory_space<vmem_shared>>) dst(%dma_wait3A_176 : memref<640x64xf32, #tpu.memory_space<hbm>>)
      tpu.yield
    }) : () -> ()
    %scan3A_87 = arith.constant 0 : i32
    %scan3A_88 = arith.constant 0 : i32
    %scan3A_89 = arith.constant 10 : i32
    %scan3A_90 = arith.addi %scan3A_88, %scan3A_89 : i32
    %scan3A_91 = arith.constant 1 : i32
    %scan3A_92 = scf.for %scan3A_169 = %scan3A_88 to %scan3A_90 step %scan3A_91 iter_args(%scan3A_170 = %scan3A_87) -> (i32)  : i32 {
      %mul3A_171 = arith.constant 64 : i32
      %mul3A_172 = arith.muli %scan3A_169, %mul3A_171 : i32
      %add3A_173 = arith.addi %mul3A_6, %mul3A_172 : i32
      "tpu.region"() ({
        %run_scoped3A = tpu.sem_alloc : memref<!tpu.dma_semaphore, #tpu.memory_space<semaphore_mem>>
        %dma_start3A_175 = arith.constant 0 : i32
        %dma_start3A_176 = tpu.memref_slice %arg11[%add3A_173, %dma_start3A_175] : memref<10240x64xf32, #tpu.memory_space<vmem_shared>> -> memref<64x64xf32, #tpu.memory_space<vmem_shared>>
        %dma_start3A_177 = arith.constant 0 : i32
        %dma_start3A_178 = tpu.memref_slice %arg11[%add3A_173, %dma_start3A_177] : memref<10240x64xf32, #tpu.memory_space<vmem_shared>> -> memref<64x64xf32, #tpu.memory_space<vmem_shared>>
        tpu.enqueue_dma source(%arg10 : memref<64x64xf32, #tpu.memory_space<vmem>>) target(%dma_start3A_178 : memref<64x64xf32, #tpu.memory_space<vmem_shared>>) target_semaphore(%run_scoped3A : memref<!tpu.dma_semaphore, #tpu.memory_space<semaphore_mem>>)
        %dma_wait3A_179 = arith.constant 0 : i32
        %dma_wait3A_180 = tpu.memref_slice %arg11[%add3A_173, %dma_wait3A_179] : memref<10240x64xf32, #tpu.memory_space<vmem_shared>> -> memref<64x64xf32, #tpu.memory_space<vmem_shared>>
        %dma_wait3A_181 = arith.constant 0 : i32
        %dma_wait3A_182 = tpu.memref_slice %arg11[%add3A_173, %dma_wait3A_181] : memref<10240x64xf32, #tpu.memory_space<vmem_shared>> -> memref<64x64xf32, #tpu.memory_space<vmem_shared>>
        tpu.wait_dma2 semaphore(%run_scoped3A : memref<!tpu.dma_semaphore, #tpu.memory_space<semaphore_mem>>) src(%arg10 : memref<64x64xf32, #tpu.memory_space<vmem>>) dst(%dma_wait3A_182 : memref<64x64xf32, #tpu.memory_space<vmem_shared>>)
        tpu.yield
      }) : () -> ()
      %scan3A_174 = arith.constant 0 : i32
      scf.yield %scan3A_174 : i32
    }
    %scan3A_93 = arith.constant 10 : i32
    %add3A_94 = arith.constant 2 : i32
    %add3A_95 = arith.addi %add3A_94, %arg0 : i32
    %mul3A_96 = arith.constant 160 : i32
    %mul3A_97 = arith.muli %arg1, %mul3A_96 : i32
    "tpu.region"() ({
      %run_scoped3A = tpu.sem_alloc : memref<!tpu.dma_semaphore, #tpu.memory_space<semaphore_mem>>
      %dma_start3A_169 = arith.constant 0 : i32
      %dma_start3A_170 = tpu.memref_slice %arg3[%add3A_95, %mul3A_97, %dma_start3A_169] : memref<4x2560x128xi32, #tpu.memory_space<hbm>> -> memref<1x160x128xi32, #tpu.memory_space<hbm>>
      %dma_start3A_171 = tpu.memref_squeeze %dma_start3A_170 : memref<1x160x128xi32, #tpu.memory_space<hbm>> -> memref<160x128xi32, #tpu.memory_space<hbm>>
      %dma_start3A_172 = arith.constant 0 : i32
      %dma_start3A_173 = tpu.memref_slice %arg3[%add3A_95, %mul3A_97, %dma_start3A_172] : memref<4x2560x128xi32, #tpu.memory_space<hbm>> -> memref<1x160x128xi32, #tpu.memory_space<hbm>>
      %dma_start3A_174 = tpu.memref_squeeze %dma_start3A_173 : memref<1x160x128xi32, #tpu.memory_space<hbm>> -> memref<160x128xi32, #tpu.memory_space<hbm>>
      tpu.enqueue_dma source(%dma_start3A_174 : memref<160x128xi32, #tpu.memory_space<hbm>>) target(%arg6 : memref<160x128xi32, #tpu.memory_space<vmem>>) target_semaphore(%run_scoped3A : memref<!tpu.dma_semaphore, #tpu.memory_space<semaphore_mem>>)
      %dma_wait3A_175 = arith.constant 0 : i32
      %dma_wait3A_176 = tpu.memref_slice %arg3[%add3A_95, %mul3A_97, %dma_wait3A_175] : memref<4x2560x128xi32, #tpu.memory_space<hbm>> -> memref<1x160x128xi32, #tpu.memory_space<hbm>>
      %dma_wait3A_177 = tpu.memref_squeeze %dma_wait3A_176 : memref<1x160x128xi32, #tpu.memory_space<hbm>> -> memref<160x128xi32, #tpu.memory_space<hbm>>
      %dma_wait3A_178 = arith.constant 0 : i32
      %dma_wait3A_179 = tpu.memref_slice %arg3[%add3A_95, %mul3A_97, %dma_wait3A_178] : memref<4x2560x128xi32, #tpu.memory_space<hbm>> -> memref<1x160x128xi32, #tpu.memory_space<hbm>>
      %dma_wait3A_180 = tpu.memref_squeeze %dma_wait3A_179 : memref<1x160x128xi32, #tpu.memory_space<hbm>> -> memref<160x128xi32, #tpu.memory_space<hbm>>
      tpu.wait_dma2 semaphore(%run_scoped3A : memref<!tpu.dma_semaphore, #tpu.memory_space<semaphore_mem>>) src(%dma_wait3A_180 : memref<160x128xi32, #tpu.memory_space<hbm>>) dst(%arg6 : memref<160x128xi32, #tpu.memory_space<vmem>>)
      tpu.yield
    }) : () -> ()
    %barrier3A_98 = arith.constant 0 : index
    tpu.barrier barrier_id(%barrier3A_98)
    %dma_start3A_99 = arith.constant 0 : i32
    %dma_start3A_100 = arith.constant 0 : i32
    %dma_start3A_101 = arith.constant 0 : i32
    %dma_start3A_102 = arith.constant 0 : i32
    %dma_start3A_103 = arith.constant 0 : i32
    %dma_start3A_104 = tpu.memref_slice %arg8[%dma_start3A_100, %dma_start3A_102, %dma_start3A_103] : memref<4x128x64xbf16, #tpu.memory_space<vmem>> -> memref<1x128x64xbf16, #tpu.memory_space<vmem>>
    %dma_start3A_105 = tpu.memref_squeeze %dma_start3A_104 : memref<1x128x64xbf16, #tpu.memory_space<vmem>> -> memref<128x64xbf16, #tpu.memory_space<vmem>>
    %dma_start3A_106 = arith.constant 0 : i32
    %dma_start3A_107 = tpu.memref_slice %arg6[%dma_start3A_99, %dma_start3A_106] : memref<160x128xi32, #tpu.memory_space<vmem>> -> memref<1x128xi32, #tpu.memory_space<vmem>>
    %dma_start3A_108 = tpu.memref_squeeze %dma_start3A_107 : memref<1x128xi32, #tpu.memory_space<vmem>> -> memref<128xi32, #tpu.memory_space<vmem>>
    %dma_start3A_109 = arith.constant 0 : i32
    %dma_start3A_110 = arith.constant 0 : i32
    %dma_start3A_111 = tpu.memref_slice %arg2[%dma_start3A_109, %dma_start3A_110] : memref<40960x64xbf16, #tpu.memory_space<hbm>> -> memref<40960x64xbf16, #tpu.memory_space<hbm>>
    %dma_start3A_112 = tpu.memref_slice %arg12[%dma_start3A_101] : memref<4x!tpu.dma_semaphore, #tpu.memory_space<semaphore_mem>> -> memref<1x!tpu.dma_semaphore, #tpu.memory_space<semaphore_mem>>
    %dma_start3A_113 = tpu.memref_squeeze %dma_start3A_112 : memref<1x!tpu.dma_semaphore, #tpu.memory_space<semaphore_mem>> -> memref<!tpu.dma_semaphore, #tpu.memory_space<semaphore_mem>>
    tpu.enqueue_indirect_dma source(%dma_start3A_111 : memref<40960x64xbf16, #tpu.memory_space<hbm>>) target(%dma_start3A_105 : memref<128x64xbf16, #tpu.memory_space<vmem>>) offsets(%dma_start3A_108 : memref<128xi32, #tpu.memory_space<vmem>>) semaphore(%dma_start3A_113 : memref<!tpu.dma_semaphore, #tpu.memory_space<semaphore_mem>>)
    %dma_start3A_114 = arith.constant 1 : i32
    %dma_start3A_115 = arith.constant 1 : i32
    %dma_start3A_116 = arith.constant 1 : i32
    %dma_start3A_117 = arith.constant 0 : i32
    %dma_start3A_118 = arith.constant 0 : i32
    %dma_start3A_119 = tpu.memref_slice %arg8[%dma_start3A_115, %dma_start3A_117, %dma_start3A_118] : memref<4x128x64xbf16, #tpu.memory_space<vmem>> -> memref<1x128x64xbf16, #tpu.memory_space<vmem>>
    %dma_start3A_120 = tpu.memref_squeeze %dma_start3A_119 : memref<1x128x64xbf16, #tpu.memory_space<vmem>> -> memref<128x64xbf16, #tpu.memory_space<vmem>>
    %dma_start3A_121 = arith.constant 0 : i32
    %dma_start3A_122 = tpu.memref_slice %arg6[%dma_start3A_114, %dma_start3A_121] : memref<160x128xi32, #tpu.memory_space<vmem>> -> memref<1x128xi32, #tpu.memory_space<vmem>>
    %dma_start3A_123 = tpu.memref_squeeze %dma_start3A_122 : memref<1x128xi32, #tpu.memory_space<vmem>> -> memref<128xi32, #tpu.memory_space<vmem>>
    %dma_start3A_124 = arith.constant 0 : i32
    %dma_start3A_125 = arith.constant 0 : i32
    %dma_start3A_126 = tpu.memref_slice %arg2[%dma_start3A_124, %dma_start3A_125] : memref<40960x64xbf16, #tpu.memory_space<hbm>> -> memref<40960x64xbf16, #tpu.memory_space<hbm>>
    %dma_start3A_127 = tpu.memref_slice %arg12[%dma_start3A_116] : memref<4x!tpu.dma_semaphore, #tpu.memory_space<semaphore_mem>> -> memref<1x!tpu.dma_semaphore, #tpu.memory_space<semaphore_mem>>
    %dma_start3A_128 = tpu.memref_squeeze %dma_start3A_127 : memref<1x!tpu.dma_semaphore, #tpu.memory_space<semaphore_mem>> -> memref<!tpu.dma_semaphore, #tpu.memory_space<semaphore_mem>>
    tpu.enqueue_indirect_dma source(%dma_start3A_126 : memref<40960x64xbf16, #tpu.memory_space<hbm>>) target(%dma_start3A_120 : memref<128x64xbf16, #tpu.memory_space<vmem>>) offsets(%dma_start3A_123 : memref<128xi32, #tpu.memory_space<vmem>>) semaphore(%dma_start3A_128 : memref<!tpu.dma_semaphore, #tpu.memory_space<semaphore_mem>>)
    %scan3A_129 = arith.constant 0 : i32
    %scan3A_130 = arith.constant 0 : i32
    %scan3A_131 = arith.constant 40 : i32
    %scan3A_132 = arith.addi %scan3A_130, %scan3A_131 : i32
    %scan3A_133 = arith.constant 1 : i32
    %scan3A_134 = scf.for %scan3A_169 = %scan3A_130 to %scan3A_132 step %scan3A_133 iter_args(%scan3A_170 = %scan3A_129) -> (i32)  : i32 {
      %mul3A_171 = arith.constant 4 : i32
      %mul3A_172 = arith.muli %scan3A_169, %mul3A_171 : i32
      %add3A_173 = arith.constant 0 : i32
      %add3A_174 = arith.addi %mul3A_172, %add3A_173 : i32
      %add3A_175 = arith.constant 2 : i32
      %add3A_176 = arith.addi %add3A_174, %add3A_175 : i32
      %lt3A = arith.constant 160 : i32
      %lt3A_177 = arith.cmpi slt, %add3A_176, %lt3A : i32
      %convert_element_type3A = arith.extui %lt3A_177 : i1 to i32
      %cond3A = arith.constant 0 : i32
      %cond3A_178 = arith.cmpi ne, %convert_element_type3A, %cond3A : i32
      scf.if %cond3A_178 {
        %add3A_372 = arith.constant 2 : i32
        %add3A_373 = arith.addi %add3A_174, %add3A_372 : i32
        %dma_start3A_374 = arith.constant 2 : i32
        %dma_start3A_375 = arith.constant 2 : i32
        %dma_start3A_376 = arith.constant 0 : i32
        %dma_start3A_377 = arith.constant 0 : i32
        %dma_start3A_378 = tpu.memref_slice %arg8[%dma_start3A_374, %dma_start3A_376, %dma_start3A_377] : memref<4x128x64xbf16, #tpu.memory_space<vmem>> -> memref<1x128x64xbf16, #tpu.memory_space<vmem>>
        %dma_start3A_379 = tpu.memref_squeeze %dma_start3A_378 : memref<1x128x64xbf16, #tpu.memory_space<vmem>> -> memref<128x64xbf16, #tpu.memory_space<vmem>>
        %dma_start3A_380 = arith.constant 0 : i32
        %dma_start3A_381 = tpu.memref_slice %arg6[%add3A_373, %dma_start3A_380] : memref<160x128xi32, #tpu.memory_space<vmem>> -> memref<1x128xi32, #tpu.memory_space<vmem>>
        %dma_start3A_382 = tpu.memref_squeeze %dma_start3A_381 : memref<1x128xi32, #tpu.memory_space<vmem>> -> memref<128xi32, #tpu.memory_space<vmem>>
        %dma_start3A_383 = arith.constant 0 : i32
        %dma_start3A_384 = arith.constant 0 : i32
        %dma_start3A_385 = tpu.memref_slice %arg2[%dma_start3A_383, %dma_start3A_384] : memref<40960x64xbf16, #tpu.memory_space<hbm>> -> memref<40960x64xbf16, #tpu.memory_space<hbm>>
        %dma_start3A_386 = tpu.memref_slice %arg12[%dma_start3A_375] : memref<4x!tpu.dma_semaphore, #tpu.memory_space<semaphore_mem>> -> memref<1x!tpu.dma_semaphore, #tpu.memory_space<semaphore_mem>>
        %dma_start3A_387 = tpu.memref_squeeze %dma_start3A_386 : memref<1x!tpu.dma_semaphore, #tpu.memory_space<semaphore_mem>> -> memref<!tpu.dma_semaphore, #tpu.memory_space<semaphore_mem>>
        tpu.enqueue_indirect_dma source(%dma_start3A_385 : memref<40960x64xbf16, #tpu.memory_space<hbm>>) target(%dma_start3A_379 : memref<128x64xbf16, #tpu.memory_space<vmem>>) offsets(%dma_start3A_382 : memref<128xi32, #tpu.memory_space<vmem>>) semaphore(%dma_start3A_387 : memref<!tpu.dma_semaphore, #tpu.memory_space<semaphore_mem>>)
      } else {
      }
      %ge3A = arith.constant 2 : i32
      %ge3A_179 = arith.cmpi sge, %add3A_174, %ge3A : i32
      %convert_element_type3A_180 = arith.extui %ge3A_179 : i1 to i32
      %cond3A_181 = arith.constant 0 : i32
      %cond3A_182 = arith.cmpi ne, %convert_element_type3A_180, %cond3A_181 : i32
      scf.if %cond3A_182 {
        %sub3A = arith.constant 2 : i32
        %sub3A_372 = arith.subi %add3A_174, %sub3A : i32
        %dma_wait3A_373 = arith.constant 0 : i32
        %dma_wait3A_374 = arith.constant 0 : i32
        %dma_wait3A_375 = arith.constant 0 : i32
        %dma_wait3A_376 = arith.constant 0 : i32
        %dma_wait3A_377 = tpu.memref_slice %arg9[%dma_wait3A_373, %dma_wait3A_375, %dma_wait3A_376] : memref<2x128x64xf32, #tpu.memory_space<vmem>> -> memref<1x128x64xf32, #tpu.memory_space<vmem>>
        %dma_wait3A_378 = tpu.memref_squeeze %dma_wait3A_377 : memref<1x128x64xf32, #tpu.memory_space<vmem>> -> memref<128x64xf32, #tpu.memory_space<vmem>>
        %dma_wait3A_379 = arith.constant 0 : i32
        %dma_wait3A_380 = tpu.memref_slice %arg7[%sub3A_372, %dma_wait3A_379] : memref<160x128xi32, #tpu.memory_space<vmem>> -> memref<1x128xi32, #tpu.memory_space<vmem>>
        %dma_wait3A_381 = tpu.memref_squeeze %dma_wait3A_380 : memref<1x128xi32, #tpu.memory_space<vmem>> -> memref<128xi32, #tpu.memory_space<vmem>>
        %dma_wait3A_382 = arith.constant 0 : i32
        %dma_wait3A_383 = arith.constant 0 : i32
        %dma_wait3A_384 = tpu.memref_slice %arg11[%dma_wait3A_382, %dma_wait3A_383] : memref<10240x64xf32, #tpu.memory_space<vmem_shared>> -> memref<10240x64xf32, #tpu.memory_space<vmem_shared>>
        %dma_wait3A_385 = tpu.memref_slice %arg13[%dma_wait3A_374] : memref<2x!tpu.dma_semaphore, #tpu.memory_space<semaphore_mem>> -> memref<1x!tpu.dma_semaphore, #tpu.memory_space<semaphore_mem>>
        %dma_wait3A_386 = tpu.memref_squeeze %dma_wait3A_385 : memref<1x!tpu.dma_semaphore, #tpu.memory_space<semaphore_mem>> -> memref<!tpu.dma_semaphore, #tpu.memory_space<semaphore_mem>>
        tpu.wait_indirect_dma semaphore(%dma_wait3A_386 : memref<!tpu.dma_semaphore, #tpu.memory_space<semaphore_mem>>) src(%dma_wait3A_378 : memref<128x64xf32, #tpu.memory_space<vmem>>) dst(%dma_wait3A_384 : memref<10240x64xf32, #tpu.memory_space<vmem_shared>>)
      } else {
      }
      %dma_wait3A_183 = arith.constant 0 : i32
      %dma_wait3A_184 = arith.constant 0 : i32
      %dma_wait3A_185 = arith.constant 0 : i32
      %dma_wait3A_186 = arith.constant 0 : i32
      %dma_wait3A_187 = tpu.memref_slice %arg8[%dma_wait3A_183, %dma_wait3A_185, %dma_wait3A_186] : memref<4x128x64xbf16, #tpu.memory_space<vmem>> -> memref<1x128x64xbf16, #tpu.memory_space<vmem>>
      %dma_wait3A_188 = tpu.memref_squeeze %dma_wait3A_187 : memref<1x128x64xbf16, #tpu.memory_space<vmem>> -> memref<128x64xbf16, #tpu.memory_space<vmem>>
      %dma_wait3A_189 = arith.constant 0 : i32
      %dma_wait3A_190 = tpu.memref_slice %arg6[%add3A_174, %dma_wait3A_189] : memref<160x128xi32, #tpu.memory_space<vmem>> -> memref<1x128xi32, #tpu.memory_space<vmem>>
      %dma_wait3A_191 = tpu.memref_squeeze %dma_wait3A_190 : memref<1x128xi32, #tpu.memory_space<vmem>> -> memref<128xi32, #tpu.memory_space<vmem>>
      %dma_wait3A_192 = arith.constant 0 : i32
      %dma_wait3A_193 = arith.constant 0 : i32
      %dma_wait3A_194 = tpu.memref_slice %arg2[%dma_wait3A_192, %dma_wait3A_193] : memref<40960x64xbf16, #tpu.memory_space<hbm>> -> memref<40960x64xbf16, #tpu.memory_space<hbm>>
      %dma_wait3A_195 = tpu.memref_slice %arg12[%dma_wait3A_184] : memref<4x!tpu.dma_semaphore, #tpu.memory_space<semaphore_mem>> -> memref<1x!tpu.dma_semaphore, #tpu.memory_space<semaphore_mem>>
      %dma_wait3A_196 = tpu.memref_squeeze %dma_wait3A_195 : memref<1x!tpu.dma_semaphore, #tpu.memory_space<semaphore_mem>> -> memref<!tpu.dma_semaphore, #tpu.memory_space<semaphore_mem>>
      tpu.wait_indirect_dma semaphore(%dma_wait3A_196 : memref<!tpu.dma_semaphore, #tpu.memory_space<semaphore_mem>>) src(%dma_wait3A_194 : memref<40960x64xbf16, #tpu.memory_space<hbm>>) dst(%dma_wait3A_188 : memref<128x64xbf16, #tpu.memory_space<vmem>>)
      %scan3A_197 = arith.constant 0 : i32
      %scan3A_198 = arith.constant 0 : i32
      %scan3A_199 = arith.constant 128 : i32
      %scan3A_200 = arith.addi %scan3A_198, %scan3A_199 : i32
      %scan3A_201 = arith.constant 1 : i32
      %scan3A_202 = scf.for %scan3A_372 = %scan3A_198 to %scan3A_200 step %scan3A_201 iter_args(%scan3A_373 = %scan3A_197) -> (i32)  : i32 {
        %get3A = arith.constant 0 : i32
        %get3A_374 = arith.index_cast %get3A : i32 to index
        %get3A_375 = arith.index_cast %scan3A_372 : i32 to index
        %get3A_376 = arith.constant 0 : index
        %get3A_377 = tpu.vector_load %arg8[%get3A_374, %get3A_375, %get3A_376] {strides = array<i32>} : memref<4x128x64xbf16, #tpu.memory_space<vmem>>, vector<32xbf16>,
        %unpack3A = tpu.unpack_subelements %get3A_377, 0 {pack_format = #tpu.pack_format<interleaved>} : vector<32xbf16> -> vector<16xf32>
        %unpack3A_378 = tpu.unpack_subelements %get3A_377, 1 {pack_format = #tpu.pack_format<interleaved>} : vector<32xbf16> -> vector<16xf32>
        %swap3A = arith.constant 0 : i32
        %swap3A_379 = arith.index_cast %swap3A : i32 to index
        %swap3A_380 = arith.index_cast %scan3A_372 : i32 to index
        %swap3A_381 = arith.constant 0 : index
        %swap3A_382 = tpu.vector_load %arg9[%swap3A_379, %swap3A_380, %swap3A_381] {strides = array<i32>} : memref<2x128x64xf32, #tpu.memory_space<vmem>>, vector<16xf32>,
        tpu.vector_store %arg9[%swap3A_379, %swap3A_380, %swap3A_381], %unpack3A {strides = array<i32>} : memref<2x128x64xf32, #tpu.memory_space<vmem>>, vector<16xf32>,
        %swap3A_383 = arith.constant 0 : i32
        %swap3A_384 = arith.index_cast %swap3A_383 : i32 to index
        %swap3A_385 = arith.index_cast %scan3A_372 : i32 to index
        %swap3A_386 = arith.constant 16 : index
        %swap3A_387 = tpu.vector_load %arg9[%swap3A_384, %swap3A_385, %swap3A_386] {strides = array<i32>} : memref<2x128x64xf32, #tpu.memory_space<vmem>>, vector<16xf32>,
        tpu.vector_store %arg9[%swap3A_384, %swap3A_385, %swap3A_386], %unpack3A_378 {strides = array<i32>} : memref<2x128x64xf32, #tpu.memory_space<vmem>>, vector<16xf32>,
        %get3A_388 = arith.constant 0 : i32
        %get3A_389 = arith.index_cast %get3A_388 : i32 to index
        %get3A_390 = arith.index_cast %scan3A_372 : i32 to index
        %get3A_391 = arith.constant 32 : index
        %get3A_392 = tpu.vector_load %arg8[%get3A_389, %get3A_390, %get3A_391] {strides = array<i32>} : memref<4x128x64xbf16, #tpu.memory_space<vmem>>, vector<32xbf16>,
        %unpack3A_393 = tpu.unpack_subelements %get3A_392, 0 {pack_format = #tpu.pack_format<interleaved>} : vector<32xbf16> -> vector<16xf32>
        %unpack3A_394 = tpu.unpack_subelements %get3A_392, 1 {pack_format = #tpu.pack_format<interleaved>} : vector<32xbf16> -> vector<16xf32>
        %swap3A_395 = arith.constant 0 : i32
        %swap3A_396 = arith.index_cast %swap3A_395 : i32 to index
        %swap3A_397 = arith.index_cast %scan3A_372 : i32 to index
        %swap3A_398 = arith.constant 32 : index
        %swap3A_399 = tpu.vector_load %arg9[%swap3A_396, %swap3A_397, %swap3A_398] {strides = array<i32>} : memref<2x128x64xf32, #tpu.memory_space<vmem>>, vector<16xf32>,
        tpu.vector_store %arg9[%swap3A_396, %swap3A_397, %swap3A_398], %unpack3A_393 {strides = array<i32>} : memref<2x128x64xf32, #tpu.memory_space<vmem>>, vector<16xf32>,
        %swap3A_400 = arith.constant 0 : i32
        %swap3A_401 = arith.index_cast %swap3A_400 : i32 to index
        %swap3A_402 = arith.index_cast %scan3A_372 : i32 to index
        %swap3A_403 = arith.constant 48 : index
        %swap3A_404 = tpu.vector_load %arg9[%swap3A_401, %swap3A_402, %swap3A_403] {strides = array<i32>} : memref<2x128x64xf32, #tpu.memory_space<vmem>>, vector<16xf32>,
        tpu.vector_store %arg9[%swap3A_401, %swap3A_402, %swap3A_403], %unpack3A_394 {strides = array<i32>} : memref<2x128x64xf32, #tpu.memory_space<vmem>>, vector<16xf32>,
        %scan3A_405 = arith.constant 0 : i32
        scf.yield %scan3A_405 : i32
      }
      %scan3A_203 = arith.constant 128 : i32
      %dma_start3A_204 = arith.constant 0 : i32
      %dma_start3A_205 = arith.constant 0 : i32
      %dma_start3A_206 = arith.constant 0 : i32
      %dma_start3A_207 = arith.constant 0 : i32
      %dma_start3A_208 = tpu.memref_slice %arg9[%dma_start3A_204, %dma_start3A_206, %dma_start3A_207] : memref<2x128x64xf32, #tpu.memory_space<vmem>> -> memref<1x128x64xf32, #tpu.memory_space<vmem>>
      %dma_start3A_209 = tpu.memref_squeeze %dma_start3A_208 : memref<1x128x64xf32, #tpu.memory_space<vmem>> -> memref<128x64xf32, #tpu.memory_space<vmem>>
      %dma_start3A_210 = arith.constant 0 : i32
      %dma_start3A_211 = tpu.memref_slice %arg7[%add3A_174, %dma_start3A_210] : memref<160x128xi32, #tpu.memory_space<vmem>> -> memref<1x128xi32, #tpu.memory_space<vmem>>
      %dma_start3A_212 = tpu.memref_squeeze %dma_start3A_211 : memref<1x128xi32, #tpu.memory_space<vmem>> -> memref<128xi32, #tpu.memory_space<vmem>>
      %dma_start3A_213 = arith.constant 0 : i32
      %dma_start3A_214 = arith.constant 0 : i32
      %dma_start3A_215 = tpu.memref_slice %arg11[%dma_start3A_213, %dma_start3A_214] : memref<10240x64xf32, #tpu.memory_space<vmem_shared>> -> memref<10240x64xf32, #tpu.memory_space<vmem_shared>>
      %dma_start3A_216 = tpu.memref_slice %arg13[%dma_start3A_205] : memref<2x!tpu.dma_semaphore, #tpu.memory_space<semaphore_mem>> -> memref<1x!tpu.dma_semaphore, #tpu.memory_space<semaphore_mem>>
      %dma_start3A_217 = tpu.memref_squeeze %dma_start3A_216 : memref<1x!tpu.dma_semaphore, #tpu.memory_space<semaphore_mem>> -> memref<!tpu.dma_semaphore, #tpu.memory_space<semaphore_mem>>
      tpu.enqueue_indirect_dma source(%dma_start3A_209 : memref<128x64xf32, #tpu.memory_space<vmem>>) target(%dma_start3A_215 : memref<10240x64xf32, #tpu.memory_space<vmem_shared>>) offsets(%dma_start3A_212 : memref<128xi32, #tpu.memory_space<vmem>>) semaphore(%dma_start3A_217 : memref<!tpu.dma_semaphore, #tpu.memory_space<semaphore_mem>>) {add = true}
      %mul3A_218 = arith.constant 4 : i32
      %mul3A_219 = arith.muli %scan3A_169, %mul3A_218 : i32
      %add3A_220 = arith.constant 1 : i32
      %add3A_221 = arith.addi %mul3A_219, %add3A_220 : i32
      %add3A_222 = arith.constant 2 : i32
      %add3A_223 = arith.addi %add3A_221, %add3A_222 : i32
      %lt3A_224 = arith.constant 160 : i32
      %lt3A_225 = arith.cmpi slt, %add3A_223, %lt3A_224 : i32
      %convert_element_type3A_226 = arith.extui %lt3A_225 : i1 to i32
      %cond3A_227 = arith.constant 0 : i32
      %cond3A_228 = arith.cmpi ne, %convert_element_type3A_226, %cond3A_227 : i32
      scf.if %cond3A_228 {
        %add3A_372 = arith.constant 2 : i32
        %add3A_373 = arith.addi %add3A_221, %add3A_372 : i32
        %dma_start3A_374 = arith.constant 3 : i32
        %dma_start3A_375 = arith.constant 3 : i32
        %dma_start3A_376 = arith.constant 0 : i32
        %dma_start3A_377 = arith.constant 0 : i32
        %dma_start3A_378 = tpu.memref_slice %arg8[%dma_start3A_374, %dma_start3A_376, %dma_start3A_377] : memref<4x128x64xbf16, #tpu.memory_space<vmem>> -> memref<1x128x64xbf16, #tpu.memory_space<vmem>>
        %dma_start3A_379 = tpu.memref_squeeze %dma_start3A_378 : memref<1x128x64xbf16, #tpu.memory_space<vmem>> -> memref<128x64xbf16, #tpu.memory_space<vmem>>
        %dma_start3A_380 = arith.constant 0 : i32
        %dma_start3A_381 = tpu.memref_slice %arg6[%add3A_373, %dma_start3A_380] : memref<160x128xi32, #tpu.memory_space<vmem>> -> memref<1x128xi32, #tpu.memory_space<vmem>>
        %dma_start3A_382 = tpu.memref_squeeze %dma_start3A_381 : memref<1x128xi32, #tpu.memory_space<vmem>> -> memref<128xi32, #tpu.memory_space<vmem>>
        %dma_start3A_383 = arith.constant 0 : i32
        %dma_start3A_384 = arith.constant 0 : i32
        %dma_start3A_385 = tpu.memref_slice %arg2[%dma_start3A_383, %dma_start3A_384] : memref<40960x64xbf16, #tpu.memory_space<hbm>> -> memref<40960x64xbf16, #tpu.memory_space<hbm>>
        %dma_start3A_386 = tpu.memref_slice %arg12[%dma_start3A_375] : memref<4x!tpu.dma_semaphore, #tpu.memory_space<semaphore_mem>> -> memref<1x!tpu.dma_semaphore, #tpu.memory_space<semaphore_mem>>
        %dma_start3A_387 = tpu.memref_squeeze %dma_start3A_386 : memref<1x!tpu.dma_semaphore, #tpu.memory_space<semaphore_mem>> -> memref<!tpu.dma_semaphore, #tpu.memory_space<semaphore_mem>>
        tpu.enqueue_indirect_dma source(%dma_start3A_385 : memref<40960x64xbf16, #tpu.memory_space<hbm>>) target(%dma_start3A_379 : memref<128x64xbf16, #tpu.memory_space<vmem>>) offsets(%dma_start3A_382 : memref<128xi32, #tpu.memory_space<vmem>>) semaphore(%dma_start3A_387 : memref<!tpu.dma_semaphore, #tpu.memory_space<semaphore_mem>>)
      } else {
      }
      %ge3A_229 = arith.constant 2 : i32
      %ge3A_230 = arith.cmpi sge, %add3A_221, %ge3A_229 : i32
      %convert_element_type3A_231 = arith.extui %ge3A_230 : i1 to i32
      %cond3A_232 = arith.constant 0 : i32
      %cond3A_233 = arith.cmpi ne, %convert_element_type3A_231, %cond3A_232 : i32
      scf.if %cond3A_233 {
        %sub3A = arith.constant 2 : i32
        %sub3A_372 = arith.subi %add3A_221, %sub3A : i32
        %dma_wait3A_373 = arith.constant 1 : i32
        %dma_wait3A_374 = arith.constant 1 : i32
        %dma_wait3A_375 = arith.constant 0 : i32
        %dma_wait3A_376 = arith.constant 0 : i32
        %dma_wait3A_377 = tpu.memref_slice %arg9[%dma_wait3A_373, %dma_wait3A_375, %dma_wait3A_376] : memref<2x128x64xf32, #tpu.memory_space<vmem>> -> memref<1x128x64xf32, #tpu.memory_space<vmem>>
        %dma_wait3A_378 = tpu.memref_squeeze %dma_wait3A_377 : memref<1x128x64xf32, #tpu.memory_space<vmem>> -> memref<128x64xf32, #tpu.memory_space<vmem>>
        %dma_wait3A_379 = arith.constant 0 : i32
        %dma_wait3A_380 = tpu.memref_slice %arg7[%sub3A_372, %dma_wait3A_379] : memref<160x128xi32, #tpu.memory_space<vmem>> -> memref<1x128xi32, #tpu.memory_space<vmem>>
        %dma_wait3A_381 = tpu.memref_squeeze %dma_wait3A_380 : memref<1x128xi32, #tpu.memory_space<vmem>> -> memref<128xi32, #tpu.memory_space<vmem>>
        %dma_wait3A_382 = arith.constant 0 : i32
        %dma_wait3A_383 = arith.constant 0 : i32
        %dma_wait3A_384 = tpu.memref_slice %arg11[%dma_wait3A_382, %dma_wait3A_383] : memref<10240x64xf32, #tpu.memory_space<vmem_shared>> -> memref<10240x64xf32, #tpu.memory_space<vmem_shared>>
        %dma_wait3A_385 = tpu.memref_slice %arg13[%dma_wait3A_374] : memref<2x!tpu.dma_semaphore, #tpu.memory_space<semaphore_mem>> -> memref<1x!tpu.dma_semaphore, #tpu.memory_space<semaphore_mem>>
        %dma_wait3A_386 = tpu.memref_squeeze %dma_wait3A_385 : memref<1x!tpu.dma_semaphore, #tpu.memory_space<semaphore_mem>> -> memref<!tpu.dma_semaphore, #tpu.memory_space<semaphore_mem>>
        tpu.wait_indirect_dma semaphore(%dma_wait3A_386 : memref<!tpu.dma_semaphore, #tpu.memory_space<semaphore_mem>>) src(%dma_wait3A_378 : memref<128x64xf32, #tpu.memory_space<vmem>>) dst(%dma_wait3A_384 : memref<10240x64xf32, #tpu.memory_space<vmem_shared>>)
      } else {
      }
      %dma_wait3A_234 = arith.constant 1 : i32
      %dma_wait3A_235 = arith.constant 1 : i32
      %dma_wait3A_236 = arith.constant 0 : i32
      %dma_wait3A_237 = arith.constant 0 : i32
      %dma_wait3A_238 = tpu.memref_slice %arg8[%dma_wait3A_234, %dma_wait3A_236, %dma_wait3A_237] : memref<4x128x64xbf16, #tpu.memory_space<vmem>> -> memref<1x128x64xbf16, #tpu.memory_space<vmem>>
      %dma_wait3A_239 = tpu.memref_squeeze %dma_wait3A_238 : memref<1x128x64xbf16, #tpu.memory_space<vmem>> -> memref<128x64xbf16, #tpu.memory_space<vmem>>
      %dma_wait3A_240 = arith.constant 0 : i32
      %dma_wait3A_241 = tpu.memref_slice %arg6[%add3A_221, %dma_wait3A_240] : memref<160x128xi32, #tpu.memory_space<vmem>> -> memref<1x128xi32, #tpu.memory_space<vmem>>
      %dma_wait3A_242 = tpu.memref_squeeze %dma_wait3A_241 : memref<1x128xi32, #tpu.memory_space<vmem>> -> memref<128xi32, #tpu.memory_space<vmem>>
      %dma_wait3A_243 = arith.constant 0 : i32
      %dma_wait3A_244 = arith.constant 0 : i32
      %dma_wait3A_245 = tpu.memref_slice %arg2[%dma_wait3A_243, %dma_wait3A_244] : memref<40960x64xbf16, #tpu.memory_space<hbm>> -> memref<40960x64xbf16, #tpu.memory_space<hbm>>
      %dma_wait3A_246 = tpu.memref_slice %arg12[%dma_wait3A_235] : memref<4x!tpu.dma_semaphore, #tpu.memory_space<semaphore_mem>> -> memref<1x!tpu.dma_semaphore, #tpu.memory_space<semaphore_mem>>
      %dma_wait3A_247 = tpu.memref_squeeze %dma_wait3A_246 : memref<1x!tpu.dma_semaphore, #tpu.memory_space<semaphore_mem>> -> memref<!tpu.dma_semaphore, #tpu.memory_space<semaphore_mem>>
      tpu.wait_indirect_dma semaphore(%dma_wait3A_247 : memref<!tpu.dma_semaphore, #tpu.memory_space<semaphore_mem>>) src(%dma_wait3A_245 : memref<40960x64xbf16, #tpu.memory_space<hbm>>) dst(%dma_wait3A_239 : memref<128x64xbf16, #tpu.memory_space<vmem>>)
      %scan3A_248 = arith.constant 0 : i32
      %scan3A_249 = arith.constant 0 : i32
      %scan3A_250 = arith.constant 128 : i32
      %scan3A_251 = arith.addi %scan3A_249, %scan3A_250 : i32
      %scan3A_252 = arith.constant 1 : i32
      %scan3A_253 = scf.for %scan3A_372 = %scan3A_249 to %scan3A_251 step %scan3A_252 iter_args(%scan3A_373 = %scan3A_248) -> (i32)  : i32 {
        %get3A = arith.constant 1 : i32
        %get3A_374 = arith.index_cast %get3A : i32 to index
        %get3A_375 = arith.index_cast %scan3A_372 : i32 to index
        %get3A_376 = arith.constant 0 : index
        %get3A_377 = tpu.vector_load %arg8[%get3A_374, %get3A_375, %get3A_376] {strides = array<i32>} : memref<4x128x64xbf16, #tpu.memory_space<vmem>>, vector<32xbf16>,
        %unpack3A = tpu.unpack_subelements %get3A_377, 0 {pack_format = #tpu.pack_format<interleaved>} : vector<32xbf16> -> vector<16xf32>
        %unpack3A_378 = tpu.unpack_subelements %get3A_377, 1 {pack_format = #tpu.pack_format<interleaved>} : vector<32xbf16> -> vector<16xf32>
        %swap3A = arith.constant 1 : i32
        %swap3A_379 = arith.index_cast %swap3A : i32 to index
        %swap3A_380 = arith.index_cast %scan3A_372 : i32 to index
        %swap3A_381 = arith.constant 0 : index
        %swap3A_382 = tpu.vector_load %arg9[%swap3A_379, %swap3A_380, %swap3A_381] {strides = array<i32>} : memref<2x128x64xf32, #tpu.memory_space<vmem>>, vector<16xf32>,
        tpu.vector_store %arg9[%swap3A_379, %swap3A_380, %swap3A_381], %unpack3A {strides = array<i32>} : memref<2x128x64xf32, #tpu.memory_space<vmem>>, vector<16xf32>,
        %swap3A_383 = arith.constant 1 : i32
        %swap3A_384 = arith.index_cast %swap3A_383 : i32 to index
        %swap3A_385 = arith.index_cast %scan3A_372 : i32 to index
        %swap3A_386 = arith.constant 16 : index
        %swap3A_387 = tpu.vector_load %arg9[%swap3A_384, %swap3A_385, %swap3A_386] {strides = array<i32>} : memref<2x128x64xf32, #tpu.memory_space<vmem>>, vector<16xf32>,
        tpu.vector_store %arg9[%swap3A_384, %swap3A_385, %swap3A_386], %unpack3A_378 {strides = array<i32>} : memref<2x128x64xf32, #tpu.memory_space<vmem>>, vector<16xf32>,
        %get3A_388 = arith.constant 1 : i32
        %get3A_389 = arith.index_cast %get3A_388 : i32 to index
        %get3A_390 = arith.index_cast %scan3A_372 : i32 to index
        %get3A_391 = arith.constant 32 : index
        %get3A_392 = tpu.vector_load %arg8[%get3A_389, %get3A_390, %get3A_391] {strides = array<i32>} : memref<4x128x64xbf16, #tpu.memory_space<vmem>>, vector<32xbf16>,
        %unpack3A_393 = tpu.unpack_subelements %get3A_392, 0 {pack_format = #tpu.pack_format<interleaved>} : vector<32xbf16> -> vector<16xf32>
        %unpack3A_394 = tpu.unpack_subelements %get3A_392, 1 {pack_format = #tpu.pack_format<interleaved>} : vector<32xbf16> -> vector<16xf32>
        %swap3A_395 = arith.constant 1 : i32
        %swap3A_396 = arith.index_cast %swap3A_395 : i32 to index
        %swap3A_397 = arith.index_cast %scan3A_372 : i32 to index
        %swap3A_398 = arith.constant 32 : index
        %swap3A_399 = tpu.vector_load %arg9[%swap3A_396, %swap3A_397, %swap3A_398] {strides = array<i32>} : memref<2x128x64xf32, #tpu.memory_space<vmem>>, vector<16xf32>,
        tpu.vector_store %arg9[%swap3A_396, %swap3A_397, %swap3A_398], %unpack3A_393 {strides = array<i32>} : memref<2x128x64xf32, #tpu.memory_space<vmem>>, vector<16xf32>,
        %swap3A_400 = arith.constant 1 : i32
        %swap3A_401 = arith.index_cast %swap3A_400 : i32 to index
        %swap3A_402 = arith.index_cast %scan3A_372 : i32 to index
        %swap3A_403 = arith.constant 48 : index
        %swap3A_404 = tpu.vector_load %arg9[%swap3A_401, %swap3A_402, %swap3A_403] {strides = array<i32>} : memref<2x128x64xf32, #tpu.memory_space<vmem>>, vector<16xf32>,
        tpu.vector_store %arg9[%swap3A_401, %swap3A_402, %swap3A_403], %unpack3A_394 {strides = array<i32>} : memref<2x128x64xf32, #tpu.memory_space<vmem>>, vector<16xf32>,
        %scan3A_405 = arith.constant 0 : i32
        scf.yield %scan3A_405 : i32
      }
      %scan3A_254 = arith.constant 128 : i32
      %dma_start3A_255 = arith.constant 1 : i32
      %dma_start3A_256 = arith.constant 1 : i32
      %dma_start3A_257 = arith.constant 0 : i32
      %dma_start3A_258 = arith.constant 0 : i32
      %dma_start3A_259 = tpu.memref_slice %arg9[%dma_start3A_255, %dma_start3A_257, %dma_start3A_258] : memref<2x128x64xf32, #tpu.memory_space<vmem>> -> memref<1x128x64xf32, #tpu.memory_space<vmem>>
      %dma_start3A_260 = tpu.memref_squeeze %dma_start3A_259 : memref<1x128x64xf32, #tpu.memory_space<vmem>> -> memref<128x64xf32, #tpu.memory_space<vmem>>
      %dma_start3A_261 = arith.constant 0 : i32
      %dma_start3A_262 = tpu.memref_slice %arg7[%add3A_221, %dma_start3A_261] : memref<160x128xi32, #tpu.memory_space<vmem>> -> memref<1x128xi32, #tpu.memory_space<vmem>>
      %dma_start3A_263 = tpu.memref_squeeze %dma_start3A_262 : memref<1x128xi32, #tpu.memory_space<vmem>> -> memref<128xi32, #tpu.memory_space<vmem>>
      %dma_start3A_264 = arith.constant 0 : i32
      %dma_start3A_265 = arith.constant 0 : i32
      %dma_start3A_266 = tpu.memref_slice %arg11[%dma_start3A_264, %dma_start3A_265] : memref<10240x64xf32, #tpu.memory_space<vmem_shared>> -> memref<10240x64xf32, #tpu.memory_space<vmem_shared>>
      %dma_start3A_267 = tpu.memref_slice %arg13[%dma_start3A_256] : memref<2x!tpu.dma_semaphore, #tpu.memory_space<semaphore_mem>> -> memref<1x!tpu.dma_semaphore, #tpu.memory_space<semaphore_mem>>
      %dma_start3A_268 = tpu.memref_squeeze %dma_start3A_267 : memref<1x!tpu.dma_semaphore, #tpu.memory_space<semaphore_mem>> -> memref<!tpu.dma_semaphore, #tpu.memory_space<semaphore_mem>>
      tpu.enqueue_indirect_dma source(%dma_start3A_260 : memref<128x64xf32, #tpu.memory_space<vmem>>) target(%dma_start3A_266 : memref<10240x64xf32, #tpu.memory_space<vmem_shared>>) offsets(%dma_start3A_263 : memref<128xi32, #tpu.memory_space<vmem>>) semaphore(%dma_start3A_268 : memref<!tpu.dma_semaphore, #tpu.memory_space<semaphore_mem>>) {add = true}
      %mul3A_269 = arith.constant 4 : i32
      %mul3A_270 = arith.muli %scan3A_169, %mul3A_269 : i32
      %add3A_271 = arith.constant 2 : i32
      %add3A_272 = arith.addi %mul3A_270, %add3A_271 : i32
      %add3A_273 = arith.constant 2 : i32
      %add3A_274 = arith.addi %add3A_272, %add3A_273 : i32
      %lt3A_275 = arith.constant 160 : i32
      %lt3A_276 = arith.cmpi slt, %add3A_274, %lt3A_275 : i32
      %convert_element_type3A_277 = arith.extui %lt3A_276 : i1 to i32
      %cond3A_278 = arith.constant 0 : i32
      %cond3A_279 = arith.cmpi ne, %convert_element_type3A_277, %cond3A_278 : i32
      scf.if %cond3A_279 {
        %add3A_372 = arith.constant 2 : i32
        %add3A_373 = arith.addi %add3A_272, %add3A_372 : i32
        %dma_start3A_374 = arith.constant 0 : i32
        %dma_start3A_375 = arith.constant 0 : i32
        %dma_start3A_376 = arith.constant 0 : i32
        %dma_start3A_377 = arith.constant 0 : i32
        %dma_start3A_378 = tpu.memref_slice %arg8[%dma_start3A_374, %dma_start3A_376, %dma_start3A_377] : memref<4x128x64xbf16, #tpu.memory_space<vmem>> -> memref<1x128x64xbf16, #tpu.memory_space<vmem>>
        %dma_start3A_379 = tpu.memref_squeeze %dma_start3A_378 : memref<1x128x64xbf16, #tpu.memory_space<vmem>> -> memref<128x64xbf16, #tpu.memory_space<vmem>>
        %dma_start3A_380 = arith.constant 0 : i32
        %dma_start3A_381 = tpu.memref_slice %arg6[%add3A_373, %dma_start3A_380] : memref<160x128xi32, #tpu.memory_space<vmem>> -> memref<1x128xi32, #tpu.memory_space<vmem>>
        %dma_start3A_382 = tpu.memref_squeeze %dma_start3A_381 : memref<1x128xi32, #tpu.memory_space<vmem>> -> memref<128xi32, #tpu.memory_space<vmem>>
        %dma_start3A_383 = arith.constant 0 : i32
        %dma_start3A_384 = arith.constant 0 : i32
        %dma_start3A_385 = tpu.memref_slice %arg2[%dma_start3A_383, %dma_start3A_384] : memref<40960x64xbf16, #tpu.memory_space<hbm>> -> memref<40960x64xbf16, #tpu.memory_space<hbm>>
        %dma_start3A_386 = tpu.memref_slice %arg12[%dma_start3A_375] : memref<4x!tpu.dma_semaphore, #tpu.memory_space<semaphore_mem>> -> memref<1x!tpu.dma_semaphore, #tpu.memory_space<semaphore_mem>>
        %dma_start3A_387 = tpu.memref_squeeze %dma_start3A_386 : memref<1x!tpu.dma_semaphore, #tpu.memory_space<semaphore_mem>> -> memref<!tpu.dma_semaphore, #tpu.memory_space<semaphore_mem>>
        tpu.enqueue_indirect_dma source(%dma_start3A_385 : memref<40960x64xbf16, #tpu.memory_space<hbm>>) target(%dma_start3A_379 : memref<128x64xbf16, #tpu.memory_space<vmem>>) offsets(%dma_start3A_382 : memref<128xi32, #tpu.memory_space<vmem>>) semaphore(%dma_start3A_387 : memref<!tpu.dma_semaphore, #tpu.memory_space<semaphore_mem>>)
      } else {
      }
      %ge3A_280 = arith.constant 2 : i32
      %ge3A_281 = arith.cmpi sge, %add3A_272, %ge3A_280 : i32
      %convert_element_type3A_282 = arith.extui %ge3A_281 : i1 to i32
      %cond3A_283 = arith.constant 0 : i32
      %cond3A_284 = arith.cmpi ne, %convert_element_type3A_282, %cond3A_283 : i32
      scf.if %cond3A_284 {
        %sub3A = arith.constant 2 : i32
        %sub3A_372 = arith.subi %add3A_272, %sub3A : i32
        %dma_wait3A_373 = arith.constant 0 : i32
        %dma_wait3A_374 = arith.constant 0 : i32
        %dma_wait3A_375 = arith.constant 0 : i32
        %dma_wait3A_376 = arith.constant 0 : i32
        %dma_wait3A_377 = tpu.memref_slice %arg9[%dma_wait3A_373, %dma_wait3A_375, %dma_wait3A_376] : memref<2x128x64xf32, #tpu.memory_space<vmem>> -> memref<1x128x64xf32, #tpu.memory_space<vmem>>
        %dma_wait3A_378 = tpu.memref_squeeze %dma_wait3A_377 : memref<1x128x64xf32, #tpu.memory_space<vmem>> -> memref<128x64xf32, #tpu.memory_space<vmem>>
        %dma_wait3A_379 = arith.constant 0 : i32
        %dma_wait3A_380 = tpu.memref_slice %arg7[%sub3A_372, %dma_wait3A_379] : memref<160x128xi32, #tpu.memory_space<vmem>> -> memref<1x128xi32, #tpu.memory_space<vmem>>
        %dma_wait3A_381 = tpu.memref_squeeze %dma_wait3A_380 : memref<1x128xi32, #tpu.memory_space<vmem>> -> memref<128xi32, #tpu.memory_space<vmem>>
        %dma_wait3A_382 = arith.constant 0 : i32
        %dma_wait3A_383 = arith.constant 0 : i32
        %dma_wait3A_384 = tpu.memref_slice %arg11[%dma_wait3A_382, %dma_wait3A_383] : memref<10240x64xf32, #tpu.memory_space<vmem_shared>> -> memref<10240x64xf32, #tpu.memory_space<vmem_shared>>
        %dma_wait3A_385 = tpu.memref_slice %arg13[%dma_wait3A_374] : memref<2x!tpu.dma_semaphore, #tpu.memory_space<semaphore_mem>> -> memref<1x!tpu.dma_semaphore, #tpu.memory_space<semaphore_mem>>
        %dma_wait3A_386 = tpu.memref_squeeze %dma_wait3A_385 : memref<1x!tpu.dma_semaphore, #tpu.memory_space<semaphore_mem>> -> memref<!tpu.dma_semaphore, #tpu.memory_space<semaphore_mem>>
        tpu.wait_indirect_dma semaphore(%dma_wait3A_386 : memref<!tpu.dma_semaphore, #tpu.memory_space<semaphore_mem>>) src(%dma_wait3A_378 : memref<128x64xf32, #tpu.memory_space<vmem>>) dst(%dma_wait3A_384 : memref<10240x64xf32, #tpu.memory_space<vmem_shared>>)
      } else {
      }
      %dma_wait3A_285 = arith.constant 2 : i32
      %dma_wait3A_286 = arith.constant 2 : i32
      %dma_wait3A_287 = arith.constant 0 : i32
      %dma_wait3A_288 = arith.constant 0 : i32
      %dma_wait3A_289 = tpu.memref_slice %arg8[%dma_wait3A_285, %dma_wait3A_287, %dma_wait3A_288] : memref<4x128x64xbf16, #tpu.memory_space<vmem>> -> memref<1x128x64xbf16, #tpu.memory_space<vmem>>
      %dma_wait3A_290 = tpu.memref_squeeze %dma_wait3A_289 : memref<1x128x64xbf16, #tpu.memory_space<vmem>> -> memref<128x64xbf16, #tpu.memory_space<vmem>>
      %dma_wait3A_291 = arith.constant 0 : i32
      %dma_wait3A_292 = tpu.memref_slice %arg6[%add3A_272, %dma_wait3A_291] : memref<160x128xi32, #tpu.memory_space<vmem>> -> memref<1x128xi32, #tpu.memory_space<vmem>>
      %dma_wait3A_293 = tpu.memref_squeeze %dma_wait3A_292 : memref<1x128xi32, #tpu.memory_space<vmem>> -> memref<128xi32, #tpu.memory_space<vmem>>
      %dma_wait3A_294 = arith.constant 0 : i32
      %dma_wait3A_295 = arith.constant 0 : i32
      %dma_wait3A_296 = tpu.memref_slice %arg2[%dma_wait3A_294, %dma_wait3A_295] : memref<40960x64xbf16, #tpu.memory_space<hbm>> -> memref<40960x64xbf16, #tpu.memory_space<hbm>>
      %dma_wait3A_297 = tpu.memref_slice %arg12[%dma_wait3A_286] : memref<4x!tpu.dma_semaphore, #tpu.memory_space<semaphore_mem>> -> memref<1x!tpu.dma_semaphore, #tpu.memory_space<semaphore_mem>>
      %dma_wait3A_298 = tpu.memref_squeeze %dma_wait3A_297 : memref<1x!tpu.dma_semaphore, #tpu.memory_space<semaphore_mem>> -> memref<!tpu.dma_semaphore, #tpu.memory_space<semaphore_mem>>
      tpu.wait_indirect_dma semaphore(%dma_wait3A_298 : memref<!tpu.dma_semaphore, #tpu.memory_space<semaphore_mem>>) src(%dma_wait3A_296 : memref<40960x64xbf16, #tpu.memory_space<hbm>>) dst(%dma_wait3A_290 : memref<128x64xbf16, #tpu.memory_space<vmem>>)
      %scan3A_299 = arith.constant 0 : i32
      %scan3A_300 = arith.constant 0 : i32
      %scan3A_301 = arith.constant 128 : i32
      %scan3A_302 = arith.addi %scan3A_300, %scan3A_301 : i32
      %scan3A_303 = arith.constant 1 : i32
      %scan3A_304 = scf.for %scan3A_372 = %scan3A_300 to %scan3A_302 step %scan3A_303 iter_args(%scan3A_373 = %scan3A_299) -> (i32)  : i32 {
        %get3A = arith.constant 2 : i32
        %get3A_374 = arith.index_cast %get3A : i32 to index
        %get3A_375 = arith.index_cast %scan3A_372 : i32 to index
        %get3A_376 = arith.constant 0 : index
        %get3A_377 = tpu.vector_load %arg8[%get3A_374, %get3A_375, %get3A_376] {strides = array<i32>} : memref<4x128x64xbf16, #tpu.memory_space<vmem>>, vector<32xbf16>,
        %unpack3A = tpu.unpack_subelements %get3A_377, 0 {pack_format = #tpu.pack_format<interleaved>} : vector<32xbf16> -> vector<16xf32>
        %unpack3A_378 = tpu.unpack_subelements %get3A_377, 1 {pack_format = #tpu.pack_format<interleaved>} : vector<32xbf16> -> vector<16xf32>
        %swap3A = arith.constant 0 : i32
        %swap3A_379 = arith.index_cast %swap3A : i32 to index
        %swap3A_380 = arith.index_cast %scan3A_372 : i32 to index
        %swap3A_381 = arith.constant 0 : index
        %swap3A_382 = tpu.vector_load %arg9[%swap3A_379, %swap3A_380, %swap3A_381] {strides = array<i32>} : memref<2x128x64xf32, #tpu.memory_space<vmem>>, vector<16xf32>,
        tpu.vector_store %arg9[%swap3A_379, %swap3A_380, %swap3A_381], %unpack3A {strides = array<i32>} : memref<2x128x64xf32, #tpu.memory_space<vmem>>, vector<16xf32>,
        %swap3A_383 = arith.constant 0 : i32
        %swap3A_384 = arith.index_cast %swap3A_383 : i32 to index
        %swap3A_385 = arith.index_cast %scan3A_372 : i32 to index
        %swap3A_386 = arith.constant 16 : index
        %swap3A_387 = tpu.vector_load %arg9[%swap3A_384, %swap3A_385, %swap3A_386] {strides = array<i32>} : memref<2x128x64xf32, #tpu.memory_space<vmem>>, vector<16xf32>,
        tpu.vector_store %arg9[%swap3A_384, %swap3A_385, %swap3A_386], %unpack3A_378 {strides = array<i32>} : memref<2x128x64xf32, #tpu.memory_space<vmem>>, vector<16xf32>,
        %get3A_388 = arith.constant 2 : i32
        %get3A_389 = arith.index_cast %get3A_388 : i32 to index
        %get3A_390 = arith.index_cast %scan3A_372 : i32 to index
        %get3A_391 = arith.constant 32 : index
        %get3A_392 = tpu.vector_load %arg8[%get3A_389, %get3A_390, %get3A_391] {strides = array<i32>} : memref<4x128x64xbf16, #tpu.memory_space<vmem>>, vector<32xbf16>,
        %unpack3A_393 = tpu.unpack_subelements %get3A_392, 0 {pack_format = #tpu.pack_format<interleaved>} : vector<32xbf16> -> vector<16xf32>
        %unpack3A_394 = tpu.unpack_subelements %get3A_392, 1 {pack_format = #tpu.pack_format<interleaved>} : vector<32xbf16> -> vector<16xf32>
        %swap3A_395 = arith.constant 0 : i32
        %swap3A_396 = arith.index_cast %swap3A_395 : i32 to index
        %swap3A_397 = arith.index_cast %scan3A_372 : i32 to index
        %swap3A_398 = arith.constant 32 : index
        %swap3A_399 = tpu.vector_load %arg9[%swap3A_396, %swap3A_397, %swap3A_398] {strides = array<i32>} : memref<2x128x64xf32, #tpu.memory_space<vmem>>, vector<16xf32>,
        tpu.vector_store %arg9[%swap3A_396, %swap3A_397, %swap3A_398], %unpack3A_393 {strides = array<i32>} : memref<2x128x64xf32, #tpu.memory_space<vmem>>, vector<16xf32>,
        %swap3A_400 = arith.constant 0 : i32
        %swap3A_401 = arith.index_cast %swap3A_400 : i32 to index
        %swap3A_402 = arith.index_cast %scan3A_372 : i32 to index
        %swap3A_403 = arith.constant 48 : index
        %swap3A_404 = tpu.vector_load %arg9[%swap3A_401, %swap3A_402, %swap3A_403] {strides = array<i32>} : memref<2x128x64xf32, #tpu.memory_space<vmem>>, vector<16xf32>,
        tpu.vector_store %arg9[%swap3A_401, %swap3A_402, %swap3A_403], %unpack3A_394 {strides = array<i32>} : memref<2x128x64xf32, #tpu.memory_space<vmem>>, vector<16xf32>,
        %scan3A_405 = arith.constant 0 : i32
        scf.yield %scan3A_405 : i32
      }
      %scan3A_305 = arith.constant 128 : i32
      %dma_start3A_306 = arith.constant 0 : i32
      %dma_start3A_307 = arith.constant 0 : i32
      %dma_start3A_308 = arith.constant 0 : i32
      %dma_start3A_309 = arith.constant 0 : i32
      %dma_start3A_310 = tpu.memref_slice %arg9[%dma_start3A_306, %dma_start3A_308, %dma_start3A_309] : memref<2x128x64xf32, #tpu.memory_space<vmem>> -> memref<1x128x64xf32, #tpu.memory_space<vmem>>
      %dma_start3A_311 = tpu.memref_squeeze %dma_start3A_310 : memref<1x128x64xf32, #tpu.memory_space<vmem>> -> memref<128x64xf32, #tpu.memory_space<vmem>>
      %dma_start3A_312 = arith.constant 0 : i32
      %dma_start3A_313 = tpu.memref_slice %arg7[%add3A_272, %dma_start3A_312] : memref<160x128xi32, #tpu.memory_space<vmem>> -> memref<1x128xi32, #tpu.memory_space<vmem>>
      %dma_start3A_314 = tpu.memref_squeeze %dma_start3A_313 : memref<1x128xi32, #tpu.memory_space<vmem>> -> memref<128xi32, #tpu.memory_space<vmem>>
      %dma_start3A_315 = arith.constant 0 : i32
      %dma_start3A_316 = arith.constant 0 : i32
      %dma_start3A_317 = tpu.memref_slice %arg11[%dma_start3A_315, %dma_start3A_316] : memref<10240x64xf32, #tpu.memory_space<vmem_shared>> -> memref<10240x64xf32, #tpu.memory_space<vmem_shared>>
      %dma_start3A_318 = tpu.memref_slice %arg13[%dma_start3A_307] : memref<2x!tpu.dma_semaphore, #tpu.memory_space<semaphore_mem>> -> memref<1x!tpu.dma_semaphore, #tpu.memory_space<semaphore_mem>>
      %dma_start3A_319 = tpu.memref_squeeze %dma_start3A_318 : memref<1x!tpu.dma_semaphore, #tpu.memory_space<semaphore_mem>> -> memref<!tpu.dma_semaphore, #tpu.memory_space<semaphore_mem>>
      tpu.enqueue_indirect_dma source(%dma_start3A_311 : memref<128x64xf32, #tpu.memory_space<vmem>>) target(%dma_start3A_317 : memref<10240x64xf32, #tpu.memory_space<vmem_shared>>) offsets(%dma_start3A_314 : memref<128xi32, #tpu.memory_space<vmem>>) semaphore(%dma_start3A_319 : memref<!tpu.dma_semaphore, #tpu.memory_space<semaphore_mem>>) {add = true}
      %mul3A_320 = arith.constant 4 : i32
      %mul3A_321 = arith.muli %scan3A_169, %mul3A_320 : i32
      %add3A_322 = arith.constant 3 : i32
      %add3A_323 = arith.addi %mul3A_321, %add3A_322 : i32
      %add3A_324 = arith.constant 2 : i32
      %add3A_325 = arith.addi %add3A_323, %add3A_324 : i32
      %lt3A_326 = arith.constant 160 : i32
      %lt3A_327 = arith.cmpi slt, %add3A_325, %lt3A_326 : i32
      %convert_element_type3A_328 = arith.extui %lt3A_327 : i1 to i32
      %cond3A_329 = arith.constant 0 : i32
      %cond3A_330 = arith.cmpi ne, %convert_element_type3A_328, %cond3A_329 : i32
      scf.if %cond3A_330 {
        %add3A_372 = arith.constant 2 : i32
        %add3A_373 = arith.addi %add3A_323, %add3A_372 : i32
        %dma_start3A_374 = arith.constant 1 : i32
        %dma_start3A_375 = arith.constant 1 : i32
        %dma_start3A_376 = arith.constant 0 : i32
        %dma_start3A_377 = arith.constant 0 : i32
        %dma_start3A_378 = tpu.memref_slice %arg8[%dma_start3A_374, %dma_start3A_376, %dma_start3A_377] : memref<4x128x64xbf16, #tpu.memory_space<vmem>> -> memref<1x128x64xbf16, #tpu.memory_space<vmem>>
        %dma_start3A_379 = tpu.memref_squeeze %dma_start3A_378 : memref<1x128x64xbf16, #tpu.memory_space<vmem>> -> memref<128x64xbf16, #tpu.memory_space<vmem>>
        %dma_start3A_380 = arith.constant 0 : i32
        %dma_start3A_381 = tpu.memref_slice %arg6[%add3A_373, %dma_start3A_380] : memref<160x128xi32, #tpu.memory_space<vmem>> -> memref<1x128xi32, #tpu.memory_space<vmem>>
        %dma_start3A_382 = tpu.memref_squeeze %dma_start3A_381 : memref<1x128xi32, #tpu.memory_space<vmem>> -> memref<128xi32, #tpu.memory_space<vmem>>
        %dma_start3A_383 = arith.constant 0 : i32
        %dma_start3A_384 = arith.constant 0 : i32
        %dma_start3A_385 = tpu.memref_slice %arg2[%dma_start3A_383, %dma_start3A_384] : memref<40960x64xbf16, #tpu.memory_space<hbm>> -> memref<40960x64xbf16, #tpu.memory_space<hbm>>
        %dma_start3A_386 = tpu.memref_slice %arg12[%dma_start3A_375] : memref<4x!tpu.dma_semaphore, #tpu.memory_space<semaphore_mem>> -> memref<1x!tpu.dma_semaphore, #tpu.memory_space<semaphore_mem>>
        %dma_start3A_387 = tpu.memref_squeeze %dma_start3A_386 : memref<1x!tpu.dma_semaphore, #tpu.memory_space<semaphore_mem>> -> memref<!tpu.dma_semaphore, #tpu.memory_space<semaphore_mem>>
        tpu.enqueue_indirect_dma source(%dma_start3A_385 : memref<40960x64xbf16, #tpu.memory_space<hbm>>) target(%dma_start3A_379 : memref<128x64xbf16, #tpu.memory_space<vmem>>) offsets(%dma_start3A_382 : memref<128xi32, #tpu.memory_space<vmem>>) semaphore(%dma_start3A_387 : memref<!tpu.dma_semaphore, #tpu.memory_space<semaphore_mem>>)
      } else {
      }
      %ge3A_331 = arith.constant 2 : i32
      %ge3A_332 = arith.cmpi sge, %add3A_323, %ge3A_331 : i32
      %convert_element_type3A_333 = arith.extui %ge3A_332 : i1 to i32
      %cond3A_334 = arith.constant 0 : i32
      %cond3A_335 = arith.cmpi ne, %convert_element_type3A_333, %cond3A_334 : i32
      scf.if %cond3A_335 {
        %sub3A = arith.constant 2 : i32
        %sub3A_372 = arith.subi %add3A_323, %sub3A : i32
        %dma_wait3A_373 = arith.constant 1 : i32
        %dma_wait3A_374 = arith.constant 1 : i32
        %dma_wait3A_375 = arith.constant 0 : i32
        %dma_wait3A_376 = arith.constant 0 : i32
        %dma_wait3A_377 = tpu.memref_slice %arg9[%dma_wait3A_373, %dma_wait3A_375, %dma_wait3A_376] : memref<2x128x64xf32, #tpu.memory_space<vmem>> -> memref<1x128x64xf32, #tpu.memory_space<vmem>>
        %dma_wait3A_378 = tpu.memref_squeeze %dma_wait3A_377 : memref<1x128x64xf32, #tpu.memory_space<vmem>> -> memref<128x64xf32, #tpu.memory_space<vmem>>
        %dma_wait3A_379 = arith.constant 0 : i32
        %dma_wait3A_380 = tpu.memref_slice %arg7[%sub3A_372, %dma_wait3A_379] : memref<160x128xi32, #tpu.memory_space<vmem>> -> memref<1x128xi32, #tpu.memory_space<vmem>>
        %dma_wait3A_381 = tpu.memref_squeeze %dma_wait3A_380 : memref<1x128xi32, #tpu.memory_space<vmem>> -> memref<128xi32, #tpu.memory_space<vmem>>
        %dma_wait3A_382 = arith.constant 0 : i32
        %dma_wait3A_383 = arith.constant 0 : i32
        %dma_wait3A_384 = tpu.memref_slice %arg11[%dma_wait3A_382, %dma_wait3A_383] : memref<10240x64xf32, #tpu.memory_space<vmem_shared>> -> memref<10240x64xf32, #tpu.memory_space<vmem_shared>>
        %dma_wait3A_385 = tpu.memref_slice %arg13[%dma_wait3A_374] : memref<2x!tpu.dma_semaphore, #tpu.memory_space<semaphore_mem>> -> memref<1x!tpu.dma_semaphore, #tpu.memory_space<semaphore_mem>>
        %dma_wait3A_386 = tpu.memref_squeeze %dma_wait3A_385 : memref<1x!tpu.dma_semaphore, #tpu.memory_space<semaphore_mem>> -> memref<!tpu.dma_semaphore, #tpu.memory_space<semaphore_mem>>
        tpu.wait_indirect_dma semaphore(%dma_wait3A_386 : memref<!tpu.dma_semaphore, #tpu.memory_space<semaphore_mem>>) src(%dma_wait3A_378 : memref<128x64xf32, #tpu.memory_space<vmem>>) dst(%dma_wait3A_384 : memref<10240x64xf32, #tpu.memory_space<vmem_shared>>)
      } else {
      }
      %dma_wait3A_336 = arith.constant 3 : i32
      %dma_wait3A_337 = arith.constant 3 : i32
      %dma_wait3A_338 = arith.constant 0 : i32
      %dma_wait3A_339 = arith.constant 0 : i32
      %dma_wait3A_340 = tpu.memref_slice %arg8[%dma_wait3A_336, %dma_wait3A_338, %dma_wait3A_339] : memref<4x128x64xbf16, #tpu.memory_space<vmem>> -> memref<1x128x64xbf16, #tpu.memory_space<vmem>>
      %dma_wait3A_341 = tpu.memref_squeeze %dma_wait3A_340 : memref<1x128x64xbf16, #tpu.memory_space<vmem>> -> memref<128x64xbf16, #tpu.memory_space<vmem>>
      %dma_wait3A_342 = arith.constant 0 : i32
      %dma_wait3A_343 = tpu.memref_slice %arg6[%add3A_323, %dma_wait3A_342] : memref<160x128xi32, #tpu.memory_space<vmem>> -> memref<1x128xi32, #tpu.memory_space<vmem>>
      %dma_wait3A_344 = tpu.memref_squeeze %dma_wait3A_343 : memref<1x128xi32, #tpu.memory_space<vmem>> -> memref<128xi32, #tpu.memory_space<vmem>>
      %dma_wait3A_345 = arith.constant 0 : i32
      %dma_wait3A_346 = arith.constant 0 : i32
      %dma_wait3A_347 = tpu.memref_slice %arg2[%dma_wait3A_345, %dma_wait3A_346] : memref<40960x64xbf16, #tpu.memory_space<hbm>> -> memref<40960x64xbf16, #tpu.memory_space<hbm>>
      %dma_wait3A_348 = tpu.memref_slice %arg12[%dma_wait3A_337] : memref<4x!tpu.dma_semaphore, #tpu.memory_space<semaphore_mem>> -> memref<1x!tpu.dma_semaphore, #tpu.memory_space<semaphore_mem>>
      %dma_wait3A_349 = tpu.memref_squeeze %dma_wait3A_348 : memref<1x!tpu.dma_semaphore, #tpu.memory_space<semaphore_mem>> -> memref<!tpu.dma_semaphore, #tpu.memory_space<semaphore_mem>>
      tpu.wait_indirect_dma semaphore(%dma_wait3A_349 : memref<!tpu.dma_semaphore, #tpu.memory_space<semaphore_mem>>) src(%dma_wait3A_347 : memref<40960x64xbf16, #tpu.memory_space<hbm>>) dst(%dma_wait3A_341 : memref<128x64xbf16, #tpu.memory_space<vmem>>)
      %scan3A_350 = arith.constant 0 : i32
      %scan3A_351 = arith.constant 0 : i32
      %scan3A_352 = arith.constant 128 : i32
      %scan3A_353 = arith.addi %scan3A_351, %scan3A_352 : i32
      %scan3A_354 = arith.constant 1 : i32
      %scan3A_355 = scf.for %scan3A_372 = %scan3A_351 to %scan3A_353 step %scan3A_354 iter_args(%scan3A_373 = %scan3A_350) -> (i32)  : i32 {
        %get3A = arith.constant 3 : i32
        %get3A_374 = arith.index_cast %get3A : i32 to index
        %get3A_375 = arith.index_cast %scan3A_372 : i32 to index
        %get3A_376 = arith.constant 0 : index
        %get3A_377 = tpu.vector_load %arg8[%get3A_374, %get3A_375, %get3A_376] {strides = array<i32>} : memref<4x128x64xbf16, #tpu.memory_space<vmem>>, vector<32xbf16>,
        %unpack3A = tpu.unpack_subelements %get3A_377, 0 {pack_format = #tpu.pack_format<interleaved>} : vector<32xbf16> -> vector<16xf32>
        %unpack3A_378 = tpu.unpack_subelements %get3A_377, 1 {pack_format = #tpu.pack_format<interleaved>} : vector<32xbf16> -> vector<16xf32>
        %swap3A = arith.constant 1 : i32
        %swap3A_379 = arith.index_cast %swap3A : i32 to index
        %swap3A_380 = arith.index_cast %scan3A_372 : i32 to index
        %swap3A_381 = arith.constant 0 : index
        %swap3A_382 = tpu.vector_load %arg9[%swap3A_379, %swap3A_380, %swap3A_381] {strides = array<i32>} : memref<2x128x64xf32, #tpu.memory_space<vmem>>, vector<16xf32>,
        tpu.vector_store %arg9[%swap3A_379, %swap3A_380, %swap3A_381], %unpack3A {strides = array<i32>} : memref<2x128x64xf32, #tpu.memory_space<vmem>>, vector<16xf32>,
        %swap3A_383 = arith.constant 1 : i32
        %swap3A_384 = arith.index_cast %swap3A_383 : i32 to index
        %swap3A_385 = arith.index_cast %scan3A_372 : i32 to index
        %swap3A_386 = arith.constant 16 : index
        %swap3A_387 = tpu.vector_load %arg9[%swap3A_384, %swap3A_385, %swap3A_386] {strides = array<i32>} : memref<2x128x64xf32, #tpu.memory_space<vmem>>, vector<16xf32>,
        tpu.vector_store %arg9[%swap3A_384, %swap3A_385, %swap3A_386], %unpack3A_378 {strides = array<i32>} : memref<2x128x64xf32, #tpu.memory_space<vmem>>, vector<16xf32>,
        %get3A_388 = arith.constant 3 : i32
        %get3A_389 = arith.index_cast %get3A_388 : i32 to index
        %get3A_390 = arith.index_cast %scan3A_372 : i32 to index
        %get3A_391 = arith.constant 32 : index
        %get3A_392 = tpu.vector_load %arg8[%get3A_389, %get3A_390, %get3A_391] {strides = array<i32>} : memref<4x128x64xbf16, #tpu.memory_space<vmem>>, vector<32xbf16>,
        %unpack3A_393 = tpu.unpack_subelements %get3A_392, 0 {pack_format = #tpu.pack_format<interleaved>} : vector<32xbf16> -> vector<16xf32>
        %unpack3A_394 = tpu.unpack_subelements %get3A_392, 1 {pack_format = #tpu.pack_format<interleaved>} : vector<32xbf16> -> vector<16xf32>
        %swap3A_395 = arith.constant 1 : i32
        %swap3A_396 = arith.index_cast %swap3A_395 : i32 to index
        %swap3A_397 = arith.index_cast %scan3A_372 : i32 to index
        %swap3A_398 = arith.constant 32 : index
        %swap3A_399 = tpu.vector_load %arg9[%swap3A_396, %swap3A_397, %swap3A_398] {strides = array<i32>} : memref<2x128x64xf32, #tpu.memory_space<vmem>>, vector<16xf32>,
        tpu.vector_store %arg9[%swap3A_396, %swap3A_397, %swap3A_398], %unpack3A_393 {strides = array<i32>} : memref<2x128x64xf32, #tpu.memory_space<vmem>>, vector<16xf32>,
        %swap3A_400 = arith.constant 1 : i32
        %swap3A_401 = arith.index_cast %swap3A_400 : i32 to index
        %swap3A_402 = arith.index_cast %scan3A_372 : i32 to index
        %swap3A_403 = arith.constant 48 : index
        %swap3A_404 = tpu.vector_load %arg9[%swap3A_401, %swap3A_402, %swap3A_403] {strides = array<i32>} : memref<2x128x64xf32, #tpu.memory_space<vmem>>, vector<16xf32>,
        tpu.vector_store %arg9[%swap3A_401, %swap3A_402, %swap3A_403], %unpack3A_394 {strides = array<i32>} : memref<2x128x64xf32, #tpu.memory_space<vmem>>, vector<16xf32>,
        %scan3A_405 = arith.constant 0 : i32
        scf.yield %scan3A_405 : i32
      }
      %scan3A_356 = arith.constant 128 : i32
      %dma_start3A_357 = arith.constant 1 : i32
      %dma_start3A_358 = arith.constant 1 : i32
      %dma_start3A_359 = arith.constant 0 : i32
      %dma_start3A_360 = arith.constant 0 : i32
      %dma_start3A_361 = tpu.memref_slice %arg9[%dma_start3A_357, %dma_start3A_359, %dma_start3A_360] : memref<2x128x64xf32, #tpu.memory_space<vmem>> -> memref<1x128x64xf32, #tpu.memory_space<vmem>>
      %dma_start3A_362 = tpu.memref_squeeze %dma_start3A_361 : memref<1x128x64xf32, #tpu.memory_space<vmem>> -> memref<128x64xf32, #tpu.memory_space<vmem>>
      %dma_start3A_363 = arith.constant 0 : i32
      %dma_start3A_364 = tpu.memref_slice %arg7[%add3A_323, %dma_start3A_363] : memref<160x128xi32, #tpu.memory_space<vmem>> -> memref<1x128xi32, #tpu.memory_space<vmem>>
      %dma_start3A_365 = tpu.memref_squeeze %dma_start3A_364 : memref<1x128xi32, #tpu.memory_space<vmem>> -> memref<128xi32, #tpu.memory_space<vmem>>
      %dma_start3A_366 = arith.constant 0 : i32
      %dma_start3A_367 = arith.constant 0 : i32
      %dma_start3A_368 = tpu.memref_slice %arg11[%dma_start3A_366, %dma_start3A_367] : memref<10240x64xf32, #tpu.memory_space<vmem_shared>> -> memref<10240x64xf32, #tpu.memory_space<vmem_shared>>
      %dma_start3A_369 = tpu.memref_slice %arg13[%dma_start3A_358] : memref<2x!tpu.dma_semaphore, #tpu.memory_space<semaphore_mem>> -> memref<1x!tpu.dma_semaphore, #tpu.memory_space<semaphore_mem>>
      %dma_start3A_370 = tpu.memref_squeeze %dma_start3A_369 : memref<1x!tpu.dma_semaphore, #tpu.memory_space<semaphore_mem>> -> memref<!tpu.dma_semaphore, #tpu.memory_space<semaphore_mem>>
      tpu.enqueue_indirect_dma source(%dma_start3A_362 : memref<128x64xf32, #tpu.memory_space<vmem>>) target(%dma_start3A_368 : memref<10240x64xf32, #tpu.memory_space<vmem_shared>>) offsets(%dma_start3A_365 : memref<128xi32, #tpu.memory_space<vmem>>) semaphore(%dma_start3A_370 : memref<!tpu.dma_semaphore, #tpu.memory_space<semaphore_mem>>) {add = true}
      %scan3A_371 = arith.constant 0 : i32
      scf.yield %scan3A_371 : i32
    }
    %scan3A_135 = arith.constant 40 : i32
    %dma_wait3A_136 = arith.constant 0 : i32
    %dma_wait3A_137 = arith.constant 158 : i32
    %dma_wait3A_138 = arith.constant 0 : i32
    %dma_wait3A_139 = arith.constant 0 : i32
    %dma_wait3A_140 = arith.constant 0 : i32
    %dma_wait3A_141 = tpu.memref_slice %arg9[%dma_wait3A_136, %dma_wait3A_139, %dma_wait3A_140] : memref<2x128x64xf32, #tpu.memory_space<vmem>> -> memref<1x128x64xf32, #tpu.memory_space<vmem>>
    %dma_wait3A_142 = tpu.memref_squeeze %dma_wait3A_141 : memref<1x128x64xf32, #tpu.memory_space<vmem>> -> memref<128x64xf32, #tpu.memory_space<vmem>>
    %dma_wait3A_143 = arith.constant 0 : i32
    %dma_wait3A_144 = tpu.memref_slice %arg7[%dma_wait3A_137, %dma_wait3A_143] : memref<160x128xi32, #tpu.memory_space<vmem>> -> memref<1x128xi32, #tpu.memory_space<vmem>>
    %dma_wait3A_145 = tpu.memref_squeeze %dma_wait3A_144 : memref<1x128xi32, #tpu.memory_space<vmem>> -> memref<128xi32, #tpu.memory_space<vmem>>
    %dma_wait3A_146 = arith.constant 0 : i32
    %dma_wait3A_147 = arith.constant 0 : i32
    %dma_wait3A_148 = tpu.memref_slice %arg11[%dma_wait3A_146, %dma_wait3A_147] : memref<10240x64xf32, #tpu.memory_space<vmem_shared>> -> memref<10240x64xf32, #tpu.memory_space<vmem_shared>>
    %dma_wait3A_149 = tpu.memref_slice %arg13[%dma_wait3A_138] : memref<2x!tpu.dma_semaphore, #tpu.memory_space<semaphore_mem>> -> memref<1x!tpu.dma_semaphore, #tpu.memory_space<semaphore_mem>>
    %dma_wait3A_150 = tpu.memref_squeeze %dma_wait3A_149 : memref<1x!tpu.dma_semaphore, #tpu.memory_space<semaphore_mem>> -> memref<!tpu.dma_semaphore, #tpu.memory_space<semaphore_mem>>
    tpu.wait_indirect_dma semaphore(%dma_wait3A_150 : memref<!tpu.dma_semaphore, #tpu.memory_space<semaphore_mem>>) src(%dma_wait3A_142 : memref<128x64xf32, #tpu.memory_space<vmem>>) dst(%dma_wait3A_148 : memref<10240x64xf32, #tpu.memory_space<vmem_shared>>)
    %dma_wait3A_151 = arith.constant 1 : i32
    %dma_wait3A_152 = arith.constant 159 : i32
    %dma_wait3A_153 = arith.constant 1 : i32
    %dma_wait3A_154 = arith.constant 0 : i32
    %dma_wait3A_155 = arith.constant 0 : i32
    %dma_wait3A_156 = tpu.memref_slice %arg9[%dma_wait3A_151, %dma_wait3A_154, %dma_wait3A_155] : memref<2x128x64xf32, #tpu.memory_space<vmem>> -> memref<1x128x64xf32, #tpu.memory_space<vmem>>
    %dma_wait3A_157 = tpu.memref_squeeze %dma_wait3A_156 : memref<1x128x64xf32, #tpu.memory_space<vmem>> -> memref<128x64xf32, #tpu.memory_space<vmem>>
    %dma_wait3A_158 = arith.constant 0 : i32
    %dma_wait3A_159 = tpu.memref_slice %arg7[%dma_wait3A_152, %dma_wait3A_158] : memref<160x128xi32, #tpu.memory_space<vmem>> -> memref<1x128xi32, #tpu.memory_space<vmem>>
    %dma_wait3A_160 = tpu.memref_squeeze %dma_wait3A_159 : memref<1x128xi32, #tpu.memory_space<vmem>> -> memref<128xi32, #tpu.memory_space<vmem>>
    %dma_wait3A_161 = arith.constant 0 : i32
    %dma_wait3A_162 = arith.constant 0 : i32
    %dma_wait3A_163 = tpu.memref_slice %arg11[%dma_wait3A_161, %dma_wait3A_162] : memref<10240x64xf32, #tpu.memory_space<vmem_shared>> -> memref<10240x64xf32, #tpu.memory_space<vmem_shared>>
    %dma_wait3A_164 = tpu.memref_slice %arg13[%dma_wait3A_153] : memref<2x!tpu.dma_semaphore, #tpu.memory_space<semaphore_mem>> -> memref<1x!tpu.dma_semaphore, #tpu.memory_space<semaphore_mem>>
    %dma_wait3A_165 = tpu.memref_squeeze %dma_wait3A_164 : memref<1x!tpu.dma_semaphore, #tpu.memory_space<semaphore_mem>> -> memref<!tpu.dma_semaphore, #tpu.memory_space<semaphore_mem>>
    tpu.wait_indirect_dma semaphore(%dma_wait3A_165 : memref<!tpu.dma_semaphore, #tpu.memory_space<semaphore_mem>>) src(%dma_wait3A_157 : memref<128x64xf32, #tpu.memory_space<vmem>>) dst(%dma_wait3A_163 : memref<10240x64xf32, #tpu.memory_space<vmem_shared>>)
    %barrier3A_166 = arith.constant 0 : index
    tpu.barrier barrier_id(%barrier3A_166)
    %add3A_167 = arith.constant 2 : i32
    %add3A_168 = arith.addi %add3A_167, %arg0 : i32
    "tpu.region"() ({
      %run_scoped3A = tpu.sem_alloc : memref<!tpu.dma_semaphore, #tpu.memory_space<semaphore_mem>>
      %dma_start3A_169 = arith.constant 0 : i32
      %dma_start3A_170 = tpu.memref_slice %arg5[%add3A_168, %mul3A_6, %dma_start3A_169] : memref<4x10240x64xf32, #tpu.memory_space<hbm>> -> memref<1x640x64xf32, #tpu.memory_space<hbm>>
      %dma_start3A_171 = tpu.memref_squeeze %dma_start3A_170 : memref<1x640x64xf32, #tpu.memory_space<hbm>> -> memref<640x64xf32, #tpu.memory_space<hbm>>
      %dma_start3A_172 = arith.constant 0 : i32
      %dma_start3A_173 = tpu.memref_slice %arg11[%mul3A_6, %dma_start3A_172] : memref<10240x64xf32, #tpu.memory_space<vmem_shared>> -> memref<640x64xf32, #tpu.memory_space<vmem_shared>>
      tpu.enqueue_dma source(%dma_start3A_173 : memref<640x64xf32, #tpu.memory_space<vmem_shared>>) target(%dma_start3A_171 : memref<640x64xf32, #tpu.memory_space<hbm>>) target_semaphore(%run_scoped3A : memref<!tpu.dma_semaphore, #tpu.memory_space<semaphore_mem>>)
      %dma_wait3A_174 = arith.constant 0 : i32
      %dma_wait3A_175 = tpu.memref_slice %arg5[%add3A_168, %mul3A_6, %dma_wait3A_174] : memref<4x10240x64xf32, #tpu.memory_space<hbm>> -> memref<1x640x64xf32, #tpu.memory_space<hbm>>
      %dma_wait3A_176 = tpu.memref_squeeze %dma_wait3A_175 : memref<1x640x64xf32, #tpu.memory_space<hbm>> -> memref<640x64xf32, #tpu.memory_space<hbm>>
      %dma_wait3A_177 = arith.constant 0 : i32
      %dma_wait3A_178 = tpu.memref_slice %arg11[%mul3A_6, %dma_wait3A_177] : memref<10240x64xf32, #tpu.memory_space<vmem_shared>> -> memref<640x64xf32, #tpu.memory_space<vmem_shared>>
      tpu.wait_dma2 semaphore(%run_scoped3A : memref<!tpu.dma_semaphore, #tpu.memory_space<semaphore_mem>>) src(%dma_wait3A_178 : memref<640x64xf32, #tpu.memory_space<vmem_shared>>) dst(%dma_wait3A_176 : memref<640x64xf32, #tpu.memory_space<hbm>>)
      tpu.yield
    }) : () -> ()
    return
  }
}

#map = affine_map<(d0, d1) -> (0, 0)>
#map1 = affine_map<(d0, d1) -> (0, 0, 0)>
module attributes {stable_mosaic.version = 14 : i64} {
  func.func @agg_kernel(%arg0: i32, %arg1: i32, %arg2: memref<20480x32xbf16, #tpu.memory_space<hbm>>, %arg3: memref<2x2560x128xi32, #tpu.memory_space<hbm>>, %arg4: memref<2560x128xi32, #tpu.memory_space<hbm>>, %arg5: memref<2x10240x32xf32, #tpu.memory_space<hbm>>, %arg6: memref<160x128xi32, #tpu.memory_space<vmem>>, %arg7: memref<160x128xi32, #tpu.memory_space<vmem>>, %arg8: memref<4x128x32xbf16, #tpu.memory_space<vmem>>, %arg9: memref<2x128x32xf32, #tpu.memory_space<vmem>>, %arg10: memref<64x32xf32, #tpu.memory_space<vmem>>, %arg11: memref<10240x32xf32, #tpu.memory_space<vmem_shared>>, %arg12: memref<4x!tpu.dma_semaphore, #tpu.memory_space<semaphore_mem>>, %arg13: memref<2x!tpu.dma_semaphore, #tpu.memory_space<semaphore_mem>>) attributes {dimension_semantics = [#tpu.dimension_semantics<core_parallel>, #tpu.dimension_semantics<subcore_parallel>], iteration_bounds = array<i64: 2, 16>, scalar_prefetch = 0 : i64, scratch_operands = 8 : i64, tpu.core_type = #tpu.core_type<sc_vector_subcore>, window_params = [{transform_indices = #map}, {transform_indices = #map1}, {transform_indices = #map}, {transform_indices = #map1}]} {
    %scan3A = arith.constant 0 : i32
    %scan3A_0 = arith.constant 0 : i32
    %scan3A_1 = arith.constant 64 : i32
    %scan3A_2 = arith.addi %scan3A_0, %scan3A_1 : i32
    %scan3A_3 = arith.constant 1 : i32
    %scan3A_4 = scf.for %scan3A_87 = %scan3A_0 to %scan3A_2 step %scan3A_3 iter_args(%scan3A_88 = %scan3A) -> (i32)  : i32 {
      %broadcast_in_dim3A = arith.constant 0.000000e+00 : f32
      %broadcast_in_dim3A_89 = vector.broadcast %broadcast_in_dim3A : f32 to vector<16xf32>
      %swap3A = arith.index_cast %scan3A_87 : i32 to index
      %swap3A_90 = arith.constant 0 : index
      %swap3A_91 = tpu.vector_load %arg10[%swap3A, %swap3A_90] {strides = array<i32>} : memref<64x32xf32, #tpu.memory_space<vmem>>, vector<16xf32>,
      tpu.vector_store %arg10[%swap3A, %swap3A_90], %broadcast_in_dim3A_89 {strides = array<i32>} : memref<64x32xf32, #tpu.memory_space<vmem>>, vector<16xf32>,
      %broadcast_in_dim3A_92 = arith.constant 0.000000e+00 : f32
      %broadcast_in_dim3A_93 = vector.broadcast %broadcast_in_dim3A_92 : f32 to vector<16xf32>
      %swap3A_94 = arith.index_cast %scan3A_87 : i32 to index
      %swap3A_95 = arith.constant 16 : index
      %swap3A_96 = tpu.vector_load %arg10[%swap3A_94, %swap3A_95] {strides = array<i32>} : memref<64x32xf32, #tpu.memory_space<vmem>>, vector<16xf32>,
      tpu.vector_store %arg10[%swap3A_94, %swap3A_95], %broadcast_in_dim3A_93 {strides = array<i32>} : memref<64x32xf32, #tpu.memory_space<vmem>>, vector<16xf32>,
      %scan3A_97 = arith.constant 0 : i32
      scf.yield %scan3A_97 : i32
    }
    %scan3A_5 = arith.constant 64 : i32
    %mul3A = arith.constant 640 : i32
    %mul3A_6 = arith.muli %arg1, %mul3A : i32
    %scan3A_7 = arith.constant 0 : i32
    %scan3A_8 = arith.constant 0 : i32
    %scan3A_9 = arith.constant 10 : i32
    %scan3A_10 = arith.addi %scan3A_8, %scan3A_9 : i32
    %scan3A_11 = arith.constant 1 : i32
    %scan3A_12 = scf.for %scan3A_87 = %scan3A_8 to %scan3A_10 step %scan3A_11 iter_args(%scan3A_88 = %scan3A_7) -> (i32)  : i32 {
      %mul3A_89 = arith.constant 64 : i32
      %mul3A_90 = arith.muli %scan3A_87, %mul3A_89 : i32
      %add3A_91 = arith.addi %mul3A_6, %mul3A_90 : i32
      "tpu.region"() ({
        %run_scoped3A = tpu.sem_alloc : memref<!tpu.dma_semaphore, #tpu.memory_space<semaphore_mem>>
        %dma_start3A_93 = arith.constant 0 : i32
        %dma_start3A_94 = tpu.memref_slice %arg11[%add3A_91, %dma_start3A_93] : memref<10240x32xf32, #tpu.memory_space<vmem_shared>> -> memref<64x32xf32, #tpu.memory_space<vmem_shared>>
        %dma_start3A_95 = arith.constant 0 : i32
        %dma_start3A_96 = tpu.memref_slice %arg11[%add3A_91, %dma_start3A_95] : memref<10240x32xf32, #tpu.memory_space<vmem_shared>> -> memref<64x32xf32, #tpu.memory_space<vmem_shared>>
        tpu.enqueue_dma source(%arg10 : memref<64x32xf32, #tpu.memory_space<vmem>>) target(%dma_start3A_96 : memref<64x32xf32, #tpu.memory_space<vmem_shared>>) target_semaphore(%run_scoped3A : memref<!tpu.dma_semaphore, #tpu.memory_space<semaphore_mem>>)
        %dma_wait3A_97 = arith.constant 0 : i32
        %dma_wait3A_98 = tpu.memref_slice %arg11[%add3A_91, %dma_wait3A_97] : memref<10240x32xf32, #tpu.memory_space<vmem_shared>> -> memref<64x32xf32, #tpu.memory_space<vmem_shared>>
        %dma_wait3A_99 = arith.constant 0 : i32
        %dma_wait3A_100 = tpu.memref_slice %arg11[%add3A_91, %dma_wait3A_99] : memref<10240x32xf32, #tpu.memory_space<vmem_shared>> -> memref<64x32xf32, #tpu.memory_space<vmem_shared>>
        tpu.wait_dma2 semaphore(%run_scoped3A : memref<!tpu.dma_semaphore, #tpu.memory_space<semaphore_mem>>) src(%arg10 : memref<64x32xf32, #tpu.memory_space<vmem>>) dst(%dma_wait3A_100 : memref<64x32xf32, #tpu.memory_space<vmem_shared>>)
        tpu.yield
      }) : () -> ()
      %scan3A_92 = arith.constant 0 : i32
      scf.yield %scan3A_92 : i32
    }
    %scan3A_13 = arith.constant 10 : i32
    %mul3A_14 = arith.constant 160 : i32
    %mul3A_15 = arith.muli %arg1, %mul3A_14 : i32
    "tpu.region"() ({
      %run_scoped3A = tpu.sem_alloc : memref<!tpu.dma_semaphore, #tpu.memory_space<semaphore_mem>>
      %dma_start3A_87 = arith.constant 0 : i32
      %dma_start3A_88 = tpu.memref_slice %arg4[%mul3A_15, %dma_start3A_87] : memref<2560x128xi32, #tpu.memory_space<hbm>> -> memref<160x128xi32, #tpu.memory_space<hbm>>
      %dma_start3A_89 = arith.constant 0 : i32
      %dma_start3A_90 = tpu.memref_slice %arg4[%mul3A_15, %dma_start3A_89] : memref<2560x128xi32, #tpu.memory_space<hbm>> -> memref<160x128xi32, #tpu.memory_space<hbm>>
      tpu.enqueue_dma source(%dma_start3A_90 : memref<160x128xi32, #tpu.memory_space<hbm>>) target(%arg7 : memref<160x128xi32, #tpu.memory_space<vmem>>) target_semaphore(%run_scoped3A : memref<!tpu.dma_semaphore, #tpu.memory_space<semaphore_mem>>)
      %dma_wait3A_91 = arith.constant 0 : i32
      %dma_wait3A_92 = tpu.memref_slice %arg4[%mul3A_15, %dma_wait3A_91] : memref<2560x128xi32, #tpu.memory_space<hbm>> -> memref<160x128xi32, #tpu.memory_space<hbm>>
      %dma_wait3A_93 = arith.constant 0 : i32
      %dma_wait3A_94 = tpu.memref_slice %arg4[%mul3A_15, %dma_wait3A_93] : memref<2560x128xi32, #tpu.memory_space<hbm>> -> memref<160x128xi32, #tpu.memory_space<hbm>>
      tpu.wait_dma2 semaphore(%run_scoped3A : memref<!tpu.dma_semaphore, #tpu.memory_space<semaphore_mem>>) src(%dma_wait3A_94 : memref<160x128xi32, #tpu.memory_space<hbm>>) dst(%arg7 : memref<160x128xi32, #tpu.memory_space<vmem>>)
      tpu.yield
    }) : () -> ()
    %add3A = arith.constant 0 : i32
    %add3A_16 = arith.addi %add3A, %arg0 : i32
    %mul3A_17 = arith.constant 160 : i32
    %mul3A_18 = arith.muli %arg1, %mul3A_17 : i32
    "tpu.region"() ({
      %run_scoped3A = tpu.sem_alloc : memref<!tpu.dma_semaphore, #tpu.memory_space<semaphore_mem>>
      %dma_start3A_87 = arith.constant 0 : i32
      %dma_start3A_88 = tpu.memref_slice %arg3[%add3A_16, %mul3A_18, %dma_start3A_87] : memref<2x2560x128xi32, #tpu.memory_space<hbm>> -> memref<1x160x128xi32, #tpu.memory_space<hbm>>
      %dma_start3A_89 = tpu.memref_squeeze %dma_start3A_88 : memref<1x160x128xi32, #tpu.memory_space<hbm>> -> memref<160x128xi32, #tpu.memory_space<hbm>>
      %dma_start3A_90 = arith.constant 0 : i32
      %dma_start3A_91 = tpu.memref_slice %arg3[%add3A_16, %mul3A_18, %dma_start3A_90] : memref<2x2560x128xi32, #tpu.memory_space<hbm>> -> memref<1x160x128xi32, #tpu.memory_space<hbm>>
      %dma_start3A_92 = tpu.memref_squeeze %dma_start3A_91 : memref<1x160x128xi32, #tpu.memory_space<hbm>> -> memref<160x128xi32, #tpu.memory_space<hbm>>
      tpu.enqueue_dma source(%dma_start3A_92 : memref<160x128xi32, #tpu.memory_space<hbm>>) target(%arg6 : memref<160x128xi32, #tpu.memory_space<vmem>>) target_semaphore(%run_scoped3A : memref<!tpu.dma_semaphore, #tpu.memory_space<semaphore_mem>>)
      %dma_wait3A_93 = arith.constant 0 : i32
      %dma_wait3A_94 = tpu.memref_slice %arg3[%add3A_16, %mul3A_18, %dma_wait3A_93] : memref<2x2560x128xi32, #tpu.memory_space<hbm>> -> memref<1x160x128xi32, #tpu.memory_space<hbm>>
      %dma_wait3A_95 = tpu.memref_squeeze %dma_wait3A_94 : memref<1x160x128xi32, #tpu.memory_space<hbm>> -> memref<160x128xi32, #tpu.memory_space<hbm>>
      %dma_wait3A_96 = arith.constant 0 : i32
      %dma_wait3A_97 = tpu.memref_slice %arg3[%add3A_16, %mul3A_18, %dma_wait3A_96] : memref<2x2560x128xi32, #tpu.memory_space<hbm>> -> memref<1x160x128xi32, #tpu.memory_space<hbm>>
      %dma_wait3A_98 = tpu.memref_squeeze %dma_wait3A_97 : memref<1x160x128xi32, #tpu.memory_space<hbm>> -> memref<160x128xi32, #tpu.memory_space<hbm>>
      tpu.wait_dma2 semaphore(%run_scoped3A : memref<!tpu.dma_semaphore, #tpu.memory_space<semaphore_mem>>) src(%dma_wait3A_98 : memref<160x128xi32, #tpu.memory_space<hbm>>) dst(%arg6 : memref<160x128xi32, #tpu.memory_space<vmem>>)
      tpu.yield
    }) : () -> ()
    %barrier3A = arith.constant 0 : index
    tpu.barrier barrier_id(%barrier3A)
    %dma_start3A = arith.constant 0 : i32
    %dma_start3A_19 = arith.constant 0 : i32
    %dma_start3A_20 = arith.constant 0 : i32
    %dma_start3A_21 = arith.constant 0 : i32
    %dma_start3A_22 = arith.constant 0 : i32
    %dma_start3A_23 = tpu.memref_slice %arg8[%dma_start3A_19, %dma_start3A_21, %dma_start3A_22] : memref<4x128x32xbf16, #tpu.memory_space<vmem>> -> memref<1x128x32xbf16, #tpu.memory_space<vmem>>
    %dma_start3A_24 = tpu.memref_squeeze %dma_start3A_23 : memref<1x128x32xbf16, #tpu.memory_space<vmem>> -> memref<128x32xbf16, #tpu.memory_space<vmem>>
    %dma_start3A_25 = arith.constant 0 : i32
    %dma_start3A_26 = tpu.memref_slice %arg6[%dma_start3A, %dma_start3A_25] : memref<160x128xi32, #tpu.memory_space<vmem>> -> memref<1x128xi32, #tpu.memory_space<vmem>>
    %dma_start3A_27 = tpu.memref_squeeze %dma_start3A_26 : memref<1x128xi32, #tpu.memory_space<vmem>> -> memref<128xi32, #tpu.memory_space<vmem>>
    %dma_start3A_28 = arith.constant 0 : i32
    %dma_start3A_29 = arith.constant 0 : i32
    %dma_start3A_30 = tpu.memref_slice %arg2[%dma_start3A_28, %dma_start3A_29] : memref<20480x32xbf16, #tpu.memory_space<hbm>> -> memref<20480x32xbf16, #tpu.memory_space<hbm>>
    %dma_start3A_31 = tpu.memref_slice %arg12[%dma_start3A_20] : memref<4x!tpu.dma_semaphore, #tpu.memory_space<semaphore_mem>> -> memref<1x!tpu.dma_semaphore, #tpu.memory_space<semaphore_mem>>
    %dma_start3A_32 = tpu.memref_squeeze %dma_start3A_31 : memref<1x!tpu.dma_semaphore, #tpu.memory_space<semaphore_mem>> -> memref<!tpu.dma_semaphore, #tpu.memory_space<semaphore_mem>>
    tpu.enqueue_indirect_dma source(%dma_start3A_30 : memref<20480x32xbf16, #tpu.memory_space<hbm>>) target(%dma_start3A_24 : memref<128x32xbf16, #tpu.memory_space<vmem>>) offsets(%dma_start3A_27 : memref<128xi32, #tpu.memory_space<vmem>>) semaphore(%dma_start3A_32 : memref<!tpu.dma_semaphore, #tpu.memory_space<semaphore_mem>>)
    %dma_start3A_33 = arith.constant 1 : i32
    %dma_start3A_34 = arith.constant 1 : i32
    %dma_start3A_35 = arith.constant 1 : i32
    %dma_start3A_36 = arith.constant 0 : i32
    %dma_start3A_37 = arith.constant 0 : i32
    %dma_start3A_38 = tpu.memref_slice %arg8[%dma_start3A_34, %dma_start3A_36, %dma_start3A_37] : memref<4x128x32xbf16, #tpu.memory_space<vmem>> -> memref<1x128x32xbf16, #tpu.memory_space<vmem>>
    %dma_start3A_39 = tpu.memref_squeeze %dma_start3A_38 : memref<1x128x32xbf16, #tpu.memory_space<vmem>> -> memref<128x32xbf16, #tpu.memory_space<vmem>>
    %dma_start3A_40 = arith.constant 0 : i32
    %dma_start3A_41 = tpu.memref_slice %arg6[%dma_start3A_33, %dma_start3A_40] : memref<160x128xi32, #tpu.memory_space<vmem>> -> memref<1x128xi32, #tpu.memory_space<vmem>>
    %dma_start3A_42 = tpu.memref_squeeze %dma_start3A_41 : memref<1x128xi32, #tpu.memory_space<vmem>> -> memref<128xi32, #tpu.memory_space<vmem>>
    %dma_start3A_43 = arith.constant 0 : i32
    %dma_start3A_44 = arith.constant 0 : i32
    %dma_start3A_45 = tpu.memref_slice %arg2[%dma_start3A_43, %dma_start3A_44] : memref<20480x32xbf16, #tpu.memory_space<hbm>> -> memref<20480x32xbf16, #tpu.memory_space<hbm>>
    %dma_start3A_46 = tpu.memref_slice %arg12[%dma_start3A_35] : memref<4x!tpu.dma_semaphore, #tpu.memory_space<semaphore_mem>> -> memref<1x!tpu.dma_semaphore, #tpu.memory_space<semaphore_mem>>
    %dma_start3A_47 = tpu.memref_squeeze %dma_start3A_46 : memref<1x!tpu.dma_semaphore, #tpu.memory_space<semaphore_mem>> -> memref<!tpu.dma_semaphore, #tpu.memory_space<semaphore_mem>>
    tpu.enqueue_indirect_dma source(%dma_start3A_45 : memref<20480x32xbf16, #tpu.memory_space<hbm>>) target(%dma_start3A_39 : memref<128x32xbf16, #tpu.memory_space<vmem>>) offsets(%dma_start3A_42 : memref<128xi32, #tpu.memory_space<vmem>>) semaphore(%dma_start3A_47 : memref<!tpu.dma_semaphore, #tpu.memory_space<semaphore_mem>>)
    %scan3A_48 = arith.constant 0 : i32
    %scan3A_49 = arith.constant 0 : i32
    %scan3A_50 = arith.constant 40 : i32
    %scan3A_51 = arith.addi %scan3A_49, %scan3A_50 : i32
    %scan3A_52 = arith.constant 1 : i32
    %scan3A_53 = scf.for %scan3A_87 = %scan3A_49 to %scan3A_51 step %scan3A_52 iter_args(%scan3A_88 = %scan3A_48) -> (i32)  : i32 {
      %mul3A_89 = arith.constant 4 : i32
      %mul3A_90 = arith.muli %scan3A_87, %mul3A_89 : i32
      %add3A_91 = arith.constant 0 : i32
      %add3A_92 = arith.addi %mul3A_90, %add3A_91 : i32
      %add3A_93 = arith.constant 2 : i32
      %add3A_94 = arith.addi %add3A_92, %add3A_93 : i32
      %lt3A = arith.constant 160 : i32
      %lt3A_95 = arith.cmpi slt, %add3A_94, %lt3A : i32
      %convert_element_type3A = arith.extui %lt3A_95 : i1 to i32
      %cond3A = arith.constant 0 : i32
      %cond3A_96 = arith.cmpi ne, %convert_element_type3A, %cond3A : i32
      scf.if %cond3A_96 {
        %add3A_290 = arith.constant 2 : i32
        %add3A_291 = arith.addi %add3A_92, %add3A_290 : i32
        %dma_start3A_292 = arith.constant 2 : i32
        %dma_start3A_293 = arith.constant 2 : i32
        %dma_start3A_294 = arith.constant 0 : i32
        %dma_start3A_295 = arith.constant 0 : i32
        %dma_start3A_296 = tpu.memref_slice %arg8[%dma_start3A_292, %dma_start3A_294, %dma_start3A_295] : memref<4x128x32xbf16, #tpu.memory_space<vmem>> -> memref<1x128x32xbf16, #tpu.memory_space<vmem>>
        %dma_start3A_297 = tpu.memref_squeeze %dma_start3A_296 : memref<1x128x32xbf16, #tpu.memory_space<vmem>> -> memref<128x32xbf16, #tpu.memory_space<vmem>>
        %dma_start3A_298 = arith.constant 0 : i32
        %dma_start3A_299 = tpu.memref_slice %arg6[%add3A_291, %dma_start3A_298] : memref<160x128xi32, #tpu.memory_space<vmem>> -> memref<1x128xi32, #tpu.memory_space<vmem>>
        %dma_start3A_300 = tpu.memref_squeeze %dma_start3A_299 : memref<1x128xi32, #tpu.memory_space<vmem>> -> memref<128xi32, #tpu.memory_space<vmem>>
        %dma_start3A_301 = arith.constant 0 : i32
        %dma_start3A_302 = arith.constant 0 : i32
        %dma_start3A_303 = tpu.memref_slice %arg2[%dma_start3A_301, %dma_start3A_302] : memref<20480x32xbf16, #tpu.memory_space<hbm>> -> memref<20480x32xbf16, #tpu.memory_space<hbm>>
        %dma_start3A_304 = tpu.memref_slice %arg12[%dma_start3A_293] : memref<4x!tpu.dma_semaphore, #tpu.memory_space<semaphore_mem>> -> memref<1x!tpu.dma_semaphore, #tpu.memory_space<semaphore_mem>>
        %dma_start3A_305 = tpu.memref_squeeze %dma_start3A_304 : memref<1x!tpu.dma_semaphore, #tpu.memory_space<semaphore_mem>> -> memref<!tpu.dma_semaphore, #tpu.memory_space<semaphore_mem>>
        tpu.enqueue_indirect_dma source(%dma_start3A_303 : memref<20480x32xbf16, #tpu.memory_space<hbm>>) target(%dma_start3A_297 : memref<128x32xbf16, #tpu.memory_space<vmem>>) offsets(%dma_start3A_300 : memref<128xi32, #tpu.memory_space<vmem>>) semaphore(%dma_start3A_305 : memref<!tpu.dma_semaphore, #tpu.memory_space<semaphore_mem>>)
      } else {
      }
      %ge3A = arith.constant 2 : i32
      %ge3A_97 = arith.cmpi sge, %add3A_92, %ge3A : i32
      %convert_element_type3A_98 = arith.extui %ge3A_97 : i1 to i32
      %cond3A_99 = arith.constant 0 : i32
      %cond3A_100 = arith.cmpi ne, %convert_element_type3A_98, %cond3A_99 : i32
      scf.if %cond3A_100 {
        %sub3A = arith.constant 2 : i32
        %sub3A_290 = arith.subi %add3A_92, %sub3A : i32
        %dma_wait3A_291 = arith.constant 0 : i32
        %dma_wait3A_292 = arith.constant 0 : i32
        %dma_wait3A_293 = arith.constant 0 : i32
        %dma_wait3A_294 = arith.constant 0 : i32
        %dma_wait3A_295 = tpu.memref_slice %arg9[%dma_wait3A_291, %dma_wait3A_293, %dma_wait3A_294] : memref<2x128x32xf32, #tpu.memory_space<vmem>> -> memref<1x128x32xf32, #tpu.memory_space<vmem>>
        %dma_wait3A_296 = tpu.memref_squeeze %dma_wait3A_295 : memref<1x128x32xf32, #tpu.memory_space<vmem>> -> memref<128x32xf32, #tpu.memory_space<vmem>>
        %dma_wait3A_297 = arith.constant 0 : i32
        %dma_wait3A_298 = tpu.memref_slice %arg7[%sub3A_290, %dma_wait3A_297] : memref<160x128xi32, #tpu.memory_space<vmem>> -> memref<1x128xi32, #tpu.memory_space<vmem>>
        %dma_wait3A_299 = tpu.memref_squeeze %dma_wait3A_298 : memref<1x128xi32, #tpu.memory_space<vmem>> -> memref<128xi32, #tpu.memory_space<vmem>>
        %dma_wait3A_300 = arith.constant 0 : i32
        %dma_wait3A_301 = arith.constant 0 : i32
        %dma_wait3A_302 = tpu.memref_slice %arg11[%dma_wait3A_300, %dma_wait3A_301] : memref<10240x32xf32, #tpu.memory_space<vmem_shared>> -> memref<10240x32xf32, #tpu.memory_space<vmem_shared>>
        %dma_wait3A_303 = tpu.memref_slice %arg13[%dma_wait3A_292] : memref<2x!tpu.dma_semaphore, #tpu.memory_space<semaphore_mem>> -> memref<1x!tpu.dma_semaphore, #tpu.memory_space<semaphore_mem>>
        %dma_wait3A_304 = tpu.memref_squeeze %dma_wait3A_303 : memref<1x!tpu.dma_semaphore, #tpu.memory_space<semaphore_mem>> -> memref<!tpu.dma_semaphore, #tpu.memory_space<semaphore_mem>>
        tpu.wait_indirect_dma semaphore(%dma_wait3A_304 : memref<!tpu.dma_semaphore, #tpu.memory_space<semaphore_mem>>) src(%dma_wait3A_296 : memref<128x32xf32, #tpu.memory_space<vmem>>) dst(%dma_wait3A_302 : memref<10240x32xf32, #tpu.memory_space<vmem_shared>>)
      } else {
      }
      %dma_wait3A_101 = arith.constant 0 : i32
      %dma_wait3A_102 = arith.constant 0 : i32
      %dma_wait3A_103 = arith.constant 0 : i32
      %dma_wait3A_104 = arith.constant 0 : i32
      %dma_wait3A_105 = tpu.memref_slice %arg8[%dma_wait3A_101, %dma_wait3A_103, %dma_wait3A_104] : memref<4x128x32xbf16, #tpu.memory_space<vmem>> -> memref<1x128x32xbf16, #tpu.memory_space<vmem>>
      %dma_wait3A_106 = tpu.memref_squeeze %dma_wait3A_105 : memref<1x128x32xbf16, #tpu.memory_space<vmem>> -> memref<128x32xbf16, #tpu.memory_space<vmem>>
      %dma_wait3A_107 = arith.constant 0 : i32
      %dma_wait3A_108 = tpu.memref_slice %arg6[%add3A_92, %dma_wait3A_107] : memref<160x128xi32, #tpu.memory_space<vmem>> -> memref<1x128xi32, #tpu.memory_space<vmem>>
      %dma_wait3A_109 = tpu.memref_squeeze %dma_wait3A_108 : memref<1x128xi32, #tpu.memory_space<vmem>> -> memref<128xi32, #tpu.memory_space<vmem>>
      %dma_wait3A_110 = arith.constant 0 : i32
      %dma_wait3A_111 = arith.constant 0 : i32
      %dma_wait3A_112 = tpu.memref_slice %arg2[%dma_wait3A_110, %dma_wait3A_111] : memref<20480x32xbf16, #tpu.memory_space<hbm>> -> memref<20480x32xbf16, #tpu.memory_space<hbm>>
      %dma_wait3A_113 = tpu.memref_slice %arg12[%dma_wait3A_102] : memref<4x!tpu.dma_semaphore, #tpu.memory_space<semaphore_mem>> -> memref<1x!tpu.dma_semaphore, #tpu.memory_space<semaphore_mem>>
      %dma_wait3A_114 = tpu.memref_squeeze %dma_wait3A_113 : memref<1x!tpu.dma_semaphore, #tpu.memory_space<semaphore_mem>> -> memref<!tpu.dma_semaphore, #tpu.memory_space<semaphore_mem>>
      tpu.wait_indirect_dma semaphore(%dma_wait3A_114 : memref<!tpu.dma_semaphore, #tpu.memory_space<semaphore_mem>>) src(%dma_wait3A_112 : memref<20480x32xbf16, #tpu.memory_space<hbm>>) dst(%dma_wait3A_106 : memref<128x32xbf16, #tpu.memory_space<vmem>>)
      %scan3A_115 = arith.constant 0 : i32
      %scan3A_116 = arith.constant 0 : i32
      %scan3A_117 = arith.constant 128 : i32
      %scan3A_118 = arith.addi %scan3A_116, %scan3A_117 : i32
      %scan3A_119 = arith.constant 1 : i32
      %scan3A_120 = scf.for %scan3A_290 = %scan3A_116 to %scan3A_118 step %scan3A_119 iter_args(%scan3A_291 = %scan3A_115) -> (i32)  : i32 {
        %get3A = arith.constant 0 : i32
        %get3A_292 = arith.index_cast %get3A : i32 to index
        %get3A_293 = arith.index_cast %scan3A_290 : i32 to index
        %get3A_294 = arith.constant 0 : index
        %get3A_295 = tpu.vector_load %arg8[%get3A_292, %get3A_293, %get3A_294] {strides = array<i32>} : memref<4x128x32xbf16, #tpu.memory_space<vmem>>, vector<32xbf16>,
        %unpack3A = tpu.unpack_subelements %get3A_295, 0 {pack_format = #tpu.pack_format<interleaved>} : vector<32xbf16> -> vector<16xf32>
        %unpack3A_296 = tpu.unpack_subelements %get3A_295, 1 {pack_format = #tpu.pack_format<interleaved>} : vector<32xbf16> -> vector<16xf32>
        %swap3A = arith.constant 0 : i32
        %swap3A_297 = arith.index_cast %swap3A : i32 to index
        %swap3A_298 = arith.index_cast %scan3A_290 : i32 to index
        %swap3A_299 = arith.constant 0 : index
        %swap3A_300 = tpu.vector_load %arg9[%swap3A_297, %swap3A_298, %swap3A_299] {strides = array<i32>} : memref<2x128x32xf32, #tpu.memory_space<vmem>>, vector<16xf32>,
        tpu.vector_store %arg9[%swap3A_297, %swap3A_298, %swap3A_299], %unpack3A {strides = array<i32>} : memref<2x128x32xf32, #tpu.memory_space<vmem>>, vector<16xf32>,
        %swap3A_301 = arith.constant 0 : i32
        %swap3A_302 = arith.index_cast %swap3A_301 : i32 to index
        %swap3A_303 = arith.index_cast %scan3A_290 : i32 to index
        %swap3A_304 = arith.constant 16 : index
        %swap3A_305 = tpu.vector_load %arg9[%swap3A_302, %swap3A_303, %swap3A_304] {strides = array<i32>} : memref<2x128x32xf32, #tpu.memory_space<vmem>>, vector<16xf32>,
        tpu.vector_store %arg9[%swap3A_302, %swap3A_303, %swap3A_304], %unpack3A_296 {strides = array<i32>} : memref<2x128x32xf32, #tpu.memory_space<vmem>>, vector<16xf32>,
        %scan3A_306 = arith.constant 0 : i32
        scf.yield %scan3A_306 : i32
      }
      %scan3A_121 = arith.constant 128 : i32
      %dma_start3A_122 = arith.constant 0 : i32
      %dma_start3A_123 = arith.constant 0 : i32
      %dma_start3A_124 = arith.constant 0 : i32
      %dma_start3A_125 = arith.constant 0 : i32
      %dma_start3A_126 = tpu.memref_slice %arg9[%dma_start3A_122, %dma_start3A_124, %dma_start3A_125] : memref<2x128x32xf32, #tpu.memory_space<vmem>> -> memref<1x128x32xf32, #tpu.memory_space<vmem>>
      %dma_start3A_127 = tpu.memref_squeeze %dma_start3A_126 : memref<1x128x32xf32, #tpu.memory_space<vmem>> -> memref<128x32xf32, #tpu.memory_space<vmem>>
      %dma_start3A_128 = arith.constant 0 : i32
      %dma_start3A_129 = tpu.memref_slice %arg7[%add3A_92, %dma_start3A_128] : memref<160x128xi32, #tpu.memory_space<vmem>> -> memref<1x128xi32, #tpu.memory_space<vmem>>
      %dma_start3A_130 = tpu.memref_squeeze %dma_start3A_129 : memref<1x128xi32, #tpu.memory_space<vmem>> -> memref<128xi32, #tpu.memory_space<vmem>>
      %dma_start3A_131 = arith.constant 0 : i32
      %dma_start3A_132 = arith.constant 0 : i32
      %dma_start3A_133 = tpu.memref_slice %arg11[%dma_start3A_131, %dma_start3A_132] : memref<10240x32xf32, #tpu.memory_space<vmem_shared>> -> memref<10240x32xf32, #tpu.memory_space<vmem_shared>>
      %dma_start3A_134 = tpu.memref_slice %arg13[%dma_start3A_123] : memref<2x!tpu.dma_semaphore, #tpu.memory_space<semaphore_mem>> -> memref<1x!tpu.dma_semaphore, #tpu.memory_space<semaphore_mem>>
      %dma_start3A_135 = tpu.memref_squeeze %dma_start3A_134 : memref<1x!tpu.dma_semaphore, #tpu.memory_space<semaphore_mem>> -> memref<!tpu.dma_semaphore, #tpu.memory_space<semaphore_mem>>
      tpu.enqueue_indirect_dma source(%dma_start3A_127 : memref<128x32xf32, #tpu.memory_space<vmem>>) target(%dma_start3A_133 : memref<10240x32xf32, #tpu.memory_space<vmem_shared>>) offsets(%dma_start3A_130 : memref<128xi32, #tpu.memory_space<vmem>>) semaphore(%dma_start3A_135 : memref<!tpu.dma_semaphore, #tpu.memory_space<semaphore_mem>>) {add = true}
      %mul3A_136 = arith.constant 4 : i32
      %mul3A_137 = arith.muli %scan3A_87, %mul3A_136 : i32
      %add3A_138 = arith.constant 1 : i32
      %add3A_139 = arith.addi %mul3A_137, %add3A_138 : i32
      %add3A_140 = arith.constant 2 : i32
      %add3A_141 = arith.addi %add3A_139, %add3A_140 : i32
      %lt3A_142 = arith.constant 160 : i32
      %lt3A_143 = arith.cmpi slt, %add3A_141, %lt3A_142 : i32
      %convert_element_type3A_144 = arith.extui %lt3A_143 : i1 to i32
      %cond3A_145 = arith.constant 0 : i32
      %cond3A_146 = arith.cmpi ne, %convert_element_type3A_144, %cond3A_145 : i32
      scf.if %cond3A_146 {
        %add3A_290 = arith.constant 2 : i32
        %add3A_291 = arith.addi %add3A_139, %add3A_290 : i32
        %dma_start3A_292 = arith.constant 3 : i32
        %dma_start3A_293 = arith.constant 3 : i32
        %dma_start3A_294 = arith.constant 0 : i32
        %dma_start3A_295 = arith.constant 0 : i32
        %dma_start3A_296 = tpu.memref_slice %arg8[%dma_start3A_292, %dma_start3A_294, %dma_start3A_295] : memref<4x128x32xbf16, #tpu.memory_space<vmem>> -> memref<1x128x32xbf16, #tpu.memory_space<vmem>>
        %dma_start3A_297 = tpu.memref_squeeze %dma_start3A_296 : memref<1x128x32xbf16, #tpu.memory_space<vmem>> -> memref<128x32xbf16, #tpu.memory_space<vmem>>
        %dma_start3A_298 = arith.constant 0 : i32
        %dma_start3A_299 = tpu.memref_slice %arg6[%add3A_291, %dma_start3A_298] : memref<160x128xi32, #tpu.memory_space<vmem>> -> memref<1x128xi32, #tpu.memory_space<vmem>>
        %dma_start3A_300 = tpu.memref_squeeze %dma_start3A_299 : memref<1x128xi32, #tpu.memory_space<vmem>> -> memref<128xi32, #tpu.memory_space<vmem>>
        %dma_start3A_301 = arith.constant 0 : i32
        %dma_start3A_302 = arith.constant 0 : i32
        %dma_start3A_303 = tpu.memref_slice %arg2[%dma_start3A_301, %dma_start3A_302] : memref<20480x32xbf16, #tpu.memory_space<hbm>> -> memref<20480x32xbf16, #tpu.memory_space<hbm>>
        %dma_start3A_304 = tpu.memref_slice %arg12[%dma_start3A_293] : memref<4x!tpu.dma_semaphore, #tpu.memory_space<semaphore_mem>> -> memref<1x!tpu.dma_semaphore, #tpu.memory_space<semaphore_mem>>
        %dma_start3A_305 = tpu.memref_squeeze %dma_start3A_304 : memref<1x!tpu.dma_semaphore, #tpu.memory_space<semaphore_mem>> -> memref<!tpu.dma_semaphore, #tpu.memory_space<semaphore_mem>>
        tpu.enqueue_indirect_dma source(%dma_start3A_303 : memref<20480x32xbf16, #tpu.memory_space<hbm>>) target(%dma_start3A_297 : memref<128x32xbf16, #tpu.memory_space<vmem>>) offsets(%dma_start3A_300 : memref<128xi32, #tpu.memory_space<vmem>>) semaphore(%dma_start3A_305 : memref<!tpu.dma_semaphore, #tpu.memory_space<semaphore_mem>>)
      } else {
      }
      %ge3A_147 = arith.constant 2 : i32
      %ge3A_148 = arith.cmpi sge, %add3A_139, %ge3A_147 : i32
      %convert_element_type3A_149 = arith.extui %ge3A_148 : i1 to i32
      %cond3A_150 = arith.constant 0 : i32
      %cond3A_151 = arith.cmpi ne, %convert_element_type3A_149, %cond3A_150 : i32
      scf.if %cond3A_151 {
        %sub3A = arith.constant 2 : i32
        %sub3A_290 = arith.subi %add3A_139, %sub3A : i32
        %dma_wait3A_291 = arith.constant 1 : i32
        %dma_wait3A_292 = arith.constant 1 : i32
        %dma_wait3A_293 = arith.constant 0 : i32
        %dma_wait3A_294 = arith.constant 0 : i32
        %dma_wait3A_295 = tpu.memref_slice %arg9[%dma_wait3A_291, %dma_wait3A_293, %dma_wait3A_294] : memref<2x128x32xf32, #tpu.memory_space<vmem>> -> memref<1x128x32xf32, #tpu.memory_space<vmem>>
        %dma_wait3A_296 = tpu.memref_squeeze %dma_wait3A_295 : memref<1x128x32xf32, #tpu.memory_space<vmem>> -> memref<128x32xf32, #tpu.memory_space<vmem>>
        %dma_wait3A_297 = arith.constant 0 : i32
        %dma_wait3A_298 = tpu.memref_slice %arg7[%sub3A_290, %dma_wait3A_297] : memref<160x128xi32, #tpu.memory_space<vmem>> -> memref<1x128xi32, #tpu.memory_space<vmem>>
        %dma_wait3A_299 = tpu.memref_squeeze %dma_wait3A_298 : memref<1x128xi32, #tpu.memory_space<vmem>> -> memref<128xi32, #tpu.memory_space<vmem>>
        %dma_wait3A_300 = arith.constant 0 : i32
        %dma_wait3A_301 = arith.constant 0 : i32
        %dma_wait3A_302 = tpu.memref_slice %arg11[%dma_wait3A_300, %dma_wait3A_301] : memref<10240x32xf32, #tpu.memory_space<vmem_shared>> -> memref<10240x32xf32, #tpu.memory_space<vmem_shared>>
        %dma_wait3A_303 = tpu.memref_slice %arg13[%dma_wait3A_292] : memref<2x!tpu.dma_semaphore, #tpu.memory_space<semaphore_mem>> -> memref<1x!tpu.dma_semaphore, #tpu.memory_space<semaphore_mem>>
        %dma_wait3A_304 = tpu.memref_squeeze %dma_wait3A_303 : memref<1x!tpu.dma_semaphore, #tpu.memory_space<semaphore_mem>> -> memref<!tpu.dma_semaphore, #tpu.memory_space<semaphore_mem>>
        tpu.wait_indirect_dma semaphore(%dma_wait3A_304 : memref<!tpu.dma_semaphore, #tpu.memory_space<semaphore_mem>>) src(%dma_wait3A_296 : memref<128x32xf32, #tpu.memory_space<vmem>>) dst(%dma_wait3A_302 : memref<10240x32xf32, #tpu.memory_space<vmem_shared>>)
      } else {
      }
      %dma_wait3A_152 = arith.constant 1 : i32
      %dma_wait3A_153 = arith.constant 1 : i32
      %dma_wait3A_154 = arith.constant 0 : i32
      %dma_wait3A_155 = arith.constant 0 : i32
      %dma_wait3A_156 = tpu.memref_slice %arg8[%dma_wait3A_152, %dma_wait3A_154, %dma_wait3A_155] : memref<4x128x32xbf16, #tpu.memory_space<vmem>> -> memref<1x128x32xbf16, #tpu.memory_space<vmem>>
      %dma_wait3A_157 = tpu.memref_squeeze %dma_wait3A_156 : memref<1x128x32xbf16, #tpu.memory_space<vmem>> -> memref<128x32xbf16, #tpu.memory_space<vmem>>
      %dma_wait3A_158 = arith.constant 0 : i32
      %dma_wait3A_159 = tpu.memref_slice %arg6[%add3A_139, %dma_wait3A_158] : memref<160x128xi32, #tpu.memory_space<vmem>> -> memref<1x128xi32, #tpu.memory_space<vmem>>
      %dma_wait3A_160 = tpu.memref_squeeze %dma_wait3A_159 : memref<1x128xi32, #tpu.memory_space<vmem>> -> memref<128xi32, #tpu.memory_space<vmem>>
      %dma_wait3A_161 = arith.constant 0 : i32
      %dma_wait3A_162 = arith.constant 0 : i32
      %dma_wait3A_163 = tpu.memref_slice %arg2[%dma_wait3A_161, %dma_wait3A_162] : memref<20480x32xbf16, #tpu.memory_space<hbm>> -> memref<20480x32xbf16, #tpu.memory_space<hbm>>
      %dma_wait3A_164 = tpu.memref_slice %arg12[%dma_wait3A_153] : memref<4x!tpu.dma_semaphore, #tpu.memory_space<semaphore_mem>> -> memref<1x!tpu.dma_semaphore, #tpu.memory_space<semaphore_mem>>
      %dma_wait3A_165 = tpu.memref_squeeze %dma_wait3A_164 : memref<1x!tpu.dma_semaphore, #tpu.memory_space<semaphore_mem>> -> memref<!tpu.dma_semaphore, #tpu.memory_space<semaphore_mem>>
      tpu.wait_indirect_dma semaphore(%dma_wait3A_165 : memref<!tpu.dma_semaphore, #tpu.memory_space<semaphore_mem>>) src(%dma_wait3A_163 : memref<20480x32xbf16, #tpu.memory_space<hbm>>) dst(%dma_wait3A_157 : memref<128x32xbf16, #tpu.memory_space<vmem>>)
      %scan3A_166 = arith.constant 0 : i32
      %scan3A_167 = arith.constant 0 : i32
      %scan3A_168 = arith.constant 128 : i32
      %scan3A_169 = arith.addi %scan3A_167, %scan3A_168 : i32
      %scan3A_170 = arith.constant 1 : i32
      %scan3A_171 = scf.for %scan3A_290 = %scan3A_167 to %scan3A_169 step %scan3A_170 iter_args(%scan3A_291 = %scan3A_166) -> (i32)  : i32 {
        %get3A = arith.constant 1 : i32
        %get3A_292 = arith.index_cast %get3A : i32 to index
        %get3A_293 = arith.index_cast %scan3A_290 : i32 to index
        %get3A_294 = arith.constant 0 : index
        %get3A_295 = tpu.vector_load %arg8[%get3A_292, %get3A_293, %get3A_294] {strides = array<i32>} : memref<4x128x32xbf16, #tpu.memory_space<vmem>>, vector<32xbf16>,
        %unpack3A = tpu.unpack_subelements %get3A_295, 0 {pack_format = #tpu.pack_format<interleaved>} : vector<32xbf16> -> vector<16xf32>
        %unpack3A_296 = tpu.unpack_subelements %get3A_295, 1 {pack_format = #tpu.pack_format<interleaved>} : vector<32xbf16> -> vector<16xf32>
        %swap3A = arith.constant 1 : i32
        %swap3A_297 = arith.index_cast %swap3A : i32 to index
        %swap3A_298 = arith.index_cast %scan3A_290 : i32 to index
        %swap3A_299 = arith.constant 0 : index
        %swap3A_300 = tpu.vector_load %arg9[%swap3A_297, %swap3A_298, %swap3A_299] {strides = array<i32>} : memref<2x128x32xf32, #tpu.memory_space<vmem>>, vector<16xf32>,
        tpu.vector_store %arg9[%swap3A_297, %swap3A_298, %swap3A_299], %unpack3A {strides = array<i32>} : memref<2x128x32xf32, #tpu.memory_space<vmem>>, vector<16xf32>,
        %swap3A_301 = arith.constant 1 : i32
        %swap3A_302 = arith.index_cast %swap3A_301 : i32 to index
        %swap3A_303 = arith.index_cast %scan3A_290 : i32 to index
        %swap3A_304 = arith.constant 16 : index
        %swap3A_305 = tpu.vector_load %arg9[%swap3A_302, %swap3A_303, %swap3A_304] {strides = array<i32>} : memref<2x128x32xf32, #tpu.memory_space<vmem>>, vector<16xf32>,
        tpu.vector_store %arg9[%swap3A_302, %swap3A_303, %swap3A_304], %unpack3A_296 {strides = array<i32>} : memref<2x128x32xf32, #tpu.memory_space<vmem>>, vector<16xf32>,
        %scan3A_306 = arith.constant 0 : i32
        scf.yield %scan3A_306 : i32
      }
      %scan3A_172 = arith.constant 128 : i32
      %dma_start3A_173 = arith.constant 1 : i32
      %dma_start3A_174 = arith.constant 1 : i32
      %dma_start3A_175 = arith.constant 0 : i32
      %dma_start3A_176 = arith.constant 0 : i32
      %dma_start3A_177 = tpu.memref_slice %arg9[%dma_start3A_173, %dma_start3A_175, %dma_start3A_176] : memref<2x128x32xf32, #tpu.memory_space<vmem>> -> memref<1x128x32xf32, #tpu.memory_space<vmem>>
      %dma_start3A_178 = tpu.memref_squeeze %dma_start3A_177 : memref<1x128x32xf32, #tpu.memory_space<vmem>> -> memref<128x32xf32, #tpu.memory_space<vmem>>
      %dma_start3A_179 = arith.constant 0 : i32
      %dma_start3A_180 = tpu.memref_slice %arg7[%add3A_139, %dma_start3A_179] : memref<160x128xi32, #tpu.memory_space<vmem>> -> memref<1x128xi32, #tpu.memory_space<vmem>>
      %dma_start3A_181 = tpu.memref_squeeze %dma_start3A_180 : memref<1x128xi32, #tpu.memory_space<vmem>> -> memref<128xi32, #tpu.memory_space<vmem>>
      %dma_start3A_182 = arith.constant 0 : i32
      %dma_start3A_183 = arith.constant 0 : i32
      %dma_start3A_184 = tpu.memref_slice %arg11[%dma_start3A_182, %dma_start3A_183] : memref<10240x32xf32, #tpu.memory_space<vmem_shared>> -> memref<10240x32xf32, #tpu.memory_space<vmem_shared>>
      %dma_start3A_185 = tpu.memref_slice %arg13[%dma_start3A_174] : memref<2x!tpu.dma_semaphore, #tpu.memory_space<semaphore_mem>> -> memref<1x!tpu.dma_semaphore, #tpu.memory_space<semaphore_mem>>
      %dma_start3A_186 = tpu.memref_squeeze %dma_start3A_185 : memref<1x!tpu.dma_semaphore, #tpu.memory_space<semaphore_mem>> -> memref<!tpu.dma_semaphore, #tpu.memory_space<semaphore_mem>>
      tpu.enqueue_indirect_dma source(%dma_start3A_178 : memref<128x32xf32, #tpu.memory_space<vmem>>) target(%dma_start3A_184 : memref<10240x32xf32, #tpu.memory_space<vmem_shared>>) offsets(%dma_start3A_181 : memref<128xi32, #tpu.memory_space<vmem>>) semaphore(%dma_start3A_186 : memref<!tpu.dma_semaphore, #tpu.memory_space<semaphore_mem>>) {add = true}
      %mul3A_187 = arith.constant 4 : i32
      %mul3A_188 = arith.muli %scan3A_87, %mul3A_187 : i32
      %add3A_189 = arith.constant 2 : i32
      %add3A_190 = arith.addi %mul3A_188, %add3A_189 : i32
      %add3A_191 = arith.constant 2 : i32
      %add3A_192 = arith.addi %add3A_190, %add3A_191 : i32
      %lt3A_193 = arith.constant 160 : i32
      %lt3A_194 = arith.cmpi slt, %add3A_192, %lt3A_193 : i32
      %convert_element_type3A_195 = arith.extui %lt3A_194 : i1 to i32
      %cond3A_196 = arith.constant 0 : i32
      %cond3A_197 = arith.cmpi ne, %convert_element_type3A_195, %cond3A_196 : i32
      scf.if %cond3A_197 {
        %add3A_290 = arith.constant 2 : i32
        %add3A_291 = arith.addi %add3A_190, %add3A_290 : i32
        %dma_start3A_292 = arith.constant 0 : i32
        %dma_start3A_293 = arith.constant 0 : i32
        %dma_start3A_294 = arith.constant 0 : i32
        %dma_start3A_295 = arith.constant 0 : i32
        %dma_start3A_296 = tpu.memref_slice %arg8[%dma_start3A_292, %dma_start3A_294, %dma_start3A_295] : memref<4x128x32xbf16, #tpu.memory_space<vmem>> -> memref<1x128x32xbf16, #tpu.memory_space<vmem>>
        %dma_start3A_297 = tpu.memref_squeeze %dma_start3A_296 : memref<1x128x32xbf16, #tpu.memory_space<vmem>> -> memref<128x32xbf16, #tpu.memory_space<vmem>>
        %dma_start3A_298 = arith.constant 0 : i32
        %dma_start3A_299 = tpu.memref_slice %arg6[%add3A_291, %dma_start3A_298] : memref<160x128xi32, #tpu.memory_space<vmem>> -> memref<1x128xi32, #tpu.memory_space<vmem>>
        %dma_start3A_300 = tpu.memref_squeeze %dma_start3A_299 : memref<1x128xi32, #tpu.memory_space<vmem>> -> memref<128xi32, #tpu.memory_space<vmem>>
        %dma_start3A_301 = arith.constant 0 : i32
        %dma_start3A_302 = arith.constant 0 : i32
        %dma_start3A_303 = tpu.memref_slice %arg2[%dma_start3A_301, %dma_start3A_302] : memref<20480x32xbf16, #tpu.memory_space<hbm>> -> memref<20480x32xbf16, #tpu.memory_space<hbm>>
        %dma_start3A_304 = tpu.memref_slice %arg12[%dma_start3A_293] : memref<4x!tpu.dma_semaphore, #tpu.memory_space<semaphore_mem>> -> memref<1x!tpu.dma_semaphore, #tpu.memory_space<semaphore_mem>>
        %dma_start3A_305 = tpu.memref_squeeze %dma_start3A_304 : memref<1x!tpu.dma_semaphore, #tpu.memory_space<semaphore_mem>> -> memref<!tpu.dma_semaphore, #tpu.memory_space<semaphore_mem>>
        tpu.enqueue_indirect_dma source(%dma_start3A_303 : memref<20480x32xbf16, #tpu.memory_space<hbm>>) target(%dma_start3A_297 : memref<128x32xbf16, #tpu.memory_space<vmem>>) offsets(%dma_start3A_300 : memref<128xi32, #tpu.memory_space<vmem>>) semaphore(%dma_start3A_305 : memref<!tpu.dma_semaphore, #tpu.memory_space<semaphore_mem>>)
      } else {
      }
      %ge3A_198 = arith.constant 2 : i32
      %ge3A_199 = arith.cmpi sge, %add3A_190, %ge3A_198 : i32
      %convert_element_type3A_200 = arith.extui %ge3A_199 : i1 to i32
      %cond3A_201 = arith.constant 0 : i32
      %cond3A_202 = arith.cmpi ne, %convert_element_type3A_200, %cond3A_201 : i32
      scf.if %cond3A_202 {
        %sub3A = arith.constant 2 : i32
        %sub3A_290 = arith.subi %add3A_190, %sub3A : i32
        %dma_wait3A_291 = arith.constant 0 : i32
        %dma_wait3A_292 = arith.constant 0 : i32
        %dma_wait3A_293 = arith.constant 0 : i32
        %dma_wait3A_294 = arith.constant 0 : i32
        %dma_wait3A_295 = tpu.memref_slice %arg9[%dma_wait3A_291, %dma_wait3A_293, %dma_wait3A_294] : memref<2x128x32xf32, #tpu.memory_space<vmem>> -> memref<1x128x32xf32, #tpu.memory_space<vmem>>
        %dma_wait3A_296 = tpu.memref_squeeze %dma_wait3A_295 : memref<1x128x32xf32, #tpu.memory_space<vmem>> -> memref<128x32xf32, #tpu.memory_space<vmem>>
        %dma_wait3A_297 = arith.constant 0 : i32
        %dma_wait3A_298 = tpu.memref_slice %arg7[%sub3A_290, %dma_wait3A_297] : memref<160x128xi32, #tpu.memory_space<vmem>> -> memref<1x128xi32, #tpu.memory_space<vmem>>
        %dma_wait3A_299 = tpu.memref_squeeze %dma_wait3A_298 : memref<1x128xi32, #tpu.memory_space<vmem>> -> memref<128xi32, #tpu.memory_space<vmem>>
        %dma_wait3A_300 = arith.constant 0 : i32
        %dma_wait3A_301 = arith.constant 0 : i32
        %dma_wait3A_302 = tpu.memref_slice %arg11[%dma_wait3A_300, %dma_wait3A_301] : memref<10240x32xf32, #tpu.memory_space<vmem_shared>> -> memref<10240x32xf32, #tpu.memory_space<vmem_shared>>
        %dma_wait3A_303 = tpu.memref_slice %arg13[%dma_wait3A_292] : memref<2x!tpu.dma_semaphore, #tpu.memory_space<semaphore_mem>> -> memref<1x!tpu.dma_semaphore, #tpu.memory_space<semaphore_mem>>
        %dma_wait3A_304 = tpu.memref_squeeze %dma_wait3A_303 : memref<1x!tpu.dma_semaphore, #tpu.memory_space<semaphore_mem>> -> memref<!tpu.dma_semaphore, #tpu.memory_space<semaphore_mem>>
        tpu.wait_indirect_dma semaphore(%dma_wait3A_304 : memref<!tpu.dma_semaphore, #tpu.memory_space<semaphore_mem>>) src(%dma_wait3A_296 : memref<128x32xf32, #tpu.memory_space<vmem>>) dst(%dma_wait3A_302 : memref<10240x32xf32, #tpu.memory_space<vmem_shared>>)
      } else {
      }
      %dma_wait3A_203 = arith.constant 2 : i32
      %dma_wait3A_204 = arith.constant 2 : i32
      %dma_wait3A_205 = arith.constant 0 : i32
      %dma_wait3A_206 = arith.constant 0 : i32
      %dma_wait3A_207 = tpu.memref_slice %arg8[%dma_wait3A_203, %dma_wait3A_205, %dma_wait3A_206] : memref<4x128x32xbf16, #tpu.memory_space<vmem>> -> memref<1x128x32xbf16, #tpu.memory_space<vmem>>
      %dma_wait3A_208 = tpu.memref_squeeze %dma_wait3A_207 : memref<1x128x32xbf16, #tpu.memory_space<vmem>> -> memref<128x32xbf16, #tpu.memory_space<vmem>>
      %dma_wait3A_209 = arith.constant 0 : i32
      %dma_wait3A_210 = tpu.memref_slice %arg6[%add3A_190, %dma_wait3A_209] : memref<160x128xi32, #tpu.memory_space<vmem>> -> memref<1x128xi32, #tpu.memory_space<vmem>>
      %dma_wait3A_211 = tpu.memref_squeeze %dma_wait3A_210 : memref<1x128xi32, #tpu.memory_space<vmem>> -> memref<128xi32, #tpu.memory_space<vmem>>
      %dma_wait3A_212 = arith.constant 0 : i32
      %dma_wait3A_213 = arith.constant 0 : i32
      %dma_wait3A_214 = tpu.memref_slice %arg2[%dma_wait3A_212, %dma_wait3A_213] : memref<20480x32xbf16, #tpu.memory_space<hbm>> -> memref<20480x32xbf16, #tpu.memory_space<hbm>>
      %dma_wait3A_215 = tpu.memref_slice %arg12[%dma_wait3A_204] : memref<4x!tpu.dma_semaphore, #tpu.memory_space<semaphore_mem>> -> memref<1x!tpu.dma_semaphore, #tpu.memory_space<semaphore_mem>>
      %dma_wait3A_216 = tpu.memref_squeeze %dma_wait3A_215 : memref<1x!tpu.dma_semaphore, #tpu.memory_space<semaphore_mem>> -> memref<!tpu.dma_semaphore, #tpu.memory_space<semaphore_mem>>
      tpu.wait_indirect_dma semaphore(%dma_wait3A_216 : memref<!tpu.dma_semaphore, #tpu.memory_space<semaphore_mem>>) src(%dma_wait3A_214 : memref<20480x32xbf16, #tpu.memory_space<hbm>>) dst(%dma_wait3A_208 : memref<128x32xbf16, #tpu.memory_space<vmem>>)
      %scan3A_217 = arith.constant 0 : i32
      %scan3A_218 = arith.constant 0 : i32
      %scan3A_219 = arith.constant 128 : i32
      %scan3A_220 = arith.addi %scan3A_218, %scan3A_219 : i32
      %scan3A_221 = arith.constant 1 : i32
      %scan3A_222 = scf.for %scan3A_290 = %scan3A_218 to %scan3A_220 step %scan3A_221 iter_args(%scan3A_291 = %scan3A_217) -> (i32)  : i32 {
        %get3A = arith.constant 2 : i32
        %get3A_292 = arith.index_cast %get3A : i32 to index
        %get3A_293 = arith.index_cast %scan3A_290 : i32 to index
        %get3A_294 = arith.constant 0 : index
        %get3A_295 = tpu.vector_load %arg8[%get3A_292, %get3A_293, %get3A_294] {strides = array<i32>} : memref<4x128x32xbf16, #tpu.memory_space<vmem>>, vector<32xbf16>,
        %unpack3A = tpu.unpack_subelements %get3A_295, 0 {pack_format = #tpu.pack_format<interleaved>} : vector<32xbf16> -> vector<16xf32>
        %unpack3A_296 = tpu.unpack_subelements %get3A_295, 1 {pack_format = #tpu.pack_format<interleaved>} : vector<32xbf16> -> vector<16xf32>
        %swap3A = arith.constant 0 : i32
        %swap3A_297 = arith.index_cast %swap3A : i32 to index
        %swap3A_298 = arith.index_cast %scan3A_290 : i32 to index
        %swap3A_299 = arith.constant 0 : index
        %swap3A_300 = tpu.vector_load %arg9[%swap3A_297, %swap3A_298, %swap3A_299] {strides = array<i32>} : memref<2x128x32xf32, #tpu.memory_space<vmem>>, vector<16xf32>,
        tpu.vector_store %arg9[%swap3A_297, %swap3A_298, %swap3A_299], %unpack3A {strides = array<i32>} : memref<2x128x32xf32, #tpu.memory_space<vmem>>, vector<16xf32>,
        %swap3A_301 = arith.constant 0 : i32
        %swap3A_302 = arith.index_cast %swap3A_301 : i32 to index
        %swap3A_303 = arith.index_cast %scan3A_290 : i32 to index
        %swap3A_304 = arith.constant 16 : index
        %swap3A_305 = tpu.vector_load %arg9[%swap3A_302, %swap3A_303, %swap3A_304] {strides = array<i32>} : memref<2x128x32xf32, #tpu.memory_space<vmem>>, vector<16xf32>,
        tpu.vector_store %arg9[%swap3A_302, %swap3A_303, %swap3A_304], %unpack3A_296 {strides = array<i32>} : memref<2x128x32xf32, #tpu.memory_space<vmem>>, vector<16xf32>,
        %scan3A_306 = arith.constant 0 : i32
        scf.yield %scan3A_306 : i32
      }
      %scan3A_223 = arith.constant 128 : i32
      %dma_start3A_224 = arith.constant 0 : i32
      %dma_start3A_225 = arith.constant 0 : i32
      %dma_start3A_226 = arith.constant 0 : i32
      %dma_start3A_227 = arith.constant 0 : i32
      %dma_start3A_228 = tpu.memref_slice %arg9[%dma_start3A_224, %dma_start3A_226, %dma_start3A_227] : memref<2x128x32xf32, #tpu.memory_space<vmem>> -> memref<1x128x32xf32, #tpu.memory_space<vmem>>
      %dma_start3A_229 = tpu.memref_squeeze %dma_start3A_228 : memref<1x128x32xf32, #tpu.memory_space<vmem>> -> memref<128x32xf32, #tpu.memory_space<vmem>>
      %dma_start3A_230 = arith.constant 0 : i32
      %dma_start3A_231 = tpu.memref_slice %arg7[%add3A_190, %dma_start3A_230] : memref<160x128xi32, #tpu.memory_space<vmem>> -> memref<1x128xi32, #tpu.memory_space<vmem>>
      %dma_start3A_232 = tpu.memref_squeeze %dma_start3A_231 : memref<1x128xi32, #tpu.memory_space<vmem>> -> memref<128xi32, #tpu.memory_space<vmem>>
      %dma_start3A_233 = arith.constant 0 : i32
      %dma_start3A_234 = arith.constant 0 : i32
      %dma_start3A_235 = tpu.memref_slice %arg11[%dma_start3A_233, %dma_start3A_234] : memref<10240x32xf32, #tpu.memory_space<vmem_shared>> -> memref<10240x32xf32, #tpu.memory_space<vmem_shared>>
      %dma_start3A_236 = tpu.memref_slice %arg13[%dma_start3A_225] : memref<2x!tpu.dma_semaphore, #tpu.memory_space<semaphore_mem>> -> memref<1x!tpu.dma_semaphore, #tpu.memory_space<semaphore_mem>>
      %dma_start3A_237 = tpu.memref_squeeze %dma_start3A_236 : memref<1x!tpu.dma_semaphore, #tpu.memory_space<semaphore_mem>> -> memref<!tpu.dma_semaphore, #tpu.memory_space<semaphore_mem>>
      tpu.enqueue_indirect_dma source(%dma_start3A_229 : memref<128x32xf32, #tpu.memory_space<vmem>>) target(%dma_start3A_235 : memref<10240x32xf32, #tpu.memory_space<vmem_shared>>) offsets(%dma_start3A_232 : memref<128xi32, #tpu.memory_space<vmem>>) semaphore(%dma_start3A_237 : memref<!tpu.dma_semaphore, #tpu.memory_space<semaphore_mem>>) {add = true}
      %mul3A_238 = arith.constant 4 : i32
      %mul3A_239 = arith.muli %scan3A_87, %mul3A_238 : i32
      %add3A_240 = arith.constant 3 : i32
      %add3A_241 = arith.addi %mul3A_239, %add3A_240 : i32
      %add3A_242 = arith.constant 2 : i32
      %add3A_243 = arith.addi %add3A_241, %add3A_242 : i32
      %lt3A_244 = arith.constant 160 : i32
      %lt3A_245 = arith.cmpi slt, %add3A_243, %lt3A_244 : i32
      %convert_element_type3A_246 = arith.extui %lt3A_245 : i1 to i32
      %cond3A_247 = arith.constant 0 : i32
      %cond3A_248 = arith.cmpi ne, %convert_element_type3A_246, %cond3A_247 : i32
      scf.if %cond3A_248 {
        %add3A_290 = arith.constant 2 : i32
        %add3A_291 = arith.addi %add3A_241, %add3A_290 : i32
        %dma_start3A_292 = arith.constant 1 : i32
        %dma_start3A_293 = arith.constant 1 : i32
        %dma_start3A_294 = arith.constant 0 : i32
        %dma_start3A_295 = arith.constant 0 : i32
        %dma_start3A_296 = tpu.memref_slice %arg8[%dma_start3A_292, %dma_start3A_294, %dma_start3A_295] : memref<4x128x32xbf16, #tpu.memory_space<vmem>> -> memref<1x128x32xbf16, #tpu.memory_space<vmem>>
        %dma_start3A_297 = tpu.memref_squeeze %dma_start3A_296 : memref<1x128x32xbf16, #tpu.memory_space<vmem>> -> memref<128x32xbf16, #tpu.memory_space<vmem>>
        %dma_start3A_298 = arith.constant 0 : i32
        %dma_start3A_299 = tpu.memref_slice %arg6[%add3A_291, %dma_start3A_298] : memref<160x128xi32, #tpu.memory_space<vmem>> -> memref<1x128xi32, #tpu.memory_space<vmem>>
        %dma_start3A_300 = tpu.memref_squeeze %dma_start3A_299 : memref<1x128xi32, #tpu.memory_space<vmem>> -> memref<128xi32, #tpu.memory_space<vmem>>
        %dma_start3A_301 = arith.constant 0 : i32
        %dma_start3A_302 = arith.constant 0 : i32
        %dma_start3A_303 = tpu.memref_slice %arg2[%dma_start3A_301, %dma_start3A_302] : memref<20480x32xbf16, #tpu.memory_space<hbm>> -> memref<20480x32xbf16, #tpu.memory_space<hbm>>
        %dma_start3A_304 = tpu.memref_slice %arg12[%dma_start3A_293] : memref<4x!tpu.dma_semaphore, #tpu.memory_space<semaphore_mem>> -> memref<1x!tpu.dma_semaphore, #tpu.memory_space<semaphore_mem>>
        %dma_start3A_305 = tpu.memref_squeeze %dma_start3A_304 : memref<1x!tpu.dma_semaphore, #tpu.memory_space<semaphore_mem>> -> memref<!tpu.dma_semaphore, #tpu.memory_space<semaphore_mem>>
        tpu.enqueue_indirect_dma source(%dma_start3A_303 : memref<20480x32xbf16, #tpu.memory_space<hbm>>) target(%dma_start3A_297 : memref<128x32xbf16, #tpu.memory_space<vmem>>) offsets(%dma_start3A_300 : memref<128xi32, #tpu.memory_space<vmem>>) semaphore(%dma_start3A_305 : memref<!tpu.dma_semaphore, #tpu.memory_space<semaphore_mem>>)
      } else {
      }
      %ge3A_249 = arith.constant 2 : i32
      %ge3A_250 = arith.cmpi sge, %add3A_241, %ge3A_249 : i32
      %convert_element_type3A_251 = arith.extui %ge3A_250 : i1 to i32
      %cond3A_252 = arith.constant 0 : i32
      %cond3A_253 = arith.cmpi ne, %convert_element_type3A_251, %cond3A_252 : i32
      scf.if %cond3A_253 {
        %sub3A = arith.constant 2 : i32
        %sub3A_290 = arith.subi %add3A_241, %sub3A : i32
        %dma_wait3A_291 = arith.constant 1 : i32
        %dma_wait3A_292 = arith.constant 1 : i32
        %dma_wait3A_293 = arith.constant 0 : i32
        %dma_wait3A_294 = arith.constant 0 : i32
        %dma_wait3A_295 = tpu.memref_slice %arg9[%dma_wait3A_291, %dma_wait3A_293, %dma_wait3A_294] : memref<2x128x32xf32, #tpu.memory_space<vmem>> -> memref<1x128x32xf32, #tpu.memory_space<vmem>>
        %dma_wait3A_296 = tpu.memref_squeeze %dma_wait3A_295 : memref<1x128x32xf32, #tpu.memory_space<vmem>> -> memref<128x32xf32, #tpu.memory_space<vmem>>
        %dma_wait3A_297 = arith.constant 0 : i32
        %dma_wait3A_298 = tpu.memref_slice %arg7[%sub3A_290, %dma_wait3A_297] : memref<160x128xi32, #tpu.memory_space<vmem>> -> memref<1x128xi32, #tpu.memory_space<vmem>>
        %dma_wait3A_299 = tpu.memref_squeeze %dma_wait3A_298 : memref<1x128xi32, #tpu.memory_space<vmem>> -> memref<128xi32, #tpu.memory_space<vmem>>
        %dma_wait3A_300 = arith.constant 0 : i32
        %dma_wait3A_301 = arith.constant 0 : i32
        %dma_wait3A_302 = tpu.memref_slice %arg11[%dma_wait3A_300, %dma_wait3A_301] : memref<10240x32xf32, #tpu.memory_space<vmem_shared>> -> memref<10240x32xf32, #tpu.memory_space<vmem_shared>>
        %dma_wait3A_303 = tpu.memref_slice %arg13[%dma_wait3A_292] : memref<2x!tpu.dma_semaphore, #tpu.memory_space<semaphore_mem>> -> memref<1x!tpu.dma_semaphore, #tpu.memory_space<semaphore_mem>>
        %dma_wait3A_304 = tpu.memref_squeeze %dma_wait3A_303 : memref<1x!tpu.dma_semaphore, #tpu.memory_space<semaphore_mem>> -> memref<!tpu.dma_semaphore, #tpu.memory_space<semaphore_mem>>
        tpu.wait_indirect_dma semaphore(%dma_wait3A_304 : memref<!tpu.dma_semaphore, #tpu.memory_space<semaphore_mem>>) src(%dma_wait3A_296 : memref<128x32xf32, #tpu.memory_space<vmem>>) dst(%dma_wait3A_302 : memref<10240x32xf32, #tpu.memory_space<vmem_shared>>)
      } else {
      }
      %dma_wait3A_254 = arith.constant 3 : i32
      %dma_wait3A_255 = arith.constant 3 : i32
      %dma_wait3A_256 = arith.constant 0 : i32
      %dma_wait3A_257 = arith.constant 0 : i32
      %dma_wait3A_258 = tpu.memref_slice %arg8[%dma_wait3A_254, %dma_wait3A_256, %dma_wait3A_257] : memref<4x128x32xbf16, #tpu.memory_space<vmem>> -> memref<1x128x32xbf16, #tpu.memory_space<vmem>>
      %dma_wait3A_259 = tpu.memref_squeeze %dma_wait3A_258 : memref<1x128x32xbf16, #tpu.memory_space<vmem>> -> memref<128x32xbf16, #tpu.memory_space<vmem>>
      %dma_wait3A_260 = arith.constant 0 : i32
      %dma_wait3A_261 = tpu.memref_slice %arg6[%add3A_241, %dma_wait3A_260] : memref<160x128xi32, #tpu.memory_space<vmem>> -> memref<1x128xi32, #tpu.memory_space<vmem>>
      %dma_wait3A_262 = tpu.memref_squeeze %dma_wait3A_261 : memref<1x128xi32, #tpu.memory_space<vmem>> -> memref<128xi32, #tpu.memory_space<vmem>>
      %dma_wait3A_263 = arith.constant 0 : i32
      %dma_wait3A_264 = arith.constant 0 : i32
      %dma_wait3A_265 = tpu.memref_slice %arg2[%dma_wait3A_263, %dma_wait3A_264] : memref<20480x32xbf16, #tpu.memory_space<hbm>> -> memref<20480x32xbf16, #tpu.memory_space<hbm>>
      %dma_wait3A_266 = tpu.memref_slice %arg12[%dma_wait3A_255] : memref<4x!tpu.dma_semaphore, #tpu.memory_space<semaphore_mem>> -> memref<1x!tpu.dma_semaphore, #tpu.memory_space<semaphore_mem>>
      %dma_wait3A_267 = tpu.memref_squeeze %dma_wait3A_266 : memref<1x!tpu.dma_semaphore, #tpu.memory_space<semaphore_mem>> -> memref<!tpu.dma_semaphore, #tpu.memory_space<semaphore_mem>>
      tpu.wait_indirect_dma semaphore(%dma_wait3A_267 : memref<!tpu.dma_semaphore, #tpu.memory_space<semaphore_mem>>) src(%dma_wait3A_265 : memref<20480x32xbf16, #tpu.memory_space<hbm>>) dst(%dma_wait3A_259 : memref<128x32xbf16, #tpu.memory_space<vmem>>)
      %scan3A_268 = arith.constant 0 : i32
      %scan3A_269 = arith.constant 0 : i32
      %scan3A_270 = arith.constant 128 : i32
      %scan3A_271 = arith.addi %scan3A_269, %scan3A_270 : i32
      %scan3A_272 = arith.constant 1 : i32
      %scan3A_273 = scf.for %scan3A_290 = %scan3A_269 to %scan3A_271 step %scan3A_272 iter_args(%scan3A_291 = %scan3A_268) -> (i32)  : i32 {
        %get3A = arith.constant 3 : i32
        %get3A_292 = arith.index_cast %get3A : i32 to index
        %get3A_293 = arith.index_cast %scan3A_290 : i32 to index
        %get3A_294 = arith.constant 0 : index
        %get3A_295 = tpu.vector_load %arg8[%get3A_292, %get3A_293, %get3A_294] {strides = array<i32>} : memref<4x128x32xbf16, #tpu.memory_space<vmem>>, vector<32xbf16>,
        %unpack3A = tpu.unpack_subelements %get3A_295, 0 {pack_format = #tpu.pack_format<interleaved>} : vector<32xbf16> -> vector<16xf32>
        %unpack3A_296 = tpu.unpack_subelements %get3A_295, 1 {pack_format = #tpu.pack_format<interleaved>} : vector<32xbf16> -> vector<16xf32>
        %swap3A = arith.constant 1 : i32
        %swap3A_297 = arith.index_cast %swap3A : i32 to index
        %swap3A_298 = arith.index_cast %scan3A_290 : i32 to index
        %swap3A_299 = arith.constant 0 : index
        %swap3A_300 = tpu.vector_load %arg9[%swap3A_297, %swap3A_298, %swap3A_299] {strides = array<i32>} : memref<2x128x32xf32, #tpu.memory_space<vmem>>, vector<16xf32>,
        tpu.vector_store %arg9[%swap3A_297, %swap3A_298, %swap3A_299], %unpack3A {strides = array<i32>} : memref<2x128x32xf32, #tpu.memory_space<vmem>>, vector<16xf32>,
        %swap3A_301 = arith.constant 1 : i32
        %swap3A_302 = arith.index_cast %swap3A_301 : i32 to index
        %swap3A_303 = arith.index_cast %scan3A_290 : i32 to index
        %swap3A_304 = arith.constant 16 : index
        %swap3A_305 = tpu.vector_load %arg9[%swap3A_302, %swap3A_303, %swap3A_304] {strides = array<i32>} : memref<2x128x32xf32, #tpu.memory_space<vmem>>, vector<16xf32>,
        tpu.vector_store %arg9[%swap3A_302, %swap3A_303, %swap3A_304], %unpack3A_296 {strides = array<i32>} : memref<2x128x32xf32, #tpu.memory_space<vmem>>, vector<16xf32>,
        %scan3A_306 = arith.constant 0 : i32
        scf.yield %scan3A_306 : i32
      }
      %scan3A_274 = arith.constant 128 : i32
      %dma_start3A_275 = arith.constant 1 : i32
      %dma_start3A_276 = arith.constant 1 : i32
      %dma_start3A_277 = arith.constant 0 : i32
      %dma_start3A_278 = arith.constant 0 : i32
      %dma_start3A_279 = tpu.memref_slice %arg9[%dma_start3A_275, %dma_start3A_277, %dma_start3A_278] : memref<2x128x32xf32, #tpu.memory_space<vmem>> -> memref<1x128x32xf32, #tpu.memory_space<vmem>>
      %dma_start3A_280 = tpu.memref_squeeze %dma_start3A_279 : memref<1x128x32xf32, #tpu.memory_space<vmem>> -> memref<128x32xf32, #tpu.memory_space<vmem>>
      %dma_start3A_281 = arith.constant 0 : i32
      %dma_start3A_282 = tpu.memref_slice %arg7[%add3A_241, %dma_start3A_281] : memref<160x128xi32, #tpu.memory_space<vmem>> -> memref<1x128xi32, #tpu.memory_space<vmem>>
      %dma_start3A_283 = tpu.memref_squeeze %dma_start3A_282 : memref<1x128xi32, #tpu.memory_space<vmem>> -> memref<128xi32, #tpu.memory_space<vmem>>
      %dma_start3A_284 = arith.constant 0 : i32
      %dma_start3A_285 = arith.constant 0 : i32
      %dma_start3A_286 = tpu.memref_slice %arg11[%dma_start3A_284, %dma_start3A_285] : memref<10240x32xf32, #tpu.memory_space<vmem_shared>> -> memref<10240x32xf32, #tpu.memory_space<vmem_shared>>
      %dma_start3A_287 = tpu.memref_slice %arg13[%dma_start3A_276] : memref<2x!tpu.dma_semaphore, #tpu.memory_space<semaphore_mem>> -> memref<1x!tpu.dma_semaphore, #tpu.memory_space<semaphore_mem>>
      %dma_start3A_288 = tpu.memref_squeeze %dma_start3A_287 : memref<1x!tpu.dma_semaphore, #tpu.memory_space<semaphore_mem>> -> memref<!tpu.dma_semaphore, #tpu.memory_space<semaphore_mem>>
      tpu.enqueue_indirect_dma source(%dma_start3A_280 : memref<128x32xf32, #tpu.memory_space<vmem>>) target(%dma_start3A_286 : memref<10240x32xf32, #tpu.memory_space<vmem_shared>>) offsets(%dma_start3A_283 : memref<128xi32, #tpu.memory_space<vmem>>) semaphore(%dma_start3A_288 : memref<!tpu.dma_semaphore, #tpu.memory_space<semaphore_mem>>) {add = true}
      %scan3A_289 = arith.constant 0 : i32
      scf.yield %scan3A_289 : i32
    }
    %scan3A_54 = arith.constant 40 : i32
    %dma_wait3A = arith.constant 0 : i32
    %dma_wait3A_55 = arith.constant 158 : i32
    %dma_wait3A_56 = arith.constant 0 : i32
    %dma_wait3A_57 = arith.constant 0 : i32
    %dma_wait3A_58 = arith.constant 0 : i32
    %dma_wait3A_59 = tpu.memref_slice %arg9[%dma_wait3A, %dma_wait3A_57, %dma_wait3A_58] : memref<2x128x32xf32, #tpu.memory_space<vmem>> -> memref<1x128x32xf32, #tpu.memory_space<vmem>>
    %dma_wait3A_60 = tpu.memref_squeeze %dma_wait3A_59 : memref<1x128x32xf32, #tpu.memory_space<vmem>> -> memref<128x32xf32, #tpu.memory_space<vmem>>
    %dma_wait3A_61 = arith.constant 0 : i32
    %dma_wait3A_62 = tpu.memref_slice %arg7[%dma_wait3A_55, %dma_wait3A_61] : memref<160x128xi32, #tpu.memory_space<vmem>> -> memref<1x128xi32, #tpu.memory_space<vmem>>
    %dma_wait3A_63 = tpu.memref_squeeze %dma_wait3A_62 : memref<1x128xi32, #tpu.memory_space<vmem>> -> memref<128xi32, #tpu.memory_space<vmem>>
    %dma_wait3A_64 = arith.constant 0 : i32
    %dma_wait3A_65 = arith.constant 0 : i32
    %dma_wait3A_66 = tpu.memref_slice %arg11[%dma_wait3A_64, %dma_wait3A_65] : memref<10240x32xf32, #tpu.memory_space<vmem_shared>> -> memref<10240x32xf32, #tpu.memory_space<vmem_shared>>
    %dma_wait3A_67 = tpu.memref_slice %arg13[%dma_wait3A_56] : memref<2x!tpu.dma_semaphore, #tpu.memory_space<semaphore_mem>> -> memref<1x!tpu.dma_semaphore, #tpu.memory_space<semaphore_mem>>
    %dma_wait3A_68 = tpu.memref_squeeze %dma_wait3A_67 : memref<1x!tpu.dma_semaphore, #tpu.memory_space<semaphore_mem>> -> memref<!tpu.dma_semaphore, #tpu.memory_space<semaphore_mem>>
    tpu.wait_indirect_dma semaphore(%dma_wait3A_68 : memref<!tpu.dma_semaphore, #tpu.memory_space<semaphore_mem>>) src(%dma_wait3A_60 : memref<128x32xf32, #tpu.memory_space<vmem>>) dst(%dma_wait3A_66 : memref<10240x32xf32, #tpu.memory_space<vmem_shared>>)
    %dma_wait3A_69 = arith.constant 1 : i32
    %dma_wait3A_70 = arith.constant 159 : i32
    %dma_wait3A_71 = arith.constant 1 : i32
    %dma_wait3A_72 = arith.constant 0 : i32
    %dma_wait3A_73 = arith.constant 0 : i32
    %dma_wait3A_74 = tpu.memref_slice %arg9[%dma_wait3A_69, %dma_wait3A_72, %dma_wait3A_73] : memref<2x128x32xf32, #tpu.memory_space<vmem>> -> memref<1x128x32xf32, #tpu.memory_space<vmem>>
    %dma_wait3A_75 = tpu.memref_squeeze %dma_wait3A_74 : memref<1x128x32xf32, #tpu.memory_space<vmem>> -> memref<128x32xf32, #tpu.memory_space<vmem>>
    %dma_wait3A_76 = arith.constant 0 : i32
    %dma_wait3A_77 = tpu.memref_slice %arg7[%dma_wait3A_70, %dma_wait3A_76] : memref<160x128xi32, #tpu.memory_space<vmem>> -> memref<1x128xi32, #tpu.memory_space<vmem>>
    %dma_wait3A_78 = tpu.memref_squeeze %dma_wait3A_77 : memref<1x128xi32, #tpu.memory_space<vmem>> -> memref<128xi32, #tpu.memory_space<vmem>>
    %dma_wait3A_79 = arith.constant 0 : i32
    %dma_wait3A_80 = arith.constant 0 : i32
    %dma_wait3A_81 = tpu.memref_slice %arg11[%dma_wait3A_79, %dma_wait3A_80] : memref<10240x32xf32, #tpu.memory_space<vmem_shared>> -> memref<10240x32xf32, #tpu.memory_space<vmem_shared>>
    %dma_wait3A_82 = tpu.memref_slice %arg13[%dma_wait3A_71] : memref<2x!tpu.dma_semaphore, #tpu.memory_space<semaphore_mem>> -> memref<1x!tpu.dma_semaphore, #tpu.memory_space<semaphore_mem>>
    %dma_wait3A_83 = tpu.memref_squeeze %dma_wait3A_82 : memref<1x!tpu.dma_semaphore, #tpu.memory_space<semaphore_mem>> -> memref<!tpu.dma_semaphore, #tpu.memory_space<semaphore_mem>>
    tpu.wait_indirect_dma semaphore(%dma_wait3A_83 : memref<!tpu.dma_semaphore, #tpu.memory_space<semaphore_mem>>) src(%dma_wait3A_75 : memref<128x32xf32, #tpu.memory_space<vmem>>) dst(%dma_wait3A_81 : memref<10240x32xf32, #tpu.memory_space<vmem_shared>>)
    %barrier3A_84 = arith.constant 0 : index
    tpu.barrier barrier_id(%barrier3A_84)
    %add3A_85 = arith.constant 0 : i32
    %add3A_86 = arith.addi %add3A_85, %arg0 : i32
    "tpu.region"() ({
      %run_scoped3A = tpu.sem_alloc : memref<!tpu.dma_semaphore, #tpu.memory_space<semaphore_mem>>
      %dma_start3A_87 = arith.constant 0 : i32
      %dma_start3A_88 = tpu.memref_slice %arg5[%add3A_86, %mul3A_6, %dma_start3A_87] : memref<2x10240x32xf32, #tpu.memory_space<hbm>> -> memref<1x640x32xf32, #tpu.memory_space<hbm>>
      %dma_start3A_89 = tpu.memref_squeeze %dma_start3A_88 : memref<1x640x32xf32, #tpu.memory_space<hbm>> -> memref<640x32xf32, #tpu.memory_space<hbm>>
      %dma_start3A_90 = arith.constant 0 : i32
      %dma_start3A_91 = tpu.memref_slice %arg11[%mul3A_6, %dma_start3A_90] : memref<10240x32xf32, #tpu.memory_space<vmem_shared>> -> memref<640x32xf32, #tpu.memory_space<vmem_shared>>
      tpu.enqueue_dma source(%dma_start3A_91 : memref<640x32xf32, #tpu.memory_space<vmem_shared>>) target(%dma_start3A_89 : memref<640x32xf32, #tpu.memory_space<hbm>>) target_semaphore(%run_scoped3A : memref<!tpu.dma_semaphore, #tpu.memory_space<semaphore_mem>>)
      %dma_wait3A_92 = arith.constant 0 : i32
      %dma_wait3A_93 = tpu.memref_slice %arg5[%add3A_86, %mul3A_6, %dma_wait3A_92] : memref<2x10240x32xf32, #tpu.memory_space<hbm>> -> memref<1x640x32xf32, #tpu.memory_space<hbm>>
      %dma_wait3A_94 = tpu.memref_squeeze %dma_wait3A_93 : memref<1x640x32xf32, #tpu.memory_space<hbm>> -> memref<640x32xf32, #tpu.memory_space<hbm>>
      %dma_wait3A_95 = arith.constant 0 : i32
      %dma_wait3A_96 = tpu.memref_slice %arg11[%mul3A_6, %dma_wait3A_95] : memref<10240x32xf32, #tpu.memory_space<vmem_shared>> -> memref<640x32xf32, #tpu.memory_space<vmem_shared>>
      tpu.wait_dma2 semaphore(%run_scoped3A : memref<!tpu.dma_semaphore, #tpu.memory_space<semaphore_mem>>) src(%dma_wait3A_96 : memref<640x32xf32, #tpu.memory_space<vmem_shared>>) dst(%dma_wait3A_94 : memref<640x32xf32, #tpu.memory_space<hbm>>)
      tpu.yield
    }) : () -> ()
    return
  }
}

module attributes {stable_mosaic.version = 14 : i64} {
  func.func @body(%arg0: i32, %arg1: memref<1024x128xf32, #tpu.memory_space<vmem>>, %arg2: memref<2x1024x1xf32, #tpu.memory_space<vmem>>, %arg3: memref<2x1024x64xbf16, #tpu.memory_space<vmem>>, %arg4: memref<1024x1xf32, #tpu.memory_space<vmem>>, %arg5: memref<1024x1xf32, #tpu.memory_space<vmem>>) attributes {dimension_semantics = [#tpu.dimension_semantics<arbitrary>], iteration_bounds = array<i64: 10>, scalar_prefetch = 0 : i64, scratch_operands = 0 : i64, tpu.core_type = #tpu.core_type<tc>, window_params = [{transform_indices = @transform_0, window_bounds = array<i64: 1024, 128>}, {transform_indices = @transform_1, window_bounds = array<i64: 2, 1024, 1>}, {transform_indices = @transform_2, window_bounds = array<i64: 2, 1024, 64>}, {transform_indices = @transform_3, window_bounds = array<i64: 1024, 1>}, {transform_indices = @transform_4, window_bounds = array<i64: 1024, 1>}]} {
    %get3A = arith.constant 0 : index
    %get3A_0 = arith.constant 0 : index
    %get3A_1 = arith.constant 0 : index
    %get3A_2 = vector.load %arg2[%get3A, %get3A_0, %get3A_1] : memref<2x1024x1xf32, #tpu.memory_space<vmem>>, vector<1x1024x1xf32>
    %get3A_3 = vector.shape_cast %get3A_2 : vector<1x1024x1xf32> to vector<1024x1xf32>
    %max3A = arith.constant 1.000000e+00 : f32
    %max3A_4 = vector.broadcast %max3A : f32 to vector<1024x1xf32>
    %max3A_5 = arith.maximumf %get3A_3, %max3A_4 : vector<1024x1xf32>
    %rsqrt3A = math.rsqrt %max3A_5 : vector<1024x1xf32>
    %get3A_6 = arith.constant 1 : index
    %get3A_7 = arith.constant 0 : index
    %get3A_8 = arith.constant 0 : index
    %get3A_9 = vector.load %arg2[%get3A_6, %get3A_7, %get3A_8] : memref<2x1024x1xf32, #tpu.memory_space<vmem>>, vector<1x1024x1xf32>
    %get3A_10 = vector.shape_cast %get3A_9 : vector<1x1024x1xf32> to vector<1024x1xf32>
    %max3A_11 = arith.constant 1.000000e+00 : f32
    %max3A_12 = vector.broadcast %max3A_11 : f32 to vector<1024x1xf32>
    %max3A_13 = arith.maximumf %get3A_10, %max3A_12 : vector<1024x1xf32>
    %rsqrt3A_14 = math.rsqrt %max3A_13 : vector<1024x1xf32>
    %swap3A = arith.constant 0 : index
    %swap3A_15 = arith.constant 0 : index
    %swap3A_16 = vector.load %arg4[%swap3A, %swap3A_15] : memref<1024x1xf32, #tpu.memory_space<vmem>>, vector<1024x1xf32>
    tpu.vector_store %arg4[%swap3A, %swap3A_15], %rsqrt3A {strides = array<i32>} : memref<1024x1xf32, #tpu.memory_space<vmem>>, vector<1024x1xf32>,
    %swap3A_17 = arith.constant 0 : index
    %swap3A_18 = arith.constant 0 : index
    %swap3A_19 = vector.load %arg5[%swap3A_17, %swap3A_18] : memref<1024x1xf32, #tpu.memory_space<vmem>>, vector<1024x1xf32>
    tpu.vector_store %arg5[%swap3A_17, %swap3A_18], %rsqrt3A_14 {strides = array<i32>} : memref<1024x1xf32, #tpu.memory_space<vmem>>, vector<1024x1xf32>,
    %get3A_20 = arith.constant 0 : index
    %get3A_21 = arith.constant 0 : index
    %get3A_22 = vector.load %arg1[%get3A_20, %get3A_21] : memref<1024x128xf32, #tpu.memory_space<vmem>>, vector<1024x128xf32>
    %mul3A = vector.broadcast %rsqrt3A : vector<1024x1xf32> to vector<1024x128xf32>
    %mul3A_23 = arith.mulf %get3A_22, %mul3A : vector<1024x128xf32>
    %convert_element_type3A = arith.truncf %mul3A_23 : vector<1024x128xf32> to vector<1024x128xbf16>
    %slice3A = vector.extract_strided_slice %convert_element_type3A {offsets = [0, 0], sizes = [1024, 64], strides = [1, 1]} : vector<1024x128xbf16> to vector<1024x64xbf16>
    %swap3A_24 = arith.constant 0 : index
    %swap3A_25 = arith.constant 0 : index
    %swap3A_26 = arith.constant 0 : index
    %swap3A_27 = vector.load %arg3[%swap3A_24, %swap3A_25, %swap3A_26] : memref<2x1024x64xbf16, #tpu.memory_space<vmem>>, vector<1x1024x64xbf16>
    %swap3A_28 = vector.shape_cast %swap3A_27 : vector<1x1024x64xbf16> to vector<1024x64xbf16>
    %swap3A_29 = vector.shape_cast %slice3A : vector<1024x64xbf16> to vector<1x1024x64xbf16>
    tpu.vector_store %arg3[%swap3A_24, %swap3A_25, %swap3A_26], %swap3A_29 {strides = array<i32>} : memref<2x1024x64xbf16, #tpu.memory_space<vmem>>, vector<1x1024x64xbf16>,
    %slice3A_30 = vector.extract_strided_slice %convert_element_type3A {offsets = [0, 64], sizes = [1024, 64], strides = [1, 1]} : vector<1024x128xbf16> to vector<1024x64xbf16>
    %swap3A_31 = arith.constant 1 : index
    %swap3A_32 = arith.constant 0 : index
    %swap3A_33 = arith.constant 0 : index
    %swap3A_34 = vector.load %arg3[%swap3A_31, %swap3A_32, %swap3A_33] : memref<2x1024x64xbf16, #tpu.memory_space<vmem>>, vector<1x1024x64xbf16>
    %swap3A_35 = vector.shape_cast %swap3A_34 : vector<1x1024x64xbf16> to vector<1024x64xbf16>
    %swap3A_36 = vector.shape_cast %slice3A_30 : vector<1024x64xbf16> to vector<1x1024x64xbf16>
    tpu.vector_store %arg3[%swap3A_31, %swap3A_32, %swap3A_33], %swap3A_36 {strides = array<i32>} : memref<2x1024x64xbf16, #tpu.memory_space<vmem>>, vector<1x1024x64xbf16>,
    return
  }
  func.func @transform_0(%arg0: i32) -> (i32, i32) {
    %c0_i32 = arith.constant 0 : i32
    %c0_i32_0 = arith.constant 0 : i32
    return %arg0, %c0_i32 : i32, i32
  }
  func.func @transform_1(%arg0: i32) -> (i32, i32, i32) {
    %c0_i32 = arith.constant 0 : i32
    %c0_i32_0 = arith.constant 0 : i32
    %c0_i32_1 = arith.constant 0 : i32
    return %c0_i32, %arg0, %c0_i32_0 : i32, i32, i32
  }
  func.func @transform_2(%arg0: i32) -> (i32, i32, i32) {
    %c0_i32 = arith.constant 0 : i32
    %c0_i32_0 = arith.constant 0 : i32
    %c0_i32_1 = arith.constant 0 : i32
    return %c0_i32, %arg0, %c0_i32_0 : i32, i32, i32
  }
  func.func @transform_3(%arg0: i32) -> (i32, i32) {
    %c0_i32 = arith.constant 0 : i32
    %c0_i32_0 = arith.constant 0 : i32
    return %arg0, %c0_i32 : i32, i32
  }
  func.func @transform_4(%arg0: i32) -> (i32, i32) {
    %c0_i32 = arith.constant 0 : i32
    %c0_i32_0 = arith.constant 0 : i32
    return %arg0, %c0_i32 : i32, i32
  }
}

module attributes {stable_mosaic.version = 14 : i64} {
  func.func @body(%arg0: i32, %arg1: memref<2x1024x64xf32, #tpu.memory_space<vmem>>, %arg2: memref<1024x1xf32, #tpu.memory_space<vmem>>, %arg3: memref<128x256xf32, #tpu.memory_space<vmem>>, %arg4: memref<1x256xf32, #tpu.memory_space<vmem>>, %arg5: memref<1024x1xf32, #tpu.memory_space<vmem>>, %arg6: memref<4x1024x64xbf16, #tpu.memory_space<vmem>>) attributes {dimension_semantics = [#tpu.dimension_semantics<arbitrary>], iteration_bounds = array<i64: 10>, scalar_prefetch = 0 : i64, scratch_operands = 0 : i64, tpu.core_type = #tpu.core_type<tc>, window_params = [{transform_indices = @transform_0, window_bounds = array<i64: 2, 1024, 64>}, {transform_indices = @transform_1, window_bounds = array<i64: 1024, 1>}, {pipeline_mode = #tpu.pipeline_mode<synchronous>, transform_indices = @transform_2, window_bounds = array<i64: 128, 256>}, {pipeline_mode = #tpu.pipeline_mode<synchronous>, transform_indices = @transform_3, window_bounds = array<i64: 1, 256>}, {transform_indices = @transform_4, window_bounds = array<i64: 1024, 1>}, {transform_indices = @transform_5, window_bounds = array<i64: 4, 1024, 64>}]} {
    %get3A = arith.constant 0 : index
    %get3A_0 = arith.constant 0 : index
    %get3A_1 = vector.load %arg2[%get3A, %get3A_0] : memref<1024x1xf32, #tpu.memory_space<vmem>>, vector<1024x1xf32>
    %get3A_2 = arith.constant 0 : index
    %get3A_3 = arith.constant 0 : index
    %get3A_4 = arith.constant 0 : index
    %get3A_5 = vector.load %arg1[%get3A_2, %get3A_3, %get3A_4] : memref<2x1024x64xf32, #tpu.memory_space<vmem>>, vector<1x1024x64xf32>
    %get3A_6 = vector.shape_cast %get3A_5 : vector<1x1024x64xf32> to vector<1024x64xf32>
    %mul3A = vector.broadcast %get3A_1 : vector<1024x1xf32> to vector<1024x64xf32>
    %mul3A_7 = arith.mulf %get3A_6, %mul3A : vector<1024x64xf32>
    %get3A_8 = arith.constant 0 : index
    %get3A_9 = arith.constant 0 : index
    %get3A_10 = vector.load %arg3[%get3A_8, %get3A_9] : memref<128x256xf32, #tpu.memory_space<vmem>>, vector<64x256xf32>
    %dot_general3A = arith.constant dense<0.000000e+00> : vector<1024x256xf32>
    %dot_general3A_11 = tpu.matmul %mul3A_7, %get3A_10, %dot_general3A {dimension_numbers = #tpu.dot_dimension_numbers<[1], [0], [0], [1], [0, 0, 1, 1], [], []>, transpose_lhs_hint = false} : vector<1024x64xf32>, vector<64x256xf32>, vector<1024x256xf32> -> vector<1024x256xf32>
    %get3A_12 = arith.constant 1 : index
    %get3A_13 = arith.constant 0 : index
    %get3A_14 = arith.constant 0 : index
    %get3A_15 = vector.load %arg1[%get3A_12, %get3A_13, %get3A_14] : memref<2x1024x64xf32, #tpu.memory_space<vmem>>, vector<1x1024x64xf32>
    %get3A_16 = vector.shape_cast %get3A_15 : vector<1x1024x64xf32> to vector<1024x64xf32>
    %mul3A_17 = vector.broadcast %get3A_1 : vector<1024x1xf32> to vector<1024x64xf32>
    %mul3A_18 = arith.mulf %get3A_16, %mul3A_17 : vector<1024x64xf32>
    %get3A_19 = arith.constant 64 : index
    %get3A_20 = arith.constant 0 : index
    %get3A_21 = vector.load %arg3[%get3A_19, %get3A_20] : memref<128x256xf32, #tpu.memory_space<vmem>>, vector<64x256xf32>
    %dot_general3A_22 = arith.constant dense<0.000000e+00> : vector<1024x256xf32>
    %dot_general3A_23 = tpu.matmul %mul3A_18, %get3A_21, %dot_general3A_22 {dimension_numbers = #tpu.dot_dimension_numbers<[1], [0], [0], [1], [0, 0, 1, 1], [], []>, transpose_lhs_hint = false} : vector<1024x64xf32>, vector<64x256xf32>, vector<1024x256xf32> -> vector<1024x256xf32>
    %add3A = arith.addf %dot_general3A_11, %dot_general3A_23 : vector<1024x256xf32>
    %get3A_24 = arith.constant 0 : index
    %get3A_25 = arith.constant 0 : index
    %get3A_26 = vector.load %arg4[%get3A_24, %get3A_25] : memref<1x256xf32, #tpu.memory_space<vmem>>, vector<1x256xf32>
    %add3A_27 = vector.broadcast %get3A_26 : vector<1x256xf32> to vector<1024x256xf32>
    %add3A_28 = arith.addf %add3A, %add3A_27 : vector<1024x256xf32>
    %max3A = arith.constant 0.000000e+00 : f32
    %max3A_29 = vector.broadcast %max3A : f32 to vector<1024x256xf32>
    %max3A_30 = arith.maximumf %add3A_28, %max3A_29 : vector<1024x256xf32>
    %get3A_31 = arith.constant 0 : index
    %get3A_32 = arith.constant 0 : index
    %get3A_33 = vector.load %arg5[%get3A_31, %get3A_32] : memref<1024x1xf32, #tpu.memory_space<vmem>>, vector<1024x1xf32>
    %mul3A_34 = vector.broadcast %get3A_33 : vector<1024x1xf32> to vector<1024x256xf32>
    %mul3A_35 = arith.mulf %max3A_30, %mul3A_34 : vector<1024x256xf32>
    %convert_element_type3A = arith.truncf %mul3A_35 : vector<1024x256xf32> to vector<1024x256xbf16>
    %slice3A = vector.extract_strided_slice %convert_element_type3A {offsets = [0, 0], sizes = [1024, 64], strides = [1, 1]} : vector<1024x256xbf16> to vector<1024x64xbf16>
    %swap3A = arith.constant 0 : index
    %swap3A_36 = arith.constant 0 : index
    %swap3A_37 = arith.constant 0 : index
    %swap3A_38 = vector.load %arg6[%swap3A, %swap3A_36, %swap3A_37] : memref<4x1024x64xbf16, #tpu.memory_space<vmem>>, vector<1x1024x64xbf16>
    %swap3A_39 = vector.shape_cast %swap3A_38 : vector<1x1024x64xbf16> to vector<1024x64xbf16>
    %swap3A_40 = vector.shape_cast %slice3A : vector<1024x64xbf16> to vector<1x1024x64xbf16>
    tpu.vector_store %arg6[%swap3A, %swap3A_36, %swap3A_37], %swap3A_40 {strides = array<i32>} : memref<4x1024x64xbf16, #tpu.memory_space<vmem>>, vector<1x1024x64xbf16>,
    %slice3A_41 = vector.extract_strided_slice %convert_element_type3A {offsets = [0, 64], sizes = [1024, 64], strides = [1, 1]} : vector<1024x256xbf16> to vector<1024x64xbf16>
    %swap3A_42 = arith.constant 1 : index
    %swap3A_43 = arith.constant 0 : index
    %swap3A_44 = arith.constant 0 : index
    %swap3A_45 = vector.load %arg6[%swap3A_42, %swap3A_43, %swap3A_44] : memref<4x1024x64xbf16, #tpu.memory_space<vmem>>, vector<1x1024x64xbf16>
    %swap3A_46 = vector.shape_cast %swap3A_45 : vector<1x1024x64xbf16> to vector<1024x64xbf16>
    %swap3A_47 = vector.shape_cast %slice3A_41 : vector<1024x64xbf16> to vector<1x1024x64xbf16>
    tpu.vector_store %arg6[%swap3A_42, %swap3A_43, %swap3A_44], %swap3A_47 {strides = array<i32>} : memref<4x1024x64xbf16, #tpu.memory_space<vmem>>, vector<1x1024x64xbf16>,
    %slice3A_48 = vector.extract_strided_slice %convert_element_type3A {offsets = [0, 128], sizes = [1024, 64], strides = [1, 1]} : vector<1024x256xbf16> to vector<1024x64xbf16>
    %swap3A_49 = arith.constant 2 : index
    %swap3A_50 = arith.constant 0 : index
    %swap3A_51 = arith.constant 0 : index
    %swap3A_52 = vector.load %arg6[%swap3A_49, %swap3A_50, %swap3A_51] : memref<4x1024x64xbf16, #tpu.memory_space<vmem>>, vector<1x1024x64xbf16>
    %swap3A_53 = vector.shape_cast %swap3A_52 : vector<1x1024x64xbf16> to vector<1024x64xbf16>
    %swap3A_54 = vector.shape_cast %slice3A_48 : vector<1024x64xbf16> to vector<1x1024x64xbf16>
    tpu.vector_store %arg6[%swap3A_49, %swap3A_50, %swap3A_51], %swap3A_54 {strides = array<i32>} : memref<4x1024x64xbf16, #tpu.memory_space<vmem>>, vector<1x1024x64xbf16>,
    %slice3A_55 = vector.extract_strided_slice %convert_element_type3A {offsets = [0, 192], sizes = [1024, 64], strides = [1, 1]} : vector<1024x256xbf16> to vector<1024x64xbf16>
    %swap3A_56 = arith.constant 3 : index
    %swap3A_57 = arith.constant 0 : index
    %swap3A_58 = arith.constant 0 : index
    %swap3A_59 = vector.load %arg6[%swap3A_56, %swap3A_57, %swap3A_58] : memref<4x1024x64xbf16, #tpu.memory_space<vmem>>, vector<1x1024x64xbf16>
    %swap3A_60 = vector.shape_cast %swap3A_59 : vector<1x1024x64xbf16> to vector<1024x64xbf16>
    %swap3A_61 = vector.shape_cast %slice3A_55 : vector<1024x64xbf16> to vector<1x1024x64xbf16>
    tpu.vector_store %arg6[%swap3A_56, %swap3A_57, %swap3A_58], %swap3A_61 {strides = array<i32>} : memref<4x1024x64xbf16, #tpu.memory_space<vmem>>, vector<1x1024x64xbf16>,
    return
  }
  func.func @transform_0(%arg0: i32) -> (i32, i32, i32) {
    %c0_i32 = arith.constant 0 : i32
    %c0_i32_0 = arith.constant 0 : i32
    %c0_i32_1 = arith.constant 0 : i32
    return %c0_i32, %arg0, %c0_i32_0 : i32, i32, i32
  }
  func.func @transform_1(%arg0: i32) -> (i32, i32) {
    %c0_i32 = arith.constant 0 : i32
    %c0_i32_0 = arith.constant 0 : i32
    return %arg0, %c0_i32 : i32, i32
  }
  func.func @transform_2(%arg0: i32) -> (i32, i32) {
    %c0_i32 = arith.constant 0 : i32
    %c0_i32_0 = arith.constant 0 : i32
    %c0_i32_1 = arith.constant 0 : i32
    return %c0_i32, %c0_i32_0 : i32, i32
  }
  func.func @transform_3(%arg0: i32) -> (i32, i32) {
    %c0_i32 = arith.constant 0 : i32
    %c0_i32_0 = arith.constant 0 : i32
    %c0_i32_1 = arith.constant 0 : i32
    return %c0_i32, %c0_i32_0 : i32, i32
  }
  func.func @transform_4(%arg0: i32) -> (i32, i32) {
    %c0_i32 = arith.constant 0 : i32
    %c0_i32_0 = arith.constant 0 : i32
    return %arg0, %c0_i32 : i32, i32
  }
  func.func @transform_5(%arg0: i32) -> (i32, i32, i32) {
    %c0_i32 = arith.constant 0 : i32
    %c0_i32_0 = arith.constant 0 : i32
    %c0_i32_1 = arith.constant 0 : i32
    return %c0_i32, %arg0, %c0_i32_0 : i32, i32, i32
  }
}

module attributes {stable_mosaic.version = 14 : i64} {
  func.func @body(%arg0: i32, %arg1: memref<4x1024x64xf32, #tpu.memory_space<vmem>>, %arg2: memref<1024x1xf32, #tpu.memory_space<vmem>>, %arg3: memref<256x256xf32, #tpu.memory_space<vmem>>, %arg4: memref<1x256xf32, #tpu.memory_space<vmem>>, %arg5: memref<1024x1xf32, #tpu.memory_space<vmem>>, %arg6: memref<256x64xf32, #tpu.memory_space<vmem>>, %arg7: memref<2x1024x32xbf16, #tpu.memory_space<vmem>>) attributes {dimension_semantics = [#tpu.dimension_semantics<arbitrary>], iteration_bounds = array<i64: 10>, scalar_prefetch = 0 : i64, scratch_operands = 0 : i64, tpu.core_type = #tpu.core_type<tc>, window_params = [{transform_indices = @transform_0, window_bounds = array<i64: 4, 1024, 64>}, {transform_indices = @transform_1, window_bounds = array<i64: 1024, 1>}, {pipeline_mode = #tpu.pipeline_mode<synchronous>, transform_indices = @transform_2, window_bounds = array<i64: 256, 256>}, {pipeline_mode = #tpu.pipeline_mode<synchronous>, transform_indices = @transform_3, window_bounds = array<i64: 1, 256>}, {transform_indices = @transform_4, window_bounds = array<i64: 1024, 1>}, {pipeline_mode = #tpu.pipeline_mode<synchronous>, transform_indices = @transform_5, window_bounds = array<i64: 256, 64>}, {transform_indices = @transform_6, window_bounds = array<i64: 2, 1024, 32>}]} {
    %get3A = arith.constant 0 : index
    %get3A_0 = arith.constant 0 : index
    %get3A_1 = vector.load %arg2[%get3A, %get3A_0] : memref<1024x1xf32, #tpu.memory_space<vmem>>, vector<1024x1xf32>
    %get3A_2 = arith.constant 0 : index
    %get3A_3 = arith.constant 0 : index
    %get3A_4 = arith.constant 0 : index
    %get3A_5 = vector.load %arg1[%get3A_2, %get3A_3, %get3A_4] : memref<4x1024x64xf32, #tpu.memory_space<vmem>>, vector<1x1024x64xf32>
    %get3A_6 = vector.shape_cast %get3A_5 : vector<1x1024x64xf32> to vector<1024x64xf32>
    %mul3A = vector.broadcast %get3A_1 : vector<1024x1xf32> to vector<1024x64xf32>
    %mul3A_7 = arith.mulf %get3A_6, %mul3A : vector<1024x64xf32>
    %get3A_8 = arith.constant 0 : index
    %get3A_9 = arith.constant 0 : index
    %get3A_10 = vector.load %arg3[%get3A_8, %get3A_9] : memref<256x256xf32, #tpu.memory_space<vmem>>, vector<64x256xf32>
    %dot_general3A = arith.constant dense<0.000000e+00> : vector<1024x256xf32>
    %dot_general3A_11 = tpu.matmul %mul3A_7, %get3A_10, %dot_general3A {dimension_numbers = #tpu.dot_dimension_numbers<[1], [0], [0], [1], [0, 0, 1, 1], [], []>, transpose_lhs_hint = false} : vector<1024x64xf32>, vector<64x256xf32>, vector<1024x256xf32> -> vector<1024x256xf32>
    %get3A_12 = arith.constant 1 : index
    %get3A_13 = arith.constant 0 : index
    %get3A_14 = arith.constant 0 : index
    %get3A_15 = vector.load %arg1[%get3A_12, %get3A_13, %get3A_14] : memref<4x1024x64xf32, #tpu.memory_space<vmem>>, vector<1x1024x64xf32>
    %get3A_16 = vector.shape_cast %get3A_15 : vector<1x1024x64xf32> to vector<1024x64xf32>
    %mul3A_17 = vector.broadcast %get3A_1 : vector<1024x1xf32> to vector<1024x64xf32>
    %mul3A_18 = arith.mulf %get3A_16, %mul3A_17 : vector<1024x64xf32>
    %get3A_19 = arith.constant 64 : index
    %get3A_20 = arith.constant 0 : index
    %get3A_21 = vector.load %arg3[%get3A_19, %get3A_20] : memref<256x256xf32, #tpu.memory_space<vmem>>, vector<64x256xf32>
    %dot_general3A_22 = arith.constant dense<0.000000e+00> : vector<1024x256xf32>
    %dot_general3A_23 = tpu.matmul %mul3A_18, %get3A_21, %dot_general3A_22 {dimension_numbers = #tpu.dot_dimension_numbers<[1], [0], [0], [1], [0, 0, 1, 1], [], []>, transpose_lhs_hint = false} : vector<1024x64xf32>, vector<64x256xf32>, vector<1024x256xf32> -> vector<1024x256xf32>
    %add3A = arith.addf %dot_general3A_11, %dot_general3A_23 : vector<1024x256xf32>
    %get3A_24 = arith.constant 2 : index
    %get3A_25 = arith.constant 0 : index
    %get3A_26 = arith.constant 0 : index
    %get3A_27 = vector.load %arg1[%get3A_24, %get3A_25, %get3A_26] : memref<4x1024x64xf32, #tpu.memory_space<vmem>>, vector<1x1024x64xf32>
    %get3A_28 = vector.shape_cast %get3A_27 : vector<1x1024x64xf32> to vector<1024x64xf32>
    %mul3A_29 = vector.broadcast %get3A_1 : vector<1024x1xf32> to vector<1024x64xf32>
    %mul3A_30 = arith.mulf %get3A_28, %mul3A_29 : vector<1024x64xf32>
    %get3A_31 = arith.constant 128 : index
    %get3A_32 = arith.constant 0 : index
    %get3A_33 = vector.load %arg3[%get3A_31, %get3A_32] : memref<256x256xf32, #tpu.memory_space<vmem>>, vector<64x256xf32>
    %dot_general3A_34 = arith.constant dense<0.000000e+00> : vector<1024x256xf32>
    %dot_general3A_35 = tpu.matmul %mul3A_30, %get3A_33, %dot_general3A_34 {dimension_numbers = #tpu.dot_dimension_numbers<[1], [0], [0], [1], [0, 0, 1, 1], [], []>, transpose_lhs_hint = false} : vector<1024x64xf32>, vector<64x256xf32>, vector<1024x256xf32> -> vector<1024x256xf32>
    %add3A_36 = arith.addf %add3A, %dot_general3A_35 : vector<1024x256xf32>
    %get3A_37 = arith.constant 3 : index
    %get3A_38 = arith.constant 0 : index
    %get3A_39 = arith.constant 0 : index
    %get3A_40 = vector.load %arg1[%get3A_37, %get3A_38, %get3A_39] : memref<4x1024x64xf32, #tpu.memory_space<vmem>>, vector<1x1024x64xf32>
    %get3A_41 = vector.shape_cast %get3A_40 : vector<1x1024x64xf32> to vector<1024x64xf32>
    %mul3A_42 = vector.broadcast %get3A_1 : vector<1024x1xf32> to vector<1024x64xf32>
    %mul3A_43 = arith.mulf %get3A_41, %mul3A_42 : vector<1024x64xf32>
    %get3A_44 = arith.constant 192 : index
    %get3A_45 = arith.constant 0 : index
    %get3A_46 = vector.load %arg3[%get3A_44, %get3A_45] : memref<256x256xf32, #tpu.memory_space<vmem>>, vector<64x256xf32>
    %dot_general3A_47 = arith.constant dense<0.000000e+00> : vector<1024x256xf32>
    %dot_general3A_48 = tpu.matmul %mul3A_43, %get3A_46, %dot_general3A_47 {dimension_numbers = #tpu.dot_dimension_numbers<[1], [0], [0], [1], [0, 0, 1, 1], [], []>, transpose_lhs_hint = false} : vector<1024x64xf32>, vector<64x256xf32>, vector<1024x256xf32> -> vector<1024x256xf32>
    %add3A_49 = arith.addf %add3A_36, %dot_general3A_48 : vector<1024x256xf32>
    %get3A_50 = arith.constant 0 : index
    %get3A_51 = arith.constant 0 : index
    %get3A_52 = vector.load %arg4[%get3A_50, %get3A_51] : memref<1x256xf32, #tpu.memory_space<vmem>>, vector<1x256xf32>
    %add3A_53 = vector.broadcast %get3A_52 : vector<1x256xf32> to vector<1024x256xf32>
    %add3A_54 = arith.addf %add3A_49, %add3A_53 : vector<1024x256xf32>
    %max3A = arith.constant 0.000000e+00 : f32
    %max3A_55 = vector.broadcast %max3A : f32 to vector<1024x256xf32>
    %max3A_56 = arith.maximumf %add3A_54, %max3A_55 : vector<1024x256xf32>
    %get3A_57 = arith.constant 0 : index
    %get3A_58 = arith.constant 0 : index
    %get3A_59 = vector.load %arg5[%get3A_57, %get3A_58] : memref<1024x1xf32, #tpu.memory_space<vmem>>, vector<1024x1xf32>
    %mul3A_60 = vector.broadcast %get3A_59 : vector<1024x1xf32> to vector<1024x256xf32>
    %mul3A_61 = arith.mulf %max3A_56, %mul3A_60 : vector<1024x256xf32>
    %get3A_62 = arith.constant 0 : index
    %get3A_63 = arith.constant 0 : index
    %get3A_64 = vector.load %arg6[%get3A_62, %get3A_63] : memref<256x64xf32, #tpu.memory_space<vmem>>, vector<256x64xf32>
    %dot_general3A_65 = arith.constant dense<0.000000e+00> : vector<1024x64xf32>
    %dot_general3A_66 = tpu.matmul %mul3A_61, %get3A_64, %dot_general3A_65 {dimension_numbers = #tpu.dot_dimension_numbers<[1], [0], [0], [1], [0, 0, 1, 1], [], []>, transpose_lhs_hint = false} : vector<1024x256xf32>, vector<256x64xf32>, vector<1024x64xf32> -> vector<1024x64xf32>
    %convert_element_type3A = arith.truncf %dot_general3A_66 : vector<1024x64xf32> to vector<1024x64xbf16>
    %slice3A = vector.extract_strided_slice %convert_element_type3A {offsets = [0, 0], sizes = [1024, 32], strides = [1, 1]} : vector<1024x64xbf16> to vector<1024x32xbf16>
    %swap3A = arith.constant 0 : index
    %swap3A_67 = arith.constant 0 : index
    %swap3A_68 = arith.constant 0 : index
    %swap3A_69 = vector.load %arg7[%swap3A, %swap3A_67, %swap3A_68] : memref<2x1024x32xbf16, #tpu.memory_space<vmem>>, vector<1x1024x32xbf16>
    %swap3A_70 = vector.shape_cast %swap3A_69 : vector<1x1024x32xbf16> to vector<1024x32xbf16>
    %swap3A_71 = vector.shape_cast %slice3A : vector<1024x32xbf16> to vector<1x1024x32xbf16>
    tpu.vector_store %arg7[%swap3A, %swap3A_67, %swap3A_68], %swap3A_71 {strides = array<i32>} : memref<2x1024x32xbf16, #tpu.memory_space<vmem>>, vector<1x1024x32xbf16>,
    %slice3A_72 = vector.extract_strided_slice %convert_element_type3A {offsets = [0, 32], sizes = [1024, 32], strides = [1, 1]} : vector<1024x64xbf16> to vector<1024x32xbf16>
    %swap3A_73 = arith.constant 1 : index
    %swap3A_74 = arith.constant 0 : index
    %swap3A_75 = arith.constant 0 : index
    %swap3A_76 = vector.load %arg7[%swap3A_73, %swap3A_74, %swap3A_75] : memref<2x1024x32xbf16, #tpu.memory_space<vmem>>, vector<1x1024x32xbf16>
    %swap3A_77 = vector.shape_cast %swap3A_76 : vector<1x1024x32xbf16> to vector<1024x32xbf16>
    %swap3A_78 = vector.shape_cast %slice3A_72 : vector<1024x32xbf16> to vector<1x1024x32xbf16>
    tpu.vector_store %arg7[%swap3A_73, %swap3A_74, %swap3A_75], %swap3A_78 {strides = array<i32>} : memref<2x1024x32xbf16, #tpu.memory_space<vmem>>, vector<1x1024x32xbf16>,
    return
  }
  func.func @transform_0(%arg0: i32) -> (i32, i32, i32) {
    %c0_i32 = arith.constant 0 : i32
    %c0_i32_0 = arith.constant 0 : i32
    %c0_i32_1 = arith.constant 0 : i32
    return %c0_i32, %arg0, %c0_i32_0 : i32, i32, i32
  }
  func.func @transform_1(%arg0: i32) -> (i32, i32) {
    %c0_i32 = arith.constant 0 : i32
    %c0_i32_0 = arith.constant 0 : i32
    return %arg0, %c0_i32 : i32, i32
  }
  func.func @transform_2(%arg0: i32) -> (i32, i32) {
    %c0_i32 = arith.constant 0 : i32
    %c0_i32_0 = arith.constant 0 : i32
    %c0_i32_1 = arith.constant 0 : i32
    return %c0_i32, %c0_i32_0 : i32, i32
  }
  func.func @transform_3(%arg0: i32) -> (i32, i32) {
    %c0_i32 = arith.constant 0 : i32
    %c0_i32_0 = arith.constant 0 : i32
    %c0_i32_1 = arith.constant 0 : i32
    return %c0_i32, %c0_i32_0 : i32, i32
  }
  func.func @transform_4(%arg0: i32) -> (i32, i32) {
    %c0_i32 = arith.constant 0 : i32
    %c0_i32_0 = arith.constant 0 : i32
    return %arg0, %c0_i32 : i32, i32
  }
  func.func @transform_5(%arg0: i32) -> (i32, i32) {
    %c0_i32 = arith.constant 0 : i32
    %c0_i32_0 = arith.constant 0 : i32
    %c0_i32_1 = arith.constant 0 : i32
    return %c0_i32, %c0_i32_0 : i32, i32
  }
  func.func @transform_6(%arg0: i32) -> (i32, i32, i32) {
    %c0_i32 = arith.constant 0 : i32
    %c0_i32_0 = arith.constant 0 : i32
    %c0_i32_1 = arith.constant 0 : i32
    return %c0_i32, %arg0, %c0_i32_0 : i32, i32, i32
  }
}

module attributes {stable_mosaic.version = 14 : i64} {
  func.func @body(%arg0: i32, %arg1: memref<2x1024x32xf32, #tpu.memory_space<vmem>>, %arg2: memref<1024x1xf32, #tpu.memory_space<vmem>>, %arg3: memref<1x64xf32, #tpu.memory_space<vmem>>, %arg4: memref<1024x64xf32, #tpu.memory_space<vmem>>) attributes {dimension_semantics = [#tpu.dimension_semantics<arbitrary>], iteration_bounds = array<i64: 10>, scalar_prefetch = 0 : i64, scratch_operands = 0 : i64, tpu.core_type = #tpu.core_type<tc>, window_params = [{transform_indices = @transform_0, window_bounds = array<i64: 2, 1024, 32>}, {transform_indices = @transform_1, window_bounds = array<i64: 1024, 1>}, {pipeline_mode = #tpu.pipeline_mode<synchronous>, transform_indices = @transform_2, window_bounds = array<i64: 1, 64>}, {transform_indices = @transform_3, window_bounds = array<i64: 1024, 64>}]} {
    %get3A = arith.constant 0 : index
    %get3A_0 = arith.constant 0 : index
    %get3A_1 = arith.constant 0 : index
    %get3A_2 = vector.load %arg1[%get3A, %get3A_0, %get3A_1] : memref<2x1024x32xf32, #tpu.memory_space<vmem>>, vector<1x1024x32xf32>
    %get3A_3 = vector.shape_cast %get3A_2 : vector<1x1024x32xf32> to vector<1024x32xf32>
    %get3A_4 = arith.constant 1 : index
    %get3A_5 = arith.constant 0 : index
    %get3A_6 = arith.constant 0 : index
    %get3A_7 = vector.load %arg1[%get3A_4, %get3A_5, %get3A_6] : memref<2x1024x32xf32, #tpu.memory_space<vmem>>, vector<1x1024x32xf32>
    %get3A_8 = vector.shape_cast %get3A_7 : vector<1x1024x32xf32> to vector<1024x32xf32>
    %concatenate3A = tpu.concatenate %get3A_3, %get3A_8 in 1 : vector<1024x32xf32>, vector<1024x32xf32> -> vector<1024x64xf32>
    %get3A_9 = arith.constant 0 : index
    %get3A_10 = arith.constant 0 : index
    %get3A_11 = vector.load %arg2[%get3A_9, %get3A_10] : memref<1024x1xf32, #tpu.memory_space<vmem>>, vector<1024x1xf32>
    %mul3A = vector.broadcast %get3A_11 : vector<1024x1xf32> to vector<1024x64xf32>
    %mul3A_12 = arith.mulf %concatenate3A, %mul3A : vector<1024x64xf32>
    %get3A_13 = arith.constant 0 : index
    %get3A_14 = arith.constant 0 : index
    %get3A_15 = vector.load %arg3[%get3A_13, %get3A_14] : memref<1x64xf32, #tpu.memory_space<vmem>>, vector<1x64xf32>
    %add3A = vector.broadcast %get3A_15 : vector<1x64xf32> to vector<1024x64xf32>
    %add3A_16 = arith.addf %mul3A_12, %add3A : vector<1024x64xf32>
    %reduce_max3A = arith.constant dense<0xFF800000> : vector<1024xf32>
    %reduce_max3A_17 = vector.multi_reduction <maximumf>, %add3A_16, %reduce_max3A [1] : vector<1024x64xf32> to vector<1024xf32>
    %broadcast_in_dim3A = vector.shape_cast %reduce_max3A_17 : vector<1024xf32> to vector<1024x1xf32>
    %sub3A = vector.broadcast %broadcast_in_dim3A : vector<1024x1xf32> to vector<1024x64xf32>
    %sub3A_18 = arith.subf %add3A_16, %sub3A : vector<1024x64xf32>
    %exp3A = math.exp %sub3A_18 : vector<1024x64xf32>
    %sub3A_19 = vector.broadcast %broadcast_in_dim3A : vector<1024x1xf32> to vector<1024x64xf32>
    %sub3A_20 = arith.subf %add3A_16, %sub3A_19 : vector<1024x64xf32>
    %reduce_sum3A = arith.constant dense<0.000000e+00> : vector<1024xf32>
    %reduce_sum3A_21 = vector.multi_reduction <add>, %exp3A, %reduce_sum3A [1] : vector<1024x64xf32> to vector<1024xf32>
    %broadcast_in_dim3A_22 = vector.shape_cast %reduce_sum3A_21 : vector<1024xf32> to vector<1024x1xf32>
    %log3A = math.log %broadcast_in_dim3A_22 : vector<1024x1xf32>
    %sub3A_23 = vector.broadcast %log3A : vector<1024x1xf32> to vector<1024x64xf32>
    %sub3A_24 = arith.subf %sub3A_20, %sub3A_23 : vector<1024x64xf32>
    %swap3A = arith.constant 0 : index
    %swap3A_25 = arith.constant 0 : index
    %swap3A_26 = vector.load %arg4[%swap3A, %swap3A_25] : memref<1024x64xf32, #tpu.memory_space<vmem>>, vector<1024x64xf32>
    tpu.vector_store %arg4[%swap3A, %swap3A_25], %sub3A_24 {strides = array<i32>} : memref<1024x64xf32, #tpu.memory_space<vmem>>, vector<1024x64xf32>,
    return
  }
  func.func @transform_0(%arg0: i32) -> (i32, i32, i32) {
    %c0_i32 = arith.constant 0 : i32
    %c0_i32_0 = arith.constant 0 : i32
    %c0_i32_1 = arith.constant 0 : i32
    return %c0_i32, %arg0, %c0_i32_0 : i32, i32, i32
  }
  func.func @transform_1(%arg0: i32) -> (i32, i32) {
    %c0_i32 = arith.constant 0 : i32
    %c0_i32_0 = arith.constant 0 : i32
    return %arg0, %c0_i32 : i32, i32
  }
  func.func @transform_2(%arg0: i32) -> (i32, i32) {
    %c0_i32 = arith.constant 0 : i32
    %c0_i32_0 = arith.constant 0 : i32
    %c0_i32_1 = arith.constant 0 : i32
    return %c0_i32, %c0_i32_0 : i32, i32
  }
  func.func @transform_3(%arg0: i32) -> (i32, i32) {
    %c0_i32 = arith.constant 0 : i32
    %c0_i32_0 = arith.constant 0 : i32
    return %arg0, %c0_i32 : i32, i32
  }
}

</mosaic_0001>

<sc_bundles>
// kernel: kernel.10.cloned.1.call-start
scs
__scs_entry_jumppad:
0x0: {  	(pc) =	sbr.rel $0x88, $3  }
0x1: {  	(tag) =	ssettag $0x0;
	lr =	simm.s32 $0x1  }
0x2: {  	[smem:$0x3F99] =	sst lr;
	_ =	strace $0xD0000000  }
0x3: {  	_ = 	snop  }
0x4: {  	_ = 	snop  }
0x5: {  	_ = 	snop  }
0x6: {  	_ = 	snop  }
0x7: {  	_ = 	snop  }
__scs_overlays_trampoline_lowered:
0x8: {  	[smem:$0x3FA8] =	sst s0  }
0x9: {  	[smem:$0x3FA9] =	sst s1  }
0xa: {  	[smem:$0x3FAA] =	sst s2  }
0xb: {  	[smem:$0x3FAB] =	sst s3  }
0xc: {  	[smem:$0x3FAC] =	sst s4  }
0xd: {  	[smem:$0x3FAD] =	sst s5  }
0xe: {  	[smem:$0x3FAE] =	sst s6  }
0xf: {  	[smem:$0x3FAF] =	sst s7  }
0x10: {  	[smem:$0x3FB0] =	sst s8  }
0x11: {  	[smem:$0x3FB1] =	sst s9;
	s0 =	simm.s32 @!p0 $0x0  }
0x12: {  	s1 =	sld [smem:$0x3F97];
	s0 =	simm.s32 @p0 $0x1  }
0x13: {  	[smem:$0x3FB2] =	sst s0;
	s0 =	simm.s32 @!p1 $0x0  }
0x14: {  	s2 =	sld [smem:$0x3F96];
	s0 =	simm.s32 @p1 $0x1  }
0x15: {  	[smem:$0x3FB3] =	sst s0;
	s0 =	simm.s32 @!p2 $0x0  }
0x16: {  	s3 =	sld [smem:$0x3FDB];
	s0 =	simm.s32 @p2 $0x1  }
0x17: {  	s4 =	simm.s32 $0x1BF5;
	[smem:$0x3FB5] =	sst s0  }
0x18: {  	s0 =	sld [smem:$0x3F98];
	_ =	swait.ge [sflag:s4], $0x0  }
0x19: {  	s7 =	sld [smem:$0x3F99]  }
0x1a: {  	s8 =	sadd.s32 $0xFFFFE003, lr  }
0x1b: {  	s9 =	sadd.s32 $0xFFFFFEF7, lr;
	s5 =	simm.s32 $0xFFFFFFFF;
	p2 =	slt.u32 s8, $0xFFFFF086  }
0x1c: {  	p1 =	slt.u32 s9, $0xF7A;
	s5 =	simm.s32 @!p2 $0x0  }
0x1d: {  	s5 =	simm.s32 @p1 $0x1;
	p0 =	seq.s32 s7, s2  }
0x1e: {  	s7 =	smul.u32 @!p0 $0xF7A, s2;
	p2 =	seq.s32 @!p0 s5, $0x0  }
0x1f: {  	s9 =	smul.u32 $0xF7A, s1;
	s8 =	simm.s32 @!p0 $0x1BF5;
	p2 =	por !p2, p0  }
0x20: {  	[sflag:s8] =	ssyncset.s32 @!p0 $0xFFFFF086;
	s6 =	sadd.s32 @!p0 s3, s7;
	s7 =	simm.s32 @!p0 $0x108  }
0x21: {  	s3 =	sadd.s32 s3, s9;
	s6 =	sadd.s32 @!p0 $0x88, s6;
	s7 =	simm.s32 @p2 $0x1082  }
0x22: {  	[simem:s7], [sflag:s8] =	dma.local @!p0 [hbm:s6], $0xF7A  }
0x23: {  	s9 =	sor.u32 $0xD0000000, s2;
	s6 =	simm.s32 $0x108;
	_ =	swait.ge @!p0 [sflag:s8], $0x0  }
0x24: {  	s3 =	sadd.s32 $0x88, s3;
	s6 =	simm.s32 @!p1 $0x1082;
	[sflag:s4] =	ssyncset.s32 $0xFFFFF086  }
0x25: {  	[simem:s6], [sflag:s4] =	dma.local [hbm:s3], $0xF7A  }
0x26: {  	[smem:$0x3F99] =	sst s1;
	(tag) =	ssettag s2;
	_ =	strace s9  }
0x27: {  	s1 =	sld [smem:$0x3FA9]  }
0x28: {  	s2 =	sld [smem:$0x3FAA]  }
0x29: {  	s4 =	sld [smem:$0x3FAC]  }
0x2a: {  	p0 =	seq.s32 s5, $0x0;
	s5 =	sld [smem:$0x3FAD]  }
0x2b: {  	s6 =	sld [smem:$0x3FAE]  }
0x2c: {  	s7 =	sld [smem:$0x3FAF]  }
0x2d: {  	s3 =	simm.s32 $0x108;
	s8 =	sld [smem:$0x3FB0]  }
0x2e: {  	s3 =	simm.s32 @!p0 $0x1082;
	s9 =	sld [smem:$0x3FB1]  }
0x2f: {  	lr =	sadd.s32 s0, s3;
	s0 =	sld [smem:$0x3FA8]  }
0x30: {  	s3 =	sld [smem:$0x3FAB]  }
0x31: {  	[smem:$0x3FB4] =	sst s10  }
0x32: {  	s10 =	sld [smem:$0x3FB2];
	_ =	sdelay $0x3  }
0x33: {  	p0 =	seq.s32 s10, $0x1;
	s10 =	sld [smem:$0x3FB4];
	_ =	sdelay $0x3  }
0x34: {  	[smem:$0x3FB4] =	sst s10  }
0x35: {  	s10 =	sld [smem:$0x3FB3];
	_ =	sdelay $0x3  }
0x36: {  	p1 =	seq.s32 s10, $0x1;
	s10 =	sld [smem:$0x3FB4];
	_ =	sdelay $0x3  }
0x37: {  	[smem:$0x3FB4] =	sst s10  }
0x38: {  	s10 =	sld [smem:$0x3FB5]  }
0x39: {  	_ = 	snop;
	(pc) =	sbr.ind lr, $3  }
0x3a: {  	_ = 	snop  }
0x3b: {  	_ = 	snop  }
0x3c: {  	p2 =	seq.s32 s10, $0x1;
	s10 =	sld [smem:$0x3FB4]  }
0x3d: {  	_ =	shalt  }
0x3e: {  	_ =	shalt  }
0x3f: {  	_ =	shalt  }
0x40: {  	_ =	shalt  }
0x41: {  	_ =	shalt  }
0x42: {  	_ =	shalt  }
0x43: {  	_ =	shalt  }
0x44: {  	_ =	shalt  }
0x45: {  	_ =	shalt  }
0x46: {  	_ =	shalt  }
0x47: {  	_ =	shalt  }
0x48: {  	_ =	shalt  }
0x49: {  	_ =	shalt  }
0x4a: {  	_ =	shalt  }
0x4b: {  	_ =	shalt  }
0x4c: {  	_ =	shalt  }
0x4d: {  	_ =	shalt  }
0x4e: {  	_ =	shalt  }
0x4f: {  	_ =	shalt  }
0x50: {  	_ =	shalt  }
0x51: {  	_ =	shalt  }
0x52: {  	_ =	shalt  }
0x53: {  	_ =	shalt  }
0x54: {  	_ =	shalt  }
0x55: {  	_ =	shalt  }
0x56: {  	_ =	shalt  }
0x57: {  	_ =	shalt  }
0x58: {  	_ =	shalt  }
0x59: {  	_ =	shalt  }
0x5a: {  	_ =	shalt  }
0x5b: {  	_ =	shalt  }
0x5c: {  	_ =	shalt  }
0x5d: {  	_ =	shalt  }
0x5e: {  	_ =	shalt  }
0x5f: {  	_ =	shalt  }
0x60: {  	_ =	shalt  }
0x61: {  	_ =	shalt  }
0x62: {  	_ =	shalt  }
0x63: {  	_ =	shalt  }
0x64: {  	_ =	shalt  }
0x65: {  	_ =	shalt  }
0x66: {  	_ =	shalt  }
0x67: {  	_ =	shalt  }
0x68: {  	_ =	shalt  }
0x69: {  	_ =	shalt  }
0x6a: {  	_ =	shalt  }
0x6b: {  	_ =	shalt  }
0x6c: {  	_ =	shalt  }
0x6d: {  	_ =	shalt  }
0x6e: {  	_ =	shalt  }
0x6f: {  	_ =	shalt  }
0x70: {  	_ =	shalt  }
0x71: {  	_ =	shalt  }
0x72: {  	_ =	shalt  }
0x73: {  	_ =	shalt  }
0x74: {  	_ =	shalt  }
0x75: {  	_ =	shalt  }
0x76: {  	_ =	shalt  }
0x77: {  	_ =	shalt  }
0x78: {  	_ =	shalt  }
0x79: {  	_ =	shalt  }
0x7a: {  	_ =	shalt  }
0x7b: {  	_ =	shalt  }
0x7c: {  	_ =	shalt  }
0x7d: {  	_ =	shalt  }
0x7e: {  	_ =	shalt  }
0x7f: {  	_ =	shalt  }
0x80: {  	_ =	shalt  }
0x81: {  	_ =	shalt  }
0x82: {  	_ =	shalt  }
0x83: {  	_ =	shalt  }
0x84: {  	_ =	shalt  }
0x85: {  	_ =	shalt  }
0x86: {  	_ =	shalt  }
0x87: {  	_ =	shalt  }
.Lfunc_end0:
.L_simem_size_0:
called_computation_lowered:
.L_overlay_start_0:
0x88: {  	s2 =	sld [smem:$0x3FD9]  }
0x89: {  	s3 =	sld [smem:$0x3FFE];
	_ =	sdelay $0x1  }
0x8a: {  	s1 =	srdreg.scid  }
0x8b: {  	s0 =	sand.u32 $0x1, s1  }
0x8c: {  	s16 =	sshll.u32 s0, $0xA;
	s2 =	sadd.s32 s3, s2  }
0x8d: {  	s2 =	sadd.s32 s2, s16  }
0x8e: {  	[smem:$0x3FC0] =	sst s2  }
0x8f: {  	_ = 	snop  }
0x90: {  	(tm) =	ssettm $0x1  }
0x91: {  	s17 =	sld [smem:$0x3FFB];
	_ =	sdelay $0x3  }
0x92: {  	_ =	strace s17  }
0x93: {  	s2 =	sld [smem:$0x3FFC];
	_ =	sdelay $0x3  }
0x94: {  	_ =	strace s2  }
0x95: {  	s2 =	sld [smem:$0x3FFD];
	_ =	sdelay $0x3  }
0x96: {  	_ =	strace s2  }
0x97: {  	_ =	strace $0x8FFFFFFF  }
0x98: {  	s18 =	sld [smem:$0x3FDB];
	_ =	sdelay $0x1  }
0x99: {  	s19 =	simm.s32 $_scs_section_size  }
0x9a: {  	s4 =	simm.s32 $_size__tile_overlayer_lowered;
	s5 =	simm.s32 $_tile_overlayer_lowered  }
0x9b: {  	s22 =	simm.s32 $0x1BFF;
	s21 =	sshll.u32 s5, $0x1;
	s2 =	sadd.s32 s19, s18  }
0x9c: {  	s6 =	simm.s32 $0x0;
	s20 =	sshll.u32 s4, $0x1;
	s4 =	sadd.s32 s21, s2  }
0x9d: {  	[timem:s6], [sflag:s22] =	dma.local [hbm:s4], s20  }
0x9e: {  	_ =	swait.ge [sflag:s22], s20  }
0x9f: {  	s3 =	ssub.s32 $0x0, s20;
	[sflag:s22] =	ssyncset.done $0x0  }
0xa0: {  	[sflag:s22] =	ssyncadd.s32 s3;
	_ =	sdelay $0x1  }
0xa1: {  	s23 =	simm.s32 $0x1B8B  }
0xa2: {  	_ =	swait.ge [sflag:s23], $0x1  }
0xa3: {  	[sflag:s23] =	ssyncset.done $0x0  }
0xa4: {  	s25 =	simm.s32 $0x1B8E;
	s24 =	sld [smem:$0x3FFE];
	[sflag:s23] =	ssyncadd.s32 $0xFFFFFFFF  }
0xa5: {  	s26 =	simm.s32 $execute0_lowered;
	[smem:$0x3FD2] =	sst s25  }
0xa6: {  	s4 =	sshll.u32 s26, $0x1;
	_ =	strace $0x80000046;
	[dreg:$0x1] =	wrdreg $0xFFFFFFFF  }
0xa7: {  	s28 =	simm.s32 $_size_execute0_lowered;
	s2 =	sadd.s32 s2, s4;
	[dreg:$0x0] =	wrdreg $0x0  }
0xa8: {  	s4 =	sshll.u32 s28, $0x1;
	[dreg:$0x2] =	wrdreg s2  }
0xa9: {  	[dreg:$0x3] =	wrdreg s4  }
0xaa: {  	[dreg:$0x4] =	wrdreg $0xC0  }
0xab: {  	_ =	task [dreg:s6], $0x5FFFF  }
0xac: {  	[dreg:$0x1] =	wrdreg $0xFFFFFFFF  }
0xad: {  	[dreg:$0x0] =	wrdreg $0x60  }
0xae: {  	[dreg:$0x2] =	wrdreg s24  }
0xaf: {  	[dreg:$0x3] =	wrdreg $0xA2800  }
0xb0: {  	[dreg:$0x4] =	wrdreg $0x9  }
0xb1: {  	_ =	task.clear_ibuf [dreg:s6], $0x5FFFF;
	_ =	strace $0x90000046  }
0xb2: {  	s29 =	simm.s32 $0x9;
	_ =	strace $0x80000048  }
0xb3: {  	_ =	swait.ge [sflag:s29], $0x1  }
0xb4: {  	[sflag:s29] =	ssyncadd.s32 $0xFFFFFFFF  }
0xb5: {  	_ =	strace $0x90000048  }
0xb6: {  	_ =	sfence  }
0xb7: {  	s30 =	sld [smem:$0x0];
	_ =	sdelay $0x2  }
0xb8: {  	s31 =	sshll.u32 s1, $0xD;
	s1 =	sshrl.u32 s1, $0x2  }
0xb9: {  	s3 =	sand.u32 $0x4000, s31;
	s1 =	sadd.s32 s1, s30  }
0xba: {  	s0 =	sor.u32 s3, s0;
	s1 =	sshll.u32 s1, $0x11  }
0xbb: {  	s0 =	sor.u32 s1, s0  }
0xbc: {  	s0 =	sadd.s32 $0x8F2B, s0  }
0xbd: {  	[sflag:s0] =	ssyncadd.remote.s32 $0x1  }
0xbe: {  	_ =	sfence.sel $0xFFFF  }
0xbf: {  	[dreg:$0x0] =	wrdreg $0xFFFFFFFF;
	(pc) =	sbr.abs _section_cstart, $3  }
0xc0: {  	[dreg:$0x1] =	wrdreg $0xFFFFFFFF  }
0xc1: {  	_ =	task.clear_ibuf [dreg:s6], $0x2FFFF;
	_ =	strace $0x9FFFFFFF  }
0xc2: {  	(tm) =	ssettm $0x7FFFFFFF  }
0xc3: {  	_ =	shalt  }
tec
execute0_lowered:
.L_overlay_start_1:
0x0: {  	(tag) =	ssettag $0x1  }
0x1: {  	s0 =	rddreg [dreg:$0x0]  }
0x2: {  	s1 =	srdreg.scid;
	s8 =	stileid.u32  }
0x3: {  	s3 =	rddreg [dreg:$0x1];
	s2 =	simm.s32 $0x0;
	s4 =	smul.u32 $0xA000, s8  }
0x4: {  	s1 =	sand.u32 $0x1, s1;
	[smem:$0x7FF] =	sst s2;
	s6 =	smul.u32 $0x500, s8  }
0x5: {  	s9 =	sshrl.u32 s8, $0x3;
	s7 =	smul.u32 $0x5000, s8;
	s11 =	sshll.u32 s8, $0x7  }
0x6: {  	s5 =	sshll.u32 s1, $0x7;
	_ =	strace $0x80000047;
	s1 =	ssub.s32 $0x2, s1  }
0x7: {  	s4 =	sor.u32 s5, s4;
	s5 =	sor.u32 s5, s6;
	s6 =	smul.u32 $0x50000, s9  }
0x8: {  	s10 =	sshrl.u32 s1, $0x1;
	s4 =	sshrl.u32 s4, $0x3;
	s5 =	sshrl.u32 s5, $0x3  }
0x9: {  	s7 =	sshrl.u32 s7, $0x2;
	s4 =	sadd.s32 s4, s0;
	s0 =	sadd.s32 s5, s0  }
0xa: {  	s6 =	sshrl.u32 s6, $0x2;
	s5 =	sand.u32 $0x380, s11;
	s4 =	sadd.s32 $0x2800, s4  }
0xb: {  	s6 =	sadd.s32 s6, s3;
	s0 =	sadd.s32 $0x16800, s0;
	[dreg:$0x3] =	wrdreg s4  }
0xc: {  	s1 =	ssub.s32 s1, s10;
	s12 =	sadd.s32 s5, s6;
	[dreg:$0x14] =	wrdreg s0  }
0xd: {  	s5 =	sadd.s32 s7, s3;
	s4 =	smax.u32 s1, $0x1;
	[dreg:$0x4] =	wrdreg s12  }
0xe: {  	s3 =	sadd.s32 $0x80, s5;
	[dreg:$0x15] =	wrdreg s4  }
0xf: {  	s13 =	sadd.s32 $0x100, s5;
	[dreg:$0x5] =	wrdreg s3  }
0x10: {  	s14 =	sadd.s32 $0x180, s5;
	[dreg:$0x6] =	wrdreg s13  }
0x11: {  	s15 =	sadd.s32 $0x200, s5;
	[dreg:$0x7] =	wrdreg s14  }
0x12: {  	s16 =	sadd.s32 $0x280, s5;
	[dreg:$0x8] =	wrdreg s15  }
0x13: {  	s17 =	sadd.s32 $0x300, s5;
	[dreg:$0x9] =	wrdreg s16  }
0x14: {  	s18 =	sadd.s32 $0x380, s5;
	[dreg:$0xa] =	wrdreg s17  }
0x15: {  	s19 =	sadd.s32 $0x14000, s5;
	[dreg:$0xb] =	wrdreg s18  }
0x16: {  	s20 =	sadd.s32 $0x14080, s5;
	[dreg:$0xc] =	wrdreg s19  }
0x17: {  	s21 =	sadd.s32 $0x14100, s5;
	[dreg:$0xd] =	wrdreg s20  }
0x18: {  	s22 =	sadd.s32 $0x14180, s5;
	[dreg:$0xe] =	wrdreg s21  }
0x19: {  	s23 =	sadd.s32 $0x14200, s5;
	[dreg:$0xf] =	wrdreg s22  }
0x1a: {  	s24 =	sadd.s32 $0x14280, s5;
	[dreg:$0x10] =	wrdreg s23  }
0x1b: {  	s25 =	sadd.s32 $0x14300, s5;
	[dreg:$0x11] =	wrdreg s24  }
0x1c: {  	s26 =	sadd.s32 $0x14380, s5;
	[dreg:$0x12] =	wrdreg s25  }
0x1d: {  	s6 =	sadd.s32 $0x400, s5;
	[dreg:$0x13] =	wrdreg s26  }
0x1e: {  	s7 =	sadd.s32 $0x800, s5;
	[dreg:$0x16] =	wrdreg s6  }
0x1f: {  	s8 =	sadd.s32 $0xC00, s5;
	[dreg:$0x17] =	wrdreg s7  }
0x20: {  	s9 =	sadd.s32 $0x1000, s5;
	[dreg:$0x18] =	wrdreg s8  }
0x21: {  	s10 =	sadd.s32 $0x480, s5;
	[dreg:$0x19] =	wrdreg s9  }
0x22: {  	s11 =	sadd.s32 $0x880, s5;
	[dreg:$0x1a] =	wrdreg s10  }
0x23: {  	s12 =	sadd.s32 $0xC80, s5;
	[dreg:$0x1b] =	wrdreg s11  }
0x24: {  	s1 =	sadd.s32 $0xA80, s5;
	[dreg:$0x1c] =	wrdreg s12  }
0x25: {  	s4 =	sadd.s32 $0x1280, s5;
	[smem:$0x7E6] =	sst s1  }
0x26: {  	s13 =	sadd.s32 $0x1080, s5;
	[smem:$0x7E8] =	sst s4  }
0x27: {  	s14 =	sadd.s32 $0x500, s5;
	[dreg:$0x1d] =	wrdreg s13  }
0x28: {  	s15 =	sadd.s32 $0x900, s5;
	[dreg:$0x1e] =	wrdreg s14  }
0x29: {  	s16 =	sadd.s32 $0xD00, s5;
	[dreg:$0x1f] =	wrdreg s15  }
0x2a: {  	s17 =	sadd.s32 $0x1100, s5;
	[smem:$0x7DB] =	sst s16  }
0x2b: {  	s18 =	sadd.s32 $0x580, s5;
	[smem:$0x7DC] =	sst s17  }
0x2c: {  	s19 =	sadd.s32 $0x980, s5;
	[smem:$0x7DD] =	sst s18  }
0x2d: {  	s20 =	sadd.s32 $0xD80, s5;
	[smem:$0x7DE] =	sst s19  }
0x2e: {  	s21 =	sadd.s32 $0x1180, s5;
	[smem:$0x7DF] =	sst s20  }
0x2f: {  	s22 =	sadd.s32 $0x600, s5;
	[smem:$0x7E0] =	sst s21  }
0x30: {  	s23 =	sadd.s32 $0xA00, s5;
	[smem:$0x7E1] =	sst s22  }
0x31: {  	s24 =	sadd.s32 $0xE00, s5;
	[smem:$0x7E2] =	sst s23  }
0x32: {  	s25 =	sadd.s32 $0x1200, s5;
	[smem:$0x7E3] =	sst s24  }
0x33: {  	s26 =	sadd.s32 $0x680, s5;
	[smem:$0x7E4] =	sst s25  }
0x34: {  	s3 =	sadd.s32 $0xE80, s5;
	[smem:$0x7E5] =	sst s26  }
0x35: {  	s6 =	sadd.s32 $0x700, s5;
	[smem:$0x7E7] =	sst s3  }
0x36: {  	s7 =	sadd.s32 $0xB00, s5;
	[smem:$0x7E9] =	sst s6  }
0x37: {  	s8 =	sadd.s32 $0xF00, s5;
	[smem:$0x7EA] =	sst s7  }
0x38: {  	s9 =	sadd.s32 $0x1300, s5;
	[smem:$0x7EB] =	sst s8  }
0x39: {  	s10 =	sadd.s32 $0x780, s5;
	[smem:$0x7EC] =	sst s9  }
0x3a: {  	s11 =	sadd.s32 $0xB80, s5;
	[smem:$0x7ED] =	sst s10  }
0x3b: {  	s12 =	sadd.s32 $0xF80, s5;
	[smem:$0x7EE] =	sst s11  }
0x3c: {  	[smem:$0x7EF] =	sst s12;
	s13 =	sadd.s32 $0x1380, s5  }
0x3d: {  	s14 =	sadd.s32 $0x14400, s5;
	[smem:$0x7F0] =	sst s13  }
0x3e: {  	s15 =	sadd.s32 $0x14800, s5;
	[smem:$0x7F1] =	sst s14  }
0x3f: {  	s16 =	sadd.s32 $0x14C00, s5;
	[smem:$0x7F2] =	sst s15  }
0x40: {  	s30 =	simm.s32 $0x80;
	s17 =	sadd.s32 $0x15000, s5;
	[smem:$0x7F3] =	sst s16  }
0x41: {  	s31 =	simm.s32 $0x100;
	s18 =	sadd.s32 $0x14480, s5;
	[smem:$0x7F4] =	sst s17  }
0x42: {  	s0 =	simm.s32 $0x5000;
	s19 =	sadd.s32 $0x14880, s5;
	[smem:$0x7F5] =	sst s18  }
0x43: {  	s28 =	sadd.s32 $0x14F80, s5;
	s20 =	sadd.s32 $0x14C80, s5;
	[smem:$0x7F6] =	sst s19  }
0x44: {  	s29 =	sadd.s32 $0x15380, s5;
	s21 =	sadd.s32 $0x15080, s5;
	[smem:$0x7F7] =	sst s20  }
0x45: {  	s1 =	simm.s32 $0x2;
	s22 =	sadd.s32 $0x14500, s5;
	[smem:$0x7F8] =	sst s21  }
0x46: {  	s23 =	sadd.s32 $0x14900, s5;
	s24 =	sadd.s32 $0x14D00, s5;
	[smem:$0x7F9] =	sst s22  }
0x47: {  	s25 =	sadd.s32 $0x15100, s5;
	s26 =	sadd.s32 $0x14580, s5;
	[smem:$0x7FA] =	sst s23  }
0x48: {  	s10 =	sadd.s32 $0x14980, s5;
	s11 =	sadd.s32 $0x14D80, s5;
	[smem:$0x7FB] =	sst s24  }
0x49: {  	s12 =	sadd.s32 $0x15180, s5;
	s3 =	simm.s32 $0x1;
	[smem:$0x7FC] =	sst s25  }
0x4a: {  	[smem:$0x7FD] =	sst s26;
	s13 =	sadd.s32 $0x14600, s5;
	s14 =	sadd.s32 $0x14A00, s5  }
0x4b: {  	s15 =	sadd.s32 $0x14E00, s5;
	s16 =	sadd.s32 $0x15200, s5;
	s17 =	sadd.s32 $0x14680, s5  }
0x4c: {  	s18 =	sadd.s32 $0x14A80, s5;
	s19 =	sadd.s32 $0x14E80, s5;
	s20 =	sadd.s32 $0x15280, s5  }
0x4d: {  	s21 =	sadd.s32 $0x14700, s5;
	s22 =	sadd.s32 $0x14B00, s5;
	s23 =	sadd.s32 $0x14F00, s5  }
0x4e: {  	v0 =	vimm.f32 $0.0e+00;
	v1 =	vimm.f32 $1.000000000e+00;
	s24 =	sadd.s32 $0x15300, s5;
	s25 =	sadd.s32 $0x14780, s5;
	s26 =	sadd.s32 $0x14B80, s5  }
.LBB2_1:
0x4f: {  	s4 =	simm.s32 $0x40;
	s6 =	simm.s32 $0x0  }
.LBB2_2:
0x50: {  	p0 =	sne.s32 s4, $0x9FC0;
	[tilespmem:s6+$0x5000] =	vst v0;
	s6 =	smov.u32 s4;
	s4 =	sadd.s32 $0x40, s4  }
.Ltmp0:
0x51: {  	(pc) =	sbr.rel @p0 .LBB2_2-.Ltmp0, $2  }
0x52: {  	_ =	sdelay $0x2  }
0x53: {  	s6 =	sshra.s32 s6, $0x2  }
0x54: {  	[tilespmem:s6+$0x5000] =	vst v0;
	s4 =	simm.s32 $0x0;
	s9 =	rddreg [dreg:$0x3]  }
0x55: {  	[tilespmem:s4], [sflag:$0x2] =	stream.strided.gather [hbm4b:s9+s30], $0x5000, s31, s30, $0x38;
	[tilespmem:$0xCA80] =	vst v63  }
0x56: {  	_ =	swait.ge [sflag:s1], $0x5000  }
0x57: {  	[sflag:s1] =	ssyncset.done $0x0  }
0x58: {  	s6 =	simm.s32 $0x0;
	s4 =	simm.s32 $0x40;
	[sflag:s1] =	ssyncadd.s32 $0xFFFFB000  }
.LBB2_4:
0x59: {  	p0 =	sne.s32 s4, $0x13FC0;
	v2 =	vld [tilespmem:s6+$0x0];
	_ =	sdelay $0x3  }
.Ltmp1:
0x5a: {  	(pc) =	sbr.rel @p0 .LBB2_4-.Ltmp1, $2  }
0x5b: {  	_ =	sdelay $0x2  }
0x5c: {  	s6 =	sshra.s32 s4, $0x2;
	s4 =	sadd.s32 $0x40, s4;
	[tilespmem:v2+s0+$0x0] =	vst.idx.add.f32.msk $0xffff, v1  }
0x5d: {  	v2 =	vld [tilespmem:s6+$0x0];
	_ =	sdelay $0x7  }
0x5e: {  	s4 =	rddreg [dreg:$0x4];
	s8 =	simm.s32 $0x400;
	[tilespmem:v2+s0+$0x0] =	vst.idx.add.f32.msk $0xffff, v1  }
0x5f: {  	[spmem:s4] =	stream.strided.scatter [tilespmem:s0], [sflag:$0x2], $0x2800, s8, s30, $0x38;
	[tilespmem:$0xCA80] =	vst v63  }
0x60: {  	_ =	swait.ge [sflag:s1], $0x2800  }
0x61: {  	[sflag:s1] =	ssyncset.done $0x0  }
0x62: {  	[sflag:s1] =	ssyncadd.s32 $0xFFFFD800  }
0x63: {  	s9 =	simm.s32 $0x7800;
	[bflag:$0x0] =	sbarrier.arrive $0xFFFF  }
0x64: {  	[tilespmem:s9], [sflag:$0x1] =	stream.linear.gather [spmem:s5], $0x80, $0x38;
	[tilespmem:$0xCA80] =	vst v63  }
0x65: {  	s6 =	rddreg [dreg:$0x16]  }
0x66: {  	s7 =	simm.s32 $0x7C00;
	s8 =	rddreg [dreg:$0x17]  }
0x67: {  	[tilespmem:s7], [sflag:$0x1] =	stream.linear.gather [spmem:s6], $0x80, $0x38;
	[tilespmem:$0xCA80] =	vst v63  }
0x68: {  	s9 =	simm.s32 $0x8000;
	s6 =	rddreg [dreg:$0x18]  }
0x69: {  	[tilespmem:s9], [sflag:$0x1] =	stream.linear.gather [spmem:s8], $0x80, $0x38;
	[tilespmem:$0xCA80] =	vst v63  }
0x6a: {  	s7 =	simm.s32 $0x8400;
	s8 =	rddreg [dreg:$0x19]  }
0x6b: {  	[tilespmem:s7], [sflag:$0x1] =	stream.linear.gather [spmem:s6], $0x80, $0x38;
	[tilespmem:$0xCA80] =	vst v63  }
0x6c: {  	s9 =	simm.s32 $0x8800;
	s6 =	rddreg [dreg:$0x5]  }
0x6d: {  	[tilespmem:s9], [sflag:$0x1] =	stream.linear.gather [spmem:s8], $0x80, $0x38;
	[tilespmem:$0xCA80] =	vst v63  }
0x6e: {  	s7 =	simm.s32 $0x7880;
	s8 =	rddreg [dreg:$0x1a]  }
0x6f: {  	[tilespmem:s7], [sflag:$0x1] =	stream.linear.gather [spmem:s6], $0x80, $0x38;
	[tilespmem:$0xCA80] =	vst v63  }
0x70: {  	s9 =	simm.s32 $0x7C80;
	s6 =	rddreg [dreg:$0x1b]  }
0x71: {  	[tilespmem:s9], [sflag:$0x1] =	stream.linear.gather [spmem:s8], $0x80, $0x38;
	[tilespmem:$0xCA80] =	vst v63  }
0x72: {  	s7 =	simm.s32 $0x8080;
	s8 =	rddreg [dreg:$0x1c]  }
0x73: {  	[tilespmem:s7], [sflag:$0x1] =	stream.linear.gather [spmem:s6], $0x80, $0x38;
	[tilespmem:$0xCA80] =	vst v63  }
0x74: {  	s9 =	simm.s32 $0x8480;
	s6 =	rddreg [dreg:$0x1d]  }
0x75: {  	[tilespmem:s9], [sflag:$0x1] =	stream.linear.gather [spmem:s8], $0x80, $0x38;
	[tilespmem:$0xCA80] =	vst v63  }
0x76: {  	s7 =	simm.s32 $0x8880;
	s8 =	rddreg [dreg:$0x6]  }
0x77: {  	[tilespmem:s7], [sflag:$0x1] =	stream.linear.gather [spmem:s6], $0x80, $0x38;
	[tilespmem:$0xCA80] =	vst v63  }
0x78: {  	s9 =	simm.s32 $0x7900;
	s6 =	rddreg [dreg:$0x1e]  }
0x79: {  	[tilespmem:s9], [sflag:$0x1] =	stream.linear.gather [spmem:s8], $0x80, $0x38;
	[tilespmem:$0xCA80] =	vst v63  }
0x7a: {  	s7 =	simm.s32 $0x7D00;
	s8 =	rddreg [dreg:$0x1f]  }
0x7b: {  	[tilespmem:s7], [sflag:$0x1] =	stream.linear.gather [spmem:s6], $0x80, $0x38;
	[tilespmem:$0xCA80] =	vst v63  }
0x7c: {  	s9 =	simm.s32 $0x8100;
	s6 =	sld [smem:$0x7DB]  }
0x7d: {  	[tilespmem:s9], [sflag:$0x1] =	stream.linear.gather [spmem:s8], $0x80, $0x38;
	[tilespmem:$0xCA80] =	vst v63  }
0x7e: {  	s7 =	simm.s32 $0x8500;
	s8 =	sld [smem:$0x7DC]  }
0x7f: {  	[tilespmem:s7], [sflag:$0x1] =	stream.linear.gather [spmem:s6], $0x80, $0x38;
	[tilespmem:$0xCA80] =	vst v63  }
0x80: {  	s9 =	simm.s32 $0x8900;
	s6 =	rddreg [dreg:$0x7]  }
0x81: {  	[tilespmem:s9], [sflag:$0x1] =	stream.linear.gather [spmem:s8], $0x80, $0x38;
	[tilespmem:$0xCA80] =	vst v63  }
0x82: {  	s7 =	simm.s32 $0x7980;
	s8 =	sld [smem:$0x7DD]  }
0x83: {  	[tilespmem:s7], [sflag:$0x1] =	stream.linear.gather [spmem:s6], $0x80, $0x38;
	[tilespmem:$0xCA80] =	vst v63  }
0x84: {  	s9 =	simm.s32 $0x7D80;
	s6 =	sld [smem:$0x7DE]  }
0x85: {  	[tilespmem:s9], [sflag:$0x1] =	stream.linear.gather [spmem:s8], $0x80, $0x38;
	[tilespmem:$0xCA80] =	vst v63  }
0x86: {  	s7 =	simm.s32 $0x8180;
	s8 =	sld [smem:$0x7DF]  }
0x87: {  	[tilespmem:s7], [sflag:$0x1] =	stream.linear.gather [spmem:s6], $0x80, $0x38;
	[tilespmem:$0xCA80] =	vst v63  }
0x88: {  	s9 =	simm.s32 $0x8580;
	s6 =	sld [smem:$0x7E0]  }
0x89: {  	[tilespmem:s9], [sflag:$0x1] =	stream.linear.gather [spmem:s8], $0x80, $0x38;
	[tilespmem:$0xCA80] =	vst v63  }
0x8a: {  	s7 =	simm.s32 $0x8980;
	s8 =	rddreg [dreg:$0x8]  }
0x8b: {  	[tilespmem:s7], [sflag:$0x1] =	stream.linear.gather [spmem:s6], $0x80, $0x38;
	[tilespmem:$0xCA80] =	vst v63  }
0x8c: {  	s9 =	simm.s32 $0x7A00;
	s6 =	sld [smem:$0x7E1]  }
0x8d: {  	[tilespmem:s9], [sflag:$0x1] =	stream.linear.gather [spmem:s8], $0x80, $0x38;
	[tilespmem:$0xCA80] =	vst v63  }
0x8e: {  	s7 =	simm.s32 $0x7E00;
	s8 =	sld [smem:$0x7E2]  }
0x8f: {  	[tilespmem:s7], [sflag:$0x1] =	stream.linear.gather [spmem:s6], $0x80, $0x38;
	[tilespmem:$0xCA80] =	vst v63  }
0x90: {  	s9 =	simm.s32 $0x8200;
	s6 =	sld [smem:$0x7E3]  }
0x91: {  	[tilespmem:s9], [sflag:$0x1] =	stream.linear.gather [spmem:s8], $0x80, $0x38;
	[tilespmem:$0xCA80] =	vst v63  }
0x92: {  	s7 =	simm.s32 $0x8600;
	s8 =	sld [smem:$0x7E4]  }
0x93: {  	[tilespmem:s7], [sflag:$0x1] =	stream.linear.gather [spmem:s6], $0x80, $0x38;
	[tilespmem:$0xCA80] =	vst v63  }
0x94: {  	s9 =	simm.s32 $0x8A00;
	s6 =	rddreg [dreg:$0x9]  }
0x95: {  	[tilespmem:s9], [sflag:$0x1] =	stream.linear.gather [spmem:s8], $0x80, $0x38;
	[tilespmem:$0xCA80] =	vst v63  }
0x96: {  	s7 =	simm.s32 $0x7A80;
	s8 =	sld [smem:$0x7E5]  }
0x97: {  	[tilespmem:s7], [sflag:$0x1] =	stream.linear.gather [spmem:s6], $0x80, $0x38;
	[tilespmem:$0xCA80] =	vst v63  }
0x98: {  	s9 =	simm.s32 $0x7E80;
	s6 =	sld [smem:$0x7E6]  }
0x99: {  	[tilespmem:s9], [sflag:$0x1] =	stream.linear.gather [spmem:s8], $0x80, $0x38;
	[tilespmem:$0xCA80] =	vst v63  }
0x9a: {  	s7 =	simm.s32 $0x8280;
	s8 =	sld [smem:$0x7E7]  }
0x9b: {  	[tilespmem:s7], [sflag:$0x1] =	stream.linear.gather [spmem:s6], $0x80, $0x38;
	[tilespmem:$0xCA80] =	vst v63  }
0x9c: {  	s9 =	simm.s32 $0x8680;
	s6 =	sld [smem:$0x7E8]  }
0x9d: {  	[tilespmem:s9], [sflag:$0x1] =	stream.linear.gather [spmem:s8], $0x80, $0x38;
	[tilespmem:$0xCA80] =	vst v63  }
0x9e: {  	s7 =	simm.s32 $0x8A80;
	s8 =	rddreg [dreg:$0xa]  }
0x9f: {  	[tilespmem:s7], [sflag:$0x1] =	stream.linear.gather [spmem:s6], $0x80, $0x38;
	[tilespmem:$0xCA80] =	vst v63  }
0xa0: {  	s9 =	simm.s32 $0x7B00;
	s6 =	sld [smem:$0x7E9]  }
0xa1: {  	[tilespmem:s9], [sflag:$0x1] =	stream.linear.gather [spmem:s8], $0x80, $0x38;
	[tilespmem:$0xCA80] =	vst v63  }
0xa2: {  	s7 =	simm.s32 $0x7F00;
	s8 =	sld [smem:$0x7EA]  }
0xa3: {  	[tilespmem:s7], [sflag:$0x1] =	stream.linear.gather [spmem:s6], $0x80, $0x38;
	[tilespmem:$0xCA80] =	vst v63  }
0xa4: {  	s9 =	simm.s32 $0x8300;
	s6 =	sld [smem:$0x7EB]  }
0xa5: {  	[tilespmem:s9], [sflag:$0x1] =	stream.linear.gather [spmem:s8], $0x80, $0x38;
	[tilespmem:$0xCA80] =	vst v63  }
0xa6: {  	s7 =	simm.s32 $0x8700;
	s8 =	sld [smem:$0x7EC]  }
0xa7: {  	[tilespmem:s7], [sflag:$0x1] =	stream.linear.gather [spmem:s6], $0x80, $0x38;
	[tilespmem:$0xCA80] =	vst v63  }
0xa8: {  	s9 =	simm.s32 $0x8B00;
	s6 =	rddreg [dreg:$0xb]  }
0xa9: {  	[tilespmem:s9], [sflag:$0x1] =	stream.linear.gather [spmem:s8], $0x80, $0x38;
	[tilespmem:$0xCA80] =	vst v63  }
0xaa: {  	s7 =	simm.s32 $0x7B80;
	s8 =	sld [smem:$0x7ED]  }
0xab: {  	[tilespmem:s7], [sflag:$0x1] =	stream.linear.gather [spmem:s6], $0x80, $0x38;
	[tilespmem:$0xCA80] =	vst v63  }
0xac: {  	s9 =	simm.s32 $0x7F80;
	s6 =	sld [smem:$0x7EE]  }
0xad: {  	[tilespmem:s9], [sflag:$0x1] =	stream.linear.gather [spmem:s8], $0x80, $0x38;
	[tilespmem:$0xCA80] =	vst v63  }
0xae: {  	s7 =	simm.s32 $0x8380;
	s8 =	sld [smem:$0x7EF]  }
0xaf: {  	[tilespmem:s7], [sflag:$0x1] =	stream.linear.gather [spmem:s6], $0x80, $0x38;
	[tilespmem:$0xCA80] =	vst v63  }
0xb0: {  	s9 =	simm.s32 $0x8780;
	s6 =	sld [smem:$0x7F0]  }
0xb1: {  	[tilespmem:s9], [sflag:$0x1] =	stream.linear.gather [spmem:s8], $0x80, $0x38;
	[tilespmem:$0xCA80] =	vst v63  }
0xb2: {  	s7 =	simm.s32 $0x8B80;
	s8 =	rddreg [dreg:$0xc]  }
0xb3: {  	[tilespmem:s7], [sflag:$0x1] =	stream.linear.gather [spmem:s6], $0x80, $0x38;
	[tilespmem:$0xCA80] =	vst v63  }
0xb4: {  	s9 =	simm.s32 $0x8C00;
	s6 =	sld [smem:$0x7F1]  }
0xb5: {  	[tilespmem:s9], [sflag:$0x1] =	stream.linear.gather [spmem:s8], $0x80, $0x38;
	[tilespmem:$0xCA80] =	vst v63  }
0xb6: {  	s7 =	simm.s32 $0x9000;
	s8 =	sld [smem:$0x7F2]  }
0xb7: {  	[tilespmem:s7], [sflag:$0x1] =	stream.linear.gather [spmem:s6], $0x80, $0x38;
	[tilespmem:$0xCA80] =	vst v63  }
0xb8: {  	s9 =	simm.s32 $0x9400;
	s6 =	sld [smem:$0x7F3]  }
0xb9: {  	[tilespmem:s9], [sflag:$0x1] =	stream.linear.gather [spmem:s8], $0x80, $0x38;
	[tilespmem:$0xCA80] =	vst v63  }
0xba: {  	s7 =	simm.s32 $0x9800;
	s8 =	sld [smem:$0x7F4]  }
0xbb: {  	[tilespmem:s7], [sflag:$0x1] =	stream.linear.gather [spmem:s6], $0x80, $0x38;
	[tilespmem:$0xCA80] =	vst v63  }
0xbc: {  	s9 =	simm.s32 $0x9C00;
	s6 =	rddreg [dreg:$0xd]  }
0xbd: {  	[tilespmem:s9], [sflag:$0x1] =	stream.linear.gather [spmem:s8], $0x80, $0x38;
	[tilespmem:$0xCA80] =	vst v63  }
0xbe: {  	s7 =	simm.s32 $0x8C80;
	s8 =	sld [smem:$0x7F5]  }
0xbf: {  	[tilespmem:s7], [sflag:$0x1] =	stream.linear.gather [spmem:s6], $0x80, $0x38;
	[tilespmem:$0xCA80] =	vst v63  }
0xc0: {  	s9 =	simm.s32 $0x9080;
	s6 =	sld [smem:$0x7F6]  }
0xc1: {  	[tilespmem:s9], [sflag:$0x1] =	stream.linear.gather [spmem:s8], $0x80, $0x38;
	[tilespmem:$0xCA80] =	vst v63  }
0xc2: {  	s7 =	simm.s32 $0x9480;
	s8 =	sld [smem:$0x7F7]  }
0xc3: {  	[tilespmem:s7], [sflag:$0x1] =	stream.linear.gather [spmem:s6], $0x80, $0x38;
	[tilespmem:$0xCA80] =	vst v63  }
0xc4: {  	s9 =	simm.s32 $0x9880;
	s6 =	sld [smem:$0x7F8]  }
0xc5: {  	[tilespmem:s9], [sflag:$0x1] =	stream.linear.gather [spmem:s8], $0x80, $0x38;
	[tilespmem:$0xCA80] =	vst v63  }
0xc6: {  	s7 =	simm.s32 $0x9C80;
	s8 =	rddreg [dreg:$0xe]  }
0xc7: {  	[tilespmem:s7], [sflag:$0x1] =	stream.linear.gather [spmem:s6], $0x80, $0x38;
	[tilespmem:$0xCA80] =	vst v63  }
0xc8: {  	s9 =	simm.s32 $0x8D00;
	s6 =	sld [smem:$0x7F9]  }
0xc9: {  	[tilespmem:s9], [sflag:$0x1] =	stream.linear.gather [spmem:s8], $0x80, $0x38;
	[tilespmem:$0xCA80] =	vst v63  }
0xca: {  	s7 =	simm.s32 $0x9100;
	s8 =	sld [smem:$0x7FA]  }
0xcb: {  	[tilespmem:s7], [sflag:$0x1] =	stream.linear.gather [spmem:s6], $0x80, $0x38;
	[tilespmem:$0xCA80] =	vst v63  }
0xcc: {  	s9 =	simm.s32 $0x9500;
	s6 =	sld [smem:$0x7FB]  }
0xcd: {  	[tilespmem:s9], [sflag:$0x1] =	stream.linear.gather [spmem:s8], $0x80, $0x38;
	[tilespmem:$0xCA80] =	vst v63  }
0xce: {  	s7 =	simm.s32 $0x9900;
	s8 =	sld [smem:$0x7FC]  }
0xcf: {  	[tilespmem:s7], [sflag:$0x1] =	stream.linear.gather [spmem:s6], $0x80, $0x38;
	[tilespmem:$0xCA80] =	vst v63  }
0xd0: {  	s9 =	simm.s32 $0x9D00;
	s6 =	rddreg [dreg:$0xf]  }
0xd1: {  	[tilespmem:s9], [sflag:$0x1] =	stream.linear.gather [spmem:s8], $0x80, $0x38;
	[tilespmem:$0xCA80] =	vst v63  }
0xd2: {  	s7 =	simm.s32 $0x8D80;
	s8 =	sld [smem:$0x7FD]  }
0xd3: {  	[tilespmem:s7], [sflag:$0x1] =	stream.linear.gather [spmem:s6], $0x80, $0x38;
	[tilespmem:$0xCA80] =	vst v63  }
0xd4: {  	s9 =	simm.s32 $0x9180  }
0xd5: {  	[tilespmem:s9], [sflag:$0x1] =	stream.linear.gather [spmem:s8], $0x80, $0x38;
	[tilespmem:$0xCA80] =	vst v63  }
0xd6: {  	s7 =	simm.s32 $0x9580  }
0xd7: {  	[tilespmem:s7], [sflag:$0x1] =	stream.linear.gather [spmem:s10], $0x80, $0x38;
	[tilespmem:$0xCA80] =	vst v63  }
0xd8: {  	s8 =	simm.s32 $0x9980  }
0xd9: {  	[tilespmem:s8], [sflag:$0x1] =	stream.linear.gather [spmem:s11], $0x80, $0x38;
	[tilespmem:$0xCA80] =	vst v63  }
0xda: {  	s9 =	simm.s32 $0x9D80  }
0xdb: {  	[tilespmem:s9], [sflag:$0x1] =	stream.linear.gather [spmem:s12], $0x80, $0x38;
	[tilespmem:$0xCA80] =	vst v63  }
0xdc: {  	s6 =	rddreg [dreg:$0x10];
	s7 =	simm.s32 $0x8E00  }
0xdd: {  	[tilespmem:s7], [sflag:$0x1] =	stream.linear.gather [spmem:s6], $0x80, $0x38;
	[tilespmem:$0xCA80] =	vst v63  }
0xde: {  	s8 =	simm.s32 $0x9200  }
0xdf: {  	[tilespmem:s8], [sflag:$0x1] =	stream.linear.gather [spmem:s13], $0x80, $0x38;
	[tilespmem:$0xCA80] =	vst v63  }
0xe0: {  	s9 =	simm.s32 $0x9600  }
0xe1: {  	[tilespmem:s9], [sflag:$0x1] =	stream.linear.gather [spmem:s14], $0x80, $0x38;
	[tilespmem:$0xCA80] =	vst v63  }
0xe2: {  	s6 =	simm.s32 $0x9A00  }
0xe3: {  	[tilespmem:s6], [sflag:$0x1] =	stream.linear.gather [spmem:s15], $0x80, $0x38;
	[tilespmem:$0xCA80] =	vst v63  }
0xe4: {  	s7 =	simm.s32 $0x9E00  }
0xe5: {  	[tilespmem:s7], [sflag:$0x1] =	stream.linear.gather [spmem:s16], $0x80, $0x38;
	[tilespmem:$0xCA80] =	vst v63  }
0xe6: {  	s8 =	rddreg [dreg:$0x11];
	s9 =	simm.s32 $0x8E80  }
0xe7: {  	[tilespmem:s9], [sflag:$0x1] =	stream.linear.gather [spmem:s8], $0x80, $0x38;
	[tilespmem:$0xCA80] =	vst v63  }
0xe8: {  	s6 =	simm.s32 $0x9280  }
0xe9: {  	[tilespmem:s6], [sflag:$0x1] =	stream.linear.gather [spmem:s17], $0x80, $0x38;
	[tilespmem:$0xCA80] =	vst v63  }
0xea: {  	s7 =	simm.s32 $0x9680  }
0xeb: {  	[tilespmem:s7], [sflag:$0x1] =	stream.linear.gather [spmem:s18], $0x80, $0x38;
	[tilespmem:$0xCA80] =	vst v63  }
0xec: {  	s8 =	simm.s32 $0x9A80  }
0xed: {  	[tilespmem:s8], [sflag:$0x1] =	stream.linear.gather [spmem:s19], $0x80, $0x38;
	[tilespmem:$0xCA80] =	vst v63  }
0xee: {  	s9 =	simm.s32 $0x9E80  }
0xef: {  	[tilespmem:s9], [sflag:$0x1] =	stream.linear.gather [spmem:s20], $0x80, $0x38;
	[tilespmem:$0xCA80] =	vst v63  }
0xf0: {  	s6 =	rddreg [dreg:$0x12];
	s7 =	simm.s32 $0x8F00  }
0xf1: {  	[tilespmem:s7], [sflag:$0x1] =	stream.linear.gather [spmem:s6], $0x80, $0x38;
	[tilespmem:$0xCA80] =	vst v63  }
0xf2: {  	s8 =	simm.s32 $0x9300  }
0xf3: {  	[tilespmem:s8], [sflag:$0x1] =	stream.linear.gather [spmem:s21], $0x80, $0x38;
	[tilespmem:$0xCA80] =	vst v63  }
0xf4: {  	s9 =	simm.s32 $0x9700  }
0xf5: {  	[tilespmem:s9], [sflag:$0x1] =	stream.linear.gather [spmem:s22], $0x80, $0x38;
	[tilespmem:$0xCA80] =	vst v63  }
0xf6: {  	s6 =	simm.s32 $0x9B00  }
0xf7: {  	[tilespmem:s6], [sflag:$0x1] =	stream.linear.gather [spmem:s23], $0x80, $0x38;
	[tilespmem:$0xCA80] =	vst v63  }
0xf8: {  	s7 =	simm.s32 $0x9F00  }
0xf9: {  	[tilespmem:s7], [sflag:$0x1] =	stream.linear.gather [spmem:s24], $0x80, $0x38;
	[tilespmem:$0xCA80] =	vst v63  }
0xfa: {  	s8 =	rddreg [dreg:$0x13];
	s9 =	simm.s32 $0x8F80  }
0xfb: {  	[tilespmem:s9], [sflag:$0x1] =	stream.linear.gather [spmem:s8], $0x80, $0x38;
	[tilespmem:$0xCA80] =	vst v63  }
0xfc: {  	s7 =	simm.s32 $0x9380  }
0xfd: {  	[tilespmem:s7], [sflag:$0x1] =	stream.linear.gather [spmem:s25], $0x80, $0x38;
	[tilespmem:$0xCA80] =	vst v63  }
0xfe: {  	s8 =	simm.s32 $0x9780  }
0xff: {  	[tilespmem:s8], [sflag:$0x1] =	stream.linear.gather [spmem:s26], $0x80, $0x38;
	[tilespmem:$0xCA80] =	vst v63  }
0x100: {  	s9 =	simm.s32 $0x9B80  }
0x101: {  	[tilespmem:s9], [sflag:$0x1] =	stream.linear.gather [spmem:s28], $0x80, $0x38;
	[tilespmem:$0xCA80] =	vst v63  }
0x102: {  	s6 =	simm.s32 $0x9F80  }
0x103: {  	[tilespmem:s6], [sflag:$0x1] =	stream.linear.gather [spmem:s29], $0x80, $0x38;
	[tilespmem:$0xCA80] =	vst v63  }
0x104: {  	_ =	swait.ge [sflag:s3], $0x280  }
0x105: {  	[sflag:s3] =	ssyncset.done $0x0  }
0x106: {  	[sflag:s3] =	ssyncadd.s32 $0xFFFFFD80  }
0x107: {  	_ =	swait.ge [sflag:s3], $0x280  }
0x108: {  	[sflag:s3] =	ssyncset.done $0x0  }
0x109: {  	[sflag:s3] =	ssyncadd.s32 $0xFFFFFD80  }
0x10a: {  	_ =	swait.ge [sflag:s3], $0x280  }
0x10b: {  	[sflag:s3] =	ssyncset.done $0x0  }
0x10c: {  	[sflag:s3] =	ssyncadd.s32 $0xFFFFFD80  }
0x10d: {  	_ =	swait.ge [sflag:s3], $0x280  }
0x10e: {  	[sflag:s3] =	ssyncset.done $0x0  }
0x10f: {  	[sflag:s3] =	ssyncadd.s32 $0xFFFFFD80  }
0x110: {  	_ =	swait.ge [sflag:s3], $0x280  }
0x111: {  	[sflag:s3] =	ssyncset.done $0x0  }
0x112: {  	[sflag:s3] =	ssyncadd.s32 $0xFFFFFD80  }
0x113: {  	_ =	swait.ge [sflag:s3], $0x280  }
0x114: {  	[sflag:s3] =	ssyncset.done $0x0  }
0x115: {  	[sflag:s3] =	ssyncadd.s32 $0xFFFFFD80  }
0x116: {  	_ =	swait.ge [sflag:s3], $0x280  }
0x117: {  	[sflag:s3] =	ssyncset.done $0x0  }
0x118: {  	[sflag:s3] =	ssyncadd.s32 $0xFFFFFD80  }
0x119: {  	_ =	swait.ge [sflag:s3], $0x280  }
0x11a: {  	[sflag:s3] =	ssyncset.done $0x0  }
0x11b: {  	[sflag:s3] =	ssyncadd.s32 $0xFFFFFD80  }
0x11c: {  	_ =	swait.ge [sflag:s3], $0x280  }
0x11d: {  	[sflag:s3] =	ssyncset.done $0x0  }
0x11e: {  	[sflag:s3] =	ssyncadd.s32 $0xFFFFFD80  }
0x11f: {  	_ =	swait.ge [sflag:s3], $0x280  }
0x120: {  	[sflag:s3] =	ssyncset.done $0x0  }
0x121: {  	[sflag:s3] =	ssyncadd.s32 $0xFFFFFD80  }
0x122: {  	_ =	swait.ge [sflag:s3], $0x280  }
0x123: {  	[sflag:s3] =	ssyncset.done $0x0  }
0x124: {  	[sflag:s3] =	ssyncadd.s32 $0xFFFFFD80  }
0x125: {  	_ =	swait.ge [sflag:s3], $0x280  }
0x126: {  	[sflag:s3] =	ssyncset.done $0x0  }
0x127: {  	[sflag:s3] =	ssyncadd.s32 $0xFFFFFD80  }
0x128: {  	_ =	swait.ge [sflag:s3], $0x280  }
0x129: {  	[sflag:s3] =	ssyncset.done $0x0  }
0x12a: {  	[sflag:s3] =	ssyncadd.s32 $0xFFFFFD80  }
0x12b: {  	_ =	swait.ge [sflag:s3], $0x280  }
0x12c: {  	[sflag:s3] =	ssyncset.done $0x0  }
0x12d: {  	[sflag:s3] =	ssyncadd.s32 $0xFFFFFD80  }
0x12e: {  	_ =	swait.ge [sflag:s3], $0x280  }
0x12f: {  	[sflag:s3] =	ssyncset.done $0x0  }
0x130: {  	[sflag:s3] =	ssyncadd.s32 $0xFFFFFD80  }
0x131: {  	s7 =	simm.s32 $0x0;
	_ =	swait.ge [sflag:s3], $0x280  }
0x132: {  	s4 =	sand.u32 $0x1C00, s7;
	s8 =	sand.u32 $0x70, s7;
	[sflag:s3] =	ssyncset.done $0x0  }
0x133: {  	s4 =	sor.u32 s8, s4;
	[sflag:s3] =	ssyncadd.s32 $0xFFFFFD80  }
0x134: {  	v2 =	vld [tilespmem:s4+$0x7880]  }
0x135: {  	v3 =	vld [tilespmem:s4+$0x7800];
	_ =	sdelay $0x1  }
0x136: {  	v4 =	vld [tilespmem:s4+$0x7900];
	_ =	sdelay $0x1  }
0x137: {  	v5 =	vld [tilespmem:s4+$0x7980]  }
0x138: {  	v2 =	vadd.f32 v2, v3  }
0x139: {  	v3 =	vld [tilespmem:s4+$0x7A00]  }
0x13a: {  	v2 =	vadd.f32 v4, v2  }
0x13b: {  	v56 =	vld [tilespmem:s4+$0x7A80]  }
0x13c: {  	v2 =	vadd.f32 v5, v2  }
0x13d: {  	v57 =	vld [tilespmem:s4+$0x7B00]  }
0x13e: {  	v2 =	vadd.f32 v3, v2  }
0x13f: {  	v3 =	vld [tilespmem:s4+$0x7B80]  }
0x140: {  	v2 =	vadd.f32 v56, v2  }
0x141: {  	v58 =	vld [tilespmem:s4+$0x8C00]  }
0x142: {  	v2 =	vadd.f32 v57, v2  }
0x143: {  	v59 =	vld [tilespmem:s4+$0x8C80]  }
0x144: {  	v2 =	vadd.f32 v3, v2  }
0x145: {  	v3 =	vld [tilespmem:s4+$0x8D00]  }
0x146: {  	v2 =	vadd.f32 v58, v2  }
0x147: {  	v60 =	vld [tilespmem:s4+$0x8D80]  }
0x148: {  	v2 =	vadd.f32 v59, v2  }
0x149: {  	v61 =	vld [tilespmem:s4+$0x8E00]  }
0x14a: {  	v2 =	vadd.f32 v3, v2  }
0x14b: {  	v3 =	vld [tilespmem:s4+$0x8E80]  }
0x14c: {  	v2 =	vadd.f32 v60, v2  }
0x14d: {  	v62 =	vld [tilespmem:s4+$0x8F00]  }
0x14e: {  	v2 =	vadd.f32 v61, v2  }
0x14f: {  	v63 =	vld [tilespmem:s4+$0x8F80]  }
0x150: {  	v2 =	vadd.f32 v3, v2;
	_ =	sdelay $0x1  }
0x151: {  	v2 =	vadd.f32 v62, v2;
	_ =	sdelay $0x1  }
0x152: {  	s7 =	simm.s32 $0x80;
	s9 =	simm.s32 $0x10;
	v2 =	vadd.f32 v63, v2  }
0x153: {  	s8 =	sand.u32 $0x1C00, s7;
	s6 =	sand.u32 $0x70, s9;
	s4 =	simm.s32 $0xA000  }
0x154: {  	s6 =	sor.u32 s6, s8;
	s8 =	simm.s32 $0x20;
	[tilespmem:s4+$0x0] =	vst v2  }
.LBB2_6:
0x155: {  	p0 =	sne.s32 s8, $0x270;
	v2 =	vld [tilespmem:s6+$0x7880]  }
0x156: {  	v3 =	vld [tilespmem:s6+$0x7800];
	_ =	sdelay $0x1  }
0x157: {  	v4 =	vld [tilespmem:s6+$0x7900];
	_ =	sdelay $0x1  }
0x158: {  	v5 =	vld [tilespmem:s6+$0x7980]  }
0x159: {  	v2 =	vadd.f32 v2, v3  }
0x15a: {  	v3 =	vld [tilespmem:s6+$0x7A00]  }
0x15b: {  	v2 =	vadd.f32 v4, v2  }
0x15c: {  	v4 =	vld [tilespmem:s6+$0x7A80]  }
0x15d: {  	v2 =	vadd.f32 v5, v2  }
0x15e: {  	v5 =	vld [tilespmem:s6+$0x7B00]  }
0x15f: {  	v2 =	vadd.f32 v3, v2  }
0x160: {  	v3 =	vld [tilespmem:s6+$0x7B80]  }
0x161: {  	v2 =	vadd.f32 v4, v2  }
0x162: {  	v4 =	vld [tilespmem:s6+$0x8C00]  }
0x163: {  	v2 =	vadd.f32 v5, v2  }
0x164: {  	v5 =	vld [tilespmem:s6+$0x8C80]  }
0x165: {  	v2 =	vadd.f32 v3, v2  }
0x166: {  	v3 =	vld [tilespmem:s6+$0x8D00]  }
0x167: {  	v2 =	vadd.f32 v4, v2  }
0x168: {  	v4 =	vld [tilespmem:s6+$0x8D80]  }
0x169: {  	v2 =	vadd.f32 v5, v2  }
0x16a: {  	v5 =	vld [tilespmem:s6+$0x8E00]  }
0x16b: {  	v2 =	vadd.f32 v3, v2  }
0x16c: {  	v3 =	vld [tilespmem:s6+$0x8E80]  }
0x16d: {  	v2 =	vadd.f32 v4, v2  }
0x16e: {  	v4 =	vld [tilespmem:s6+$0x8F00]  }
0x16f: {  	v2 =	vadd.f32 v5, v2  }
0x170: {  	v5 =	vld [tilespmem:s6+$0x8F80]  }
0x171: {  	v2 =	vadd.f32 v3, v2;
	_ =	sdelay $0x1  }
.Ltmp2:
0x172: {  	v2 =	vadd.f32 v4, v2;
	(pc) =	sbr.rel @p0 .LBB2_6-.Ltmp2, $4  }
0x173: {  	_ = 	snop  }
0x174: {  	s7 =	sadd.s32 $0x80, s7;
	v2 =	vadd.f32 v5, v2  }
0x175: {  	s4 =	sadd.s32 $0x10, s4;
	s9 =	sand.u32 $0x1C00, s7;
	s6 =	sand.u32 $0x70, s8  }
0x176: {  	s8 =	sadd.s32 $0x10, s8;
	s6 =	sor.u32 s6, s9;
	[tilespmem:s4+$0x0] =	vst v2  }
0x177: {  	v2 =	vld [tilespmem:s6+$0x7880]  }
0x178: {  	v3 =	vld [tilespmem:s6+$0x7800];
	_ =	sdelay $0x1  }
0x179: {  	v4 =	vld [tilespmem:s6+$0x7900];
	_ =	sdelay $0x1  }
0x17a: {  	v5 =	vld [tilespmem:s6+$0x7980]  }
0x17b: {  	v2 =	vadd.f32 v2, v3  }
0x17c: {  	v3 =	vld [tilespmem:s6+$0x7A00]  }
0x17d: {  	v2 =	vadd.f32 v4, v2  }
0x17e: {  	v56 =	vld [tilespmem:s6+$0x7A80]  }
0x17f: {  	v2 =	vadd.f32 v5, v2  }
0x180: {  	v57 =	vld [tilespmem:s6+$0x7B00]  }
0x181: {  	v2 =	vadd.f32 v3, v2  }
0x182: {  	v3 =	vld [tilespmem:s6+$0x7B80]  }
0x183: {  	v2 =	vadd.f32 v56, v2  }
0x184: {  	v58 =	vld [tilespmem:s6+$0x8C00]  }
0x185: {  	v2 =	vadd.f32 v57, v2  }
0x186: {  	v59 =	vld [tilespmem:s6+$0x8C80]  }
0x187: {  	v2 =	vadd.f32 v3, v2  }
0x188: {  	v3 =	vld [tilespmem:s6+$0x8D00]  }
0x189: {  	v2 =	vadd.f32 v58, v2  }
0x18a: {  	v60 =	vld [tilespmem:s6+$0x8D80]  }
0x18b: {  	v2 =	vadd.f32 v59, v2  }
0x18c: {  	v61 =	vld [tilespmem:s6+$0x8E00]  }
0x18d: {  	v2 =	vadd.f32 v3, v2  }
0x18e: {  	v3 =	vld [tilespmem:s6+$0x8E80]  }
0x18f: {  	v2 =	vadd.f32 v60, v2  }
0x190: {  	v62 =	vld [tilespmem:s6+$0x8F00]  }
0x191: {  	v2 =	vadd.f32 v61, v2  }
0x192: {  	v63 =	vld [tilespmem:s6+$0x8F80]  }
0x193: {  	v2 =	vadd.f32 v3, v2;
	_ =	sdelay $0x1  }
0x194: {  	v2 =	vadd.f32 v62, v2;
	_ =	sdelay $0x1  }
0x195: {  	v2 =	vadd.f32 v63, v2  }
0x196: {  	s4 =	sadd.s32 $0x10, s4  }
0x197: {  	s7 =	rddreg [dreg:$0x14];
	s8 =	simm.s32 $0xA000;
	[tilespmem:s4+$0x0] =	vst v2  }
0x198: {  	[hbm4b:s7+s30] =	stream.strided.scatter [tilespmem:s8], [sflag:$0x2], $0x280, s31, s30, $0x38;
	[tilespmem:$0xCA80] =	vst v63  }
0x199: {  	_ =	swait.ge [sflag:s1], $0x280  }
0x19a: {  	s2 =	sadd.s32 $0x1, s2;
	s9 =	rddreg [dreg:$0x15]  }
0x19b: {  	p0 =	sne.s32 s2, s9  }
.Ltmp3:
0x19c: {  	_ = 	snop;
	(pc) =	sbr.rel @p0 .LBB2_1-.Ltmp3, $3  }
0x19d: {  	_ =	sdelay $0x1  }
0x19e: {  	[sflag:s1] =	ssyncset.done $0x0  }
0x19f: {  	[sflag:s1] =	ssyncadd.s32 $0xFFFFFD80  }
0x1a0: {  	_ =	sfence.sel $0x180000  }
0x1a1: {  	[bflag:$0x0] =	sbarrier.arrive $0xFFFF  }
0x1a2: {  	_ =	strace $0x90000047  }
0x1a3: {  	s0 =	stileid.u32;
	[bflag:$0x2] =	sbarrier.arrive $0xFFFF  }
0x1a4: {  	p0 =	sne.s32 s0, $0x0;
	s0 =	rddreg [dreg:$0x2]  }
0x1a5: {  	s0 =	sadd.s32 @!p0 $0x100000, s0  }
0x1a6: {  	[sflag:s0] =	ssyncadd.tile.s32 @!p0 $0x1;
	_ =	shalt  }
.Lfunc_end2:
_tile_overlayer_lowered:
.L_overlay_start_2:
0x1a7: {  	(tag) =	ssettag $0x2  }
0x1a8: {  	s0 =	rddreg [dreg:$0x0];
	s2 =	stileid.u32  }
0x1a9: {  	s1 =	rddreg [dreg:$0x1];
	p0 =	sne.s32 s2, $0x0  }
0x1aa: {  	s3 =	rddreg [dreg:$0x2];
	[bflag:$0x3] =	sbarrier.arrive $0xFFFF;
	s2 =	simm.s32 @!p0 $0x1C02  }
0x1ab: {  	[timem:s3], [sflag:s2] =	dma.local @!p0 [hbm:s0], s1  }
0x1ac: {  	s0 =	simm.s32 @!p0 $0x2  }
0x1ad: {  	_ =	swait.ge @!p0 [sflag:s0], s1  }
0x1ae: {  	s1 =	ssub.s32 @!p0 $0x0, s1;
	[sflag:s0] =	ssyncset.done @!p0 $0x0  }
0x1af: {  	[sflag:s0] =	ssyncadd.s32 @!p0 s1  }
0x1b0: {  	[bflag:$0x3] =	sbarrier.arrive $0xFFFF  }
0x1b1: {  	_ =	shalt  }

// kernel: kernel.13.cloned.1.call-start
scs
__scs_entry_jumppad:
0x0: {  	(pc) =	sbr.rel $0x88, $3  }
0x1: {  	(tag) =	ssettag $0x0;
	lr =	simm.s32 $0x1  }
0x2: {  	[smem:$0x3F99] =	sst lr;
	_ =	strace $0xD0000000  }
0x3: {  	_ = 	snop  }
0x4: {  	_ = 	snop  }
0x5: {  	_ = 	snop  }
0x6: {  	_ = 	snop  }
0x7: {  	_ = 	snop  }
__scs_overlays_trampoline_lowered:
0x8: {  	[smem:$0x3FA8] =	sst s0  }
0x9: {  	[smem:$0x3FA9] =	sst s1  }
0xa: {  	[smem:$0x3FAA] =	sst s2  }
0xb: {  	[smem:$0x3FAB] =	sst s3  }
0xc: {  	[smem:$0x3FAC] =	sst s4  }
0xd: {  	[smem:$0x3FAD] =	sst s5  }
0xe: {  	[smem:$0x3FAE] =	sst s6  }
0xf: {  	[smem:$0x3FAF] =	sst s7  }
0x10: {  	[smem:$0x3FB0] =	sst s8  }
0x11: {  	[smem:$0x3FB1] =	sst s9;
	s0 =	simm.s32 @!p0 $0x0  }
0x12: {  	s1 =	sld [smem:$0x3F97];
	s0 =	simm.s32 @p0 $0x1  }
0x13: {  	[smem:$0x3FB2] =	sst s0;
	s0 =	simm.s32 @!p1 $0x0  }
0x14: {  	s2 =	sld [smem:$0x3F96];
	s0 =	simm.s32 @p1 $0x1  }
0x15: {  	[smem:$0x3FB3] =	sst s0;
	s0 =	simm.s32 @!p2 $0x0  }
0x16: {  	s3 =	sld [smem:$0x3FDB];
	s0 =	simm.s32 @p2 $0x1  }
0x17: {  	s4 =	simm.s32 $0x1BF5;
	[smem:$0x3FB5] =	sst s0  }
0x18: {  	s0 =	sld [smem:$0x3F98];
	_ =	swait.ge [sflag:s4], $0x0  }
0x19: {  	s7 =	sld [smem:$0x3F99]  }
0x1a: {  	s8 =	sadd.s32 $0xFFFFE003, lr  }
0x1b: {  	s9 =	sadd.s32 $0xFFFFFEF7, lr;
	s5 =	simm.s32 $0xFFFFFFFF;
	p2 =	slt.u32 s8, $0xFFFFF086  }
0x1c: {  	p1 =	slt.u32 s9, $0xF7A;
	s5 =	simm.s32 @!p2 $0x0  }
0x1d: {  	s5 =	simm.s32 @p1 $0x1;
	p0 =	seq.s32 s7, s2  }
0x1e: {  	s7 =	smul.u32 @!p0 $0xF7A, s2;
	p2 =	seq.s32 @!p0 s5, $0x0  }
0x1f: {  	s9 =	smul.u32 $0xF7A, s1;
	s8 =	simm.s32 @!p0 $0x1BF5;
	p2 =	por !p2, p0  }
0x20: {  	[sflag:s8] =	ssyncset.s32 @!p0 $0xFFFFF086;
	s6 =	sadd.s32 @!p0 s3, s7;
	s7 =	simm.s32 @!p0 $0x108  }
0x21: {  	s3 =	sadd.s32 s3, s9;
	s6 =	sadd.s32 @!p0 $0x88, s6;
	s7 =	simm.s32 @p2 $0x1082  }
0x22: {  	[simem:s7], [sflag:s8] =	dma.local @!p0 [hbm:s6], $0xF7A  }
0x23: {  	s9 =	sor.u32 $0xD0000000, s2;
	s6 =	simm.s32 $0x108;
	_ =	swait.ge @!p0 [sflag:s8], $0x0  }
0x24: {  	s3 =	sadd.s32 $0x88, s3;
	s6 =	simm.s32 @!p1 $0x1082;
	[sflag:s4] =	ssyncset.s32 $0xFFFFF086  }
0x25: {  	[simem:s6], [sflag:s4] =	dma.local [hbm:s3], $0xF7A  }
0x26: {  	[smem:$0x3F99] =	sst s1;
	(tag) =	ssettag s2;
	_ =	strace s9  }
0x27: {  	s1 =	sld [smem:$0x3FA9]  }
0x28: {  	s2 =	sld [smem:$0x3FAA]  }
0x29: {  	s4 =	sld [smem:$0x3FAC]  }
0x2a: {  	p0 =	seq.s32 s5, $0x0;
	s5 =	sld [smem:$0x3FAD]  }
0x2b: {  	s6 =	sld [smem:$0x3FAE]  }
0x2c: {  	s7 =	sld [smem:$0x3FAF]  }
0x2d: {  	s3 =	simm.s32 $0x108;
	s8 =	sld [smem:$0x3FB0]  }
0x2e: {  	s3 =	simm.s32 @!p0 $0x1082;
	s9 =	sld [smem:$0x3FB1]  }
0x2f: {  	lr =	sadd.s32 s0, s3;
	s0 =	sld [smem:$0x3FA8]  }
0x30: {  	s3 =	sld [smem:$0x3FAB]  }
0x31: {  	[smem:$0x3FB4] =	sst s10  }
0x32: {  	s10 =	sld [smem:$0x3FB2];
	_ =	sdelay $0x3  }
0x33: {  	p0 =	seq.s32 s10, $0x1;
	s10 =	sld [smem:$0x3FB4];
	_ =	sdelay $0x3  }
0x34: {  	[smem:$0x3FB4] =	sst s10  }
0x35: {  	s10 =	sld [smem:$0x3FB3];
	_ =	sdelay $0x3  }
0x36: {  	p1 =	seq.s32 s10, $0x1;
	s10 =	sld [smem:$0x3FB4];
	_ =	sdelay $0x3  }
0x37: {  	[smem:$0x3FB4] =	sst s10  }
0x38: {  	s10 =	sld [smem:$0x3FB5]  }
0x39: {  	_ = 	snop;
	(pc) =	sbr.ind lr, $3  }
0x3a: {  	_ = 	snop  }
0x3b: {  	_ = 	snop  }
0x3c: {  	p2 =	seq.s32 s10, $0x1;
	s10 =	sld [smem:$0x3FB4]  }
0x3d: {  	_ =	shalt  }
0x3e: {  	_ =	shalt  }
0x3f: {  	_ =	shalt  }
0x40: {  	_ =	shalt  }
0x41: {  	_ =	shalt  }
0x42: {  	_ =	shalt  }
0x43: {  	_ =	shalt  }
0x44: {  	_ =	shalt  }
0x45: {  	_ =	shalt  }
0x46: {  	_ =	shalt  }
0x47: {  	_ =	shalt  }
0x48: {  	_ =	shalt  }
0x49: {  	_ =	shalt  }
0x4a: {  	_ =	shalt  }
0x4b: {  	_ =	shalt  }
0x4c: {  	_ =	shalt  }
0x4d: {  	_ =	shalt  }
0x4e: {  	_ =	shalt  }
0x4f: {  	_ =	shalt  }
0x50: {  	_ =	shalt  }
0x51: {  	_ =	shalt  }
0x52: {  	_ =	shalt  }
0x53: {  	_ =	shalt  }
0x54: {  	_ =	shalt  }
0x55: {  	_ =	shalt  }
0x56: {  	_ =	shalt  }
0x57: {  	_ =	shalt  }
0x58: {  	_ =	shalt  }
0x59: {  	_ =	shalt  }
0x5a: {  	_ =	shalt  }
0x5b: {  	_ =	shalt  }
0x5c: {  	_ =	shalt  }
0x5d: {  	_ =	shalt  }
0x5e: {  	_ =	shalt  }
0x5f: {  	_ =	shalt  }
0x60: {  	_ =	shalt  }
0x61: {  	_ =	shalt  }
0x62: {  	_ =	shalt  }
0x63: {  	_ =	shalt  }
0x64: {  	_ =	shalt  }
0x65: {  	_ =	shalt  }
0x66: {  	_ =	shalt  }
0x67: {  	_ =	shalt  }
0x68: {  	_ =	shalt  }
0x69: {  	_ =	shalt  }
0x6a: {  	_ =	shalt  }
0x6b: {  	_ =	shalt  }
0x6c: {  	_ =	shalt  }
0x6d: {  	_ =	shalt  }
0x6e: {  	_ =	shalt  }
0x6f: {  	_ =	shalt  }
0x70: {  	_ =	shalt  }
0x71: {  	_ =	shalt  }
0x72: {  	_ =	shalt  }
0x73: {  	_ =	shalt  }
0x74: {  	_ =	shalt  }
0x75: {  	_ =	shalt  }
0x76: {  	_ =	shalt  }
0x77: {  	_ =	shalt  }
0x78: {  	_ =	shalt  }
0x79: {  	_ =	shalt  }
0x7a: {  	_ =	shalt  }
0x7b: {  	_ =	shalt  }
0x7c: {  	_ =	shalt  }
0x7d: {  	_ =	shalt  }
0x7e: {  	_ =	shalt  }
0x7f: {  	_ =	shalt  }
0x80: {  	_ =	shalt  }
0x81: {  	_ =	shalt  }
0x82: {  	_ =	shalt  }
0x83: {  	_ =	shalt  }
0x84: {  	_ =	shalt  }
0x85: {  	_ =	shalt  }
0x86: {  	_ =	shalt  }
0x87: {  	_ =	shalt  }
.Lfunc_end0:
.L_simem_size_0:
called_computation.1_lowered:
.L_overlay_start_0:
0x88: {  	s2 =	sld [smem:$0x3FD9]  }
0x89: {  	s3 =	sld [smem:$0x3FFE];
	_ =	sdelay $0x1  }
0x8a: {  	s1 =	srdreg.scid  }
0x8b: {  	s0 =	sand.u32 $0x1, s1  }
0x8c: {  	s17 =	sshll.u32 s0, $0xA;
	s2 =	sadd.s32 s3, s2  }
0x8d: {  	s2 =	sadd.s32 s2, s17  }
0x8e: {  	[smem:$0x3FC0] =	sst s2  }
0x8f: {  	_ = 	snop  }
0x90: {  	s2 =	sld [smem:$0x3FD0];
	(tm) =	ssettm $0x1  }
0x91: {  	s18 =	sld [smem:$0x3FFB];
	_ =	sdelay $0x3  }
0x92: {  	_ =	strace s18  }
0x93: {  	s3 =	sld [smem:$0x3FFC];
	_ =	sdelay $0x3  }
0x94: {  	_ =	strace s3  }
0x95: {  	s3 =	sld [smem:$0x3FFD];
	_ =	sdelay $0x3  }
0x96: {  	_ =	strace s3  }
0x97: {  	_ =	strace $0x8FFFFFFF  }
0x98: {  	s19 =	sld [smem:$0x3FDB];
	_ =	sdelay $0x1  }
0x99: {  	s4 =	simm.s32 $_scs_section_size  }
0x9a: {  	s5 =	simm.s32 $_size__tile_overlayer_lowered;
	s6 =	simm.s32 $_tile_overlayer_lowered  }
0x9b: {  	s22 =	simm.s32 $0x1BFF;
	s21 =	sshll.u32 s6, $0x1;
	s3 =	sadd.s32 s4, s19  }
0x9c: {  	s7 =	simm.s32 $0x0;
	s20 =	sshll.u32 s5, $0x1;
	s5 =	sadd.s32 s21, s3  }
0x9d: {  	[timem:s7], [sflag:s22] =	dma.local [hbm:s5], s20  }
0x9e: {  	_ =	swait.ge [sflag:s22], s20  }
0x9f: {  	s4 =	ssub.s32 $0x0, s20;
	[sflag:s22] =	ssyncset.done $0x0  }
0xa0: {  	[sflag:s22] =	ssyncadd.s32 s4;
	_ =	sdelay $0x1  }
0xa1: {  	s23 =	simm.s32 $0x1B8B  }
0xa2: {  	_ =	swait.ge [sflag:s23], $0x1  }
0xa3: {  	[sflag:s23] =	ssyncset.done $0x0  }
0xa4: {  	s25 =	simm.s32 $0x1B8E;
	s24 =	sld [smem:$0x3FFE];
	[sflag:s23] =	ssyncadd.s32 $0xFFFFFFFF  }
0xa5: {  	s26 =	simm.s32 $execute0_lowered;
	[smem:$0x3FD2] =	sst s25  }
0xa6: {  	s5 =	sshll.u32 s26, $0x1;
	_ =	strace $0x80000049;
	[dreg:$0x1] =	wrdreg $0xFFFFFFFF  }
0xa7: {  	s28 =	simm.s32 $_size_execute0_lowered;
	s3 =	sadd.s32 s3, s5;
	[dreg:$0x0] =	wrdreg $0x0  }
0xa8: {  	s5 =	sshll.u32 s28, $0x1;
	[dreg:$0x2] =	wrdreg s3  }
0xa9: {  	[dreg:$0x3] =	wrdreg s5  }
0xaa: {  	[dreg:$0x4] =	wrdreg $0xC0  }
0xab: {  	_ =	task [dreg:s7], $0x5FFFF  }
0xac: {  	[dreg:$0x1] =	wrdreg $0xFFFFFFFF  }
0xad: {  	[dreg:$0x0] =	wrdreg $0x60  }
0xae: {  	[dreg:$0x2] =	wrdreg s24  }
0xaf: {  	[dreg:$0x3] =	wrdreg s2  }
0xb0: {  	[dreg:$0x4] =	wrdreg $0x130000  }
0xb1: {  	[dreg:$0x5] =	wrdreg $0x9  }
0xb2: {  	_ =	task.clear_ibuf [dreg:s7], $0x6FFFF;
	_ =	strace $0x90000049  }
0xb3: {  	s29 =	simm.s32 $0x9;
	_ =	strace $0x8000004B  }
0xb4: {  	_ =	swait.ge [sflag:s29], $0x1  }
0xb5: {  	[sflag:s29] =	ssyncadd.s32 $0xFFFFFFFF  }
0xb6: {  	_ =	strace $0x9000004B  }
0xb7: {  	_ =	sfence  }
0xb8: {  	s30 =	sld [smem:$0x0];
	_ =	sdelay $0x2  }
0xb9: {  	s31 =	sshll.u32 s1, $0xD;
	s1 =	sshrl.u32 s1, $0x2  }
0xba: {  	s3 =	sand.u32 $0x4000, s31;
	s1 =	sadd.s32 s1, s30  }
0xbb: {  	s0 =	sor.u32 s3, s0;
	s1 =	sshll.u32 s1, $0x11  }
0xbc: {  	s0 =	sor.u32 s1, s0  }
0xbd: {  	s0 =	sadd.s32 $0x8F2B, s0  }
0xbe: {  	[sflag:s0] =	ssyncadd.remote.s32 $0x1  }
0xbf: {  	_ =	sfence.sel $0xFFFF  }
0xc0: {  	[dreg:$0x0] =	wrdreg $0xFFFFFFFF;
	(pc) =	sbr.abs _section_cstart, $3  }
0xc1: {  	[dreg:$0x1] =	wrdreg $0xFFFFFFFF  }
0xc2: {  	_ =	task.clear_ibuf [dreg:s7], $0x2FFFF;
	_ =	strace $0x9FFFFFFF  }
0xc3: {  	(tm) =	ssettm $0x7FFFFFFF  }
tec
execute0_lowered:
.L_overlay_start_1:
0x0: {  	(tag) =	ssettag $0x1  }
0x1: {  	s0 =	rddreg [dreg:$0x0];
	s1 =	srdreg.scid  }
0x2: {  	s10 =	stileid.u32;
	s6 =	rddreg [dreg:$0x1]  }
0x3: {  	s2 =	rddreg [dreg:$0x2];
	s3 =	simm.s32 $0x0;
	s5 =	smul.u32 $0x5000, s10  }
0x4: {  	s28 =	simm.s32 $0x1;
	s29 =	simm.s32 $0xE000;
	s9 =	smul.u32 $0xA000, s10  }
0x5: {  	s30 =	simm.s32 $0xD000;
	s1 =	sand.u32 $0x1, s1;
	s10 =	smul.u32 $0x28000, s10  }
0x6: {  	s31 =	simm.s32 $0x2;
	[smem:$0x7FF] =	sst s3;
	s7 =	smul.u32 $0x50000, s1  }
0x7: {  	s4 =	sadd.s32 $0x2800, s0;
	s8 =	smul.u32 $0xA0000, s1;
	s1 =	ssub.s32 $0x2, s1  }
0x8: {  	_ =	strace $0x8000004A;
	s19 =	sshrl.u32 s1, $0x1;
	s10 =	sshrl.u32 s10, $0x2  }
0x9: {  	s11 =	sshrl.u32 s5, $0x3;
	s21 =	sadd.s32 s9, s2;
	s7 =	sadd.s32 s5, s7  }
0xa: {  	s8 =	sadd.s32 s9, s8;
	s1 =	ssub.s32 s1, s19;
	s5 =	sadd.s32 s10, s2  }
0xb: {  	s6 =	sadd.s32 s6, s11;
	s19 =	simm.s32 $0x12000;
	s7 =	sshrl.u32 s7, $0x3  }
0xc: {  	s8 =	sshrl.u32 s8, $0x3;
	[dreg:$0x4] =	wrdreg s6;
	s1 =	smax.u32 s1, $0x1  }
0xd: {  	s22 =	sadd.s32 $0x1000, s5;
	s23 =	sadd.s32 $0x2000, s5;
	[dreg:$0x7] =	wrdreg s1  }
0xe: {  	s24 =	sadd.s32 $0x3000, s5;
	s25 =	sadd.s32 $0x4000, s5;
	[dreg:$0x8] =	wrdreg s22  }
0xf: {  	s26 =	sadd.s32 $0x5000, s5;
	s15 =	sadd.s32 $0x6000, s5;
	[dreg:$0x9] =	wrdreg s23  }
0x10: {  	s16 =	sadd.s32 $0x7000, s5;
	s17 =	sadd.s32 $0x8000, s5;
	[dreg:$0xa] =	wrdreg s24  }
0x11: {  	s18 =	sadd.s32 $0x9000, s5;
	s7 =	sadd.s32 s7, s0;
	[dreg:$0xb] =	wrdreg s25  }
0x12: {  	s0 =	sadd.s32 s8, s0;
	[dreg:$0xc] =	wrdreg s26;
	s22 =	simm.s32 $0x80  }
0x13: {  	s25 =	sshrl.u32 s21, $0x3;
	s26 =	simm.s32 $0xC000;
	s1 =	simm.s32 $0x10000  }
0x14: {  	s21 =	simm.s32 $0x3;
	s23 =	simm.s32 $0x6;
	s20 =	sadd.s32 $0x17200, s7  }
0x15: {  	s24 =	simm.s32 $0x4;
	s0 =	sadd.s32 $0x2B200, s0;
	[dreg:$0x5] =	wrdreg s20  }
0x16: {  	v0 =	vimm.f32 $0.0e+00;
	[dreg:$0x6] =	wrdreg s0;
	s20 =	simm.s32 $0x7;
	s0 =	simm.s32 $0x5  }
.LBB2_1:
0x17: {  	s7 =	simm.s32 $0x100;
	s6 =	simm.s32 $0x0  }
.LBB2_2:
0x18: {  	p0 =	sne.s32 s7, $0x3F00;
	[tilespmem:s6+$0x12030] =	vst v0;
	s8 =	smov.u32 s7;
	s7 =	sadd.s32 $0x100, s7  }
.Ltmp0:
0x19: {  	[tilespmem:s6+$0x12020] =	vst v0;
	(pc) =	sbr.rel @p0 .LBB2_2-.Ltmp0, $3  }
0x1a: {  	[tilespmem:s6+$0x12000] =	vst v0  }
0x1b: {  	[tilespmem:s6+$0x12010] =	vst v0;
	_ =	sdelay $0x1  }
0x1c: {  	s6 =	sshra.s32 s8, $0x2  }
0x1d: {  	[tilespmem:s6+$0x12030] =	vst v0  }
0x1e: {  	[tilespmem:s6+$0x12020] =	vst v0  }
0x1f: {  	[tilespmem:s6+$0x12000] =	vst v0  }
0x20: {  	[tilespmem:s6+$0x12010] =	vst v0  }
0x21: {  	[spmem:s5] =	stream.linear.scatter [tilespmem:s19], [sflag:$0x7], $0x1000, $0x38;
	[tilespmem:$0x1D000] =	vst v63  }
0x22: {  	_ =	swait.ge [sflag:s20], $0x1000  }
0x23: {  	[sflag:s20] =	ssyncset.done $0x0  }
0x24: {  	s7 =	rddreg [dreg:$0x8];
	[sflag:s20] =	ssyncadd.s32 $0xFFFFF000  }
0x25: {  	[spmem:s7] =	stream.linear.scatter [tilespmem:s19], [sflag:$0x7], $0x1000, $0x38;
	[tilespmem:$0x1D000] =	vst v63  }
0x26: {  	_ =	swait.ge [sflag:s20], $0x1000  }
0x27: {  	[sflag:s20] =	ssyncset.done $0x0  }
0x28: {  	s8 =	rddreg [dreg:$0x9];
	[sflag:s20] =	ssyncadd.s32 $0xFFFFF000  }
0x29: {  	[spmem:s8] =	stream.linear.scatter [tilespmem:s19], [sflag:$0x7], $0x1000, $0x38;
	[tilespmem:$0x1D000] =	vst v63  }
0x2a: {  	_ =	swait.ge [sflag:s20], $0x1000  }
0x2b: {  	[sflag:s20] =	ssyncset.done $0x0  }
0x2c: {  	s9 =	rddreg [dreg:$0xa];
	[sflag:s20] =	ssyncadd.s32 $0xFFFFF000  }
0x2d: {  	[spmem:s9] =	stream.linear.scatter [tilespmem:s19], [sflag:$0x7], $0x1000, $0x38;
	[tilespmem:$0x1D000] =	vst v63  }
0x2e: {  	_ =	swait.ge [sflag:s20], $0x1000  }
0x2f: {  	[sflag:s20] =	ssyncset.done $0x0  }
0x30: {  	s10 =	rddreg [dreg:$0xb];
	[sflag:s20] =	ssyncadd.s32 $0xFFFFF000  }
0x31: {  	[spmem:s10] =	stream.linear.scatter [tilespmem:s19], [sflag:$0x7], $0x1000, $0x38;
	[tilespmem:$0x1D000] =	vst v63  }
0x32: {  	_ =	swait.ge [sflag:s20], $0x1000  }
0x33: {  	[sflag:s20] =	ssyncset.done $0x0  }
0x34: {  	s11 =	rddreg [dreg:$0xc];
	[sflag:s20] =	ssyncadd.s32 $0xFFFFF000  }
0x35: {  	[spmem:s11] =	stream.linear.scatter [tilespmem:s19], [sflag:$0x7], $0x1000, $0x38;
	[tilespmem:$0x1D000] =	vst v63  }
0x36: {  	_ =	swait.ge [sflag:s20], $0x1000  }
0x37: {  	[sflag:s20] =	ssyncset.done $0x0  }
0x38: {  	[sflag:s20] =	ssyncadd.s32 $0xFFFFF000  }
0x39: {  	[spmem:s15] =	stream.linear.scatter [tilespmem:s19], [sflag:$0x7], $0x1000, $0x38;
	[tilespmem:$0x1D000] =	vst v63  }
0x3a: {  	_ =	swait.ge [sflag:s20], $0x1000  }
0x3b: {  	[sflag:s20] =	ssyncset.done $0x0  }
0x3c: {  	[sflag:s20] =	ssyncadd.s32 $0xFFFFF000  }
0x3d: {  	[spmem:s16] =	stream.linear.scatter [tilespmem:s19], [sflag:$0x7], $0x1000, $0x38;
	[tilespmem:$0x1D000] =	vst v63  }
0x3e: {  	_ =	swait.ge [sflag:s20], $0x1000  }
0x3f: {  	[sflag:s20] =	ssyncset.done $0x0  }
0x40: {  	[sflag:s20] =	ssyncadd.s32 $0xFFFFF000  }
0x41: {  	[spmem:s17] =	stream.linear.scatter [tilespmem:s19], [sflag:$0x7], $0x1000, $0x38;
	[tilespmem:$0x1D000] =	vst v63  }
0x42: {  	_ =	swait.ge [sflag:s20], $0x1000  }
0x43: {  	[sflag:s20] =	ssyncset.done $0x0  }
0x44: {  	[sflag:s20] =	ssyncadd.s32 $0xFFFFF000  }
0x45: {  	[spmem:s18] =	stream.linear.scatter [tilespmem:s19], [sflag:$0x7], $0x1000, $0x38;
	[tilespmem:$0x1D000] =	vst v63  }
0x46: {  	_ =	swait.ge [sflag:s20], $0x1000  }
0x47: {  	s6 =	simm.s32 $0x0;
	[sflag:s20] =	ssyncset.done $0x0  }
0x48: {  	s8 =	simm.s32 $0x5000;
	s7 =	rddreg [dreg:$0x4];
	[sflag:s20] =	ssyncadd.s32 $0xFFFFF000  }
0x49: {  	[tilespmem:s8], [sflag:$0x7] =	stream.linear.gather [hbm4b:s7+s6], $0x5000, $0x38;
	[tilespmem:$0x1D000] =	vst v63  }
0x4a: {  	_ =	swait.ge [sflag:s20], $0x5000  }
0x4b: {  	[sflag:s20] =	ssyncset.done $0x0  }
0x4c: {  	s12 =	rddreg [dreg:$0x5];
	[sflag:s20] =	ssyncadd.s32 $0xFFFFB000  }
0x4d: {  	[tilespmem:s6], [sflag:$0x7] =	stream.linear.gather [hbm4b:s12+s6], $0x5000, $0x38;
	[tilespmem:$0x1D000] =	vst v63  }
0x4e: {  	_ =	swait.ge [sflag:s20], $0x5000  }
0x4f: {  	[sflag:s20] =	ssyncset.done $0x0  }
0x50: {  	[sflag:s20] =	ssyncadd.s32 $0xFFFFB000  }
0x51: {  	s13 =	simm.s32 $0xA000;
	[bflag:$0x0] =	sbarrier.arrive $0xFFFF  }
0x52: {  	[tilespmem:s13], [sflag:$0x1] =	stream.indirect.gather [hbm4b:s4+s22], $0x20, s6, s22, $0xb8;
	[tilespmem:$0x1D000] =	vst v63  }
0x53: {  	s14 =	simm.s32 $0xB000  }
0x54: {  	[tilespmem:s14], [sflag:$0x2] =	stream.indirect.gather [hbm4b:s4+s22], $0x20, s22, s22, $0xb8;
	[tilespmem:$0x1D000] =	vst v63  }
.LBB2_4:
0x55: {  	s9 =	sshll.u32 s6, $0xB  }
0x56: {  	p0 =	seq.s32 s6, $0x0;
	s7 =	sor.u32 $0x400, s9  }
0x57: {  	s8 =	simm.s32 @!p0 $0x5;
	s7 =	sshrl.u32 s7, $0x2  }
0x58: {  	[tilespmem:s26], [sflag:$0x3] =	stream.indirect.gather [hbm4b:s4+s22], $0x20, s7, s22, $0xb8;
	[tilespmem:$0x1D000] =	vst v63  }
0x59: {  	_ =	swait.ge @!p0 [sflag:s8], $0x2000  }
0x5a: {  	[sflag:s8] =	ssyncset.done @!p0 $0x0  }
0x5b: {  	[sflag:s8] =	ssyncadd.s32 @!p0 $0xFFFFE000  }
0x5c: {  	_ =	swait.ge [sflag:s28], $0x1000  }
0x5d: {  	[sflag:s28] =	ssyncset.done $0x0  }
0x5e: {  	s11 =	simm.s32 $0x0;
	[sflag:s28] =	ssyncadd.s32 $0xFFFFF000  }
0x5f: {  	v1 =	vld [tilespmem:s11+$0xA000];
	_ =	sdelay $0x4  }
0x60: {  	s8 =	simm.s32 $0xE020;
	v2 =	vunpack.i.l.bf16.f32 v1  }
0x61: {  	v1 =	vunpack.i.u.bf16.f32 v1;
	[tilespmem:s8+$0xFFFFFFE0] =	vst v2  }
0x62: {  	[tilespmem:s8+$0xFFFFFFF0] =	vst v1  }
0x63: {  	s10 =	simm.s32 $0x80;
	v1 =	vld [tilespmem:s11+$0xA010];
	s11 =	simm.s32 $0xE020  }
.LBB2_5:
0x64: {  	_ =	sdelay $0x2  }
0x65: {  	p1 =	sne.s32 s10, $0x3F80  }
0x66: {  	s8 =	sadd.s32 $0x40, s8;
	s12 =	smov.u32 s10;
	s10 =	sadd.s32 $0x80, s10;
	v2 =	vunpack.i.u.bf16.f32 v1;
	v1 =	vunpack.i.l.bf16.f32 v1  }
0x67: {  	[tilespmem:s11+$0x0] =	vst v1  }
0x68: {  	s12 =	sshra.s32 s12, $0x2;
	[tilespmem:s11+$0x10] =	vst v2;
	s11 =	smov.u32 s8  }
0x69: {  	v1 =	vld [tilespmem:s12+$0xA000];
	_ =	sdelay $0x3  }
.Ltmp1:
0x6a: {  	(pc) =	sbr.rel @p1 .LBB2_5-.Ltmp1, $4  }
0x6b: {  	v2 =	vunpack.i.u.bf16.f32 v1;
	v1 =	vunpack.i.l.bf16.f32 v1  }
0x6c: {  	[tilespmem:s8+$0xFFFFFFE0] =	vst v1  }
0x6d: {  	[tilespmem:s8+$0xFFFFFFF0] =	vst v2  }
0x6e: {  	v1 =	vld [tilespmem:s12+$0xA010]  }
0x6f: {  	_ =	sdelay $0x3  }
0x70: {  	v2 =	vunpack.i.l.bf16.f32 v1  }
0x71: {  	s10 =	sshrl.u32 s9, $0x2;
	v1 =	vunpack.i.u.bf16.f32 v1;
	[tilespmem:s11+$0x0] =	vst v2  }
0x72: {  	s14 =	sor.u32 $0x600, s9;
	s8 =	sadd.s32 $0x5000, s10;
	[tilespmem:s11+$0x10] =	vst v1  }
0x73: {  	[spmem:s2] =	stream.indirect.scatter.add.f32 [tilespmem:s29], [sflag:$0x5], $0x40, s8, s22, $0xb8;
	[tilespmem:$0x1D000] =	vst v63  }
0x74: {  	s11 =	simm.s32 @!p0 $0x6;
	s8 =	sshrl.u32 s14, $0x2  }
0x75: {  	[tilespmem:s30], [sflag:$0x4] =	stream.indirect.gather [hbm4b:s4+s22], $0x20, s8, s22, $0xb8;
	[tilespmem:$0x1D000] =	vst v63  }
0x76: {  	_ =	swait.ge @!p0 [sflag:s11], $0x2000  }
0x77: {  	[sflag:s11] =	ssyncset.done @!p0 $0x0  }
0x78: {  	[sflag:s11] =	ssyncadd.s32 @!p0 $0xFFFFE000  }
0x79: {  	_ =	swait.ge [sflag:s31], $0x1000  }
0x7a: {  	[sflag:s31] =	ssyncset.done $0x0  }
0x7b: {  	s12 =	simm.s32 $0x0;
	[sflag:s31] =	ssyncadd.s32 $0xFFFFF000  }
0x7c: {  	v1 =	vld [tilespmem:s12+$0xB000];
	_ =	sdelay $0x4  }
0x7d: {  	s11 =	simm.s32 $0x10030;
	v2 =	vunpack.i.l.bf16.f32 v1  }
0x7e: {  	v1 =	vunpack.i.u.bf16.f32 v1;
	[tilespmem:s11+$0xFFFFFFD0] =	vst v2  }
0x7f: {  	[tilespmem:s11+$0xFFFFFFE0] =	vst v1  }
0x80: {  	s13 =	simm.s32 $0x80;
	v1 =	vld [tilespmem:s12+$0xB010];
	s12 =	simm.s32 $0x10030  }
.LBB2_7:
0x81: {  	_ =	sdelay $0x2  }
0x82: {  	p0 =	sne.s32 s13, $0x3F80  }
0x83: {  	s11 =	sadd.s32 $0x40, s11;
	s14 =	smov.u32 s13;
	s13 =	sadd.s32 $0x80, s13;
	v2 =	vunpack.i.u.bf16.f32 v1;
	v1 =	vunpack.i.l.bf16.f32 v1  }
0x84: {  	[tilespmem:s12+$0xFFFFFFF0] =	vst v1  }
0x85: {  	s14 =	sshra.s32 s14, $0x2;
	[tilespmem:s12+$0x0] =	vst v2;
	s12 =	smov.u32 s11  }
0x86: {  	v1 =	vld [tilespmem:s14+$0xB000];
	_ =	sdelay $0x3  }
.Ltmp2:
0x87: {  	(pc) =	sbr.rel @p0 .LBB2_7-.Ltmp2, $4  }
0x88: {  	v2 =	vunpack.i.u.bf16.f32 v1;
	v1 =	vunpack.i.l.bf16.f32 v1  }
0x89: {  	[tilespmem:s11+$0xFFFFFFD0] =	vst v1  }
0x8a: {  	[tilespmem:s11+$0xFFFFFFE0] =	vst v2  }
0x8b: {  	v1 =	vld [tilespmem:s14+$0xB010]  }
0x8c: {  	_ =	sdelay $0x3  }
0x8d: {  	v2 =	vunpack.i.l.bf16.f32 v1  }
0x8e: {  	p0 =	seq.s32 s6, $0x27;
	v1 =	vunpack.i.u.bf16.f32 v1;
	[tilespmem:s12+$0xFFFFFFF0] =	vst v2  }
0x8f: {  	s10 =	sadd.s32 $0x5080, s10;
	s9 =	sshrl.u32 @!p0 s9, $0x2;
	[tilespmem:s12+$0x0] =	vst v1  }
0x90: {  	[spmem:s2] =	stream.indirect.scatter.add.f32 [tilespmem:s1], [sflag:$0x6], $0x40, s10, s22, $0xb8;
	[tilespmem:$0x1D000] =	vst v63  }
0x91: {  	s11 =	simm.s32 @!p0 $0x80;
	s12 =	simm.s32 @!p0 $0xA000;
	s10 =	sadd.s32 @!p0 $0x200, s9  }
0x92: {  	[tilespmem:s12], [sflag:$0x1] =	stream.indirect.gather @!p0 [hbm4b:s4+s11], $0x20, s10, s11, $0xb8;
	[tilespmem:$0x1D000] =	vst v63  }
0x93: {  	_ =	swait.ge [sflag:s0], $0x2000  }
0x94: {  	[sflag:s0] =	ssyncset.done $0x0  }
0x95: {  	[sflag:s0] =	ssyncadd.s32 $0xFFFFE000  }
0x96: {  	_ =	swait.ge [sflag:s21], $0x1000  }
0x97: {  	[sflag:s21] =	ssyncset.done $0x0  }
0x98: {  	s14 =	simm.s32 $0x0;
	[sflag:s21] =	ssyncadd.s32 $0xFFFFF000  }
0x99: {  	v1 =	vld [tilespmem:s14+$0xC000];
	_ =	sdelay $0x4  }
0x9a: {  	s10 =	simm.s32 $0xE020;
	v2 =	vunpack.i.l.bf16.f32 v1  }
0x9b: {  	v1 =	vunpack.i.u.bf16.f32 v1;
	[tilespmem:s10+$0xFFFFFFE0] =	vst v2  }
0x9c: {  	[tilespmem:s10+$0xFFFFFFF0] =	vst v1  }
0x9d: {  	s12 =	simm.s32 $0x80;
	s11 =	simm.s32 $0xE020;
	v1 =	vld [tilespmem:s14+$0xC010]  }
.LBB2_9:
0x9e: {  	_ =	sdelay $0x2  }
0x9f: {  	p1 =	sne.s32 s12, $0x3F80  }
0xa0: {  	s10 =	sadd.s32 $0x40, s10;
	s13 =	smov.u32 s12;
	s12 =	sadd.s32 $0x80, s12;
	v2 =	vunpack.i.u.bf16.f32 v1;
	v1 =	vunpack.i.l.bf16.f32 v1  }
0xa1: {  	[tilespmem:s11+$0x0] =	vst v1  }
0xa2: {  	s13 =	sshra.s32 s13, $0x2;
	[tilespmem:s11+$0x10] =	vst v2;
	s11 =	smov.u32 s10  }
0xa3: {  	v1 =	vld [tilespmem:s13+$0xC000];
	_ =	sdelay $0x3  }
.Ltmp3:
0xa4: {  	(pc) =	sbr.rel @p1 .LBB2_9-.Ltmp3, $4  }
0xa5: {  	v2 =	vunpack.i.u.bf16.f32 v1;
	v1 =	vunpack.i.l.bf16.f32 v1  }
0xa6: {  	[tilespmem:s10+$0xFFFFFFE0] =	vst v1  }
0xa7: {  	[tilespmem:s10+$0xFFFFFFF0] =	vst v2  }
0xa8: {  	v1 =	vld [tilespmem:s13+$0xC010]  }
0xa9: {  	_ =	sdelay $0x3  }
0xaa: {  	v2 =	vunpack.i.l.bf16.f32 v1  }
0xab: {  	v1 =	vunpack.i.u.bf16.f32 v1;
	[tilespmem:s11+$0x0] =	vst v2  }
0xac: {  	s7 =	sadd.s32 $0x5000, s7;
	[tilespmem:s11+$0x10] =	vst v1  }
0xad: {  	[spmem:s2] =	stream.indirect.scatter.add.f32 [tilespmem:s29], [sflag:$0x5], $0x40, s7, s22, $0xb8;
	[tilespmem:$0x1D000] =	vst v63  }
0xae: {  	s10 =	simm.s32 @!p0 $0xB000;
	s7 =	sadd.s32 @!p0 $0x280, s9;
	s9 =	simm.s32 @!p0 $0x80  }
0xaf: {  	[tilespmem:s10], [sflag:$0x2] =	stream.indirect.gather @!p0 [hbm4b:s4+s9], $0x20, s7, s9, $0xb8;
	[tilespmem:$0x1D000] =	vst v63  }
0xb0: {  	_ =	swait.ge [sflag:s23], $0x2000  }
0xb1: {  	[sflag:s23] =	ssyncset.done $0x0  }
0xb2: {  	[sflag:s23] =	ssyncadd.s32 $0xFFFFE000  }
0xb3: {  	_ =	swait.ge [sflag:s24], $0x1000  }
0xb4: {  	[sflag:s24] =	ssyncset.done $0x0  }
0xb5: {  	s14 =	simm.s32 $0x0;
	[sflag:s24] =	ssyncadd.s32 $0xFFFFF000  }
0xb6: {  	v1 =	vld [tilespmem:s14+$0xD000];
	_ =	sdelay $0x4  }
0xb7: {  	s7 =	simm.s32 $0x10030;
	v2 =	vunpack.i.l.bf16.f32 v1  }
0xb8: {  	v1 =	vunpack.i.u.bf16.f32 v1;
	[tilespmem:s7+$0xFFFFFFD0] =	vst v2  }
0xb9: {  	[tilespmem:s7+$0xFFFFFFE0] =	vst v1  }
0xba: {  	s10 =	simm.s32 $0x80;
	s9 =	simm.s32 $0x10030;
	v1 =	vld [tilespmem:s14+$0xD010]  }
.LBB2_11:
0xbb: {  	_ =	sdelay $0x2  }
0xbc: {  	p0 =	sne.s32 s10, $0x3F80  }
0xbd: {  	s7 =	sadd.s32 $0x40, s7;
	s11 =	smov.u32 s10;
	s10 =	sadd.s32 $0x80, s10;
	v2 =	vunpack.i.u.bf16.f32 v1;
	v1 =	vunpack.i.l.bf16.f32 v1  }
0xbe: {  	[tilespmem:s9+$0xFFFFFFF0] =	vst v1  }
0xbf: {  	s11 =	sshra.s32 s11, $0x2;
	[tilespmem:s9+$0x0] =	vst v2;
	s9 =	smov.u32 s7  }
0xc0: {  	v1 =	vld [tilespmem:s11+$0xD000];
	_ =	sdelay $0x3  }
.Ltmp4:
0xc1: {  	(pc) =	sbr.rel @p0 .LBB2_11-.Ltmp4, $4  }
0xc2: {  	v2 =	vunpack.i.u.bf16.f32 v1;
	v1 =	vunpack.i.l.bf16.f32 v1  }
0xc3: {  	[tilespmem:s7+$0xFFFFFFD0] =	vst v1  }
0xc4: {  	[tilespmem:s7+$0xFFFFFFE0] =	vst v2  }
0xc5: {  	v1 =	vld [tilespmem:s11+$0xD010]  }
0xc6: {  	_ = 	snop  }
0xc7: {  	s6 =	sadd.s32 $0x1, s6  }
0xc8: {  	p0 =	sne.s32 s6, $0x28  }
.Ltmp5:
0xc9: {  	_ = 	snop;
	(pc) =	sbr.rel @p0 .LBB2_4-.Ltmp5, $4  }
0xca: {  	v2 =	vunpack.i.l.bf16.f32 v1  }
0xcb: {  	v1 =	vunpack.i.u.bf16.f32 v1;
	[tilespmem:s9+$0xFFFFFFF0] =	vst v2  }
0xcc: {  	s7 =	sadd.s32 $0x5000, s8;
	[tilespmem:s9+$0x0] =	vst v1  }
0xcd: {  	[spmem:s2] =	stream.indirect.scatter.add.f32 [tilespmem:s1], [sflag:$0x6], $0x40, s7, s22, $0xb8;
	[tilespmem:$0x1D000] =	vst v63  }
0xce: {  	_ =	swait.ge [sflag:s0], $0x2000  }
0xcf: {  	[sflag:s0] =	ssyncset.done $0x0  }
0xd0: {  	[sflag:s0] =	ssyncadd.s32 $0xFFFFE000  }
0xd1: {  	_ =	swait.ge [sflag:s23], $0x2000  }
0xd2: {  	[sflag:s23] =	ssyncset.done $0x0  }
0xd3: {  	s6 =	stileid.u32;
	[sflag:s23] =	ssyncadd.s32 $0xFFFFE000  }
0xd4: {  	s6 =	sshll.u32 s6, $0x6;
	[bflag:$0x0] =	sbarrier.arrive $0xFFFF  }
0xd5: {  	s6 =	sor.u32 $0x1C07, s6;
	s7 =	rddreg [dreg:$0x6]  }
0xd6: {  	[hbm:s7], [sflag:s6] =	dma.local [spmem:s25], $0x1400  }
0xd7: {  	_ =	swait.ge [sflag:s20], $0x1400  }
0xd8: {  	s3 =	sadd.s32 $0x1, s3;
	s14 =	rddreg [dreg:$0x7]  }
0xd9: {  	p0 =	sne.s32 s3, s14  }
.Ltmp6:
0xda: {  	_ = 	snop;
	(pc) =	sbr.rel @p0 .LBB2_1-.Ltmp6, $3  }
0xdb: {  	_ =	sdelay $0x1  }
0xdc: {  	[sflag:s20] =	ssyncset.done $0x0  }
0xdd: {  	[sflag:s20] =	ssyncadd.s32 $0xFFFFEC00  }
0xde: {  	_ =	sfence.sel $0x180000  }
0xdf: {  	[bflag:$0x0] =	sbarrier.arrive $0xFFFF  }
0xe0: {  	_ =	strace $0x9000004A  }
0xe1: {  	s0 =	stileid.u32;
	[bflag:$0x2] =	sbarrier.arrive $0xFFFF  }
0xe2: {  	p0 =	sne.s32 s0, $0x0;
	s0 =	rddreg [dreg:$0x3]  }
0xe3: {  	s0 =	sadd.s32 @!p0 $0x100000, s0  }
0xe4: {  	[sflag:s0] =	ssyncadd.tile.s32 @!p0 $0x1;
	_ =	shalt  }
.Lfunc_end2:
_tile_overlayer_lowered:
.L_overlay_start_2:
0xe5: {  	(tag) =	ssettag $0x2  }
0xe6: {  	s0 =	rddreg [dreg:$0x0];
	s2 =	stileid.u32  }
0xe7: {  	s1 =	rddreg [dreg:$0x1];
	p0 =	sne.s32 s2, $0x0  }
0xe8: {  	s3 =	rddreg [dreg:$0x2];
	[bflag:$0x3] =	sbarrier.arrive $0xFFFF;
	s2 =	simm.s32 @!p0 $0x1C07  }
0xe9: {  	[timem:s3], [sflag:s2] =	dma.local @!p0 [hbm:s0], s1  }
0xea: {  	s0 =	simm.s32 @!p0 $0x7  }
0xeb: {  	_ =	swait.ge @!p0 [sflag:s0], s1  }
0xec: {  	s1 =	ssub.s32 @!p0 $0x0, s1;
	[sflag:s0] =	ssyncset.done @!p0 $0x0  }
0xed: {  	[sflag:s0] =	ssyncadd.s32 @!p0 s1  }
0xee: {  	[bflag:$0x3] =	sbarrier.arrive $0xFFFF  }
0xef: {  	_ =	shalt  }

// kernel: kernel.16.cloned.1.call-start
scs
__scs_entry_jumppad:
0x0: {  	(pc) =	sbr.rel $0x88, $3  }
0x1: {  	(tag) =	ssettag $0x0;
	lr =	simm.s32 $0x1  }
0x2: {  	[smem:$0x3F99] =	sst lr;
	_ =	strace $0xD0000000  }
0x3: {  	_ = 	snop  }
0x4: {  	_ = 	snop  }
0x5: {  	_ = 	snop  }
0x6: {  	_ = 	snop  }
0x7: {  	_ = 	snop  }
__scs_overlays_trampoline_lowered:
0x8: {  	[smem:$0x3FA8] =	sst s0  }
0x9: {  	[smem:$0x3FA9] =	sst s1  }
0xa: {  	[smem:$0x3FAA] =	sst s2  }
0xb: {  	[smem:$0x3FAB] =	sst s3  }
0xc: {  	[smem:$0x3FAC] =	sst s4  }
0xd: {  	[smem:$0x3FAD] =	sst s5  }
0xe: {  	[smem:$0x3FAE] =	sst s6  }
0xf: {  	[smem:$0x3FAF] =	sst s7  }
0x10: {  	[smem:$0x3FB0] =	sst s8  }
0x11: {  	[smem:$0x3FB1] =	sst s9;
	s0 =	simm.s32 @!p0 $0x0  }
0x12: {  	s1 =	sld [smem:$0x3F97];
	s0 =	simm.s32 @p0 $0x1  }
0x13: {  	[smem:$0x3FB2] =	sst s0;
	s0 =	simm.s32 @!p1 $0x0  }
0x14: {  	s2 =	sld [smem:$0x3F96];
	s0 =	simm.s32 @p1 $0x1  }
0x15: {  	[smem:$0x3FB3] =	sst s0;
	s0 =	simm.s32 @!p2 $0x0  }
0x16: {  	s3 =	sld [smem:$0x3FDB];
	s0 =	simm.s32 @p2 $0x1  }
0x17: {  	s4 =	simm.s32 $0x1BF5;
	[smem:$0x3FB5] =	sst s0  }
0x18: {  	s0 =	sld [smem:$0x3F98];
	_ =	swait.ge [sflag:s4], $0x0  }
0x19: {  	s7 =	sld [smem:$0x3F99]  }
0x1a: {  	s8 =	sadd.s32 $0xFFFFE003, lr  }
0x1b: {  	s9 =	sadd.s32 $0xFFFFFEF7, lr;
	s5 =	simm.s32 $0xFFFFFFFF;
	p2 =	slt.u32 s8, $0xFFFFF086  }
0x1c: {  	p1 =	slt.u32 s9, $0xF7A;
	s5 =	simm.s32 @!p2 $0x0  }
0x1d: {  	s5 =	simm.s32 @p1 $0x1;
	p0 =	seq.s32 s7, s2  }
0x1e: {  	s7 =	smul.u32 @!p0 $0xF7A, s2;
	p2 =	seq.s32 @!p0 s5, $0x0  }
0x1f: {  	s9 =	smul.u32 $0xF7A, s1;
	s8 =	simm.s32 @!p0 $0x1BF5;
	p2 =	por !p2, p0  }
0x20: {  	[sflag:s8] =	ssyncset.s32 @!p0 $0xFFFFF086;
	s6 =	sadd.s32 @!p0 s3, s7;
	s7 =	simm.s32 @!p0 $0x108  }
0x21: {  	s3 =	sadd.s32 s3, s9;
	s6 =	sadd.s32 @!p0 $0x88, s6;
	s7 =	simm.s32 @p2 $0x1082  }
0x22: {  	[simem:s7], [sflag:s8] =	dma.local @!p0 [hbm:s6], $0xF7A  }
0x23: {  	s9 =	sor.u32 $0xD0000000, s2;
	s6 =	simm.s32 $0x108;
	_ =	swait.ge @!p0 [sflag:s8], $0x0  }
0x24: {  	s3 =	sadd.s32 $0x88, s3;
	s6 =	simm.s32 @!p1 $0x1082;
	[sflag:s4] =	ssyncset.s32 $0xFFFFF086  }
0x25: {  	[simem:s6], [sflag:s4] =	dma.local [hbm:s3], $0xF7A  }
0x26: {  	[smem:$0x3F99] =	sst s1;
	(tag) =	ssettag s2;
	_ =	strace s9  }
0x27: {  	s1 =	sld [smem:$0x3FA9]  }
0x28: {  	s2 =	sld [smem:$0x3FAA]  }
0x29: {  	s4 =	sld [smem:$0x3FAC]  }
0x2a: {  	p0 =	seq.s32 s5, $0x0;
	s5 =	sld [smem:$0x3FAD]  }
0x2b: {  	s6 =	sld [smem:$0x3FAE]  }
0x2c: {  	s7 =	sld [smem:$0x3FAF]  }
0x2d: {  	s3 =	simm.s32 $0x108;
	s8 =	sld [smem:$0x3FB0]  }
0x2e: {  	s3 =	simm.s32 @!p0 $0x1082;
	s9 =	sld [smem:$0x3FB1]  }
0x2f: {  	lr =	sadd.s32 s0, s3;
	s0 =	sld [smem:$0x3FA8]  }
0x30: {  	s3 =	sld [smem:$0x3FAB]  }
0x31: {  	[smem:$0x3FB4] =	sst s10  }
0x32: {  	s10 =	sld [smem:$0x3FB2];
	_ =	sdelay $0x3  }
0x33: {  	p0 =	seq.s32 s10, $0x1;
	s10 =	sld [smem:$0x3FB4];
	_ =	sdelay $0x3  }
0x34: {  	[smem:$0x3FB4] =	sst s10  }
0x35: {  	s10 =	sld [smem:$0x3FB3];
	_ =	sdelay $0x3  }
0x36: {  	p1 =	seq.s32 s10, $0x1;
	s10 =	sld [smem:$0x3FB4];
	_ =	sdelay $0x3  }
0x37: {  	[smem:$0x3FB4] =	sst s10  }
0x38: {  	s10 =	sld [smem:$0x3FB5]  }
0x39: {  	_ = 	snop;
	(pc) =	sbr.ind lr, $3  }
0x3a: {  	_ = 	snop  }
0x3b: {  	_ = 	snop  }
0x3c: {  	p2 =	seq.s32 s10, $0x1;
	s10 =	sld [smem:$0x3FB4]  }
0x3d: {  	_ =	shalt  }
0x3e: {  	_ =	shalt  }
0x3f: {  	_ =	shalt  }
0x40: {  	_ =	shalt  }
0x41: {  	_ =	shalt  }
0x42: {  	_ =	shalt  }
0x43: {  	_ =	shalt  }
0x44: {  	_ =	shalt  }
0x45: {  	_ =	shalt  }
0x46: {  	_ =	shalt  }
0x47: {  	_ =	shalt  }
0x48: {  	_ =	shalt  }
0x49: {  	_ =	shalt  }
0x4a: {  	_ =	shalt  }
0x4b: {  	_ =	shalt  }
0x4c: {  	_ =	shalt  }
0x4d: {  	_ =	shalt  }
0x4e: {  	_ =	shalt  }
0x4f: {  	_ =	shalt  }
0x50: {  	_ =	shalt  }
0x51: {  	_ =	shalt  }
0x52: {  	_ =	shalt  }
0x53: {  	_ =	shalt  }
0x54: {  	_ =	shalt  }
0x55: {  	_ =	shalt  }
0x56: {  	_ =	shalt  }
0x57: {  	_ =	shalt  }
0x58: {  	_ =	shalt  }
0x59: {  	_ =	shalt  }
0x5a: {  	_ =	shalt  }
0x5b: {  	_ =	shalt  }
0x5c: {  	_ =	shalt  }
0x5d: {  	_ =	shalt  }
0x5e: {  	_ =	shalt  }
0x5f: {  	_ =	shalt  }
0x60: {  	_ =	shalt  }
0x61: {  	_ =	shalt  }
0x62: {  	_ =	shalt  }
0x63: {  	_ =	shalt  }
0x64: {  	_ =	shalt  }
0x65: {  	_ =	shalt  }
0x66: {  	_ =	shalt  }
0x67: {  	_ =	shalt  }
0x68: {  	_ =	shalt  }
0x69: {  	_ =	shalt  }
0x6a: {  	_ =	shalt  }
0x6b: {  	_ =	shalt  }
0x6c: {  	_ =	shalt  }
0x6d: {  	_ =	shalt  }
0x6e: {  	_ =	shalt  }
0x6f: {  	_ =	shalt  }
0x70: {  	_ =	shalt  }
0x71: {  	_ =	shalt  }
0x72: {  	_ =	shalt  }
0x73: {  	_ =	shalt  }
0x74: {  	_ =	shalt  }
0x75: {  	_ =	shalt  }
0x76: {  	_ =	shalt  }
0x77: {  	_ =	shalt  }
0x78: {  	_ =	shalt  }
0x79: {  	_ =	shalt  }
0x7a: {  	_ =	shalt  }
0x7b: {  	_ =	shalt  }
0x7c: {  	_ =	shalt  }
0x7d: {  	_ =	shalt  }
0x7e: {  	_ =	shalt  }
0x7f: {  	_ =	shalt  }
0x80: {  	_ =	shalt  }
0x81: {  	_ =	shalt  }
0x82: {  	_ =	shalt  }
0x83: {  	_ =	shalt  }
0x84: {  	_ =	shalt  }
0x85: {  	_ =	shalt  }
0x86: {  	_ =	shalt  }
0x87: {  	_ =	shalt  }
.Lfunc_end0:
.L_simem_size_0:
called_computation.2_lowered:
.L_overlay_start_0:
0x88: {  	s2 =	sld [smem:$0x3FD9]  }
0x89: {  	s3 =	sld [smem:$0x3FFE];
	_ =	sdelay $0x1  }
0x8a: {  	s1 =	srdreg.scid  }
0x8b: {  	s0 =	sand.u32 $0x1, s1  }
0x8c: {  	s17 =	sshll.u32 s0, $0xA;
	s2 =	sadd.s32 s3, s2  }
0x8d: {  	s2 =	sadd.s32 s2, s17  }
0x8e: {  	[smem:$0x3FC0] =	sst s2  }
0x8f: {  	_ = 	snop  }
0x90: {  	s2 =	sld [smem:$0x3FD0];
	(tm) =	ssettm $0x1  }
0x91: {  	s18 =	sld [smem:$0x3FFB];
	_ =	sdelay $0x3  }
0x92: {  	_ =	strace s18  }
0x93: {  	s3 =	sld [smem:$0x3FFC];
	_ =	sdelay $0x3  }
0x94: {  	_ =	strace s3  }
0x95: {  	s3 =	sld [smem:$0x3FFD];
	_ =	sdelay $0x3  }
0x96: {  	_ =	strace s3  }
0x97: {  	_ =	strace $0x8FFFFFFF  }
0x98: {  	s19 =	sld [smem:$0x3FDB];
	_ =	sdelay $0x1  }
0x99: {  	s4 =	simm.s32 $_scs_section_size  }
0x9a: {  	s5 =	simm.s32 $_size__tile_overlayer_lowered;
	s6 =	simm.s32 $_tile_overlayer_lowered  }
0x9b: {  	s22 =	simm.s32 $0x1BFF;
	s21 =	sshll.u32 s6, $0x1;
	s3 =	sadd.s32 s4, s19  }
0x9c: {  	s7 =	simm.s32 $0x0;
	s20 =	sshll.u32 s5, $0x1;
	s5 =	sadd.s32 s21, s3  }
0x9d: {  	[timem:s7], [sflag:s22] =	dma.local [hbm:s5], s20  }
0x9e: {  	_ =	swait.ge [sflag:s22], s20  }
0x9f: {  	s4 =	ssub.s32 $0x0, s20;
	[sflag:s22] =	ssyncset.done $0x0  }
0xa0: {  	[sflag:s22] =	ssyncadd.s32 s4;
	_ =	sdelay $0x1  }
0xa1: {  	s23 =	simm.s32 $0x1B8B  }
0xa2: {  	_ =	swait.ge [sflag:s23], $0x1  }
0xa3: {  	[sflag:s23] =	ssyncset.done $0x0  }
0xa4: {  	s25 =	simm.s32 $0x1B8E;
	s24 =	sld [smem:$0x3FFE];
	[sflag:s23] =	ssyncadd.s32 $0xFFFFFFFF  }
0xa5: {  	s26 =	simm.s32 $execute0_lowered;
	[smem:$0x3FD2] =	sst s25  }
0xa6: {  	s5 =	sshll.u32 s26, $0x1;
	_ =	strace $0x8000004C;
	[dreg:$0x1] =	wrdreg $0xFFFFFFFF  }
0xa7: {  	s28 =	simm.s32 $_size_execute0_lowered;
	s3 =	sadd.s32 s3, s5;
	[dreg:$0x0] =	wrdreg $0x0  }
0xa8: {  	s5 =	sshll.u32 s28, $0x1;
	[dreg:$0x2] =	wrdreg s3  }
0xa9: {  	[dreg:$0x3] =	wrdreg s5  }
0xaa: {  	[dreg:$0x4] =	wrdreg $0xC0  }
0xab: {  	_ =	task [dreg:s7], $0x5FFFF  }
0xac: {  	[dreg:$0x1] =	wrdreg $0xFFFFFFFF  }
0xad: {  	[dreg:$0x0] =	wrdreg $0x60  }
0xae: {  	[dreg:$0x2] =	wrdreg s24  }
0xaf: {  	[dreg:$0x3] =	wrdreg s2  }
0xb0: {  	[dreg:$0x4] =	wrdreg $0x130000  }
0xb1: {  	[dreg:$0x5] =	wrdreg $0x9  }
0xb2: {  	_ =	task.clear_ibuf [dreg:s7], $0x6FFFF;
	_ =	strace $0x9000004C  }
0xb3: {  	s29 =	simm.s32 $0x9;
	_ =	strace $0x8000004E  }
0xb4: {  	_ =	swait.ge [sflag:s29], $0x1  }
0xb5: {  	[sflag:s29] =	ssyncadd.s32 $0xFFFFFFFF  }
0xb6: {  	_ =	strace $0x9000004E  }
0xb7: {  	_ =	sfence  }
0xb8: {  	s30 =	sld [smem:$0x0];
	_ =	sdelay $0x2  }
0xb9: {  	s31 =	sshll.u32 s1, $0xD;
	s1 =	sshrl.u32 s1, $0x2  }
0xba: {  	s3 =	sand.u32 $0x4000, s31;
	s1 =	sadd.s32 s1, s30  }
0xbb: {  	s0 =	sor.u32 s3, s0;
	s1 =	sshll.u32 s1, $0x11  }
0xbc: {  	s0 =	sor.u32 s1, s0  }
0xbd: {  	s0 =	sadd.s32 $0x8F2B, s0  }
0xbe: {  	[sflag:s0] =	ssyncadd.remote.s32 $0x1  }
0xbf: {  	_ =	sfence.sel $0xFFFF  }
0xc0: {  	[dreg:$0x0] =	wrdreg $0xFFFFFFFF;
	(pc) =	sbr.abs _section_cstart, $3  }
0xc1: {  	[dreg:$0x1] =	wrdreg $0xFFFFFFFF  }
0xc2: {  	_ =	task.clear_ibuf [dreg:s7], $0x2FFFF;
	_ =	strace $0x9FFFFFFF  }
0xc3: {  	(tm) =	ssettm $0x7FFFFFFF  }
tec
execute0_lowered:
.L_overlay_start_1:
0x0: {  	(tag) =	ssettag $0x1  }
0x1: {  	s0 =	rddreg [dreg:$0x0]  }
0x2: {  	s3 =	rddreg [dreg:$0x1]  }
0x3: {  	s1 =	rddreg [dreg:$0x2];
	s2 =	simm.s32 $0x0  }
0x4: {  	s5 =	srdreg.scid;
	s12 =	stileid.u32;
	s29 =	simm.s32 $0xC000  }
0x5: {  	s30 =	simm.s32 $0x1;
	s31 =	simm.s32 $0xE000;
	s24 =	smul.u32 $0x28000, s12  }
0x6: {  	[smem:$0x7FF] =	sst s2;
	s4 =	sadd.s32 $0x2B200, s0;
	s9 =	smul.u32 $0x5000, s12  }
0x7: {  	s6 =	sadd.s32 $0x53200, s0;
	s7 =	sand.u32 $0x1, s5;
	s25 =	smul.u32 $0xA000, s12  }
0x8: {  	s0 =	sadd.s32 $0x7B200, s0;
	_ =	strace $0x8000004D;
	s11 =	smul.u32 $0x50000, s7  }
0x9: {  	s8 =	ssub.s32 $0x2, s7;
	s13 =	smul.u32 $0xA0000, s7;
	s7 =	sor.u32 $0x2, s7  }
0xa: {  	s10 =	sshrl.u32 s8, $0x1;
	s5 =	sshrl.u32 s24, $0x2;
	s14 =	smul.u32 $0x50000, s7  }
0xb: {  	s26 =	sshrl.u32 s9, $0x3;
	s7 =	smul.u32 $0xA0000, s7;
	s18 =	sadd.s32 s25, s1  }
0xc: {  	s8 =	ssub.s32 s8, s10;
	s5 =	sadd.s32 s5, s1;
	s3 =	sadd.s32 s3, s26  }
0xd: {  	s12 =	sadd.s32 s9, s11;
	s15 =	sadd.s32 s25, s13;
	[dreg:$0x7] =	wrdreg s18  }
0xe: {  	[dreg:$0x4] =	wrdreg s3;
	s3 =	sshrl.u32 s12, $0x3;
	s16 =	sshrl.u32 s15, $0x3  }
0xf: {  	s9 =	sadd.s32 s9, s14;
	s7 =	sadd.s32 s25, s7;
	s20 =	smax.u32 s8, $0x1  }
0x10: {  	s18 =	sadd.s32 $0x1000, s5;
	s21 =	sadd.s32 $0x3000, s5;
	[dreg:$0xa] =	wrdreg s20  }
0x11: {  	s28 =	sadd.s32 $0x2000, s5;
	s22 =	sadd.s32 $0x4000, s5;
	[dreg:$0xb] =	wrdreg s21  }
0x12: {  	s23 =	sadd.s32 $0x5000, s5;
	s24 =	sadd.s32 $0x6000, s5;
	[dreg:$0xc] =	wrdreg s22  }
0x13: {  	s25 =	sadd.s32 $0x7000, s5;
	s26 =	sadd.s32 $0x8000, s5;
	[dreg:$0xd] =	wrdreg s23  }
0x14: {  	s8 =	simm.s32 $0x6;
	s3 =	sadd.s32 s6, s3;
	[dreg:$0xe] =	wrdreg s24  }
0x15: {  	s17 =	sshrl.u32 s9, $0x3;
	s19 =	sshrl.u32 s7, $0x3;
	[dreg:$0xf] =	wrdreg s25  }
0x16: {  	[dreg:$0x10] =	wrdreg s26;
	s21 =	sadd.s32 $0x9000, s5;
	s22 =	simm.s32 $0x12000  }
0x17: {  	s23 =	simm.s32 $0x7;
	s25 =	simm.s32 $0x80;
	s24 =	simm.s32 $0x2  }
0x18: {  	s7 =	simm.s32 $0x3;
	[dreg:$0x5] =	wrdreg s3;
	s3 =	sadd.s32 s0, s16  }
0x19: {  	s9 =	simm.s32 $0x4;
	s0 =	sadd.s32 s0, s19;
	[dreg:$0x6] =	wrdreg s3  }
0x1a: {  	s3 =	sadd.s32 s6, s17;
	[dreg:$0x9] =	wrdreg s0;
	s0 =	simm.s32 $0xD000  }
0x1b: {  	v0 =	vimm.f32 $0.0e+00;
	s6 =	simm.s32 $0x5;
	[dreg:$0x8] =	wrdreg s3;
	s3 =	simm.s32 $0x10000  }
.LBB2_1:
0x1c: {  	s11 =	simm.s32 $0x100;
	s10 =	simm.s32 $0x0  }
.LBB2_2:
0x1d: {  	p0 =	sne.s32 s11, $0x3F00;
	[tilespmem:s10+$0x12030] =	vst v0;
	s12 =	smov.u32 s11;
	s11 =	sadd.s32 $0x100, s11  }
.Ltmp0:
0x1e: {  	[tilespmem:s10+$0x12020] =	vst v0;
	(pc) =	sbr.rel @p0 .LBB2_2-.Ltmp0, $3  }
0x1f: {  	[tilespmem:s10+$0x12000] =	vst v0  }
0x20: {  	[tilespmem:s10+$0x12010] =	vst v0;
	_ =	sdelay $0x1  }
0x21: {  	s10 =	sshra.s32 s12, $0x2  }
0x22: {  	[tilespmem:s10+$0x12030] =	vst v0  }
0x23: {  	[tilespmem:s10+$0x12020] =	vst v0  }
0x24: {  	[tilespmem:s10+$0x12000] =	vst v0  }
0x25: {  	[tilespmem:s10+$0x12010] =	vst v0  }
0x26: {  	[spmem:s5] =	stream.linear.scatter [tilespmem:s22], [sflag:$0x7], $0x1000, $0x38;
	[tilespmem:$0x1D000] =	vst v63  }
0x27: {  	_ =	swait.ge [sflag:s23], $0x1000  }
0x28: {  	[sflag:s23] =	ssyncset.done $0x0  }
0x29: {  	[sflag:s23] =	ssyncadd.s32 $0xFFFFF000  }
0x2a: {  	[spmem:s18] =	stream.linear.scatter [tilespmem:s22], [sflag:$0x7], $0x1000, $0x38;
	[tilespmem:$0x1D000] =	vst v63  }
0x2b: {  	_ =	swait.ge [sflag:s23], $0x1000  }
0x2c: {  	[sflag:s23] =	ssyncset.done $0x0  }
0x2d: {  	[sflag:s23] =	ssyncadd.s32 $0xFFFFF000  }
0x2e: {  	[spmem:s28] =	stream.linear.scatter [tilespmem:s22], [sflag:$0x7], $0x1000, $0x38;
	[tilespmem:$0x1D000] =	vst v63  }
0x2f: {  	_ =	swait.ge [sflag:s23], $0x1000  }
0x30: {  	[sflag:s23] =	ssyncset.done $0x0  }
0x31: {  	s12 =	rddreg [dreg:$0xb];
	[sflag:s23] =	ssyncadd.s32 $0xFFFFF000  }
0x32: {  	[spmem:s12] =	stream.linear.scatter [tilespmem:s22], [sflag:$0x7], $0x1000, $0x38;
	[tilespmem:$0x1D000] =	vst v63  }
0x33: {  	_ =	swait.ge [sflag:s23], $0x1000  }
0x34: {  	[sflag:s23] =	ssyncset.done $0x0  }
0x35: {  	s13 =	rddreg [dreg:$0xc];
	[sflag:s23] =	ssyncadd.s32 $0xFFFFF000  }
0x36: {  	[spmem:s13] =	stream.linear.scatter [tilespmem:s22], [sflag:$0x7], $0x1000, $0x38;
	[tilespmem:$0x1D000] =	vst v63  }
0x37: {  	_ =	swait.ge [sflag:s23], $0x1000  }
0x38: {  	[sflag:s23] =	ssyncset.done $0x0  }
0x39: {  	s14 =	rddreg [dreg:$0xd];
	[sflag:s23] =	ssyncadd.s32 $0xFFFFF000  }
0x3a: {  	[spmem:s14] =	stream.linear.scatter [tilespmem:s22], [sflag:$0x7], $0x1000, $0x38;
	[tilespmem:$0x1D000] =	vst v63  }
0x3b: {  	_ =	swait.ge [sflag:s23], $0x1000  }
0x3c: {  	[sflag:s23] =	ssyncset.done $0x0  }
0x3d: {  	s15 =	rddreg [dreg:$0xe];
	[sflag:s23] =	ssyncadd.s32 $0xFFFFF000  }
0x3e: {  	[spmem:s15] =	stream.linear.scatter [tilespmem:s22], [sflag:$0x7], $0x1000, $0x38;
	[tilespmem:$0x1D000] =	vst v63  }
0x3f: {  	_ =	swait.ge [sflag:s23], $0x1000  }
0x40: {  	[sflag:s23] =	ssyncset.done $0x0  }
0x41: {  	s16 =	rddreg [dreg:$0xf];
	[sflag:s23] =	ssyncadd.s32 $0xFFFFF000  }
0x42: {  	[spmem:s16] =	stream.linear.scatter [tilespmem:s22], [sflag:$0x7], $0x1000, $0x38;
	[tilespmem:$0x1D000] =	vst v63  }
0x43: {  	_ =	swait.ge [sflag:s23], $0x1000  }
0x44: {  	[sflag:s23] =	ssyncset.done $0x0  }
0x45: {  	s17 =	rddreg [dreg:$0x10];
	[sflag:s23] =	ssyncadd.s32 $0xFFFFF000  }
0x46: {  	[spmem:s17] =	stream.linear.scatter [tilespmem:s22], [sflag:$0x7], $0x1000, $0x38;
	[tilespmem:$0x1D000] =	vst v63  }
0x47: {  	_ =	swait.ge [sflag:s23], $0x1000  }
0x48: {  	[sflag:s23] =	ssyncset.done $0x0  }
0x49: {  	[sflag:s23] =	ssyncadd.s32 $0xFFFFF000  }
0x4a: {  	[spmem:s21] =	stream.linear.scatter [tilespmem:s22], [sflag:$0x7], $0x1000, $0x38;
	[tilespmem:$0x1D000] =	vst v63  }
0x4b: {  	_ =	swait.ge [sflag:s23], $0x1000  }
0x4c: {  	s10 =	simm.s32 $0x0;
	[sflag:s23] =	ssyncset.done $0x0  }
0x4d: {  	s12 =	simm.s32 $0x5000;
	s11 =	rddreg [dreg:$0x4];
	[sflag:s23] =	ssyncadd.s32 $0xFFFFF000  }
0x4e: {  	[tilespmem:s12], [sflag:$0x7] =	stream.linear.gather [hbm4b:s11+s10], $0x5000, $0x38;
	[tilespmem:$0x1D000] =	vst v63  }
0x4f: {  	_ =	swait.ge [sflag:s23], $0x5000  }
0x50: {  	[sflag:s23] =	ssyncset.done $0x0  }
0x51: {  	s19 =	rddreg [dreg:$0x5];
	[sflag:s23] =	ssyncadd.s32 $0xFFFFB000  }
0x52: {  	[tilespmem:s10], [sflag:$0x7] =	stream.linear.gather [hbm4b:s19+s10], $0x5000, $0x38;
	[tilespmem:$0x1D000] =	vst v63  }
0x53: {  	_ =	swait.ge [sflag:s23], $0x5000  }
0x54: {  	[sflag:s23] =	ssyncset.done $0x0  }
0x55: {  	[sflag:s23] =	ssyncadd.s32 $0xFFFFB000  }
0x56: {  	s20 =	simm.s32 $0xA000;
	[bflag:$0x0] =	sbarrier.arrive $0xFFFF  }
0x57: {  	[tilespmem:s20], [sflag:$0x1] =	stream.indirect.gather [hbm4b:s4+s25], $0x20, s10, s25, $0xb8;
	[tilespmem:$0x1D000] =	vst v63  }
0x58: {  	s26 =	simm.s32 $0xB000  }
0x59: {  	[tilespmem:s26], [sflag:$0x2] =	stream.indirect.gather [hbm4b:s4+s25], $0x20, s25, s25, $0xb8;
	[tilespmem:$0x1D000] =	vst v63  }
.LBB2_4:
0x5a: {  	s26 =	sshll.u32 s10, $0xB  }
0x5b: {  	p0 =	seq.s32 s10, $0x0;
	s11 =	sor.u32 $0x400, s26  }
0x5c: {  	s12 =	simm.s32 @!p0 $0x5;
	s11 =	sshrl.u32 s11, $0x2  }
0x5d: {  	[tilespmem:s29], [sflag:$0x3] =	stream.indirect.gather [hbm4b:s4+s25], $0x20, s11, s25, $0xb8;
	[tilespmem:$0x1D000] =	vst v63  }
0x5e: {  	_ =	swait.ge @!p0 [sflag:s12], $0x2000  }
0x5f: {  	[sflag:s12] =	ssyncset.done @!p0 $0x0  }
0x60: {  	[sflag:s12] =	ssyncadd.s32 @!p0 $0xFFFFE000  }
0x61: {  	_ =	swait.ge [sflag:s30], $0x1000  }
0x62: {  	[sflag:s30] =	ssyncset.done $0x0  }
0x63: {  	s14 =	simm.s32 $0x0;
	[sflag:s30] =	ssyncadd.s32 $0xFFFFF000  }
0x64: {  	v1 =	vld [tilespmem:s14+$0xA000];
	_ =	sdelay $0x4  }
0x65: {  	s12 =	simm.s32 $0xE020;
	v2 =	vunpack.i.l.bf16.f32 v1  }
0x66: {  	v1 =	vunpack.i.u.bf16.f32 v1;
	[tilespmem:s12+$0xFFFFFFE0] =	vst v2  }
0x67: {  	[tilespmem:s12+$0xFFFFFFF0] =	vst v1  }
0x68: {  	s13 =	simm.s32 $0x80;
	v1 =	vld [tilespmem:s14+$0xA010];
	s14 =	simm.s32 $0xE020  }
.LBB2_5:
0x69: {  	_ =	sdelay $0x2  }
0x6a: {  	p1 =	sne.s32 s13, $0x3F80  }
0x6b: {  	s12 =	sadd.s32 $0x40, s12;
	s15 =	smov.u32 s13;
	s13 =	sadd.s32 $0x80, s13;
	v2 =	vunpack.i.u.bf16.f32 v1;
	v1 =	vunpack.i.l.bf16.f32 v1  }
0x6c: {  	[tilespmem:s14+$0x0] =	vst v1  }
0x6d: {  	s15 =	sshra.s32 s15, $0x2;
	[tilespmem:s14+$0x10] =	vst v2;
	s14 =	smov.u32 s12  }
0x6e: {  	v1 =	vld [tilespmem:s15+$0xA000];
	_ =	sdelay $0x3  }
.Ltmp1:
0x6f: {  	(pc) =	sbr.rel @p1 .LBB2_5-.Ltmp1, $4  }
0x70: {  	v2 =	vunpack.i.u.bf16.f32 v1;
	v1 =	vunpack.i.l.bf16.f32 v1  }
0x71: {  	[tilespmem:s12+$0xFFFFFFE0] =	vst v1  }
0x72: {  	[tilespmem:s12+$0xFFFFFFF0] =	vst v2  }
0x73: {  	v1 =	vld [tilespmem:s15+$0xA010]  }
0x74: {  	_ =	sdelay $0x3  }
0x75: {  	v2 =	vunpack.i.l.bf16.f32 v1  }
0x76: {  	s13 =	sshrl.u32 s26, $0x2;
	v1 =	vunpack.i.u.bf16.f32 v1;
	[tilespmem:s14+$0x0] =	vst v2  }
0x77: {  	s20 =	sor.u32 $0x600, s26;
	s12 =	sadd.s32 $0x5000, s13;
	[tilespmem:s14+$0x10] =	vst v1  }
0x78: {  	[spmem:s1] =	stream.indirect.scatter.add.f32 [tilespmem:s31], [sflag:$0x5], $0x40, s12, s25, $0xb8;
	[tilespmem:$0x1D000] =	vst v63  }
0x79: {  	s14 =	simm.s32 @!p0 $0x6;
	s12 =	sshrl.u32 s20, $0x2  }
0x7a: {  	[tilespmem:s0], [sflag:$0x4] =	stream.indirect.gather [hbm4b:s4+s25], $0x20, s12, s25, $0xb8;
	[tilespmem:$0x1D000] =	vst v63  }
0x7b: {  	_ =	swait.ge @!p0 [sflag:s14], $0x2000  }
0x7c: {  	[sflag:s14] =	ssyncset.done @!p0 $0x0  }
0x7d: {  	[sflag:s14] =	ssyncadd.s32 @!p0 $0xFFFFE000  }
0x7e: {  	_ =	swait.ge [sflag:s24], $0x1000  }
0x7f: {  	[sflag:s24] =	ssyncset.done $0x0  }
0x80: {  	s15 =	simm.s32 $0x0;
	[sflag:s24] =	ssyncadd.s32 $0xFFFFF000  }
0x81: {  	v1 =	vld [tilespmem:s15+$0xB000];
	_ =	sdelay $0x4  }
0x82: {  	s14 =	simm.s32 $0x10030;
	v2 =	vunpack.i.l.bf16.f32 v1  }
0x83: {  	v1 =	vunpack.i.u.bf16.f32 v1;
	[tilespmem:s14+$0xFFFFFFD0] =	vst v2  }
0x84: {  	[tilespmem:s14+$0xFFFFFFE0] =	vst v1  }
0x85: {  	s16 =	simm.s32 $0x80;
	v1 =	vld [tilespmem:s15+$0xB010];
	s15 =	simm.s32 $0x10030  }
.LBB2_7:
0x86: {  	_ =	sdelay $0x2  }
0x87: {  	p0 =	sne.s32 s16, $0x3F80  }
0x88: {  	s14 =	sadd.s32 $0x40, s14;
	s17 =	smov.u32 s16;
	s16 =	sadd.s32 $0x80, s16;
	v2 =	vunpack.i.u.bf16.f32 v1;
	v1 =	vunpack.i.l.bf16.f32 v1  }
0x89: {  	[tilespmem:s15+$0xFFFFFFF0] =	vst v1  }
0x8a: {  	s17 =	sshra.s32 s17, $0x2;
	[tilespmem:s15+$0x0] =	vst v2;
	s15 =	smov.u32 s14  }
0x8b: {  	v1 =	vld [tilespmem:s17+$0xB000];
	_ =	sdelay $0x3  }
.Ltmp2:
0x8c: {  	(pc) =	sbr.rel @p0 .LBB2_7-.Ltmp2, $4  }
0x8d: {  	v2 =	vunpack.i.u.bf16.f32 v1;
	v1 =	vunpack.i.l.bf16.f32 v1  }
0x8e: {  	[tilespmem:s14+$0xFFFFFFD0] =	vst v1  }
0x8f: {  	[tilespmem:s14+$0xFFFFFFE0] =	vst v2  }
0x90: {  	v1 =	vld [tilespmem:s17+$0xB010]  }
0x91: {  	_ =	sdelay $0x3  }
0x92: {  	v2 =	vunpack.i.l.bf16.f32 v1  }
0x93: {  	v1 =	vunpack.i.u.bf16.f32 v1;
	[tilespmem:s15+$0xFFFFFFF0] =	vst v2  }
0x94: {  	s13 =	sadd.s32 $0x5080, s13;
	p0 =	seq.s32 s10, $0x27;
	[tilespmem:s15+$0x0] =	vst v1  }
0x95: {  	[spmem:s1] =	stream.indirect.scatter.add.f32 [tilespmem:s3], [sflag:$0x6], $0x40, s13, s25, $0xb8;
	[tilespmem:$0x1D000] =	vst v63  }
0x96: {  	s13 =	sshrl.u32 @!p0 s26, $0x2  }
0x97: {  	s16 =	simm.s32 @!p0 $0xA000;
	s15 =	simm.s32 @!p0 $0x80;
	s14 =	sadd.s32 @!p0 $0x200, s13  }
0x98: {  	[tilespmem:s16], [sflag:$0x1] =	stream.indirect.gather @!p0 [hbm4b:s4+s15], $0x20, s14, s15, $0xb8;
	[tilespmem:$0x1D000] =	vst v63  }
0x99: {  	_ =	swait.ge [sflag:s6], $0x2000  }
0x9a: {  	[sflag:s6] =	ssyncset.done $0x0  }
0x9b: {  	[sflag:s6] =	ssyncadd.s32 $0xFFFFE000  }
0x9c: {  	_ =	swait.ge [sflag:s7], $0x1000  }
0x9d: {  	[sflag:s7] =	ssyncset.done $0x0  }
0x9e: {  	s26 =	simm.s32 $0x0;
	[sflag:s7] =	ssyncadd.s32 $0xFFFFF000  }
0x9f: {  	v1 =	vld [tilespmem:s26+$0xC000];
	_ =	sdelay $0x4  }
0xa0: {  	s14 =	simm.s32 $0xE020;
	v2 =	vunpack.i.l.bf16.f32 v1  }
0xa1: {  	v1 =	vunpack.i.u.bf16.f32 v1;
	[tilespmem:s14+$0xFFFFFFE0] =	vst v2  }
0xa2: {  	[tilespmem:s14+$0xFFFFFFF0] =	vst v1  }
0xa3: {  	s16 =	simm.s32 $0x80;
	s15 =	simm.s32 $0xE020;
	v1 =	vld [tilespmem:s26+$0xC010]  }
.LBB2_9:
0xa4: {  	_ =	sdelay $0x2  }
0xa5: {  	p1 =	sne.s32 s16, $0x3F80  }
0xa6: {  	s14 =	sadd.s32 $0x40, s14;
	s17 =	smov.u32 s16;
	s16 =	sadd.s32 $0x80, s16;
	v2 =	vunpack.i.u.bf16.f32 v1;
	v1 =	vunpack.i.l.bf16.f32 v1  }
0xa7: {  	[tilespmem:s15+$0x0] =	vst v1  }
0xa8: {  	s17 =	sshra.s32 s17, $0x2;
	[tilespmem:s15+$0x10] =	vst v2;
	s15 =	smov.u32 s14  }
0xa9: {  	v1 =	vld [tilespmem:s17+$0xC000];
	_ =	sdelay $0x3  }
.Ltmp3:
0xaa: {  	(pc) =	sbr.rel @p1 .LBB2_9-.Ltmp3, $4  }
0xab: {  	v2 =	vunpack.i.u.bf16.f32 v1;
	v1 =	vunpack.i.l.bf16.f32 v1  }
0xac: {  	[tilespmem:s14+$0xFFFFFFE0] =	vst v1  }
0xad: {  	[tilespmem:s14+$0xFFFFFFF0] =	vst v2  }
0xae: {  	v1 =	vld [tilespmem:s17+$0xC010]  }
0xaf: {  	_ =	sdelay $0x3  }
0xb0: {  	v2 =	vunpack.i.l.bf16.f32 v1  }
0xb1: {  	v1 =	vunpack.i.u.bf16.f32 v1;
	[tilespmem:s15+$0x0] =	vst v2  }
0xb2: {  	s11 =	sadd.s32 $0x5000, s11;
	[tilespmem:s15+$0x10] =	vst v1  }
0xb3: {  	[spmem:s1] =	stream.indirect.scatter.add.f32 [tilespmem:s31], [sflag:$0x5], $0x40, s11, s25, $0xb8;
	[tilespmem:$0x1D000] =	vst v63  }
0xb4: {  	s14 =	simm.s32 @!p0 $0xB000;
	s11 =	sadd.s32 @!p0 $0x280, s13;
	s13 =	simm.s32 @!p0 $0x80  }
0xb5: {  	[tilespmem:s14], [sflag:$0x2] =	stream.indirect.gather @!p0 [hbm4b:s4+s13], $0x20, s11, s13, $0xb8;
	[tilespmem:$0x1D000] =	vst v63  }
0xb6: {  	_ =	swait.ge [sflag:s8], $0x2000  }
0xb7: {  	[sflag:s8] =	ssyncset.done $0x0  }
0xb8: {  	[sflag:s8] =	ssyncadd.s32 $0xFFFFE000  }
0xb9: {  	_ =	swait.ge [sflag:s9], $0x1000  }
0xba: {  	[sflag:s9] =	ssyncset.done $0x0  }
0xbb: {  	s26 =	simm.s32 $0x0;
	[sflag:s9] =	ssyncadd.s32 $0xFFFFF000  }
0xbc: {  	v1 =	vld [tilespmem:s26+$0xD000];
	_ =	sdelay $0x4  }
0xbd: {  	s11 =	simm.s32 $0x10030;
	v2 =	vunpack.i.l.bf16.f32 v1  }
0xbe: {  	v1 =	vunpack.i.u.bf16.f32 v1;
	[tilespmem:s11+$0xFFFFFFD0] =	vst v2  }
0xbf: {  	[tilespmem:s11+$0xFFFFFFE0] =	vst v1  }
0xc0: {  	s14 =	simm.s32 $0x80;
	s13 =	simm.s32 $0x10030;
	v1 =	vld [tilespmem:s26+$0xD010]  }
.LBB2_11:
0xc1: {  	_ =	sdelay $0x2  }
0xc2: {  	p0 =	sne.s32 s14, $0x3F80  }
0xc3: {  	s11 =	sadd.s32 $0x40, s11;
	s15 =	smov.u32 s14;
	s14 =	sadd.s32 $0x80, s14;
	v2 =	vunpack.i.u.bf16.f32 v1;
	v1 =	vunpack.i.l.bf16.f32 v1  }
0xc4: {  	[tilespmem:s13+$0xFFFFFFF0] =	vst v1  }
0xc5: {  	s15 =	sshra.s32 s15, $0x2;
	[tilespmem:s13+$0x0] =	vst v2;
	s13 =	smov.u32 s11  }
0xc6: {  	v1 =	vld [tilespmem:s15+$0xD000];
	_ =	sdelay $0x3  }
.Ltmp4:
0xc7: {  	(pc) =	sbr.rel @p0 .LBB2_11-.Ltmp4, $4  }
0xc8: {  	v2 =	vunpack.i.u.bf16.f32 v1;
	v1 =	vunpack.i.l.bf16.f32 v1  }
0xc9: {  	[tilespmem:s11+$0xFFFFFFD0] =	vst v1  }
0xca: {  	[tilespmem:s11+$0xFFFFFFE0] =	vst v2  }
0xcb: {  	v1 =	vld [tilespmem:s15+$0xD010]  }
0xcc: {  	_ = 	snop  }
0xcd: {  	s10 =	sadd.s32 $0x1, s10  }
0xce: {  	p0 =	sne.s32 s10, $0x28  }
.Ltmp5:
0xcf: {  	_ = 	snop;
	(pc) =	sbr.rel @p0 .LBB2_4-.Ltmp5, $4  }
0xd0: {  	v2 =	vunpack.i.l.bf16.f32 v1  }
0xd1: {  	v1 =	vunpack.i.u.bf16.f32 v1;
	[tilespmem:s13+$0xFFFFFFF0] =	vst v2  }
0xd2: {  	s11 =	sadd.s32 $0x5000, s12;
	[tilespmem:s13+$0x0] =	vst v1  }
0xd3: {  	[spmem:s1] =	stream.indirect.scatter.add.f32 [tilespmem:s3], [sflag:$0x6], $0x40, s11, s25, $0xb8;
	[tilespmem:$0x1D000] =	vst v63  }
0xd4: {  	_ =	swait.ge [sflag:s6], $0x2000  }
0xd5: {  	[sflag:s6] =	ssyncset.done $0x0  }
0xd6: {  	[sflag:s6] =	ssyncadd.s32 $0xFFFFE000  }
0xd7: {  	_ =	swait.ge [sflag:s8], $0x2000  }
0xd8: {  	[sflag:s8] =	ssyncset.done $0x0  }
0xd9: {  	[sflag:s8] =	ssyncadd.s32 $0xFFFFE000  }
0xda: {  	s10 =	stileid.u32;
	[bflag:$0x0] =	sbarrier.arrive $0xFFFF  }
0xdb: {  	s10 =	sshll.u32 s10, $0x6;
	s11 =	rddreg [dreg:$0x7]  }
0xdc: {  	s10 =	sor.u32 $0x1C07, s10;
	s12 =	rddreg [dreg:$0x6];
	s11 =	sshrl.u32 s11, $0x3  }
0xdd: {  	[hbm:s12], [sflag:s10] =	dma.local [spmem:s11], $0x1400  }
0xde: {  	_ =	swait.ge [sflag:s23], $0x1400  }
0xdf: {  	[sflag:s23] =	ssyncset.done $0x0  }
0xe0: {  	[sflag:s23] =	ssyncadd.s32 $0xFFFFEC00  }
0xe1: {  	[spmem:s5] =	stream.linear.scatter [tilespmem:s22], [sflag:$0x7], $0x1000, $0x38;
	[tilespmem:$0x1D000] =	vst v63  }
0xe2: {  	_ =	swait.ge [sflag:s23], $0x1000  }
0xe3: {  	[sflag:s23] =	ssyncset.done $0x0  }
0xe4: {  	[sflag:s23] =	ssyncadd.s32 $0xFFFFF000  }
0xe5: {  	[spmem:s18] =	stream.linear.scatter [tilespmem:s22], [sflag:$0x7], $0x1000, $0x38;
	[tilespmem:$0x1D000] =	vst v63  }
0xe6: {  	_ =	swait.ge [sflag:s23], $0x1000  }
0xe7: {  	[sflag:s23] =	ssyncset.done $0x0  }
0xe8: {  	[sflag:s23] =	ssyncadd.s32 $0xFFFFF000  }
0xe9: {  	[spmem:s28] =	stream.linear.scatter [tilespmem:s22], [sflag:$0x7], $0x1000, $0x38;
	[tilespmem:$0x1D000] =	vst v63  }
0xea: {  	_ =	swait.ge [sflag:s23], $0x1000  }
0xeb: {  	[sflag:s23] =	ssyncset.done $0x0  }
0xec: {  	s13 =	rddreg [dreg:$0xb];
	[sflag:s23] =	ssyncadd.s32 $0xFFFFF000  }
0xed: {  	[spmem:s13] =	stream.linear.scatter [tilespmem:s22], [sflag:$0x7], $0x1000, $0x38;
	[tilespmem:$0x1D000] =	vst v63  }
0xee: {  	_ =	swait.ge [sflag:s23], $0x1000  }
0xef: {  	[sflag:s23] =	ssyncset.done $0x0  }
0xf0: {  	s14 =	rddreg [dreg:$0xc];
	[sflag:s23] =	ssyncadd.s32 $0xFFFFF000  }
0xf1: {  	[spmem:s14] =	stream.linear.scatter [tilespmem:s22], [sflag:$0x7], $0x1000, $0x38;
	[tilespmem:$0x1D000] =	vst v63  }
0xf2: {  	_ =	swait.ge [sflag:s23], $0x1000  }
0xf3: {  	[sflag:s23] =	ssyncset.done $0x0  }
0xf4: {  	s15 =	rddreg [dreg:$0xd];
	[sflag:s23] =	ssyncadd.s32 $0xFFFFF000  }
0xf5: {  	[spmem:s15] =	stream.linear.scatter [tilespmem:s22], [sflag:$0x7], $0x1000, $0x38;
	[tilespmem:$0x1D000] =	vst v63  }
0xf6: {  	_ =	swait.ge [sflag:s23], $0x1000  }
0xf7: {  	[sflag:s23] =	ssyncset.done $0x0  }
0xf8: {  	s16 =	rddreg [dreg:$0xe];
	[sflag:s23] =	ssyncadd.s32 $0xFFFFF000  }
0xf9: {  	[spmem:s16] =	stream.linear.scatter [tilespmem:s22], [sflag:$0x7], $0x1000, $0x38;
	[tilespmem:$0x1D000] =	vst v63  }
0xfa: {  	_ =	swait.ge [sflag:s23], $0x1000  }
0xfb: {  	[sflag:s23] =	ssyncset.done $0x0  }
0xfc: {  	s17 =	rddreg [dreg:$0xf];
	[sflag:s23] =	ssyncadd.s32 $0xFFFFF000  }
0xfd: {  	[spmem:s17] =	stream.linear.scatter [tilespmem:s22], [sflag:$0x7], $0x1000, $0x38;
	[tilespmem:$0x1D000] =	vst v63  }
0xfe: {  	_ =	swait.ge [sflag:s23], $0x1000  }
0xff: {  	[sflag:s23] =	ssyncset.done $0x0  }
0x100: {  	s19 =	smov.u32 s18;
	s18 =	rddreg [dreg:$0x10];
	[sflag:s23] =	ssyncadd.s32 $0xFFFFF000  }
0x101: {  	[spmem:s18] =	stream.linear.scatter [tilespmem:s22], [sflag:$0x7], $0x1000, $0x38;
	[tilespmem:$0x1D000] =	vst v63  }
0x102: {  	_ =	swait.ge [sflag:s23], $0x1000  }
0x103: {  	[sflag:s23] =	ssyncset.done $0x0  }
0x104: {  	[sflag:s23] =	ssyncadd.s32 $0xFFFFF000  }
0x105: {  	[spmem:s21] =	stream.linear.scatter [tilespmem:s22], [sflag:$0x7], $0x1000, $0x38;
	[tilespmem:$0x1D000] =	vst v63  }
0x106: {  	_ =	swait.ge [sflag:s23], $0x1000  }
0x107: {  	[sflag:s23] =	ssyncset.done $0x0  }
0x108: {  	s12 =	simm.s32 $0x0;
	s13 =	rddreg [dreg:$0x8];
	[sflag:s23] =	ssyncadd.s32 $0xFFFFF000  }
0x109: {  	[tilespmem:s12], [sflag:$0x7] =	stream.linear.gather [hbm4b:s13+s12], $0x5000, $0x38;
	[tilespmem:$0x1D000] =	vst v63  }
0x10a: {  	_ =	swait.ge [sflag:s23], $0x5000  }
0x10b: {  	[sflag:s23] =	ssyncset.done $0x0  }
0x10c: {  	[sflag:s23] =	ssyncadd.s32 $0xFFFFB000  }
0x10d: {  	s26 =	simm.s32 $0xA000;
	[bflag:$0x0] =	sbarrier.arrive $0xFFFF  }
0x10e: {  	[tilespmem:s26], [sflag:$0x1] =	stream.indirect.gather [hbm4b:s4+s25], $0x20, s12, s25, $0xb8;
	[tilespmem:$0x1D000] =	vst v63  }
0x10f: {  	s20 =	smov.u32 s28;
	s28 =	simm.s32 $0xB000  }
0x110: {  	[tilespmem:s28], [sflag:$0x2] =	stream.indirect.gather [hbm4b:s4+s25], $0x20, s25, s25, $0xb8;
	[tilespmem:$0x1D000] =	vst v63  }
.LBB2_14:
0x111: {  	s13 =	sshll.u32 s12, $0xB  }
0x112: {  	p0 =	seq.s32 s12, $0x0;
	s14 =	sor.u32 $0x400, s13  }
0x113: {  	s26 =	sshrl.u32 s14, $0x2;
	s14 =	simm.s32 @!p0 $0x5  }
0x114: {  	[tilespmem:s29], [sflag:$0x3] =	stream.indirect.gather [hbm4b:s4+s25], $0x20, s26, s25, $0xb8;
	[tilespmem:$0x1D000] =	vst v63  }
0x115: {  	_ =	swait.ge @!p0 [sflag:s14], $0x2000  }
0x116: {  	[sflag:s14] =	ssyncset.done @!p0 $0x0  }
0x117: {  	[sflag:s14] =	ssyncadd.s32 @!p0 $0xFFFFE000  }
0x118: {  	_ =	swait.ge [sflag:s30], $0x1000  }
0x119: {  	[sflag:s30] =	ssyncset.done $0x0  }
0x11a: {  	s15 =	simm.s32 $0x0;
	[sflag:s30] =	ssyncadd.s32 $0xFFFFF000  }
0x11b: {  	v1 =	vld [tilespmem:s15+$0xA000];
	_ =	sdelay $0x4  }
0x11c: {  	s14 =	simm.s32 $0xE020;
	v2 =	vunpack.i.l.bf16.f32 v1  }
0x11d: {  	v1 =	vunpack.i.u.bf16.f32 v1;
	[tilespmem:s14+$0xFFFFFFE0] =	vst v2  }
0x11e: {  	[tilespmem:s14+$0xFFFFFFF0] =	vst v1  }
0x11f: {  	s16 =	simm.s32 $0x80;
	v1 =	vld [tilespmem:s15+$0xA010];
	s15 =	simm.s32 $0xE020  }
.LBB2_15:
0x120: {  	_ =	sdelay $0x2  }
0x121: {  	p1 =	sne.s32 s16, $0x3F80  }
0x122: {  	s14 =	sadd.s32 $0x40, s14;
	s17 =	smov.u32 s16;
	s16 =	sadd.s32 $0x80, s16;
	v2 =	vunpack.i.u.bf16.f32 v1;
	v1 =	vunpack.i.l.bf16.f32 v1  }
0x123: {  	[tilespmem:s15+$0x0] =	vst v1  }
0x124: {  	s17 =	sshra.s32 s17, $0x2;
	[tilespmem:s15+$0x10] =	vst v2;
	s15 =	smov.u32 s14  }
0x125: {  	v1 =	vld [tilespmem:s17+$0xA000];
	_ =	sdelay $0x3  }
.Ltmp6:
0x126: {  	(pc) =	sbr.rel @p1 .LBB2_15-.Ltmp6, $4  }
0x127: {  	v2 =	vunpack.i.u.bf16.f32 v1;
	v1 =	vunpack.i.l.bf16.f32 v1  }
0x128: {  	[tilespmem:s14+$0xFFFFFFE0] =	vst v1  }
0x129: {  	[tilespmem:s14+$0xFFFFFFF0] =	vst v2  }
0x12a: {  	v1 =	vld [tilespmem:s17+$0xA010]  }
0x12b: {  	_ =	sdelay $0x3  }
0x12c: {  	v2 =	vunpack.i.l.bf16.f32 v1  }
0x12d: {  	s14 =	sshrl.u32 s13, $0x2;
	v1 =	vunpack.i.u.bf16.f32 v1;
	[tilespmem:s15+$0x0] =	vst v2  }
0x12e: {  	s18 =	sor.u32 $0x600, s13;
	s17 =	sadd.s32 $0x5000, s14;
	[tilespmem:s15+$0x10] =	vst v1  }
0x12f: {  	[spmem:s1] =	stream.indirect.scatter.add.f32 [tilespmem:s31], [sflag:$0x5], $0x40, s17, s25, $0xb8;
	[tilespmem:$0x1D000] =	vst v63  }
0x130: {  	s28 =	sshrl.u32 s18, $0x2;
	s15 =	simm.s32 @!p0 $0x6  }
0x131: {  	[tilespmem:s0], [sflag:$0x4] =	stream.indirect.gather [hbm4b:s4+s25], $0x20, s28, s25, $0xb8;
	[tilespmem:$0x1D000] =	vst v63  }
0x132: {  	_ =	swait.ge @!p0 [sflag:s15], $0x2000  }
0x133: {  	[sflag:s15] =	ssyncset.done @!p0 $0x0  }
0x134: {  	[sflag:s15] =	ssyncadd.s32 @!p0 $0xFFFFE000  }
0x135: {  	_ =	swait.ge [sflag:s24], $0x1000  }
0x136: {  	[sflag:s24] =	ssyncset.done $0x0  }
0x137: {  	s16 =	simm.s32 $0x0;
	[sflag:s24] =	ssyncadd.s32 $0xFFFFF000  }
0x138: {  	v1 =	vld [tilespmem:s16+$0xB000];
	_ =	sdelay $0x4  }
0x139: {  	s15 =	simm.s32 $0x10030;
	v2 =	vunpack.i.l.bf16.f32 v1  }
0x13a: {  	v1 =	vunpack.i.u.bf16.f32 v1;
	[tilespmem:s15+$0xFFFFFFD0] =	vst v2  }
0x13b: {  	[tilespmem:s15+$0xFFFFFFE0] =	vst v1  }
0x13c: {  	s17 =	simm.s32 $0x80;
	v1 =	vld [tilespmem:s16+$0xB010];
	s16 =	simm.s32 $0x10030  }
.LBB2_17:
0x13d: {  	_ =	sdelay $0x2  }
0x13e: {  	p0 =	sne.s32 s17, $0x3F80  }
0x13f: {  	s15 =	sadd.s32 $0x40, s15;
	s18 =	smov.u32 s17;
	s17 =	sadd.s32 $0x80, s17;
	v2 =	vunpack.i.u.bf16.f32 v1;
	v1 =	vunpack.i.l.bf16.f32 v1  }
0x140: {  	[tilespmem:s16+$0xFFFFFFF0] =	vst v1  }
0x141: {  	s18 =	sshra.s32 s18, $0x2;
	[tilespmem:s16+$0x0] =	vst v2;
	s16 =	smov.u32 s15  }
0x142: {  	v1 =	vld [tilespmem:s18+$0xB000];
	_ =	sdelay $0x3  }
.Ltmp7:
0x143: {  	(pc) =	sbr.rel @p0 .LBB2_17-.Ltmp7, $4  }
0x144: {  	v2 =	vunpack.i.u.bf16.f32 v1;
	v1 =	vunpack.i.l.bf16.f32 v1  }
0x145: {  	[tilespmem:s15+$0xFFFFFFD0] =	vst v1  }
0x146: {  	[tilespmem:s15+$0xFFFFFFE0] =	vst v2  }
0x147: {  	v1 =	vld [tilespmem:s18+$0xB010]  }
0x148: {  	_ =	sdelay $0x3  }
0x149: {  	v2 =	vunpack.i.l.bf16.f32 v1  }
0x14a: {  	p0 =	seq.s32 s12, $0x27;
	v1 =	vunpack.i.u.bf16.f32 v1;
	[tilespmem:s16+$0xFFFFFFF0] =	vst v2  }
0x14b: {  	s14 =	sadd.s32 $0x5080, s14;
	s13 =	sshrl.u32 @!p0 s13, $0x2;
	[tilespmem:s16+$0x0] =	vst v1  }
0x14c: {  	[spmem:s1] =	stream.indirect.scatter.add.f32 [tilespmem:s3], [sflag:$0x6], $0x40, s14, s25, $0xb8;
	[tilespmem:$0x1D000] =	vst v63  }
0x14d: {  	s15 =	simm.s32 @!p0 $0x80;
	s16 =	simm.s32 @!p0 $0xA000;
	s14 =	sadd.s32 @!p0 $0x200, s13  }
0x14e: {  	[tilespmem:s16], [sflag:$0x1] =	stream.indirect.gather @!p0 [hbm4b:s4+s15], $0x20, s14, s15, $0xb8;
	[tilespmem:$0x1D000] =	vst v63  }
0x14f: {  	_ =	swait.ge [sflag:s6], $0x2000  }
0x150: {  	[sflag:s6] =	ssyncset.done $0x0  }
0x151: {  	[sflag:s6] =	ssyncadd.s32 $0xFFFFE000  }
0x152: {  	_ =	swait.ge [sflag:s7], $0x1000  }
0x153: {  	[sflag:s7] =	ssyncset.done $0x0  }
0x154: {  	s18 =	simm.s32 $0x0;
	[sflag:s7] =	ssyncadd.s32 $0xFFFFF000  }
0x155: {  	v1 =	vld [tilespmem:s18+$0xC000];
	_ =	sdelay $0x4  }
0x156: {  	s14 =	simm.s32 $0xE020;
	v2 =	vunpack.i.l.bf16.f32 v1  }
0x157: {  	v1 =	vunpack.i.u.bf16.f32 v1;
	[tilespmem:s14+$0xFFFFFFE0] =	vst v2  }
0x158: {  	[tilespmem:s14+$0xFFFFFFF0] =	vst v1  }
0x159: {  	s16 =	simm.s32 $0x80;
	s15 =	simm.s32 $0xE020;
	v1 =	vld [tilespmem:s18+$0xC010]  }
.LBB2_19:
0x15a: {  	_ =	sdelay $0x2  }
0x15b: {  	p1 =	sne.s32 s16, $0x3F80  }
0x15c: {  	s14 =	sadd.s32 $0x40, s14;
	s17 =	smov.u32 s16;
	s16 =	sadd.s32 $0x80, s16;
	v2 =	vunpack.i.u.bf16.f32 v1;
	v1 =	vunpack.i.l.bf16.f32 v1  }
0x15d: {  	[tilespmem:s15+$0x0] =	vst v1  }
0x15e: {  	s17 =	sshra.s32 s17, $0x2;
	[tilespmem:s15+$0x10] =	vst v2;
	s15 =	smov.u32 s14  }
0x15f: {  	v1 =	vld [tilespmem:s17+$0xC000];
	_ =	sdelay $0x3  }
.Ltmp8:
0x160: {  	(pc) =	sbr.rel @p1 .LBB2_19-.Ltmp8, $4  }
0x161: {  	v2 =	vunpack.i.u.bf16.f32 v1;
	v1 =	vunpack.i.l.bf16.f32 v1  }
0x162: {  	[tilespmem:s14+$0xFFFFFFE0] =	vst v1  }
0x163: {  	[tilespmem:s14+$0xFFFFFFF0] =	vst v2  }
0x164: {  	v1 =	vld [tilespmem:s17+$0xC010]  }
0x165: {  	_ =	sdelay $0x3  }
0x166: {  	v2 =	vunpack.i.l.bf16.f32 v1  }
0x167: {  	v1 =	vunpack.i.u.bf16.f32 v1;
	[tilespmem:s15+$0x0] =	vst v2  }
0x168: {  	s14 =	sadd.s32 $0x5000, s26;
	[tilespmem:s15+$0x10] =	vst v1  }
0x169: {  	[spmem:s1] =	stream.indirect.scatter.add.f32 [tilespmem:s31], [sflag:$0x5], $0x40, s14, s25, $0xb8;
	[tilespmem:$0x1D000] =	vst v63  }
0x16a: {  	s13 =	sadd.s32 @!p0 $0x280, s13;
	s15 =	simm.s32 @!p0 $0xB000;
	s14 =	simm.s32 @!p0 $0x80  }
0x16b: {  	[tilespmem:s15], [sflag:$0x2] =	stream.indirect.gather @!p0 [hbm4b:s4+s14], $0x20, s13, s14, $0xb8;
	[tilespmem:$0x1D000] =	vst v63  }
0x16c: {  	_ =	swait.ge [sflag:s8], $0x2000  }
0x16d: {  	[sflag:s8] =	ssyncset.done $0x0  }
0x16e: {  	[sflag:s8] =	ssyncadd.s32 $0xFFFFE000  }
0x16f: {  	_ =	swait.ge [sflag:s9], $0x1000  }
0x170: {  	[sflag:s9] =	ssyncset.done $0x0  }
0x171: {  	s26 =	simm.s32 $0x0;
	[sflag:s9] =	ssyncadd.s32 $0xFFFFF000  }
0x172: {  	v1 =	vld [tilespmem:s26+$0xD000];
	_ =	sdelay $0x4  }
0x173: {  	s13 =	simm.s32 $0x10030;
	v2 =	vunpack.i.l.bf16.f32 v1  }
0x174: {  	v1 =	vunpack.i.u.bf16.f32 v1;
	[tilespmem:s13+$0xFFFFFFD0] =	vst v2  }
0x175: {  	[tilespmem:s13+$0xFFFFFFE0] =	vst v1  }
0x176: {  	s15 =	simm.s32 $0x80;
	s14 =	simm.s32 $0x10030;
	v1 =	vld [tilespmem:s26+$0xD010]  }
.LBB2_21:
0x177: {  	_ =	sdelay $0x2  }
0x178: {  	p0 =	sne.s32 s15, $0x3F80  }
0x179: {  	s13 =	sadd.s32 $0x40, s13;
	s16 =	smov.u32 s15;
	s15 =	sadd.s32 $0x80, s15;
	v2 =	vunpack.i.u.bf16.f32 v1;
	v1 =	vunpack.i.l.bf16.f32 v1  }
0x17a: {  	[tilespmem:s14+$0xFFFFFFF0] =	vst v1  }
0x17b: {  	s16 =	sshra.s32 s16, $0x2;
	[tilespmem:s14+$0x0] =	vst v2;
	s14 =	smov.u32 s13  }
0x17c: {  	v1 =	vld [tilespmem:s16+$0xD000];
	_ =	sdelay $0x3  }
.Ltmp9:
0x17d: {  	(pc) =	sbr.rel @p0 .LBB2_21-.Ltmp9, $4  }
0x17e: {  	v2 =	vunpack.i.u.bf16.f32 v1;
	v1 =	vunpack.i.l.bf16.f32 v1  }
0x17f: {  	[tilespmem:s13+$0xFFFFFFD0] =	vst v1  }
0x180: {  	[tilespmem:s13+$0xFFFFFFE0] =	vst v2  }
0x181: {  	v1 =	vld [tilespmem:s16+$0xD010]  }
0x182: {  	_ = 	snop  }
0x183: {  	s12 =	sadd.s32 $0x1, s12  }
0x184: {  	p0 =	sne.s32 s12, $0x28  }
.Ltmp10:
0x185: {  	_ = 	snop;
	(pc) =	sbr.rel @p0 .LBB2_14-.Ltmp10, $4  }
0x186: {  	v2 =	vunpack.i.l.bf16.f32 v1  }
0x187: {  	v1 =	vunpack.i.u.bf16.f32 v1;
	[tilespmem:s14+$0xFFFFFFF0] =	vst v2  }
0x188: {  	s13 =	sadd.s32 $0x5000, s28;
	[tilespmem:s14+$0x0] =	vst v1  }
0x189: {  	[spmem:s1] =	stream.indirect.scatter.add.f32 [tilespmem:s3], [sflag:$0x6], $0x40, s13, s25, $0xb8;
	[tilespmem:$0x1D000] =	vst v63  }
0x18a: {  	_ =	swait.ge [sflag:s6], $0x2000  }
0x18b: {  	[sflag:s6] =	ssyncset.done $0x0  }
0x18c: {  	[sflag:s6] =	ssyncadd.s32 $0xFFFFE000  }
0x18d: {  	_ =	swait.ge [sflag:s8], $0x2000  }
0x18e: {  	[sflag:s8] =	ssyncset.done $0x0  }
0x18f: {  	[sflag:s8] =	ssyncadd.s32 $0xFFFFE000  }
0x190: {  	[bflag:$0x0] =	sbarrier.arrive $0xFFFF  }
0x191: {  	s12 =	rddreg [dreg:$0x9]  }
0x192: {  	[hbm:s12], [sflag:s10] =	dma.local [spmem:s11], $0x1400  }
0x193: {  	_ =	swait.ge [sflag:s23], $0x1400  }
0x194: {  	s2 =	sadd.s32 $0x1, s2;
	s26 =	rddreg [dreg:$0xa]  }
0x195: {  	p0 =	sne.s32 s2, s26  }
.Ltmp11:
0x196: {  	_ = 	snop;
	(pc) =	sbr.rel @p0 .LBB2_1-.Ltmp11, $3  }
0x197: {  	_ =	sdelay $0x1  }
0x198: {  	[sflag:s23] =	ssyncset.done $0x0  }
0x199: {  	s18 =	smov.u32 s19;
	s28 =	smov.u32 s20;
	[sflag:s23] =	ssyncadd.s32 $0xFFFFEC00  }
0x19a: {  	_ =	sfence.sel $0x180000  }
0x19b: {  	[bflag:$0x0] =	sbarrier.arrive $0xFFFF  }
0x19c: {  	_ =	strace $0x9000004D  }
0x19d: {  	s0 =	stileid.u32;
	[bflag:$0x2] =	sbarrier.arrive $0xFFFF  }
0x19e: {  	p0 =	sne.s32 s0, $0x0;
	s0 =	rddreg [dreg:$0x3]  }
0x19f: {  	s0 =	sadd.s32 @!p0 $0x100000, s0  }
0x1a0: {  	[sflag:s0] =	ssyncadd.tile.s32 @!p0 $0x1;
	_ =	shalt  }
.Lfunc_end2:
_tile_overlayer_lowered:
.L_overlay_start_2:
0x1a1: {  	(tag) =	ssettag $0x2  }
0x1a2: {  	s0 =	rddreg [dreg:$0x0];
	s2 =	stileid.u32  }
0x1a3: {  	s1 =	rddreg [dreg:$0x1];
	p0 =	sne.s32 s2, $0x0  }
0x1a4: {  	s3 =	rddreg [dreg:$0x2];
	[bflag:$0x3] =	sbarrier.arrive $0xFFFF;
	s2 =	simm.s32 @!p0 $0x1C07  }
0x1a5: {  	[timem:s3], [sflag:s2] =	dma.local @!p0 [hbm:s0], s1  }
0x1a6: {  	s0 =	simm.s32 @!p0 $0x7  }
0x1a7: {  	_ =	swait.ge @!p0 [sflag:s0], s1  }
0x1a8: {  	s1 =	ssub.s32 @!p0 $0x0, s1;
	[sflag:s0] =	ssyncset.done @!p0 $0x0  }
0x1a9: {  	[sflag:s0] =	ssyncadd.s32 @!p0 s1  }
0x1aa: {  	[bflag:$0x3] =	sbarrier.arrive $0xFFFF  }
0x1ab: {  	_ =	shalt  }

// kernel: kernel.19.cloned.1.call-start
scs
__scs_entry_jumppad:
0x0: {  	(pc) =	sbr.rel $0x88, $3  }
0x1: {  	(tag) =	ssettag $0x0;
	lr =	simm.s32 $0x1  }
0x2: {  	[smem:$0x3F99] =	sst lr;
	_ =	strace $0xD0000000  }
0x3: {  	_ = 	snop  }
0x4: {  	_ = 	snop  }
0x5: {  	_ = 	snop  }
0x6: {  	_ = 	snop  }
0x7: {  	_ = 	snop  }
__scs_overlays_trampoline_lowered:
0x8: {  	[smem:$0x3FA8] =	sst s0  }
0x9: {  	[smem:$0x3FA9] =	sst s1  }
0xa: {  	[smem:$0x3FAA] =	sst s2  }
0xb: {  	[smem:$0x3FAB] =	sst s3  }
0xc: {  	[smem:$0x3FAC] =	sst s4  }
0xd: {  	[smem:$0x3FAD] =	sst s5  }
0xe: {  	[smem:$0x3FAE] =	sst s6  }
0xf: {  	[smem:$0x3FAF] =	sst s7  }
0x10: {  	[smem:$0x3FB0] =	sst s8  }
0x11: {  	[smem:$0x3FB1] =	sst s9;
	s0 =	simm.s32 @!p0 $0x0  }
0x12: {  	s1 =	sld [smem:$0x3F97];
	s0 =	simm.s32 @p0 $0x1  }
0x13: {  	[smem:$0x3FB2] =	sst s0;
	s0 =	simm.s32 @!p1 $0x0  }
0x14: {  	s2 =	sld [smem:$0x3F96];
	s0 =	simm.s32 @p1 $0x1  }
0x15: {  	[smem:$0x3FB3] =	sst s0;
	s0 =	simm.s32 @!p2 $0x0  }
0x16: {  	s3 =	sld [smem:$0x3FDB];
	s0 =	simm.s32 @p2 $0x1  }
0x17: {  	s4 =	simm.s32 $0x1BF5;
	[smem:$0x3FB5] =	sst s0  }
0x18: {  	s0 =	sld [smem:$0x3F98];
	_ =	swait.ge [sflag:s4], $0x0  }
0x19: {  	s7 =	sld [smem:$0x3F99]  }
0x1a: {  	s8 =	sadd.s32 $0xFFFFE003, lr  }
0x1b: {  	s9 =	sadd.s32 $0xFFFFFEF7, lr;
	s5 =	simm.s32 $0xFFFFFFFF;
	p2 =	slt.u32 s8, $0xFFFFF086  }
0x1c: {  	p1 =	slt.u32 s9, $0xF7A;
	s5 =	simm.s32 @!p2 $0x0  }
0x1d: {  	s5 =	simm.s32 @p1 $0x1;
	p0 =	seq.s32 s7, s2  }
0x1e: {  	s7 =	smul.u32 @!p0 $0xF7A, s2;
	p2 =	seq.s32 @!p0 s5, $0x0  }
0x1f: {  	s9 =	smul.u32 $0xF7A, s1;
	s8 =	simm.s32 @!p0 $0x1BF5;
	p2 =	por !p2, p0  }
0x20: {  	[sflag:s8] =	ssyncset.s32 @!p0 $0xFFFFF086;
	s6 =	sadd.s32 @!p0 s3, s7;
	s7 =	simm.s32 @!p0 $0x108  }
0x21: {  	s3 =	sadd.s32 s3, s9;
	s6 =	sadd.s32 @!p0 $0x88, s6;
	s7 =	simm.s32 @p2 $0x1082  }
0x22: {  	[simem:s7], [sflag:s8] =	dma.local @!p0 [hbm:s6], $0xF7A  }
0x23: {  	s9 =	sor.u32 $0xD0000000, s2;
	s6 =	simm.s32 $0x108;
	_ =	swait.ge @!p0 [sflag:s8], $0x0  }
0x24: {  	s3 =	sadd.s32 $0x88, s3;
	s6 =	simm.s32 @!p1 $0x1082;
	[sflag:s4] =	ssyncset.s32 $0xFFFFF086  }
0x25: {  	[simem:s6], [sflag:s4] =	dma.local [hbm:s3], $0xF7A  }
0x26: {  	[smem:$0x3F99] =	sst s1;
	(tag) =	ssettag s2;
	_ =	strace s9  }
0x27: {  	s1 =	sld [smem:$0x3FA9]  }
0x28: {  	s2 =	sld [smem:$0x3FAA]  }
0x29: {  	s4 =	sld [smem:$0x3FAC]  }
0x2a: {  	p0 =	seq.s32 s5, $0x0;
	s5 =	sld [smem:$0x3FAD]  }
0x2b: {  	s6 =	sld [smem:$0x3FAE]  }
0x2c: {  	s7 =	sld [smem:$0x3FAF]  }
0x2d: {  	s3 =	simm.s32 $0x108;
	s8 =	sld [smem:$0x3FB0]  }
0x2e: {  	s3 =	simm.s32 @!p0 $0x1082;
	s9 =	sld [smem:$0x3FB1]  }
0x2f: {  	lr =	sadd.s32 s0, s3;
	s0 =	sld [smem:$0x3FA8]  }
0x30: {  	s3 =	sld [smem:$0x3FAB]  }
0x31: {  	[smem:$0x3FB4] =	sst s10  }
0x32: {  	s10 =	sld [smem:$0x3FB2];
	_ =	sdelay $0x3  }
0x33: {  	p0 =	seq.s32 s10, $0x1;
	s10 =	sld [smem:$0x3FB4];
	_ =	sdelay $0x3  }
0x34: {  	[smem:$0x3FB4] =	sst s10  }
0x35: {  	s10 =	sld [smem:$0x3FB3];
	_ =	sdelay $0x3  }
0x36: {  	p1 =	seq.s32 s10, $0x1;
	s10 =	sld [smem:$0x3FB4];
	_ =	sdelay $0x3  }
0x37: {  	[smem:$0x3FB4] =	sst s10  }
0x38: {  	s10 =	sld [smem:$0x3FB5]  }
0x39: {  	_ = 	snop;
	(pc) =	sbr.ind lr, $3  }
0x3a: {  	_ = 	snop  }
0x3b: {  	_ = 	snop  }
0x3c: {  	p2 =	seq.s32 s10, $0x1;
	s10 =	sld [smem:$0x3FB4]  }
0x3d: {  	_ =	shalt  }
0x3e: {  	_ =	shalt  }
0x3f: {  	_ =	shalt  }
0x40: {  	_ =	shalt  }
0x41: {  	_ =	shalt  }
0x42: {  	_ =	shalt  }
0x43: {  	_ =	shalt  }
0x44: {  	_ =	shalt  }
0x45: {  	_ =	shalt  }
0x46: {  	_ =	shalt  }
0x47: {  	_ =	shalt  }
0x48: {  	_ =	shalt  }
0x49: {  	_ =	shalt  }
0x4a: {  	_ =	shalt  }
0x4b: {  	_ =	shalt  }
0x4c: {  	_ =	shalt  }
0x4d: {  	_ =	shalt  }
0x4e: {  	_ =	shalt  }
0x4f: {  	_ =	shalt  }
0x50: {  	_ =	shalt  }
0x51: {  	_ =	shalt  }
0x52: {  	_ =	shalt  }
0x53: {  	_ =	shalt  }
0x54: {  	_ =	shalt  }
0x55: {  	_ =	shalt  }
0x56: {  	_ =	shalt  }
0x57: {  	_ =	shalt  }
0x58: {  	_ =	shalt  }
0x59: {  	_ =	shalt  }
0x5a: {  	_ =	shalt  }
0x5b: {  	_ =	shalt  }
0x5c: {  	_ =	shalt  }
0x5d: {  	_ =	shalt  }
0x5e: {  	_ =	shalt  }
0x5f: {  	_ =	shalt  }
0x60: {  	_ =	shalt  }
0x61: {  	_ =	shalt  }
0x62: {  	_ =	shalt  }
0x63: {  	_ =	shalt  }
0x64: {  	_ =	shalt  }
0x65: {  	_ =	shalt  }
0x66: {  	_ =	shalt  }
0x67: {  	_ =	shalt  }
0x68: {  	_ =	shalt  }
0x69: {  	_ =	shalt  }
0x6a: {  	_ =	shalt  }
0x6b: {  	_ =	shalt  }
0x6c: {  	_ =	shalt  }
0x6d: {  	_ =	shalt  }
0x6e: {  	_ =	shalt  }
0x6f: {  	_ =	shalt  }
0x70: {  	_ =	shalt  }
0x71: {  	_ =	shalt  }
0x72: {  	_ =	shalt  }
0x73: {  	_ =	shalt  }
0x74: {  	_ =	shalt  }
0x75: {  	_ =	shalt  }
0x76: {  	_ =	shalt  }
0x77: {  	_ =	shalt  }
0x78: {  	_ =	shalt  }
0x79: {  	_ =	shalt  }
0x7a: {  	_ =	shalt  }
0x7b: {  	_ =	shalt  }
0x7c: {  	_ =	shalt  }
0x7d: {  	_ =	shalt  }
0x7e: {  	_ =	shalt  }
0x7f: {  	_ =	shalt  }
0x80: {  	_ =	shalt  }
0x81: {  	_ =	shalt  }
0x82: {  	_ =	shalt  }
0x83: {  	_ =	shalt  }
0x84: {  	_ =	shalt  }
0x85: {  	_ =	shalt  }
0x86: {  	_ =	shalt  }
0x87: {  	_ =	shalt  }
.Lfunc_end0:
.L_simem_size_0:
called_computation.3_lowered:
.L_overlay_start_0:
0x88: {  	s2 =	sld [smem:$0x3FD9]  }
0x89: {  	s3 =	sld [smem:$0x3FFE];
	_ =	sdelay $0x1  }
0x8a: {  	s1 =	srdreg.scid  }
0x8b: {  	s0 =	sand.u32 $0x1, s1  }
0x8c: {  	s17 =	sshll.u32 s0, $0xA;
	s2 =	sadd.s32 s3, s2  }
0x8d: {  	s2 =	sadd.s32 s2, s17  }
0x8e: {  	[smem:$0x3FC0] =	sst s2  }
0x8f: {  	_ = 	snop  }
0x90: {  	s2 =	sld [smem:$0x3FD0];
	(tm) =	ssettm $0x1  }
0x91: {  	s18 =	sld [smem:$0x3FFB];
	_ =	sdelay $0x3  }
0x92: {  	_ =	strace s18  }
0x93: {  	s3 =	sld [smem:$0x3FFC];
	_ =	sdelay $0x3  }
0x94: {  	_ =	strace s3  }
0x95: {  	s3 =	sld [smem:$0x3FFD];
	_ =	sdelay $0x3  }
0x96: {  	_ =	strace s3  }
0x97: {  	_ =	strace $0x8FFFFFFF  }
0x98: {  	s19 =	sld [smem:$0x3FDB];
	_ =	sdelay $0x1  }
0x99: {  	s4 =	simm.s32 $_scs_section_size  }
0x9a: {  	s5 =	simm.s32 $_size__tile_overlayer_lowered;
	s6 =	simm.s32 $_tile_overlayer_lowered  }
0x9b: {  	s22 =	simm.s32 $0x1BFF;
	s21 =	sshll.u32 s6, $0x1;
	s3 =	sadd.s32 s4, s19  }
0x9c: {  	s7 =	simm.s32 $0x0;
	s20 =	sshll.u32 s5, $0x1;
	s5 =	sadd.s32 s21, s3  }
0x9d: {  	[timem:s7], [sflag:s22] =	dma.local [hbm:s5], s20  }
0x9e: {  	_ =	swait.ge [sflag:s22], s20  }
0x9f: {  	s4 =	ssub.s32 $0x0, s20;
	[sflag:s22] =	ssyncset.done $0x0  }
0xa0: {  	[sflag:s22] =	ssyncadd.s32 s4;
	_ =	sdelay $0x1  }
0xa1: {  	s23 =	simm.s32 $0x1B8B  }
0xa2: {  	_ =	swait.ge [sflag:s23], $0x1  }
0xa3: {  	[sflag:s23] =	ssyncset.done $0x0  }
0xa4: {  	s25 =	simm.s32 $0x1B8E;
	s24 =	sld [smem:$0x3FFE];
	[sflag:s23] =	ssyncadd.s32 $0xFFFFFFFF  }
0xa5: {  	s26 =	simm.s32 $execute0_lowered;
	[smem:$0x3FD2] =	sst s25  }
0xa6: {  	s5 =	sshll.u32 s26, $0x1;
	_ =	strace $0x8000004F;
	[dreg:$0x1] =	wrdreg $0xFFFFFFFF  }
0xa7: {  	s28 =	simm.s32 $_size_execute0_lowered;
	s3 =	sadd.s32 s3, s5;
	[dreg:$0x0] =	wrdreg $0x0  }
0xa8: {  	s5 =	sshll.u32 s28, $0x1;
	[dreg:$0x2] =	wrdreg s3  }
0xa9: {  	[dreg:$0x3] =	wrdreg s5  }
0xaa: {  	[dreg:$0x4] =	wrdreg $0xC0  }
0xab: {  	_ =	task [dreg:s7], $0x5FFFF  }
0xac: {  	[dreg:$0x1] =	wrdreg $0xFFFFFFFF  }
0xad: {  	[dreg:$0x0] =	wrdreg $0x60  }
0xae: {  	[dreg:$0x2] =	wrdreg s24  }
0xaf: {  	[dreg:$0x3] =	wrdreg s2  }
0xb0: {  	[dreg:$0x4] =	wrdreg $0xE8000  }
0xb1: {  	[dreg:$0x5] =	wrdreg $0x9  }
0xb2: {  	_ =	task.clear_ibuf [dreg:s7], $0x6FFFF;
	_ =	strace $0x9000004F  }
0xb3: {  	s29 =	simm.s32 $0x9;
	_ =	strace $0x80000051  }
0xb4: {  	_ =	swait.ge [sflag:s29], $0x1  }
0xb5: {  	[sflag:s29] =	ssyncadd.s32 $0xFFFFFFFF  }
0xb6: {  	_ =	strace $0x90000051  }
0xb7: {  	_ =	sfence  }
0xb8: {  	s30 =	sld [smem:$0x0];
	_ =	sdelay $0x2  }
0xb9: {  	s31 =	sshll.u32 s1, $0xD;
	s1 =	sshrl.u32 s1, $0x2  }
0xba: {  	s3 =	sand.u32 $0x4000, s31;
	s1 =	sadd.s32 s1, s30  }
0xbb: {  	s0 =	sor.u32 s3, s0;
	s1 =	sshll.u32 s1, $0x11  }
0xbc: {  	s0 =	sor.u32 s1, s0  }
0xbd: {  	s0 =	sadd.s32 $0x8F2B, s0  }
0xbe: {  	[sflag:s0] =	ssyncadd.remote.s32 $0x1  }
0xbf: {  	_ =	sfence.sel $0xFFFF  }
0xc0: {  	[dreg:$0x0] =	wrdreg $0xFFFFFFFF;
	(pc) =	sbr.abs _section_cstart, $3  }
0xc1: {  	[dreg:$0x1] =	wrdreg $0xFFFFFFFF  }
0xc2: {  	_ =	task.clear_ibuf [dreg:s7], $0x2FFFF;
	_ =	strace $0x9FFFFFFF  }
0xc3: {  	(tm) =	ssettm $0x7FFFFFFF  }
tec
execute0_lowered:
.L_overlay_start_1:
0x0: {  	(tag) =	ssettag $0x1  }
0x1: {  	s0 =	rddreg [dreg:$0x0];
	s1 =	srdreg.scid  }
0x2: {  	s8 =	stileid.u32;
	s6 =	rddreg [dreg:$0x1]  }
0x3: {  	s2 =	rddreg [dreg:$0x2];
	s3 =	simm.s32 $0x0;
	s22 =	simm.s32 $0x80  }
0x4: {  	s28 =	simm.s32 $0x1;
	s29 =	simm.s32 $0xC000;
	s7 =	smul.u32 $0x5000, s8  }
0x5: {  	s30 =	simm.s32 $0xB800;
	s1 =	sand.u32 $0x1, s1;
	s8 =	smul.u32 $0x14000, s8  }
0x6: {  	[smem:$0x7FF] =	sst s3;
	s4 =	smul.u32 $0x50000, s1;
	s1 =	ssub.s32 $0x2, s1  }
0x7: {  	s31 =	simm.s32 $0x2;
	_ =	strace $0x80000050;
	s19 =	sshrl.u32 s1, $0x1  }
0x8: {  	s8 =	sshrl.u32 s8, $0x2;
	s9 =	sshrl.u32 s7, $0x3;
	s21 =	sadd.s32 s7, s2  }
0x9: {  	s4 =	sadd.s32 s7, s4;
	s1 =	ssub.s32 s1, s19;
	s6 =	sadd.s32 s6, s9  }
0xa: {  	s19 =	simm.s32 $0xE000;
	s5 =	sshrl.u32 s4, $0x3;
	s4 =	sadd.s32 $0x2800, s0  }
0xb: {  	[dreg:$0x4] =	wrdreg s6;
	s1 =	smax.u32 s1, $0x1;
	s0 =	sadd.s32 s5, s0  }
0xc: {  	s5 =	sadd.s32 s8, s2;
	[dreg:$0x7] =	wrdreg s1;
	s20 =	sadd.s32 $0x17200, s0  }
0xd: {  	s1 =	simm.s32 $0xD000;
	s0 =	sadd.s32 $0x2B200, s0;
	[dreg:$0x5] =	wrdreg s20  }
0xe: {  	s23 =	sadd.s32 $0x800, s5;
	s24 =	sadd.s32 $0x1000, s5;
	[dreg:$0x6] =	wrdreg s0  }
0xf: {  	s25 =	sadd.s32 $0x1800, s5;
	s26 =	sadd.s32 $0x2000, s5;
	[dreg:$0x8] =	wrdreg s23  }
0x10: {  	s14 =	sadd.s32 $0x2800, s5;
	s15 =	sadd.s32 $0x3000, s5;
	[dreg:$0x9] =	wrdreg s24  }
0x11: {  	s16 =	sadd.s32 $0x3800, s5;
	s17 =	sadd.s32 $0x4000, s5;
	[dreg:$0xa] =	wrdreg s25  }
0x12: {  	s18 =	sadd.s32 $0x4800, s5;
	[dreg:$0xb] =	wrdreg s26;
	s20 =	simm.s32 $0x7  }
0x13: {  	s25 =	sshrl.u32 s21, $0x3;
	s26 =	simm.s32 $0xB000;
	s0 =	simm.s32 $0x5  }
0x14: {  	v0 =	vimm.f32 $0.0e+00;
	s21 =	simm.s32 $0x3;
	s23 =	simm.s32 $0x6;
	s24 =	simm.s32 $0x4  }
.LBB2_1:
0x15: {  	s6 =	simm.s32 $0x80;
	s7 =	simm.s32 $0x0  }
.LBB2_2:
0x16: {  	p0 =	sne.s32 s6, $0x1F80;
	[tilespmem:s7+$0xE000] =	vst v0;
	s8 =	smov.u32 s6;
	s6 =	sadd.s32 $0x80, s6  }
.Ltmp0:
0x17: {  	[tilespmem:s7+$0xE010] =	vst v0;
	(pc) =	sbr.rel @p0 .LBB2_2-.Ltmp0, $2  }
0x18: {  	_ =	sdelay $0x2  }
0x19: {  	s7 =	sshra.s32 s8, $0x2  }
0x1a: {  	[tilespmem:s7+$0xE000] =	vst v0  }
0x1b: {  	[tilespmem:s7+$0xE010] =	vst v0  }
0x1c: {  	[spmem:s5] =	stream.linear.scatter [tilespmem:s19], [sflag:$0x7], $0x800, $0x38;
	[tilespmem:$0x13800] =	vst v63  }
0x1d: {  	_ =	swait.ge [sflag:s20], $0x800  }
0x1e: {  	[sflag:s20] =	ssyncset.done $0x0  }
0x1f: {  	s6 =	rddreg [dreg:$0x8];
	[sflag:s20] =	ssyncadd.s32 $0xFFFFF800  }
0x20: {  	[spmem:s6] =	stream.linear.scatter [tilespmem:s19], [sflag:$0x7], $0x800, $0x38;
	[tilespmem:$0x13800] =	vst v63  }
0x21: {  	_ =	swait.ge [sflag:s20], $0x800  }
0x22: {  	[sflag:s20] =	ssyncset.done $0x0  }
0x23: {  	s7 =	rddreg [dreg:$0x9];
	[sflag:s20] =	ssyncadd.s32 $0xFFFFF800  }
0x24: {  	[spmem:s7] =	stream.linear.scatter [tilespmem:s19], [sflag:$0x7], $0x800, $0x38;
	[tilespmem:$0x13800] =	vst v63  }
0x25: {  	_ =	swait.ge [sflag:s20], $0x800  }
0x26: {  	[sflag:s20] =	ssyncset.done $0x0  }
0x27: {  	s8 =	rddreg [dreg:$0xa];
	[sflag:s20] =	ssyncadd.s32 $0xFFFFF800  }
0x28: {  	[spmem:s8] =	stream.linear.scatter [tilespmem:s19], [sflag:$0x7], $0x800, $0x38;
	[tilespmem:$0x13800] =	vst v63  }
0x29: {  	_ =	swait.ge [sflag:s20], $0x800  }
0x2a: {  	[sflag:s20] =	ssyncset.done $0x0  }
0x2b: {  	s9 =	rddreg [dreg:$0xb];
	[sflag:s20] =	ssyncadd.s32 $0xFFFFF800  }
0x2c: {  	[spmem:s9] =	stream.linear.scatter [tilespmem:s19], [sflag:$0x7], $0x800, $0x38;
	[tilespmem:$0x13800] =	vst v63  }
0x2d: {  	_ =	swait.ge [sflag:s20], $0x800  }
0x2e: {  	[sflag:s20] =	ssyncset.done $0x0  }
0x2f: {  	[sflag:s20] =	ssyncadd.s32 $0xFFFFF800  }
0x30: {  	[spmem:s14] =	stream.linear.scatter [tilespmem:s19], [sflag:$0x7], $0x800, $0x38;
	[tilespmem:$0x13800] =	vst v63  }
0x31: {  	_ =	swait.ge [sflag:s20], $0x800  }
0x32: {  	[sflag:s20] =	ssyncset.done $0x0  }
0x33: {  	[sflag:s20] =	ssyncadd.s32 $0xFFFFF800  }
0x34: {  	[spmem:s15] =	stream.linear.scatter [tilespmem:s19], [sflag:$0x7], $0x800, $0x38;
	[tilespmem:$0x13800] =	vst v63  }
0x35: {  	_ =	swait.ge [sflag:s20], $0x800  }
0x36: {  	[sflag:s20] =	ssyncset.done $0x0  }
0x37: {  	[sflag:s20] =	ssyncadd.s32 $0xFFFFF800  }
0x38: {  	[spmem:s16] =	stream.linear.scatter [tilespmem:s19], [sflag:$0x7], $0x800, $0x38;
	[tilespmem:$0x13800] =	vst v63  }
0x39: {  	_ =	swait.ge [sflag:s20], $0x800  }
0x3a: {  	[sflag:s20] =	ssyncset.done $0x0  }
0x3b: {  	[sflag:s20] =	ssyncadd.s32 $0xFFFFF800  }
0x3c: {  	[spmem:s17] =	stream.linear.scatter [tilespmem:s19], [sflag:$0x7], $0x800, $0x38;
	[tilespmem:$0x13800] =	vst v63  }
0x3d: {  	_ =	swait.ge [sflag:s20], $0x800  }
0x3e: {  	[sflag:s20] =	ssyncset.done $0x0  }
0x3f: {  	[sflag:s20] =	ssyncadd.s32 $0xFFFFF800  }
0x40: {  	[spmem:s18] =	stream.linear.scatter [tilespmem:s19], [sflag:$0x7], $0x800, $0x38;
	[tilespmem:$0x13800] =	vst v63  }
0x41: {  	_ =	swait.ge [sflag:s20], $0x800  }
0x42: {  	s6 =	simm.s32 $0x0;
	[sflag:s20] =	ssyncset.done $0x0  }
0x43: {  	s8 =	simm.s32 $0x5000;
	s10 =	rddreg [dreg:$0x4];
	[sflag:s20] =	ssyncadd.s32 $0xFFFFF800  }
0x44: {  	[tilespmem:s8], [sflag:$0x7] =	stream.linear.gather [hbm4b:s10+s6], $0x5000, $0x38;
	[tilespmem:$0x13800] =	vst v63  }
0x45: {  	_ =	swait.ge [sflag:s20], $0x5000  }
0x46: {  	[sflag:s20] =	ssyncset.done $0x0  }
0x47: {  	s11 =	rddreg [dreg:$0x5];
	[sflag:s20] =	ssyncadd.s32 $0xFFFFB000  }
0x48: {  	[tilespmem:s6], [sflag:$0x7] =	stream.linear.gather [hbm4b:s11+s6], $0x5000, $0x38;
	[tilespmem:$0x13800] =	vst v63  }
0x49: {  	_ =	swait.ge [sflag:s20], $0x5000  }
0x4a: {  	[sflag:s20] =	ssyncset.done $0x0  }
0x4b: {  	[sflag:s20] =	ssyncadd.s32 $0xFFFFB000  }
0x4c: {  	s12 =	simm.s32 $0xA000;
	[bflag:$0x0] =	sbarrier.arrive $0xFFFF  }
0x4d: {  	[tilespmem:s12], [sflag:$0x1] =	stream.indirect.gather [hbm4b:s4+s22], $0x10, s6, s22, $0xb8;
	[tilespmem:$0x13800] =	vst v63  }
0x4e: {  	s13 =	simm.s32 $0xA800  }
0x4f: {  	[tilespmem:s13], [sflag:$0x2] =	stream.indirect.gather [hbm4b:s4+s22], $0x10, s22, s22, $0xb8;
	[tilespmem:$0x13800] =	vst v63  }
.LBB2_4:
0x50: {  	s9 =	sshll.u32 s6, $0xB  }
0x51: {  	p0 =	seq.s32 s6, $0x0;
	s7 =	sor.u32 $0x400, s9  }
0x52: {  	s8 =	simm.s32 @!p0 $0x5;
	s7 =	sshrl.u32 s7, $0x2  }
0x53: {  	[tilespmem:s26], [sflag:$0x3] =	stream.indirect.gather [hbm4b:s4+s22], $0x10, s7, s22, $0xb8;
	[tilespmem:$0x13800] =	vst v63  }
0x54: {  	_ =	swait.ge @!p0 [sflag:s8], $0x1000  }
0x55: {  	[sflag:s8] =	ssyncset.done @!p0 $0x0  }
0x56: {  	[sflag:s8] =	ssyncadd.s32 @!p0 $0xFFFFF000  }
0x57: {  	_ =	swait.ge [sflag:s28], $0x800  }
0x58: {  	[sflag:s28] =	ssyncset.done $0x0  }
0x59: {  	s13 =	simm.s32 $0x0;
	[sflag:s28] =	ssyncadd.s32 $0xFFFFF800  }
0x5a: {  	v1 =	vld [tilespmem:s13+$0xA000];
	_ =	sdelay $0x4  }
0x5b: {  	s8 =	simm.s32 $0xC010;
	v2 =	vunpack.i.l.bf16.f32 v1  }
0x5c: {  	v1 =	vunpack.i.u.bf16.f32 v1;
	[tilespmem:s8+$0xFFFFFFF0] =	vst v2  }
0x5d: {  	s11 =	simm.s32 $0x10;
	s10 =	simm.s32 $0x80;
	[tilespmem:s8+$0x0] =	vst v1  }
.LBB2_5:
0x5e: {  	p1 =	sne.s32 s10, $0x1FC0;
	v1 =	vld [tilespmem:s11+$0xA000];
	_ =	sdelay $0x2  }
.Ltmp1:
0x5f: {  	(pc) =	sbr.rel @p1 .LBB2_5-.Ltmp1, $4  }
0x60: {  	_ = 	snop  }
0x61: {  	s8 =	sadd.s32 $0x20, s8;
	v2 =	vunpack.i.u.bf16.f32 v1;
	v1 =	vunpack.i.l.bf16.f32 v1  }
0x62: {  	[tilespmem:s8+$0xFFFFFFF0] =	vst v1  }
0x63: {  	s11 =	sshra.s32 s10, $0x2;
	s10 =	sadd.s32 $0x40, s10;
	[tilespmem:s8+$0x0] =	vst v2  }
0x64: {  	v1 =	vld [tilespmem:s11+$0xA000];
	_ =	sdelay $0x4  }
0x65: {  	s8 =	sadd.s32 $0x20, s8;
	v2 =	vunpack.i.l.bf16.f32 v1  }
0x66: {  	s10 =	sshrl.u32 s9, $0x2;
	v1 =	vunpack.i.u.bf16.f32 v1;
	[tilespmem:s8+$0xFFFFFFF0] =	vst v2  }
0x67: {  	s12 =	sor.u32 $0x600, s9;
	s11 =	sadd.s32 $0x5000, s10;
	[tilespmem:s8+$0x0] =	vst v1  }
0x68: {  	[spmem:s2] =	stream.indirect.scatter.add.f32 [tilespmem:s29], [sflag:$0x5], $0x20, s11, s22, $0xb8;
	[tilespmem:$0x13800] =	vst v63  }
0x69: {  	s8 =	sshrl.u32 s12, $0x2;
	s11 =	simm.s32 @!p0 $0x6  }
0x6a: {  	[tilespmem:s30], [sflag:$0x4] =	stream.indirect.gather [hbm4b:s4+s22], $0x10, s8, s22, $0xb8;
	[tilespmem:$0x13800] =	vst v63  }
0x6b: {  	_ =	swait.ge @!p0 [sflag:s11], $0x1000  }
0x6c: {  	[sflag:s11] =	ssyncset.done @!p0 $0x0  }
0x6d: {  	[sflag:s11] =	ssyncadd.s32 @!p0 $0xFFFFF000  }
0x6e: {  	_ =	swait.ge [sflag:s31], $0x800  }
0x6f: {  	[sflag:s31] =	ssyncset.done $0x0  }
0x70: {  	s13 =	simm.s32 $0x0;
	[sflag:s31] =	ssyncadd.s32 $0xFFFFF800  }
0x71: {  	v1 =	vld [tilespmem:s13+$0xA800];
	_ =	sdelay $0x4  }
0x72: {  	s11 =	simm.s32 $0xD010;
	v2 =	vunpack.i.l.bf16.f32 v1  }
0x73: {  	v1 =	vunpack.i.u.bf16.f32 v1;
	[tilespmem:s11+$0xFFFFFFF0] =	vst v2  }
0x74: {  	s12 =	simm.s32 $0x80;
	s13 =	simm.s32 $0x10;
	[tilespmem:s11+$0x0] =	vst v1  }
.LBB2_7:
0x75: {  	p0 =	sne.s32 s12, $0x1FC0;
	v1 =	vld [tilespmem:s13+$0xA800];
	_ =	sdelay $0x2  }
.Ltmp2:
0x76: {  	(pc) =	sbr.rel @p0 .LBB2_7-.Ltmp2, $4  }
0x77: {  	_ = 	snop  }
0x78: {  	s11 =	sadd.s32 $0x20, s11;
	v2 =	vunpack.i.u.bf16.f32 v1;
	v1 =	vunpack.i.l.bf16.f32 v1  }
0x79: {  	[tilespmem:s11+$0xFFFFFFF0] =	vst v1  }
0x7a: {  	s13 =	sshra.s32 s12, $0x2;
	s12 =	sadd.s32 $0x40, s12;
	[tilespmem:s11+$0x0] =	vst v2  }
0x7b: {  	v1 =	vld [tilespmem:s13+$0xA800];
	_ =	sdelay $0x4  }
0x7c: {  	s11 =	sadd.s32 $0x20, s11;
	v2 =	vunpack.i.l.bf16.f32 v1  }
0x7d: {  	p0 =	seq.s32 s6, $0x27;
	v1 =	vunpack.i.u.bf16.f32 v1;
	[tilespmem:s11+$0xFFFFFFF0] =	vst v2  }
0x7e: {  	s10 =	sadd.s32 $0x5080, s10;
	s9 =	sshrl.u32 @!p0 s9, $0x2;
	[tilespmem:s11+$0x0] =	vst v1  }
0x7f: {  	[spmem:s2] =	stream.indirect.scatter.add.f32 [tilespmem:s1], [sflag:$0x6], $0x20, s10, s22, $0xb8;
	[tilespmem:$0x13800] =	vst v63  }
0x80: {  	s12 =	simm.s32 @!p0 $0xA000;
	s11 =	simm.s32 @!p0 $0x80;
	s10 =	sadd.s32 @!p0 $0x200, s9  }
0x81: {  	[tilespmem:s12], [sflag:$0x1] =	stream.indirect.gather @!p0 [hbm4b:s4+s11], $0x10, s10, s11, $0xb8;
	[tilespmem:$0x13800] =	vst v63  }
0x82: {  	_ =	swait.ge [sflag:s0], $0x1000  }
0x83: {  	[sflag:s0] =	ssyncset.done $0x0  }
0x84: {  	[sflag:s0] =	ssyncadd.s32 $0xFFFFF000  }
0x85: {  	_ =	swait.ge [sflag:s21], $0x800  }
0x86: {  	[sflag:s21] =	ssyncset.done $0x0  }
0x87: {  	s13 =	simm.s32 $0x0;
	[sflag:s21] =	ssyncadd.s32 $0xFFFFF800  }
0x88: {  	v1 =	vld [tilespmem:s13+$0xB000];
	_ =	sdelay $0x4  }
0x89: {  	s10 =	simm.s32 $0xC010;
	v2 =	vunpack.i.l.bf16.f32 v1  }
0x8a: {  	v1 =	vunpack.i.u.bf16.f32 v1;
	[tilespmem:s10+$0xFFFFFFF0] =	vst v2  }
0x8b: {  	s12 =	simm.s32 $0x10;
	s11 =	simm.s32 $0x80;
	[tilespmem:s10+$0x0] =	vst v1  }
.LBB2_9:
0x8c: {  	p1 =	sne.s32 s11, $0x1FC0;
	v1 =	vld [tilespmem:s12+$0xB000];
	_ =	sdelay $0x2  }
.Ltmp3:
0x8d: {  	(pc) =	sbr.rel @p1 .LBB2_9-.Ltmp3, $4  }
0x8e: {  	_ = 	snop  }
0x8f: {  	s10 =	sadd.s32 $0x20, s10;
	v2 =	vunpack.i.u.bf16.f32 v1;
	v1 =	vunpack.i.l.bf16.f32 v1  }
0x90: {  	[tilespmem:s10+$0xFFFFFFF0] =	vst v1  }
0x91: {  	s12 =	sshra.s32 s11, $0x2;
	s11 =	sadd.s32 $0x40, s11;
	[tilespmem:s10+$0x0] =	vst v2  }
0x92: {  	v1 =	vld [tilespmem:s12+$0xB000];
	_ =	sdelay $0x4  }
0x93: {  	s10 =	sadd.s32 $0x20, s10;
	v2 =	vunpack.i.l.bf16.f32 v1  }
0x94: {  	v1 =	vunpack.i.u.bf16.f32 v1;
	[tilespmem:s10+$0xFFFFFFF0] =	vst v2  }
0x95: {  	s7 =	sadd.s32 $0x5000, s7;
	[tilespmem:s10+$0x0] =	vst v1  }
0x96: {  	[spmem:s2] =	stream.indirect.scatter.add.f32 [tilespmem:s29], [sflag:$0x5], $0x20, s7, s22, $0xb8;
	[tilespmem:$0x13800] =	vst v63  }
0x97: {  	s10 =	simm.s32 @!p0 $0xA800;
	s7 =	sadd.s32 @!p0 $0x280, s9;
	s9 =	simm.s32 @!p0 $0x80  }
0x98: {  	[tilespmem:s10], [sflag:$0x2] =	stream.indirect.gather @!p0 [hbm4b:s4+s9], $0x10, s7, s9, $0xb8;
	[tilespmem:$0x13800] =	vst v63  }
0x99: {  	_ =	swait.ge [sflag:s23], $0x1000  }
0x9a: {  	[sflag:s23] =	ssyncset.done $0x0  }
0x9b: {  	[sflag:s23] =	ssyncadd.s32 $0xFFFFF000  }
0x9c: {  	_ =	swait.ge [sflag:s24], $0x800  }
0x9d: {  	[sflag:s24] =	ssyncset.done $0x0  }
0x9e: {  	s13 =	simm.s32 $0x0;
	[sflag:s24] =	ssyncadd.s32 $0xFFFFF800  }
0x9f: {  	v1 =	vld [tilespmem:s13+$0xB800];
	_ =	sdelay $0x4  }
0xa0: {  	s7 =	simm.s32 $0xD010;
	v2 =	vunpack.i.l.bf16.f32 v1  }
0xa1: {  	v1 =	vunpack.i.u.bf16.f32 v1;
	[tilespmem:s7+$0xFFFFFFF0] =	vst v2  }
0xa2: {  	s10 =	simm.s32 $0x10;
	s9 =	simm.s32 $0x80;
	[tilespmem:s7+$0x0] =	vst v1  }
.LBB2_11:
0xa3: {  	p0 =	sne.s32 s9, $0x1FC0;
	v1 =	vld [tilespmem:s10+$0xB800];
	_ =	sdelay $0x2  }
.Ltmp4:
0xa4: {  	(pc) =	sbr.rel @p0 .LBB2_11-.Ltmp4, $4  }
0xa5: {  	_ = 	snop  }
0xa6: {  	s7 =	sadd.s32 $0x20, s7;
	v2 =	vunpack.i.u.bf16.f32 v1;
	v1 =	vunpack.i.l.bf16.f32 v1  }
0xa7: {  	[tilespmem:s7+$0xFFFFFFF0] =	vst v1  }
0xa8: {  	s10 =	sshra.s32 s9, $0x2;
	s9 =	sadd.s32 $0x40, s9;
	[tilespmem:s7+$0x0] =	vst v2  }
0xa9: {  	v1 =	vld [tilespmem:s10+$0xB800];
	_ =	sdelay $0x1  }
0xaa: {  	s6 =	sadd.s32 $0x1, s6  }
0xab: {  	p0 =	sne.s32 s6, $0x28  }
.Ltmp5:
0xac: {  	_ = 	snop;
	(pc) =	sbr.rel @p0 .LBB2_4-.Ltmp5, $4  }
0xad: {  	s7 =	sadd.s32 $0x20, s7;
	v2 =	vunpack.i.l.bf16.f32 v1  }
0xae: {  	v1 =	vunpack.i.u.bf16.f32 v1;
	[tilespmem:s7+$0xFFFFFFF0] =	vst v2  }
0xaf: {  	s13 =	sadd.s32 $0x5000, s8;
	[tilespmem:s7+$0x0] =	vst v1  }
0xb0: {  	[spmem:s2] =	stream.indirect.scatter.add.f32 [tilespmem:s1], [sflag:$0x6], $0x20, s13, s22, $0xb8;
	[tilespmem:$0x13800] =	vst v63  }
0xb1: {  	_ =	swait.ge [sflag:s0], $0x1000  }
0xb2: {  	[sflag:s0] =	ssyncset.done $0x0  }
0xb3: {  	[sflag:s0] =	ssyncadd.s32 $0xFFFFF000  }
0xb4: {  	_ =	swait.ge [sflag:s23], $0x1000  }
0xb5: {  	[sflag:s23] =	ssyncset.done $0x0  }
0xb6: {  	s6 =	stileid.u32;
	[sflag:s23] =	ssyncadd.s32 $0xFFFFF000  }
0xb7: {  	s6 =	sshll.u32 s6, $0x6;
	[bflag:$0x0] =	sbarrier.arrive $0xFFFF  }
0xb8: {  	s6 =	sor.u32 $0x1C07, s6;
	s7 =	rddreg [dreg:$0x6]  }
0xb9: {  	[hbm:s7], [sflag:s6] =	dma.local [spmem:s25], $0xA00  }
0xba: {  	_ =	swait.ge [sflag:s20], $0xA00  }
0xbb: {  	s3 =	sadd.s32 $0x1, s3;
	s13 =	rddreg [dreg:$0x7]  }
0xbc: {  	p0 =	sne.s32 s3, s13  }
.Ltmp6:
0xbd: {  	_ = 	snop;
	(pc) =	sbr.rel @p0 .LBB2_1-.Ltmp6, $3  }
0xbe: {  	_ =	sdelay $0x1  }
0xbf: {  	[sflag:s20] =	ssyncset.done $0x0  }
0xc0: {  	[sflag:s20] =	ssyncadd.s32 $0xFFFFF600  }
0xc1: {  	_ =	sfence.sel $0x180000  }
0xc2: {  	[bflag:$0x0] =	sbarrier.arrive $0xFFFF  }
0xc3: {  	_ =	strace $0x90000050  }
0xc4: {  	s0 =	stileid.u32;
	[bflag:$0x2] =	sbarrier.arrive $0xFFFF  }
0xc5: {  	p0 =	sne.s32 s0, $0x0;
	s0 =	rddreg [dreg:$0x3]  }
0xc6: {  	s0 =	sadd.s32 @!p0 $0x100000, s0  }
0xc7: {  	[sflag:s0] =	ssyncadd.tile.s32 @!p0 $0x1;
	_ =	shalt  }
.Lfunc_end2:
_tile_overlayer_lowered:
.L_overlay_start_2:
0xc8: {  	(tag) =	ssettag $0x2  }
0xc9: {  	s0 =	rddreg [dreg:$0x0];
	s2 =	stileid.u32  }
0xca: {  	s1 =	rddreg [dreg:$0x1];
	p0 =	sne.s32 s2, $0x0  }
0xcb: {  	s3 =	rddreg [dreg:$0x2];
	[bflag:$0x3] =	sbarrier.arrive $0xFFFF;
	s2 =	simm.s32 @!p0 $0x1C07  }
0xcc: {  	[timem:s3], [sflag:s2] =	dma.local @!p0 [hbm:s0], s1  }
0xcd: {  	s0 =	simm.s32 @!p0 $0x7  }
0xce: {  	_ =	swait.ge @!p0 [sflag:s0], s1  }
0xcf: {  	s1 =	ssub.s32 @!p0 $0x0, s1;
	[sflag:s0] =	ssyncset.done @!p0 $0x0  }
0xd0: {  	[sflag:s0] =	ssyncadd.s32 @!p0 s1  }
0xd1: {  	[bflag:$0x3] =	sbarrier.arrive $0xFFFF  }
0xd2: {  	_ =	shalt  }

</sc_bundles>
